<compile_context>
chip_gen: v7x
topology: tpu7x:2x2x1
jax: 0.10.2.dev20260603
libtpu: 0.0.44.dev20260713+nightly
codegen_flags: <defaults>
</compile_context>

<pallas_src>
import functools

import jax
import jax.numpy as jnp
from jax import lax
from jax.experimental import pallas as pl
from jax.experimental.pallas import tpu as pltpu
from jax.experimental.pallas import tpu_sc as plsc

B = 16384
D = 16
L = 16
NC = 2
NS = 16
NW = NC * NS
BPW = B // NW
NCHUNK = 4
CHUNK = BPW // NCHUNK

NU = 1000000
NSK = 100000
S = 2048
NFULL_U = NU // S
NFULL_S = NSK // S
TU = (NFULL_U + NW - 1) // NW
TS = (NFULL_S + NW - 1) // NW


def _xperm(x, s, lane):
    return jnp.take_along_axis(x, lane ^ s, axis=0, mode="promise_in_bounds")


def _sum16(ps, lane):
    def combine(x, y, s):
        return jnp.where((lane & s) == 0, x + _xperm(x, s, lane),
                         y + _xperm(y, s, lane))

    ps = [combine(ps[i], ps[i + 8], 8) for i in range(8)]
    ps = [combine(ps[i], ps[i + 4], 4) for i in range(4)]
    ps = [combine(ps[i], ps[i + 2], 2) for i in range(2)]
    return combine(ps[0], ps[1], 1)



def _phase_a(src, dst, w_rows, nfull, t_count, w, stas, ods, sem_st, sem_wb):

    def fire_stage(c, buf):
        pltpu.async_copy(src.at[:, pl.ds(c * S, S)], stas[buf],
                         sem_st.at[buf])

    def wait_stage(buf):
        pltpu.make_async_copy(src.at[:, pl.ds(0, S)],
                              stas[buf], sem_st.at[buf]).wait()

    def wait_wb(buf):
        pltpu.make_async_copy(ods[0], dst.at[pl.ds(0, S)],
                              sem_wb.at[buf]).wait()

    @pl.when(w < nfull)
    def _():
        fire_stage(w, 0)

    def process(t, buf):
        c = w + NW * t

        @pl.when(c < nfull)
        def _():
            wait_stage(buf)
            nxt = c + NW

            @pl.when(nxt < nfull)
            def _():
                fire_stage(nxt, 1 - buf)

            @pl.when(t >= 2)
            def _():
                wait_wb(buf)

            @plsc.parallel_loop(0, S // L, unroll=4)
            def groups(g):
                vs = [stas[buf][k, pl.ds(g * L, L)] * w_rows[k]
                      for k in range(D)]
                while len(vs) > 1:
                    vs = [vs[i] + vs[i + 1] for i in range(0, len(vs), 2)]
                ods[buf][pl.ds(g * L, L)] = vs[0]
            pltpu.async_copy(ods[buf], dst.at[pl.ds(c * S, S)],
                             sem_wb.at[buf])
        return None

    def body(th, carry):
        process(2 * th, 0)
        process(2 * th + 1, 1)
        return carry

    lax.fori_loop(0, (t_count + 1) // 2, body, 0)

    nt = jnp.where(w < nfull, (nfull - 1 - w) // NW + 1, 0)

    @pl.when(nt >= 2)
    def _():
        wait_wb(nt & 1)

    @pl.when(nt >= 1)
    def _():
        wait_wb((nt + 1) & 1)


def _tail_dots(tail, dst, row0, n, w_vec, tb, od, lane):
    pltpu.sync_copy(tail, tb.at[pl.ds(0, n * D)])

    def group(g, carry):
        ps = [tb[pl.ds((g * L + j) * D, D)] * w_vec for j in range(L)]
        od[pl.ds(g * L, L)] = _sum16(ps, lane)
        return carry

    lax.fori_loop(0, n // L, group, 0)
    pltpu.sync_copy(od.at[pl.ds(0, n)], dst.at[pl.ds(row0, n)])


@functools.partial(
    pl.kernel,
    out_type=(jax.ShapeDtypeStruct((NU,), jnp.float32),
              jax.ShapeDtypeStruct((NSK,), jnp.float32)),
    mesh=plsc.VectorSubcoreMesh(core_axis_name="c", subcore_axis_name="s"),
    scratch_types=[
        pltpu.VMEM((D, S), jnp.float32),
        pltpu.VMEM((D, S), jnp.float32),
        pltpu.VMEM((S,), jnp.float32),
        pltpu.VMEM((S,), jnp.float32),
        pltpu.VMEM(((NSK - NFULL_S * S) * D,), jnp.float32),
        pltpu.VMEM((2 * D + 3, L), jnp.float32),
        pltpu.SemaphoreType.DMA((2,)),
        pltpu.SemaphoreType.DMA((2,)),
    ],
)
def _proj_kernel(ut_t, st_t, u_tail, s_tail, wb_hbm, udot, sdot,
                 sta0, sta1, od0, od1, tb, wv, sem_st, sem_wb):
    w = lax.axis_index("s") * NC + lax.axis_index("c")
    lane = lax.iota(jnp.int32, L)
    pltpu.sync_copy(wb_hbm, wv)
    wu_rows = [wv[k] for k in range(D)]
    ws_rows = [wv[D + k] for k in range(D)]
    stas, ods = (sta0, sta1), (od0, od1)
    _phase_a(ut_t, udot, wu_rows, NFULL_U, TU, w, stas, ods, sem_st, sem_wb)
    _phase_a(st_t, sdot, ws_rows, NFULL_S, TS, w, stas, ods, sem_st, sem_wb)

    @pl.when(w == 0)
    def _():
        _tail_dots(u_tail, udot, NFULL_U * S, NU - NFULL_U * S,
                   wv[2 * D + 1], tb, od0, lane)

    @pl.when(w == 1)
    def _():
        _tail_dots(s_tail, sdot, NFULL_S * S, NSK - NFULL_S * S,
                   wv[2 * D + 2], tb, od0, lane)



@functools.partial(
    pl.kernel,
    out_type=jax.ShapeDtypeStruct((B,), jnp.float32),
    mesh=plsc.VectorSubcoreMesh(core_axis_name="c", subcore_axis_name="s"),
    scratch_types=[
        pltpu.VMEM((NCHUNK, CHUNK), jnp.int32),
        pltpu.VMEM((NCHUNK, CHUNK), jnp.int32),
        pltpu.VMEM((BPW,), jnp.float32),
        pltpu.VMEM((BPW,), jnp.float32),
        pltpu.VMEM((BPW,), jnp.float32),
        pltpu.VMEM((2 * D + 3, L), jnp.float32),
        pltpu.SemaphoreType.DMA,
    ],
)
def _gather_kernel(user_hbm, skill_hbm, udot_hbm, sdot_hbm, wb_hbm, out_hbm,
                   ui, si, gu, gs, out_v, wv, sem):
    wid = lax.axis_index("s") * NC + lax.axis_index("c")
    base = wid * BPW

    pltpu.sync_copy(wb_hbm, wv)
    pltpu.sync_copy(user_hbm.at[wid], ui)
    pltpu.sync_copy(skill_hbm.at[wid], si)

    copies = []
    for j in range(NCHUNK):
        copies.append(pltpu.async_copy(
            udot_hbm.at[ui.at[j]], gu.at[pl.ds(j * CHUNK, CHUNK)], sem))
        copies.append(pltpu.async_copy(
            sdot_hbm.at[si.at[j]], gs.at[pl.ds(j * CHUNK, CHUNK)], sem))
    for c in copies:
        c.wait()

    bb = wv[2 * D]

    def groups(g, carry):
        out_v[pl.ds(g * L, L)] = (gu[pl.ds(g * L, L)] + gs[pl.ds(g * L, L)]
                                  + bb)
        return carry

    lax.fori_loop(0, BPW // L, groups, 0)
    pltpu.sync_copy(out_v, out_hbm.at[pl.ds(base, BPW)])


def kernel(user, skill, user_table, skill_table, W, b):
    user_r = user.astype(jnp.int32).reshape(NW, NCHUNK, CHUNK)
    skill_r = skill.astype(jnp.int32).reshape(NW, NCHUNK, CHUNK)
    u_tail = user_table[NFULL_U * S:].reshape((NU - NFULL_U * S) * D)
    s_tail = skill_table[NFULL_S * S:].reshape((NSK - NFULL_S * S) * D)
    wb = jnp.concatenate([
        jnp.broadcast_to(
            jnp.concatenate([W[:, 0], b.astype(jnp.float32)])[:, None],
            (2 * D + 1, L),
        ),
        W[:D, 0][None, :],
        W[D:, 0][None, :],
    ]).astype(jnp.float32)
    udot, sdot = _proj_kernel(user_table.T, skill_table.T, u_tail, s_tail, wb)
    return _gather_kernel(user_r, skill_r, udot, sdot, wb)

# --- scband reference (transcript-rebuilt; emitter-appended) ---
"""Pipeline reference for scband-recommendation-model-40415642256023 (READ-ONLY COPY).

The authoritative reference and input builder live on the scoring server;
editing this copy changes nothing except your own understanding.
"""

import jax, jax.numpy as jnp
import numpy as np

NUM_USERS = 1000000
NUM_SKILLS = 100000
EMBED_DIM = 16
BATCH = 16384


def setup_inputs(seed: int = 0) -> dict:
    key = jax.random.key(seed)
    k_user, k_skill, k_ut, k_st, k_w, k_b = jax.random.split(key, 6)
    user = jax.random.randint(k_user, (BATCH,), 0, NUM_USERS, dtype=jnp.int64 if jax.config.jax_enable_x64 else jnp.int32)
    skill = jax.random.randint(k_skill, (BATCH,), 0, NUM_SKILLS, dtype=jnp.int64 if jax.config.jax_enable_x64 else jnp.int32)
    user_table = jax.random.normal(k_ut, (NUM_USERS, EMBED_DIM), dtype=jnp.float32)
    skill_table = jax.random.normal(k_st, (NUM_SKILLS, EMBED_DIM), dtype=jnp.float32)
    # fc: Linear(embedding_dim*2 -> 1)
    W = jax.random.normal(k_w, (2 * EMBED_DIM, 1), dtype=jnp.float32) * (1.0 / np.sqrt(2 * EMBED_DIM))
    b = jax.random.normal(k_b, (1,), dtype=jnp.float32) * 0.01
    return {"user": user, "skill": skill, "user_table": user_table, "skill_table": skill_table, "W": W, "b": b}


def reference(user, skill, user_table, skill_table, W, b):
    user_embed = jnp.take(user_table, user, axis=0)          # [B, D]
    skill_embed = jnp.take(skill_table, skill, axis=0)        # [B, D]
    combined = jnp.concatenate([user_embed, skill_embed], axis=-1)  # [B, 2D]
    out = combined @ W + b                                     # [B, 1]
    return jnp.squeeze(out, axis=-1)                           # [B]

if __name__ == "__main__":
    import jax
    _d = setup_inputs()
    print(jax.jit(kernel)(*tuple(_d.values())))

</pallas_src>

<mosaic_0001>
#map = affine_map<(d0, d1) -> (0, 0, 0)>
#map1 = affine_map<(d0, d1) -> (0)>
#map2 = affine_map<(d0, d1) -> (0, 0)>
module attributes {stable_mosaic.version = 14 : i64} {
  func.func @_gather_kernel(%arg0: i32, %arg1: i32, %arg2: memref<32x4x128xi32, #tpu.memory_space<hbm>>, %arg3: memref<32x4x128xi32, #tpu.memory_space<hbm>>, %arg4: memref<1000000xf32, #tpu.memory_space<hbm>>, %arg5: memref<100000xf32, #tpu.memory_space<hbm>>, %arg6: memref<35x16xf32, #tpu.memory_space<hbm>>, %arg7: memref<16384xf32, #tpu.memory_space<hbm>>, %arg8: memref<4x128xi32, #tpu.memory_space<vmem>>, %arg9: memref<4x128xi32, #tpu.memory_space<vmem>>, %arg10: memref<512xf32, #tpu.memory_space<vmem>>, %arg11: memref<512xf32, #tpu.memory_space<vmem>>, %arg12: memref<512xf32, #tpu.memory_space<vmem>>, %arg13: memref<35x16xf32, #tpu.memory_space<vmem>>, %arg14: memref<!tpu.dma_semaphore, #tpu.memory_space<semaphore_mem>>) attributes {dimension_semantics = [#tpu.dimension_semantics<core_parallel>, #tpu.dimension_semantics<subcore_parallel>], iteration_bounds = array<i64: 2, 16>, scalar_prefetch = 0 : i64, scratch_operands = 7 : i64, tpu.core_type = #tpu.core_type<sc_vector_subcore>, window_params = [{transform_indices = #map}, {transform_indices = #map}, {transform_indices = #map1}, {transform_indices = #map1}, {transform_indices = #map2}, {transform_indices = #map1}]} {
    %mul3A = arith.constant 2 : i32
    %mul3A_0 = arith.muli %arg1, %mul3A : i32
    %add3A = arith.addi %mul3A_0, %arg0 : i32
    %mul3A_1 = arith.constant 512 : i32
    %mul3A_2 = arith.muli %add3A, %mul3A_1 : i32
    "tpu.region"() ({
      %run_scoped3A = tpu.sem_alloc : memref<!tpu.dma_semaphore, #tpu.memory_space<semaphore_mem>>
      tpu.enqueue_dma source(%arg6 : memref<35x16xf32, #tpu.memory_space<hbm>>) target(%arg13 : memref<35x16xf32, #tpu.memory_space<vmem>>) target_semaphore(%run_scoped3A : memref<!tpu.dma_semaphore, #tpu.memory_space<semaphore_mem>>)
      tpu.wait_dma2 semaphore(%run_scoped3A : memref<!tpu.dma_semaphore, #tpu.memory_space<semaphore_mem>>) src(%arg6 : memref<35x16xf32, #tpu.memory_space<hbm>>) dst(%arg13 : memref<35x16xf32, #tpu.memory_space<vmem>>)
      tpu.yield
    }) : () -> ()
    "tpu.region"() ({
      %run_scoped3A = tpu.sem_alloc : memref<!tpu.dma_semaphore, #tpu.memory_space<semaphore_mem>>
      %dma_start3A_138 = arith.constant 0 : i32
      %dma_start3A_139 = arith.constant 0 : i32
      %dma_start3A_140 = tpu.memref_slice %arg2[%add3A, %dma_start3A_138, %dma_start3A_139] : memref<32x4x128xi32, #tpu.memory_space<hbm>> -> memref<1x4x128xi32, #tpu.memory_space<hbm>>
      %dma_start3A_141 = tpu.memref_squeeze %dma_start3A_140 : memref<1x4x128xi32, #tpu.memory_space<hbm>> -> memref<4x128xi32, #tpu.memory_space<hbm>>
      %dma_start3A_142 = arith.constant 0 : i32
      %dma_start3A_143 = arith.constant 0 : i32
      %dma_start3A_144 = tpu.memref_slice %arg2[%add3A, %dma_start3A_142, %dma_start3A_143] : memref<32x4x128xi32, #tpu.memory_space<hbm>> -> memref<1x4x128xi32, #tpu.memory_space<hbm>>
      %dma_start3A_145 = tpu.memref_squeeze %dma_start3A_144 : memref<1x4x128xi32, #tpu.memory_space<hbm>> -> memref<4x128xi32, #tpu.memory_space<hbm>>
      tpu.enqueue_dma source(%dma_start3A_145 : memref<4x128xi32, #tpu.memory_space<hbm>>) target(%arg8 : memref<4x128xi32, #tpu.memory_space<vmem>>) target_semaphore(%run_scoped3A : memref<!tpu.dma_semaphore, #tpu.memory_space<semaphore_mem>>)
      %dma_wait3A_146 = arith.constant 0 : i32
      %dma_wait3A_147 = arith.constant 0 : i32
      %dma_wait3A_148 = tpu.memref_slice %arg2[%add3A, %dma_wait3A_146, %dma_wait3A_147] : memref<32x4x128xi32, #tpu.memory_space<hbm>> -> memref<1x4x128xi32, #tpu.memory_space<hbm>>
      %dma_wait3A_149 = tpu.memref_squeeze %dma_wait3A_148 : memref<1x4x128xi32, #tpu.memory_space<hbm>> -> memref<4x128xi32, #tpu.memory_space<hbm>>
      %dma_wait3A_150 = arith.constant 0 : i32
      %dma_wait3A_151 = arith.constant 0 : i32
      %dma_wait3A_152 = tpu.memref_slice %arg2[%add3A, %dma_wait3A_150, %dma_wait3A_151] : memref<32x4x128xi32, #tpu.memory_space<hbm>> -> memref<1x4x128xi32, #tpu.memory_space<hbm>>
      %dma_wait3A_153 = tpu.memref_squeeze %dma_wait3A_152 : memref<1x4x128xi32, #tpu.memory_space<hbm>> -> memref<4x128xi32, #tpu.memory_space<hbm>>
      tpu.wait_dma2 semaphore(%run_scoped3A : memref<!tpu.dma_semaphore, #tpu.memory_space<semaphore_mem>>) src(%dma_wait3A_153 : memref<4x128xi32, #tpu.memory_space<hbm>>) dst(%arg8 : memref<4x128xi32, #tpu.memory_space<vmem>>)
      tpu.yield
    }) : () -> ()
    "tpu.region"() ({
      %run_scoped3A = tpu.sem_alloc : memref<!tpu.dma_semaphore, #tpu.memory_space<semaphore_mem>>
      %dma_start3A_138 = arith.constant 0 : i32
      %dma_start3A_139 = arith.constant 0 : i32
      %dma_start3A_140 = tpu.memref_slice %arg3[%add3A, %dma_start3A_138, %dma_start3A_139] : memref<32x4x128xi32, #tpu.memory_space<hbm>> -> memref<1x4x128xi32, #tpu.memory_space<hbm>>
      %dma_start3A_141 = tpu.memref_squeeze %dma_start3A_140 : memref<1x4x128xi32, #tpu.memory_space<hbm>> -> memref<4x128xi32, #tpu.memory_space<hbm>>
      %dma_start3A_142 = arith.constant 0 : i32
      %dma_start3A_143 = arith.constant 0 : i32
      %dma_start3A_144 = tpu.memref_slice %arg3[%add3A, %dma_start3A_142, %dma_start3A_143] : memref<32x4x128xi32, #tpu.memory_space<hbm>> -> memref<1x4x128xi32, #tpu.memory_space<hbm>>
      %dma_start3A_145 = tpu.memref_squeeze %dma_start3A_144 : memref<1x4x128xi32, #tpu.memory_space<hbm>> -> memref<4x128xi32, #tpu.memory_space<hbm>>
      tpu.enqueue_dma source(%dma_start3A_145 : memref<4x128xi32, #tpu.memory_space<hbm>>) target(%arg9 : memref<4x128xi32, #tpu.memory_space<vmem>>) target_semaphore(%run_scoped3A : memref<!tpu.dma_semaphore, #tpu.memory_space<semaphore_mem>>)
      %dma_wait3A_146 = arith.constant 0 : i32
      %dma_wait3A_147 = arith.constant 0 : i32
      %dma_wait3A_148 = tpu.memref_slice %arg3[%add3A, %dma_wait3A_146, %dma_wait3A_147] : memref<32x4x128xi32, #tpu.memory_space<hbm>> -> memref<1x4x128xi32, #tpu.memory_space<hbm>>
      %dma_wait3A_149 = tpu.memref_squeeze %dma_wait3A_148 : memref<1x4x128xi32, #tpu.memory_space<hbm>> -> memref<4x128xi32, #tpu.memory_space<hbm>>
      %dma_wait3A_150 = arith.constant 0 : i32
      %dma_wait3A_151 = arith.constant 0 : i32
      %dma_wait3A_152 = tpu.memref_slice %arg3[%add3A, %dma_wait3A_150, %dma_wait3A_151] : memref<32x4x128xi32, #tpu.memory_space<hbm>> -> memref<1x4x128xi32, #tpu.memory_space<hbm>>
      %dma_wait3A_153 = tpu.memref_squeeze %dma_wait3A_152 : memref<1x4x128xi32, #tpu.memory_space<hbm>> -> memref<4x128xi32, #tpu.memory_space<hbm>>
      tpu.wait_dma2 semaphore(%run_scoped3A : memref<!tpu.dma_semaphore, #tpu.memory_space<semaphore_mem>>) src(%dma_wait3A_153 : memref<4x128xi32, #tpu.memory_space<hbm>>) dst(%arg9 : memref<4x128xi32, #tpu.memory_space<vmem>>)
      tpu.yield
    }) : () -> ()
    %dma_start3A = arith.constant 0 : i32
    %dma_start3A_3 = arith.constant 0 : i32
    %dma_start3A_4 = tpu.memref_slice %arg10[%dma_start3A_3] : memref<512xf32, #tpu.memory_space<vmem>> -> memref<128xf32, #tpu.memory_space<vmem>>
    %dma_start3A_5 = arith.constant 0 : i32
    %dma_start3A_6 = tpu.memref_slice %arg8[%dma_start3A, %dma_start3A_5] : memref<4x128xi32, #tpu.memory_space<vmem>> -> memref<1x128xi32, #tpu.memory_space<vmem>>
    %dma_start3A_7 = tpu.memref_squeeze %dma_start3A_6 : memref<1x128xi32, #tpu.memory_space<vmem>> -> memref<128xi32, #tpu.memory_space<vmem>>
    %dma_start3A_8 = arith.constant 0 : i32
    %dma_start3A_9 = tpu.memref_slice %arg4[%dma_start3A_8] : memref<1000000xf32, #tpu.memory_space<hbm>> -> memref<1000000xf32, #tpu.memory_space<hbm>>
    tpu.enqueue_indirect_dma source(%dma_start3A_9 : memref<1000000xf32, #tpu.memory_space<hbm>>) target(%dma_start3A_4 : memref<128xf32, #tpu.memory_space<vmem>>) offsets(%dma_start3A_7 : memref<128xi32, #tpu.memory_space<vmem>>) semaphore(%arg14 : memref<!tpu.dma_semaphore, #tpu.memory_space<semaphore_mem>>)
    %dma_start3A_10 = arith.constant 0 : i32
    %dma_start3A_11 = arith.constant 0 : i32
    %dma_start3A_12 = tpu.memref_slice %arg11[%dma_start3A_11] : memref<512xf32, #tpu.memory_space<vmem>> -> memref<128xf32, #tpu.memory_space<vmem>>
    %dma_start3A_13 = arith.constant 0 : i32
    %dma_start3A_14 = tpu.memref_slice %arg9[%dma_start3A_10, %dma_start3A_13] : memref<4x128xi32, #tpu.memory_space<vmem>> -> memref<1x128xi32, #tpu.memory_space<vmem>>
    %dma_start3A_15 = tpu.memref_squeeze %dma_start3A_14 : memref<1x128xi32, #tpu.memory_space<vmem>> -> memref<128xi32, #tpu.memory_space<vmem>>
    %dma_start3A_16 = arith.constant 0 : i32
    %dma_start3A_17 = tpu.memref_slice %arg5[%dma_start3A_16] : memref<100000xf32, #tpu.memory_space<hbm>> -> memref<100000xf32, #tpu.memory_space<hbm>>
    tpu.enqueue_indirect_dma source(%dma_start3A_17 : memref<100000xf32, #tpu.memory_space<hbm>>) target(%dma_start3A_12 : memref<128xf32, #tpu.memory_space<vmem>>) offsets(%dma_start3A_15 : memref<128xi32, #tpu.memory_space<vmem>>) semaphore(%arg14 : memref<!tpu.dma_semaphore, #tpu.memory_space<semaphore_mem>>)
    %dma_start3A_18 = arith.constant 1 : i32
    %dma_start3A_19 = arith.constant 128 : i32
    %dma_start3A_20 = tpu.memref_slice %arg10[%dma_start3A_19] : memref<512xf32, #tpu.memory_space<vmem>> -> memref<128xf32, #tpu.memory_space<vmem>>
    %dma_start3A_21 = arith.constant 0 : i32
    %dma_start3A_22 = tpu.memref_slice %arg8[%dma_start3A_18, %dma_start3A_21] : memref<4x128xi32, #tpu.memory_space<vmem>> -> memref<1x128xi32, #tpu.memory_space<vmem>>
    %dma_start3A_23 = tpu.memref_squeeze %dma_start3A_22 : memref<1x128xi32, #tpu.memory_space<vmem>> -> memref<128xi32, #tpu.memory_space<vmem>>
    %dma_start3A_24 = arith.constant 0 : i32
    %dma_start3A_25 = tpu.memref_slice %arg4[%dma_start3A_24] : memref<1000000xf32, #tpu.memory_space<hbm>> -> memref<1000000xf32, #tpu.memory_space<hbm>>
    tpu.enqueue_indirect_dma source(%dma_start3A_25 : memref<1000000xf32, #tpu.memory_space<hbm>>) target(%dma_start3A_20 : memref<128xf32, #tpu.memory_space<vmem>>) offsets(%dma_start3A_23 : memref<128xi32, #tpu.memory_space<vmem>>) semaphore(%arg14 : memref<!tpu.dma_semaphore, #tpu.memory_space<semaphore_mem>>)
    %dma_start3A_26 = arith.constant 1 : i32
    %dma_start3A_27 = arith.constant 128 : i32
    %dma_start3A_28 = tpu.memref_slice %arg11[%dma_start3A_27] : memref<512xf32, #tpu.memory_space<vmem>> -> memref<128xf32, #tpu.memory_space<vmem>>
    %dma_start3A_29 = arith.constant 0 : i32
    %dma_start3A_30 = tpu.memref_slice %arg9[%dma_start3A_26, %dma_start3A_29] : memref<4x128xi32, #tpu.memory_space<vmem>> -> memref<1x128xi32, #tpu.memory_space<vmem>>
    %dma_start3A_31 = tpu.memref_squeeze %dma_start3A_30 : memref<1x128xi32, #tpu.memory_space<vmem>> -> memref<128xi32, #tpu.memory_space<vmem>>
    %dma_start3A_32 = arith.constant 0 : i32
    %dma_start3A_33 = tpu.memref_slice %arg5[%dma_start3A_32] : memref<100000xf32, #tpu.memory_space<hbm>> -> memref<100000xf32, #tpu.memory_space<hbm>>
    tpu.enqueue_indirect_dma source(%dma_start3A_33 : memref<100000xf32, #tpu.memory_space<hbm>>) target(%dma_start3A_28 : memref<128xf32, #tpu.memory_space<vmem>>) offsets(%dma_start3A_31 : memref<128xi32, #tpu.memory_space<vmem>>) semaphore(%arg14 : memref<!tpu.dma_semaphore, #tpu.memory_space<semaphore_mem>>)
    %dma_start3A_34 = arith.constant 2 : i32
    %dma_start3A_35 = arith.constant 256 : i32
    %dma_start3A_36 = tpu.memref_slice %arg10[%dma_start3A_35] : memref<512xf32, #tpu.memory_space<vmem>> -> memref<128xf32, #tpu.memory_space<vmem>>
    %dma_start3A_37 = arith.constant 0 : i32
    %dma_start3A_38 = tpu.memref_slice %arg8[%dma_start3A_34, %dma_start3A_37] : memref<4x128xi32, #tpu.memory_space<vmem>> -> memref<1x128xi32, #tpu.memory_space<vmem>>
    %dma_start3A_39 = tpu.memref_squeeze %dma_start3A_38 : memref<1x128xi32, #tpu.memory_space<vmem>> -> memref<128xi32, #tpu.memory_space<vmem>>
    %dma_start3A_40 = arith.constant 0 : i32
    %dma_start3A_41 = tpu.memref_slice %arg4[%dma_start3A_40] : memref<1000000xf32, #tpu.memory_space<hbm>> -> memref<1000000xf32, #tpu.memory_space<hbm>>
    tpu.enqueue_indirect_dma source(%dma_start3A_41 : memref<1000000xf32, #tpu.memory_space<hbm>>) target(%dma_start3A_36 : memref<128xf32, #tpu.memory_space<vmem>>) offsets(%dma_start3A_39 : memref<128xi32, #tpu.memory_space<vmem>>) semaphore(%arg14 : memref<!tpu.dma_semaphore, #tpu.memory_space<semaphore_mem>>)
    %dma_start3A_42 = arith.constant 2 : i32
    %dma_start3A_43 = arith.constant 256 : i32
    %dma_start3A_44 = tpu.memref_slice %arg11[%dma_start3A_43] : memref<512xf32, #tpu.memory_space<vmem>> -> memref<128xf32, #tpu.memory_space<vmem>>
    %dma_start3A_45 = arith.constant 0 : i32
    %dma_start3A_46 = tpu.memref_slice %arg9[%dma_start3A_42, %dma_start3A_45] : memref<4x128xi32, #tpu.memory_space<vmem>> -> memref<1x128xi32, #tpu.memory_space<vmem>>
    %dma_start3A_47 = tpu.memref_squeeze %dma_start3A_46 : memref<1x128xi32, #tpu.memory_space<vmem>> -> memref<128xi32, #tpu.memory_space<vmem>>
    %dma_start3A_48 = arith.constant 0 : i32
    %dma_start3A_49 = tpu.memref_slice %arg5[%dma_start3A_48] : memref<100000xf32, #tpu.memory_space<hbm>> -> memref<100000xf32, #tpu.memory_space<hbm>>
    tpu.enqueue_indirect_dma source(%dma_start3A_49 : memref<100000xf32, #tpu.memory_space<hbm>>) target(%dma_start3A_44 : memref<128xf32, #tpu.memory_space<vmem>>) offsets(%dma_start3A_47 : memref<128xi32, #tpu.memory_space<vmem>>) semaphore(%arg14 : memref<!tpu.dma_semaphore, #tpu.memory_space<semaphore_mem>>)
    %dma_start3A_50 = arith.constant 3 : i32
    %dma_start3A_51 = arith.constant 384 : i32
    %dma_start3A_52 = tpu.memref_slice %arg10[%dma_start3A_51] : memref<512xf32, #tpu.memory_space<vmem>> -> memref<128xf32, #tpu.memory_space<vmem>>
    %dma_start3A_53 = arith.constant 0 : i32
    %dma_start3A_54 = tpu.memref_slice %arg8[%dma_start3A_50, %dma_start3A_53] : memref<4x128xi32, #tpu.memory_space<vmem>> -> memref<1x128xi32, #tpu.memory_space<vmem>>
    %dma_start3A_55 = tpu.memref_squeeze %dma_start3A_54 : memref<1x128xi32, #tpu.memory_space<vmem>> -> memref<128xi32, #tpu.memory_space<vmem>>
    %dma_start3A_56 = arith.constant 0 : i32
    %dma_start3A_57 = tpu.memref_slice %arg4[%dma_start3A_56] : memref<1000000xf32, #tpu.memory_space<hbm>> -> memref<1000000xf32, #tpu.memory_space<hbm>>
    tpu.enqueue_indirect_dma source(%dma_start3A_57 : memref<1000000xf32, #tpu.memory_space<hbm>>) target(%dma_start3A_52 : memref<128xf32, #tpu.memory_space<vmem>>) offsets(%dma_start3A_55 : memref<128xi32, #tpu.memory_space<vmem>>) semaphore(%arg14 : memref<!tpu.dma_semaphore, #tpu.memory_space<semaphore_mem>>)
    %dma_start3A_58 = arith.constant 3 : i32
    %dma_start3A_59 = arith.constant 384 : i32
    %dma_start3A_60 = tpu.memref_slice %arg11[%dma_start3A_59] : memref<512xf32, #tpu.memory_space<vmem>> -> memref<128xf32, #tpu.memory_space<vmem>>
    %dma_start3A_61 = arith.constant 0 : i32
    %dma_start3A_62 = tpu.memref_slice %arg9[%dma_start3A_58, %dma_start3A_61] : memref<4x128xi32, #tpu.memory_space<vmem>> -> memref<1x128xi32, #tpu.memory_space<vmem>>
    %dma_start3A_63 = tpu.memref_squeeze %dma_start3A_62 : memref<1x128xi32, #tpu.memory_space<vmem>> -> memref<128xi32, #tpu.memory_space<vmem>>
    %dma_start3A_64 = arith.constant 0 : i32
    %dma_start3A_65 = tpu.memref_slice %arg5[%dma_start3A_64] : memref<100000xf32, #tpu.memory_space<hbm>> -> memref<100000xf32, #tpu.memory_space<hbm>>
    tpu.enqueue_indirect_dma source(%dma_start3A_65 : memref<100000xf32, #tpu.memory_space<hbm>>) target(%dma_start3A_60 : memref<128xf32, #tpu.memory_space<vmem>>) offsets(%dma_start3A_63 : memref<128xi32, #tpu.memory_space<vmem>>) semaphore(%arg14 : memref<!tpu.dma_semaphore, #tpu.memory_space<semaphore_mem>>)
    %dma_wait3A = arith.constant 0 : i32
    %dma_wait3A_66 = arith.constant 0 : i32
    %dma_wait3A_67 = tpu.memref_slice %arg10[%dma_wait3A_66] : memref<512xf32, #tpu.memory_space<vmem>> -> memref<128xf32, #tpu.memory_space<vmem>>
    %dma_wait3A_68 = arith.constant 0 : i32
    %dma_wait3A_69 = tpu.memref_slice %arg8[%dma_wait3A, %dma_wait3A_68] : memref<4x128xi32, #tpu.memory_space<vmem>> -> memref<1x128xi32, #tpu.memory_space<vmem>>
    %dma_wait3A_70 = tpu.memref_squeeze %dma_wait3A_69 : memref<1x128xi32, #tpu.memory_space<vmem>> -> memref<128xi32, #tpu.memory_space<vmem>>
    %dma_wait3A_71 = arith.constant 0 : i32
    %dma_wait3A_72 = tpu.memref_slice %arg4[%dma_wait3A_71] : memref<1000000xf32, #tpu.memory_space<hbm>> -> memref<1000000xf32, #tpu.memory_space<hbm>>
    tpu.wait_indirect_dma semaphore(%arg14 : memref<!tpu.dma_semaphore, #tpu.memory_space<semaphore_mem>>) src(%dma_wait3A_72 : memref<1000000xf32, #tpu.memory_space<hbm>>) dst(%dma_wait3A_67 : memref<128xf32, #tpu.memory_space<vmem>>)
    %dma_wait3A_73 = arith.constant 0 : i32
    %dma_wait3A_74 = arith.constant 0 : i32
    %dma_wait3A_75 = tpu.memref_slice %arg11[%dma_wait3A_74] : memref<512xf32, #tpu.memory_space<vmem>> -> memref<128xf32, #tpu.memory_space<vmem>>
    %dma_wait3A_76 = arith.constant 0 : i32
    %dma_wait3A_77 = tpu.memref_slice %arg9[%dma_wait3A_73, %dma_wait3A_76] : memref<4x128xi32, #tpu.memory_space<vmem>> -> memref<1x128xi32, #tpu.memory_space<vmem>>
    %dma_wait3A_78 = tpu.memref_squeeze %dma_wait3A_77 : memref<1x128xi32, #tpu.memory_space<vmem>> -> memref<128xi32, #tpu.memory_space<vmem>>
    %dma_wait3A_79 = arith.constant 0 : i32
    %dma_wait3A_80 = tpu.memref_slice %arg5[%dma_wait3A_79] : memref<100000xf32, #tpu.memory_space<hbm>> -> memref<100000xf32, #tpu.memory_space<hbm>>
    tpu.wait_indirect_dma semaphore(%arg14 : memref<!tpu.dma_semaphore, #tpu.memory_space<semaphore_mem>>) src(%dma_wait3A_80 : memref<100000xf32, #tpu.memory_space<hbm>>) dst(%dma_wait3A_75 : memref<128xf32, #tpu.memory_space<vmem>>)
    %dma_wait3A_81 = arith.constant 1 : i32
    %dma_wait3A_82 = arith.constant 128 : i32
    %dma_wait3A_83 = tpu.memref_slice %arg10[%dma_wait3A_82] : memref<512xf32, #tpu.memory_space<vmem>> -> memref<128xf32, #tpu.memory_space<vmem>>
    %dma_wait3A_84 = arith.constant 0 : i32
    %dma_wait3A_85 = tpu.memref_slice %arg8[%dma_wait3A_81, %dma_wait3A_84] : memref<4x128xi32, #tpu.memory_space<vmem>> -> memref<1x128xi32, #tpu.memory_space<vmem>>
    %dma_wait3A_86 = tpu.memref_squeeze %dma_wait3A_85 : memref<1x128xi32, #tpu.memory_space<vmem>> -> memref<128xi32, #tpu.memory_space<vmem>>
    %dma_wait3A_87 = arith.constant 0 : i32
    %dma_wait3A_88 = tpu.memref_slice %arg4[%dma_wait3A_87] : memref<1000000xf32, #tpu.memory_space<hbm>> -> memref<1000000xf32, #tpu.memory_space<hbm>>
    tpu.wait_indirect_dma semaphore(%arg14 : memref<!tpu.dma_semaphore, #tpu.memory_space<semaphore_mem>>) src(%dma_wait3A_88 : memref<1000000xf32, #tpu.memory_space<hbm>>) dst(%dma_wait3A_83 : memref<128xf32, #tpu.memory_space<vmem>>)
    %dma_wait3A_89 = arith.constant 1 : i32
    %dma_wait3A_90 = arith.constant 128 : i32
    %dma_wait3A_91 = tpu.memref_slice %arg11[%dma_wait3A_90] : memref<512xf32, #tpu.memory_space<vmem>> -> memref<128xf32, #tpu.memory_space<vmem>>
    %dma_wait3A_92 = arith.constant 0 : i32
    %dma_wait3A_93 = tpu.memref_slice %arg9[%dma_wait3A_89, %dma_wait3A_92] : memref<4x128xi32, #tpu.memory_space<vmem>> -> memref<1x128xi32, #tpu.memory_space<vmem>>
    %dma_wait3A_94 = tpu.memref_squeeze %dma_wait3A_93 : memref<1x128xi32, #tpu.memory_space<vmem>> -> memref<128xi32, #tpu.memory_space<vmem>>
    %dma_wait3A_95 = arith.constant 0 : i32
    %dma_wait3A_96 = tpu.memref_slice %arg5[%dma_wait3A_95] : memref<100000xf32, #tpu.memory_space<hbm>> -> memref<100000xf32, #tpu.memory_space<hbm>>
    tpu.wait_indirect_dma semaphore(%arg14 : memref<!tpu.dma_semaphore, #tpu.memory_space<semaphore_mem>>) src(%dma_wait3A_96 : memref<100000xf32, #tpu.memory_space<hbm>>) dst(%dma_wait3A_91 : memref<128xf32, #tpu.memory_space<vmem>>)
    %dma_wait3A_97 = arith.constant 2 : i32
    %dma_wait3A_98 = arith.constant 256 : i32
    %dma_wait3A_99 = tpu.memref_slice %arg10[%dma_wait3A_98] : memref<512xf32, #tpu.memory_space<vmem>> -> memref<128xf32, #tpu.memory_space<vmem>>
    %dma_wait3A_100 = arith.constant 0 : i32
    %dma_wait3A_101 = tpu.memref_slice %arg8[%dma_wait3A_97, %dma_wait3A_100] : memref<4x128xi32, #tpu.memory_space<vmem>> -> memref<1x128xi32, #tpu.memory_space<vmem>>
    %dma_wait3A_102 = tpu.memref_squeeze %dma_wait3A_101 : memref<1x128xi32, #tpu.memory_space<vmem>> -> memref<128xi32, #tpu.memory_space<vmem>>
    %dma_wait3A_103 = arith.constant 0 : i32
    %dma_wait3A_104 = tpu.memref_slice %arg4[%dma_wait3A_103] : memref<1000000xf32, #tpu.memory_space<hbm>> -> memref<1000000xf32, #tpu.memory_space<hbm>>
    tpu.wait_indirect_dma semaphore(%arg14 : memref<!tpu.dma_semaphore, #tpu.memory_space<semaphore_mem>>) src(%dma_wait3A_104 : memref<1000000xf32, #tpu.memory_space<hbm>>) dst(%dma_wait3A_99 : memref<128xf32, #tpu.memory_space<vmem>>)
    %dma_wait3A_105 = arith.constant 2 : i32
    %dma_wait3A_106 = arith.constant 256 : i32
    %dma_wait3A_107 = tpu.memref_slice %arg11[%dma_wait3A_106] : memref<512xf32, #tpu.memory_space<vmem>> -> memref<128xf32, #tpu.memory_space<vmem>>
    %dma_wait3A_108 = arith.constant 0 : i32
    %dma_wait3A_109 = tpu.memref_slice %arg9[%dma_wait3A_105, %dma_wait3A_108] : memref<4x128xi32, #tpu.memory_space<vmem>> -> memref<1x128xi32, #tpu.memory_space<vmem>>
    %dma_wait3A_110 = tpu.memref_squeeze %dma_wait3A_109 : memref<1x128xi32, #tpu.memory_space<vmem>> -> memref<128xi32, #tpu.memory_space<vmem>>
    %dma_wait3A_111 = arith.constant 0 : i32
    %dma_wait3A_112 = tpu.memref_slice %arg5[%dma_wait3A_111] : memref<100000xf32, #tpu.memory_space<hbm>> -> memref<100000xf32, #tpu.memory_space<hbm>>
    tpu.wait_indirect_dma semaphore(%arg14 : memref<!tpu.dma_semaphore, #tpu.memory_space<semaphore_mem>>) src(%dma_wait3A_112 : memref<100000xf32, #tpu.memory_space<hbm>>) dst(%dma_wait3A_107 : memref<128xf32, #tpu.memory_space<vmem>>)
    %dma_wait3A_113 = arith.constant 3 : i32
    %dma_wait3A_114 = arith.constant 384 : i32
    %dma_wait3A_115 = tpu.memref_slice %arg10[%dma_wait3A_114] : memref<512xf32, #tpu.memory_space<vmem>> -> memref<128xf32, #tpu.memory_space<vmem>>
    %dma_wait3A_116 = arith.constant 0 : i32
    %dma_wait3A_117 = tpu.memref_slice %arg8[%dma_wait3A_113, %dma_wait3A_116] : memref<4x128xi32, #tpu.memory_space<vmem>> -> memref<1x128xi32, #tpu.memory_space<vmem>>
    %dma_wait3A_118 = tpu.memref_squeeze %dma_wait3A_117 : memref<1x128xi32, #tpu.memory_space<vmem>> -> memref<128xi32, #tpu.memory_space<vmem>>
    %dma_wait3A_119 = arith.constant 0 : i32
    %dma_wait3A_120 = tpu.memref_slice %arg4[%dma_wait3A_119] : memref<1000000xf32, #tpu.memory_space<hbm>> -> memref<1000000xf32, #tpu.memory_space<hbm>>
    tpu.wait_indirect_dma semaphore(%arg14 : memref<!tpu.dma_semaphore, #tpu.memory_space<semaphore_mem>>) src(%dma_wait3A_120 : memref<1000000xf32, #tpu.memory_space<hbm>>) dst(%dma_wait3A_115 : memref<128xf32, #tpu.memory_space<vmem>>)
    %dma_wait3A_121 = arith.constant 3 : i32
    %dma_wait3A_122 = arith.constant 384 : i32
    %dma_wait3A_123 = tpu.memref_slice %arg11[%dma_wait3A_122] : memref<512xf32, #tpu.memory_space<vmem>> -> memref<128xf32, #tpu.memory_space<vmem>>
    %dma_wait3A_124 = arith.constant 0 : i32
    %dma_wait3A_125 = tpu.memref_slice %arg9[%dma_wait3A_121, %dma_wait3A_124] : memref<4x128xi32, #tpu.memory_space<vmem>> -> memref<1x128xi32, #tpu.memory_space<vmem>>
    %dma_wait3A_126 = tpu.memref_squeeze %dma_wait3A_125 : memref<1x128xi32, #tpu.memory_space<vmem>> -> memref<128xi32, #tpu.memory_space<vmem>>
    %dma_wait3A_127 = arith.constant 0 : i32
    %dma_wait3A_128 = tpu.memref_slice %arg5[%dma_wait3A_127] : memref<100000xf32, #tpu.memory_space<hbm>> -> memref<100000xf32, #tpu.memory_space<hbm>>
    tpu.wait_indirect_dma semaphore(%arg14 : memref<!tpu.dma_semaphore, #tpu.memory_space<semaphore_mem>>) src(%dma_wait3A_128 : memref<100000xf32, #tpu.memory_space<hbm>>) dst(%dma_wait3A_123 : memref<128xf32, #tpu.memory_space<vmem>>)
    %get3A = arith.constant 32 : i32
    %get3A_129 = arith.index_cast %get3A : i32 to index
    %get3A_130 = arith.constant 0 : index
    %get3A_131 = tpu.vector_load %arg13[%get3A_129, %get3A_130] {strides = array<i32>} : memref<35x16xf32, #tpu.memory_space<vmem>>, vector<1x16xf32>,
    %get3A_132 = vector.shape_cast %get3A_131 : vector<1x16xf32> to vector<16xf32>
    %scan3A = arith.constant 0 : i32
    %scan3A_133 = arith.constant 0 : i32
    %scan3A_134 = arith.constant 32 : i32
    %scan3A_135 = arith.addi %scan3A_133, %scan3A_134 : i32
    %scan3A_136 = arith.constant 1 : i32
    scf.for %scan3A_138 = %scan3A_133 to %scan3A_135 step %scan3A_136  : i32 {
      %mul3A_139 = arith.constant 16 : i32
      %mul3A_140 = arith.muli %scan3A_138, %mul3A_139 : i32
      %get3A_141 = arith.index_cast %mul3A_140 : i32 to index
      %get3A_142 = tpu.vector_load %arg10[%get3A_141] {strides = array<i32>} : memref<512xf32, #tpu.memory_space<vmem>>, vector<16xf32>,
      %get3A_143 = vector.shape_cast %get3A_142 : vector<16xf32> to vector<16xf32>
      %mul3A_144 = arith.constant 16 : i32
      %mul3A_145 = arith.muli %scan3A_138, %mul3A_144 : i32
      %get3A_146 = arith.index_cast %mul3A_145 : i32 to index
      %get3A_147 = tpu.vector_load %arg11[%get3A_146] {strides = array<i32>} : memref<512xf32, #tpu.memory_space<vmem>>, vector<16xf32>,
      %get3A_148 = vector.shape_cast %get3A_147 : vector<16xf32> to vector<16xf32>
      %add3A_149 = arith.addf %get3A_143, %get3A_148 : vector<16xf32>
      %add3A_150 = arith.addf %add3A_149, %get3A_132 : vector<16xf32>
      %mul3A_151 = arith.constant 16 : i32
      %mul3A_152 = arith.muli %scan3A_138, %mul3A_151 : i32
      %swap3A = arith.index_cast %mul3A_152 : i32 to index
      %swap3A_153 = tpu.vector_load %arg12[%swap3A] {strides = array<i32>} : memref<512xf32, #tpu.memory_space<vmem>>, vector<16xf32>,
      %swap3A_154 = vector.shape_cast %swap3A_153 : vector<16xf32> to vector<16xf32>
      %swap3A_155 = vector.shape_cast %add3A_150 : vector<16xf32> to vector<16xf32>
      tpu.vector_store %arg12[%swap3A], %swap3A_155 {strides = array<i32>} : memref<512xf32, #tpu.memory_space<vmem>>, vector<16xf32>,
    }
    %scan3A_137 = arith.constant 32 : i32
    "tpu.region"() ({
      %run_scoped3A = tpu.sem_alloc : memref<!tpu.dma_semaphore, #tpu.memory_space<semaphore_mem>>
      %dma_start3A_138 = tpu.memref_slice %arg7[%mul3A_2] : memref<16384xf32, #tpu.memory_space<hbm>> -> memref<512xf32, #tpu.memory_space<hbm>>
      %dma_start3A_139 = tpu.memref_slice %arg7[%mul3A_2] : memref<16384xf32, #tpu.memory_space<hbm>> -> memref<512xf32, #tpu.memory_space<hbm>>
      tpu.enqueue_dma source(%arg12 : memref<512xf32, #tpu.memory_space<vmem>>) target(%dma_start3A_139 : memref<512xf32, #tpu.memory_space<hbm>>) target_semaphore(%run_scoped3A : memref<!tpu.dma_semaphore, #tpu.memory_space<semaphore_mem>>)
      %dma_wait3A_140 = tpu.memref_slice %arg7[%mul3A_2] : memref<16384xf32, #tpu.memory_space<hbm>> -> memref<512xf32, #tpu.memory_space<hbm>>
      %dma_wait3A_141 = tpu.memref_slice %arg7[%mul3A_2] : memref<16384xf32, #tpu.memory_space<hbm>> -> memref<512xf32, #tpu.memory_space<hbm>>
      tpu.wait_dma2 semaphore(%run_scoped3A : memref<!tpu.dma_semaphore, #tpu.memory_space<semaphore_mem>>) src(%arg12 : memref<512xf32, #tpu.memory_space<vmem>>) dst(%dma_wait3A_141 : memref<512xf32, #tpu.memory_space<hbm>>)
      tpu.yield
    }) : () -> ()
    return
  }
}

#map = affine_map<(d0, d1) -> (0, 0)>
#map1 = affine_map<(d0, d1) -> (0)>
module attributes {stable_mosaic.version = 14 : i64} {
  func.func @_proj_kernel(%arg0: i32, %arg1: i32, %arg2: memref<16x1000000xf32, #tpu.memory_space<hbm>>, %arg3: memref<16x100000xf32, #tpu.memory_space<hbm>>, %arg4: memref<9216xf32, #tpu.memory_space<hbm>>, %arg5: memref<27136xf32, #tpu.memory_space<hbm>>, %arg6: memref<35x16xf32, #tpu.memory_space<hbm>>, %arg7: memref<1000000xf32, #tpu.memory_space<hbm>>, %arg8: memref<100000xf32, #tpu.memory_space<hbm>>, %arg9: memref<16x2048xf32, #tpu.memory_space<vmem>>, %arg10: memref<16x2048xf32, #tpu.memory_space<vmem>>, %arg11: memref<2048xf32, #tpu.memory_space<vmem>>, %arg12: memref<2048xf32, #tpu.memory_space<vmem>>, %arg13: memref<27136xf32, #tpu.memory_space<vmem>>, %arg14: memref<35x16xf32, #tpu.memory_space<vmem>>, %arg15: memref<2x!tpu.dma_semaphore, #tpu.memory_space<semaphore_mem>>, %arg16: memref<2x!tpu.dma_semaphore, #tpu.memory_space<semaphore_mem>>) attributes {dimension_semantics = [#tpu.dimension_semantics<core_parallel>, #tpu.dimension_semantics<subcore_parallel>], iteration_bounds = array<i64: 2, 16>, scalar_prefetch = 0 : i64, scratch_operands = 8 : i64, tpu.core_type = #tpu.core_type<sc_vector_subcore>, window_params = [{transform_indices = #map}, {transform_indices = #map}, {transform_indices = #map1}, {transform_indices = #map1}, {transform_indices = #map}, {transform_indices = #map1}, {transform_indices = #map1}]} {
    %mul3A = arith.constant 2 : i32
    %mul3A_0 = arith.muli %arg1, %mul3A : i32
    %add3A = arith.addi %mul3A_0, %arg0 : i32
    %iota3A = tpu.iota {dimensions = array<i32: 0>} : vector<16xi32>
    "tpu.region"() ({
      %run_scoped3A = tpu.sem_alloc : memref<!tpu.dma_semaphore, #tpu.memory_space<semaphore_mem>>
      tpu.enqueue_dma source(%arg6 : memref<35x16xf32, #tpu.memory_space<hbm>>) target(%arg14 : memref<35x16xf32, #tpu.memory_space<vmem>>) target_semaphore(%run_scoped3A : memref<!tpu.dma_semaphore, #tpu.memory_space<semaphore_mem>>)
      tpu.wait_dma2 semaphore(%run_scoped3A : memref<!tpu.dma_semaphore, #tpu.memory_space<semaphore_mem>>) src(%arg6 : memref<35x16xf32, #tpu.memory_space<hbm>>) dst(%arg14 : memref<35x16xf32, #tpu.memory_space<vmem>>)
      tpu.yield
    }) : () -> ()
    %get3A = arith.constant 0 : i32
    %get3A_1 = arith.index_cast %get3A : i32 to index
    %get3A_2 = arith.constant 0 : index
    %get3A_3 = tpu.vector_load %arg14[%get3A_1, %get3A_2] {strides = array<i32>} : memref<35x16xf32, #tpu.memory_space<vmem>>, vector<1x16xf32>,
    %get3A_4 = vector.shape_cast %get3A_3 : vector<1x16xf32> to vector<16xf32>
    %get3A_5 = arith.constant 1 : i32
    %get3A_6 = arith.index_cast %get3A_5 : i32 to index
    %get3A_7 = arith.constant 0 : index
    %get3A_8 = tpu.vector_load %arg14[%get3A_6, %get3A_7] {strides = array<i32>} : memref<35x16xf32, #tpu.memory_space<vmem>>, vector<1x16xf32>,
    %get3A_9 = vector.shape_cast %get3A_8 : vector<1x16xf32> to vector<16xf32>
    %get3A_10 = arith.constant 2 : i32
    %get3A_11 = arith.index_cast %get3A_10 : i32 to index
    %get3A_12 = arith.constant 0 : index
    %get3A_13 = tpu.vector_load %arg14[%get3A_11, %get3A_12] {strides = array<i32>} : memref<35x16xf32, #tpu.memory_space<vmem>>, vector<1x16xf32>,
    %get3A_14 = vector.shape_cast %get3A_13 : vector<1x16xf32> to vector<16xf32>
    %get3A_15 = arith.constant 3 : i32
    %get3A_16 = arith.index_cast %get3A_15 : i32 to index
    %get3A_17 = arith.constant 0 : index
    %get3A_18 = tpu.vector_load %arg14[%get3A_16, %get3A_17] {strides = array<i32>} : memref<35x16xf32, #tpu.memory_space<vmem>>, vector<1x16xf32>,
    %get3A_19 = vector.shape_cast %get3A_18 : vector<1x16xf32> to vector<16xf32>
    %get3A_20 = arith.constant 4 : i32
    %get3A_21 = arith.index_cast %get3A_20 : i32 to index
    %get3A_22 = arith.constant 0 : index
    %get3A_23 = tpu.vector_load %arg14[%get3A_21, %get3A_22] {strides = array<i32>} : memref<35x16xf32, #tpu.memory_space<vmem>>, vector<1x16xf32>,
    %get3A_24 = vector.shape_cast %get3A_23 : vector<1x16xf32> to vector<16xf32>
    %get3A_25 = arith.constant 5 : i32
    %get3A_26 = arith.index_cast %get3A_25 : i32 to index
    %get3A_27 = arith.constant 0 : index
    %get3A_28 = tpu.vector_load %arg14[%get3A_26, %get3A_27] {strides = array<i32>} : memref<35x16xf32, #tpu.memory_space<vmem>>, vector<1x16xf32>,
    %get3A_29 = vector.shape_cast %get3A_28 : vector<1x16xf32> to vector<16xf32>
    %get3A_30 = arith.constant 6 : i32
    %get3A_31 = arith.index_cast %get3A_30 : i32 to index
    %get3A_32 = arith.constant 0 : index
    %get3A_33 = tpu.vector_load %arg14[%get3A_31, %get3A_32] {strides = array<i32>} : memref<35x16xf32, #tpu.memory_space<vmem>>, vector<1x16xf32>,
    %get3A_34 = vector.shape_cast %get3A_33 : vector<1x16xf32> to vector<16xf32>
    %get3A_35 = arith.constant 7 : i32
    %get3A_36 = arith.index_cast %get3A_35 : i32 to index
    %get3A_37 = arith.constant 0 : index
    %get3A_38 = tpu.vector_load %arg14[%get3A_36, %get3A_37] {strides = array<i32>} : memref<35x16xf32, #tpu.memory_space<vmem>>, vector<1x16xf32>,
    %get3A_39 = vector.shape_cast %get3A_38 : vector<1x16xf32> to vector<16xf32>
    %get3A_40 = arith.constant 8 : i32
    %get3A_41 = arith.index_cast %get3A_40 : i32 to index
    %get3A_42 = arith.constant 0 : index
    %get3A_43 = tpu.vector_load %arg14[%get3A_41, %get3A_42] {strides = array<i32>} : memref<35x16xf32, #tpu.memory_space<vmem>>, vector<1x16xf32>,
    %get3A_44 = vector.shape_cast %get3A_43 : vector<1x16xf32> to vector<16xf32>
    %get3A_45 = arith.constant 9 : i32
    %get3A_46 = arith.index_cast %get3A_45 : i32 to index
    %get3A_47 = arith.constant 0 : index
    %get3A_48 = tpu.vector_load %arg14[%get3A_46, %get3A_47] {strides = array<i32>} : memref<35x16xf32, #tpu.memory_space<vmem>>, vector<1x16xf32>,
    %get3A_49 = vector.shape_cast %get3A_48 : vector<1x16xf32> to vector<16xf32>
    %get3A_50 = arith.constant 10 : i32
    %get3A_51 = arith.index_cast %get3A_50 : i32 to index
    %get3A_52 = arith.constant 0 : index
    %get3A_53 = tpu.vector_load %arg14[%get3A_51, %get3A_52] {strides = array<i32>} : memref<35x16xf32, #tpu.memory_space<vmem>>, vector<1x16xf32>,
    %get3A_54 = vector.shape_cast %get3A_53 : vector<1x16xf32> to vector<16xf32>
    %get3A_55 = arith.constant 11 : i32
    %get3A_56 = arith.index_cast %get3A_55 : i32 to index
    %get3A_57 = arith.constant 0 : index
    %get3A_58 = tpu.vector_load %arg14[%get3A_56, %get3A_57] {strides = array<i32>} : memref<35x16xf32, #tpu.memory_space<vmem>>, vector<1x16xf32>,
    %get3A_59 = vector.shape_cast %get3A_58 : vector<1x16xf32> to vector<16xf32>
    %get3A_60 = arith.constant 12 : i32
    %get3A_61 = arith.index_cast %get3A_60 : i32 to index
    %get3A_62 = arith.constant 0 : index
    %get3A_63 = tpu.vector_load %arg14[%get3A_61, %get3A_62] {strides = array<i32>} : memref<35x16xf32, #tpu.memory_space<vmem>>, vector<1x16xf32>,
    %get3A_64 = vector.shape_cast %get3A_63 : vector<1x16xf32> to vector<16xf32>
    %get3A_65 = arith.constant 13 : i32
    %get3A_66 = arith.index_cast %get3A_65 : i32 to index
    %get3A_67 = arith.constant 0 : index
    %get3A_68 = tpu.vector_load %arg14[%get3A_66, %get3A_67] {strides = array<i32>} : memref<35x16xf32, #tpu.memory_space<vmem>>, vector<1x16xf32>,
    %get3A_69 = vector.shape_cast %get3A_68 : vector<1x16xf32> to vector<16xf32>
    %get3A_70 = arith.constant 14 : i32
    %get3A_71 = arith.index_cast %get3A_70 : i32 to index
    %get3A_72 = arith.constant 0 : index
    %get3A_73 = tpu.vector_load %arg14[%get3A_71, %get3A_72] {strides = array<i32>} : memref<35x16xf32, #tpu.memory_space<vmem>>, vector<1x16xf32>,
    %get3A_74 = vector.shape_cast %get3A_73 : vector<1x16xf32> to vector<16xf32>
    %get3A_75 = arith.constant 15 : i32
    %get3A_76 = arith.index_cast %get3A_75 : i32 to index
    %get3A_77 = arith.constant 0 : index
    %get3A_78 = tpu.vector_load %arg14[%get3A_76, %get3A_77] {strides = array<i32>} : memref<35x16xf32, #tpu.memory_space<vmem>>, vector<1x16xf32>,
    %get3A_79 = vector.shape_cast %get3A_78 : vector<1x16xf32> to vector<16xf32>
    %get3A_80 = arith.constant 16 : i32
    %get3A_81 = arith.index_cast %get3A_80 : i32 to index
    %get3A_82 = arith.constant 0 : index
    %get3A_83 = tpu.vector_load %arg14[%get3A_81, %get3A_82] {strides = array<i32>} : memref<35x16xf32, #tpu.memory_space<vmem>>, vector<1x16xf32>,
    %get3A_84 = vector.shape_cast %get3A_83 : vector<1x16xf32> to vector<16xf32>
    %get3A_85 = arith.constant 17 : i32
    %get3A_86 = arith.index_cast %get3A_85 : i32 to index
    %get3A_87 = arith.constant 0 : index
    %get3A_88 = tpu.vector_load %arg14[%get3A_86, %get3A_87] {strides = array<i32>} : memref<35x16xf32, #tpu.memory_space<vmem>>, vector<1x16xf32>,
    %get3A_89 = vector.shape_cast %get3A_88 : vector<1x16xf32> to vector<16xf32>
    %get3A_90 = arith.constant 18 : i32
    %get3A_91 = arith.index_cast %get3A_90 : i32 to index
    %get3A_92 = arith.constant 0 : index
    %get3A_93 = tpu.vector_load %arg14[%get3A_91, %get3A_92] {strides = array<i32>} : memref<35x16xf32, #tpu.memory_space<vmem>>, vector<1x16xf32>,
    %get3A_94 = vector.shape_cast %get3A_93 : vector<1x16xf32> to vector<16xf32>
    %get3A_95 = arith.constant 19 : i32
    %get3A_96 = arith.index_cast %get3A_95 : i32 to index
    %get3A_97 = arith.constant 0 : index
    %get3A_98 = tpu.vector_load %arg14[%get3A_96, %get3A_97] {strides = array<i32>} : memref<35x16xf32, #tpu.memory_space<vmem>>, vector<1x16xf32>,
    %get3A_99 = vector.shape_cast %get3A_98 : vector<1x16xf32> to vector<16xf32>
    %get3A_100 = arith.constant 20 : i32
    %get3A_101 = arith.index_cast %get3A_100 : i32 to index
    %get3A_102 = arith.constant 0 : index
    %get3A_103 = tpu.vector_load %arg14[%get3A_101, %get3A_102] {strides = array<i32>} : memref<35x16xf32, #tpu.memory_space<vmem>>, vector<1x16xf32>,
    %get3A_104 = vector.shape_cast %get3A_103 : vector<1x16xf32> to vector<16xf32>
    %get3A_105 = arith.constant 21 : i32
    %get3A_106 = arith.index_cast %get3A_105 : i32 to index
    %get3A_107 = arith.constant 0 : index
    %get3A_108 = tpu.vector_load %arg14[%get3A_106, %get3A_107] {strides = array<i32>} : memref<35x16xf32, #tpu.memory_space<vmem>>, vector<1x16xf32>,
    %get3A_109 = vector.shape_cast %get3A_108 : vector<1x16xf32> to vector<16xf32>
    %get3A_110 = arith.constant 22 : i32
    %get3A_111 = arith.index_cast %get3A_110 : i32 to index
    %get3A_112 = arith.constant 0 : index
    %get3A_113 = tpu.vector_load %arg14[%get3A_111, %get3A_112] {strides = array<i32>} : memref<35x16xf32, #tpu.memory_space<vmem>>, vector<1x16xf32>,
    %get3A_114 = vector.shape_cast %get3A_113 : vector<1x16xf32> to vector<16xf32>
    %get3A_115 = arith.constant 23 : i32
    %get3A_116 = arith.index_cast %get3A_115 : i32 to index
    %get3A_117 = arith.constant 0 : index
    %get3A_118 = tpu.vector_load %arg14[%get3A_116, %get3A_117] {strides = array<i32>} : memref<35x16xf32, #tpu.memory_space<vmem>>, vector<1x16xf32>,
    %get3A_119 = vector.shape_cast %get3A_118 : vector<1x16xf32> to vector<16xf32>
    %get3A_120 = arith.constant 24 : i32
    %get3A_121 = arith.index_cast %get3A_120 : i32 to index
    %get3A_122 = arith.constant 0 : index
    %get3A_123 = tpu.vector_load %arg14[%get3A_121, %get3A_122] {strides = array<i32>} : memref<35x16xf32, #tpu.memory_space<vmem>>, vector<1x16xf32>,
    %get3A_124 = vector.shape_cast %get3A_123 : vector<1x16xf32> to vector<16xf32>
    %get3A_125 = arith.constant 25 : i32
    %get3A_126 = arith.index_cast %get3A_125 : i32 to index
    %get3A_127 = arith.constant 0 : index
    %get3A_128 = tpu.vector_load %arg14[%get3A_126, %get3A_127] {strides = array<i32>} : memref<35x16xf32, #tpu.memory_space<vmem>>, vector<1x16xf32>,
    %get3A_129 = vector.shape_cast %get3A_128 : vector<1x16xf32> to vector<16xf32>
    %get3A_130 = arith.constant 26 : i32
    %get3A_131 = arith.index_cast %get3A_130 : i32 to index
    %get3A_132 = arith.constant 0 : index
    %get3A_133 = tpu.vector_load %arg14[%get3A_131, %get3A_132] {strides = array<i32>} : memref<35x16xf32, #tpu.memory_space<vmem>>, vector<1x16xf32>,
    %get3A_134 = vector.shape_cast %get3A_133 : vector<1x16xf32> to vector<16xf32>
    %get3A_135 = arith.constant 27 : i32
    %get3A_136 = arith.index_cast %get3A_135 : i32 to index
    %get3A_137 = arith.constant 0 : index
    %get3A_138 = tpu.vector_load %arg14[%get3A_136, %get3A_137] {strides = array<i32>} : memref<35x16xf32, #tpu.memory_space<vmem>>, vector<1x16xf32>,
    %get3A_139 = vector.shape_cast %get3A_138 : vector<1x16xf32> to vector<16xf32>
    %get3A_140 = arith.constant 28 : i32
    %get3A_141 = arith.index_cast %get3A_140 : i32 to index
    %get3A_142 = arith.constant 0 : index
    %get3A_143 = tpu.vector_load %arg14[%get3A_141, %get3A_142] {strides = array<i32>} : memref<35x16xf32, #tpu.memory_space<vmem>>, vector<1x16xf32>,
    %get3A_144 = vector.shape_cast %get3A_143 : vector<1x16xf32> to vector<16xf32>
    %get3A_145 = arith.constant 29 : i32
    %get3A_146 = arith.index_cast %get3A_145 : i32 to index
    %get3A_147 = arith.constant 0 : index
    %get3A_148 = tpu.vector_load %arg14[%get3A_146, %get3A_147] {strides = array<i32>} : memref<35x16xf32, #tpu.memory_space<vmem>>, vector<1x16xf32>,
    %get3A_149 = vector.shape_cast %get3A_148 : vector<1x16xf32> to vector<16xf32>
    %get3A_150 = arith.constant 30 : i32
    %get3A_151 = arith.index_cast %get3A_150 : i32 to index
    %get3A_152 = arith.constant 0 : index
    %get3A_153 = tpu.vector_load %arg14[%get3A_151, %get3A_152] {strides = array<i32>} : memref<35x16xf32, #tpu.memory_space<vmem>>, vector<1x16xf32>,
    %get3A_154 = vector.shape_cast %get3A_153 : vector<1x16xf32> to vector<16xf32>
    %get3A_155 = arith.constant 31 : i32
    %get3A_156 = arith.index_cast %get3A_155 : i32 to index
    %get3A_157 = arith.constant 0 : index
    %get3A_158 = tpu.vector_load %arg14[%get3A_156, %get3A_157] {strides = array<i32>} : memref<35x16xf32, #tpu.memory_space<vmem>>, vector<1x16xf32>,
    %get3A_159 = vector.shape_cast %get3A_158 : vector<1x16xf32> to vector<16xf32>
    %lt3A = arith.constant 488 : i32
    %lt3A_160 = arith.cmpi slt, %add3A, %lt3A : i32
    %convert_element_type3A = arith.extui %lt3A_160 : i1 to i32
    %cond3A = arith.constant 0 : i32
    %cond3A_161 = arith.cmpi ne, %convert_element_type3A, %cond3A : i32
    scf.if %cond3A_161 {
      %mul3A_281 = arith.constant 2048 : i32
      %mul3A_282 = arith.muli %add3A, %mul3A_281 : i32
      %dma_start3A = arith.constant 0 : i32
      %dma_start3A_283 = arith.constant 0 : i32
      %dma_start3A_284 = tpu.memref_slice %arg2[%dma_start3A_283, %mul3A_282] : memref<16x1000000xf32, #tpu.memory_space<hbm>> -> memref<16x2048xf32, #tpu.memory_space<hbm>>
      %dma_start3A_285 = tpu.memref_slice %arg15[%dma_start3A] : memref<2x!tpu.dma_semaphore, #tpu.memory_space<semaphore_mem>> -> memref<1x!tpu.dma_semaphore, #tpu.memory_space<semaphore_mem>>
      %dma_start3A_286 = tpu.memref_squeeze %dma_start3A_285 : memref<1x!tpu.dma_semaphore, #tpu.memory_space<semaphore_mem>> -> memref<!tpu.dma_semaphore, #tpu.memory_space<semaphore_mem>>
      %dma_start3A_287 = arith.constant 0 : i32
      %dma_start3A_288 = tpu.memref_slice %arg2[%dma_start3A_287, %mul3A_282] : memref<16x1000000xf32, #tpu.memory_space<hbm>> -> memref<16x2048xf32, #tpu.memory_space<hbm>>
      tpu.enqueue_dma source(%dma_start3A_288 : memref<16x2048xf32, #tpu.memory_space<hbm>>) target(%arg9 : memref<16x2048xf32, #tpu.memory_space<vmem>>) target_semaphore(%dma_start3A_286 : memref<!tpu.dma_semaphore, #tpu.memory_space<semaphore_mem>>)
    } else {
    }
    %scan3A = arith.constant 0 : i32
    %scan3A_162 = arith.constant 0 : i32
    %scan3A_163 = arith.constant 8 : i32
    %scan3A_164 = arith.addi %scan3A_162, %scan3A_163 : i32
    %scan3A_165 = arith.constant 1 : i32
    scf.for %scan3A_281 = %scan3A_162 to %scan3A_164 step %scan3A_165  : i32 {
      %mul3A_282 = arith.constant 2 : i32
      %mul3A_283 = arith.muli %mul3A_282, %scan3A_281 : i32
      %mul3A_284 = arith.constant 32 : i32
      %mul3A_285 = arith.muli %mul3A_284, %mul3A_283 : i32
      %add3A_286 = arith.addi %add3A, %mul3A_285 : i32
      %lt3A_287 = arith.constant 488 : i32
      %lt3A_288 = arith.cmpi slt, %add3A_286, %lt3A_287 : i32
      %convert_element_type3A_289 = arith.extui %lt3A_288 : i1 to i32
      %cond3A_290 = arith.constant 0 : i32
      %cond3A_291 = arith.cmpi ne, %convert_element_type3A_289, %cond3A_290 : i32
      scf.if %cond3A_291 {
        %dma_wait3A = arith.constant 0 : i32
        %dma_wait3A_304 = arith.constant 0 : i32
        %dma_wait3A_305 = arith.constant 0 : i32
        %dma_wait3A_306 = tpu.memref_slice %arg2[%dma_wait3A_304, %dma_wait3A_305] : memref<16x1000000xf32, #tpu.memory_space<hbm>> -> memref<16x2048xf32, #tpu.memory_space<hbm>>
        %dma_wait3A_307 = tpu.memref_slice %arg15[%dma_wait3A] : memref<2x!tpu.dma_semaphore, #tpu.memory_space<semaphore_mem>> -> memref<1x!tpu.dma_semaphore, #tpu.memory_space<semaphore_mem>>
        %dma_wait3A_308 = tpu.memref_squeeze %dma_wait3A_307 : memref<1x!tpu.dma_semaphore, #tpu.memory_space<semaphore_mem>> -> memref<!tpu.dma_semaphore, #tpu.memory_space<semaphore_mem>>
        %dma_wait3A_309 = arith.constant 0 : i32
        %dma_wait3A_310 = arith.constant 0 : i32
        %dma_wait3A_311 = tpu.memref_slice %arg2[%dma_wait3A_309, %dma_wait3A_310] : memref<16x1000000xf32, #tpu.memory_space<hbm>> -> memref<16x2048xf32, #tpu.memory_space<hbm>>
        tpu.wait_dma2 semaphore(%dma_wait3A_308 : memref<!tpu.dma_semaphore, #tpu.memory_space<semaphore_mem>>) src(%dma_wait3A_311 : memref<16x2048xf32, #tpu.memory_space<hbm>>) dst(%arg9 : memref<16x2048xf32, #tpu.memory_space<vmem>>)
        %add3A_312 = arith.constant 32 : i32
        %add3A_313 = arith.addi %add3A_286, %add3A_312 : i32
        %lt3A_314 = arith.constant 488 : i32
        %lt3A_315 = arith.cmpi slt, %add3A_313, %lt3A_314 : i32
        %convert_element_type3A_316 = arith.extui %lt3A_315 : i1 to i32
        %cond3A_317 = arith.constant 0 : i32
        %cond3A_318 = arith.cmpi ne, %convert_element_type3A_316, %cond3A_317 : i32
        scf.if %cond3A_318 {
          %mul3A_332 = arith.constant 2048 : i32
          %mul3A_333 = arith.muli %add3A_313, %mul3A_332 : i32
          %dma_start3A_334 = arith.constant 1 : i32
          %dma_start3A_335 = arith.constant 0 : i32
          %dma_start3A_336 = tpu.memref_slice %arg2[%dma_start3A_335, %mul3A_333] : memref<16x1000000xf32, #tpu.memory_space<hbm>> -> memref<16x2048xf32, #tpu.memory_space<hbm>>
          %dma_start3A_337 = tpu.memref_slice %arg15[%dma_start3A_334] : memref<2x!tpu.dma_semaphore, #tpu.memory_space<semaphore_mem>> -> memref<1x!tpu.dma_semaphore, #tpu.memory_space<semaphore_mem>>
          %dma_start3A_338 = tpu.memref_squeeze %dma_start3A_337 : memref<1x!tpu.dma_semaphore, #tpu.memory_space<semaphore_mem>> -> memref<!tpu.dma_semaphore, #tpu.memory_space<semaphore_mem>>
          %dma_start3A_339 = arith.constant 0 : i32
          %dma_start3A_340 = tpu.memref_slice %arg2[%dma_start3A_339, %mul3A_333] : memref<16x1000000xf32, #tpu.memory_space<hbm>> -> memref<16x2048xf32, #tpu.memory_space<hbm>>
          tpu.enqueue_dma source(%dma_start3A_340 : memref<16x2048xf32, #tpu.memory_space<hbm>>) target(%arg10 : memref<16x2048xf32, #tpu.memory_space<vmem>>) target_semaphore(%dma_start3A_338 : memref<!tpu.dma_semaphore, #tpu.memory_space<semaphore_mem>>)
        } else {
        }
        %ge3A_319 = arith.constant 2 : i32
        %ge3A_320 = arith.cmpi sge, %mul3A_283, %ge3A_319 : i32
        %convert_element_type3A_321 = arith.extui %ge3A_320 : i1 to i32
        %cond3A_322 = arith.constant 0 : i32
        %cond3A_323 = arith.cmpi ne, %convert_element_type3A_321, %cond3A_322 : i32
        scf.if %cond3A_323 {
          %dma_wait3A_332 = arith.constant 0 : i32
          %dma_wait3A_333 = arith.constant 0 : i32
          %dma_wait3A_334 = tpu.memref_slice %arg7[%dma_wait3A_333] : memref<1000000xf32, #tpu.memory_space<hbm>> -> memref<2048xf32, #tpu.memory_space<hbm>>
          %dma_wait3A_335 = tpu.memref_slice %arg16[%dma_wait3A_332] : memref<2x!tpu.dma_semaphore, #tpu.memory_space<semaphore_mem>> -> memref<1x!tpu.dma_semaphore, #tpu.memory_space<semaphore_mem>>
          %dma_wait3A_336 = tpu.memref_squeeze %dma_wait3A_335 : memref<1x!tpu.dma_semaphore, #tpu.memory_space<semaphore_mem>> -> memref<!tpu.dma_semaphore, #tpu.memory_space<semaphore_mem>>
          %dma_wait3A_337 = arith.constant 0 : i32
          %dma_wait3A_338 = tpu.memref_slice %arg7[%dma_wait3A_337] : memref<1000000xf32, #tpu.memory_space<hbm>> -> memref<2048xf32, #tpu.memory_space<hbm>>
          tpu.wait_dma2 semaphore(%dma_wait3A_336 : memref<!tpu.dma_semaphore, #tpu.memory_space<semaphore_mem>>) src(%arg11 : memref<2048xf32, #tpu.memory_space<vmem>>) dst(%dma_wait3A_338 : memref<2048xf32, #tpu.memory_space<hbm>>)
        } else {
        }
        %parallel_loop3A = arith.constant 0 : i32
        %parallel_loop3A_324 = arith.constant 128 : i32
        %parallel_loop3A_325 = arith.constant 1 : i32
        scf.for %parallel_loop3A_332 = %parallel_loop3A to %parallel_loop3A_324 step %parallel_loop3A_325  : i32 {
          %parallel_loop3A_333 = arith.constant 16 : i32
          %parallel_loop3A_334 = arith.muli %parallel_loop3A_332, %parallel_loop3A_333 : i32
          %parallel_loop3A_335 = arith.constant 0 : i32
          %parallel_loop3A_336 = arith.index_cast %parallel_loop3A_335 : i32 to index
          %parallel_loop3A_337 = arith.index_cast %parallel_loop3A_334 : i32 to index
          %parallel_loop3A_338 = tpu.vector_load %arg9[%parallel_loop3A_336, %parallel_loop3A_337] {strides = array<i32>} : memref<16x2048xf32, #tpu.memory_space<vmem>>, vector<1x16xf32>,
          %parallel_loop3A_339 = vector.shape_cast %parallel_loop3A_338 : vector<1x16xf32> to vector<16xf32>
          %parallel_loop3A_340 = arith.mulf %parallel_loop3A_339, %get3A_4 : vector<16xf32>
          %parallel_loop3A_341 = arith.constant 16 : i32
          %parallel_loop3A_342 = arith.muli %parallel_loop3A_332, %parallel_loop3A_341 : i32
          %parallel_loop3A_343 = arith.constant 1 : i32
          %parallel_loop3A_344 = arith.index_cast %parallel_loop3A_343 : i32 to index
          %parallel_loop3A_345 = arith.index_cast %parallel_loop3A_342 : i32 to index
          %parallel_loop3A_346 = tpu.vector_load %arg9[%parallel_loop3A_344, %parallel_loop3A_345] {strides = array<i32>} : memref<16x2048xf32, #tpu.memory_space<vmem>>, vector<1x16xf32>,
          %parallel_loop3A_347 = vector.shape_cast %parallel_loop3A_346 : vector<1x16xf32> to vector<16xf32>
          %parallel_loop3A_348 = arith.mulf %parallel_loop3A_347, %get3A_9 : vector<16xf32>
          %parallel_loop3A_349 = arith.constant 16 : i32
          %parallel_loop3A_350 = arith.muli %parallel_loop3A_332, %parallel_loop3A_349 : i32
          %parallel_loop3A_351 = arith.constant 2 : i32
          %parallel_loop3A_352 = arith.index_cast %parallel_loop3A_351 : i32 to index
          %parallel_loop3A_353 = arith.index_cast %parallel_loop3A_350 : i32 to index
          %parallel_loop3A_354 = tpu.vector_load %arg9[%parallel_loop3A_352, %parallel_loop3A_353] {strides = array<i32>} : memref<16x2048xf32, #tpu.memory_space<vmem>>, vector<1x16xf32>,
          %parallel_loop3A_355 = vector.shape_cast %parallel_loop3A_354 : vector<1x16xf32> to vector<16xf32>
          %parallel_loop3A_356 = arith.mulf %parallel_loop3A_355, %get3A_14 : vector<16xf32>
          %parallel_loop3A_357 = arith.constant 16 : i32
          %parallel_loop3A_358 = arith.muli %parallel_loop3A_332, %parallel_loop3A_357 : i32
          %parallel_loop3A_359 = arith.constant 3 : i32
          %parallel_loop3A_360 = arith.index_cast %parallel_loop3A_359 : i32 to index
          %parallel_loop3A_361 = arith.index_cast %parallel_loop3A_358 : i32 to index
          %parallel_loop3A_362 = tpu.vector_load %arg9[%parallel_loop3A_360, %parallel_loop3A_361] {strides = array<i32>} : memref<16x2048xf32, #tpu.memory_space<vmem>>, vector<1x16xf32>,
          %parallel_loop3A_363 = vector.shape_cast %parallel_loop3A_362 : vector<1x16xf32> to vector<16xf32>
          %parallel_loop3A_364 = arith.mulf %parallel_loop3A_363, %get3A_19 : vector<16xf32>
          %parallel_loop3A_365 = arith.constant 16 : i32
          %parallel_loop3A_366 = arith.muli %parallel_loop3A_332, %parallel_loop3A_365 : i32
          %parallel_loop3A_367 = arith.constant 4 : i32
          %parallel_loop3A_368 = arith.index_cast %parallel_loop3A_367 : i32 to index
          %parallel_loop3A_369 = arith.index_cast %parallel_loop3A_366 : i32 to index
          %parallel_loop3A_370 = tpu.vector_load %arg9[%parallel_loop3A_368, %parallel_loop3A_369] {strides = array<i32>} : memref<16x2048xf32, #tpu.memory_space<vmem>>, vector<1x16xf32>,
          %parallel_loop3A_371 = vector.shape_cast %parallel_loop3A_370 : vector<1x16xf32> to vector<16xf32>
          %parallel_loop3A_372 = arith.mulf %parallel_loop3A_371, %get3A_24 : vector<16xf32>
          %parallel_loop3A_373 = arith.constant 16 : i32
          %parallel_loop3A_374 = arith.muli %parallel_loop3A_332, %parallel_loop3A_373 : i32
          %parallel_loop3A_375 = arith.constant 5 : i32
          %parallel_loop3A_376 = arith.index_cast %parallel_loop3A_375 : i32 to index
          %parallel_loop3A_377 = arith.index_cast %parallel_loop3A_374 : i32 to index
          %parallel_loop3A_378 = tpu.vector_load %arg9[%parallel_loop3A_376, %parallel_loop3A_377] {strides = array<i32>} : memref<16x2048xf32, #tpu.memory_space<vmem>>, vector<1x16xf32>,
          %parallel_loop3A_379 = vector.shape_cast %parallel_loop3A_378 : vector<1x16xf32> to vector<16xf32>
          %parallel_loop3A_380 = arith.mulf %parallel_loop3A_379, %get3A_29 : vector<16xf32>
          %parallel_loop3A_381 = arith.constant 16 : i32
          %parallel_loop3A_382 = arith.muli %parallel_loop3A_332, %parallel_loop3A_381 : i32
          %parallel_loop3A_383 = arith.constant 6 : i32
          %parallel_loop3A_384 = arith.index_cast %parallel_loop3A_383 : i32 to index
          %parallel_loop3A_385 = arith.index_cast %parallel_loop3A_382 : i32 to index
          %parallel_loop3A_386 = tpu.vector_load %arg9[%parallel_loop3A_384, %parallel_loop3A_385] {strides = array<i32>} : memref<16x2048xf32, #tpu.memory_space<vmem>>, vector<1x16xf32>,
          %parallel_loop3A_387 = vector.shape_cast %parallel_loop3A_386 : vector<1x16xf32> to vector<16xf32>
          %parallel_loop3A_388 = arith.mulf %parallel_loop3A_387, %get3A_34 : vector<16xf32>
          %parallel_loop3A_389 = arith.constant 16 : i32
          %parallel_loop3A_390 = arith.muli %parallel_loop3A_332, %parallel_loop3A_389 : i32
          %parallel_loop3A_391 = arith.constant 7 : i32
          %parallel_loop3A_392 = arith.index_cast %parallel_loop3A_391 : i32 to index
          %parallel_loop3A_393 = arith.index_cast %parallel_loop3A_390 : i32 to index
          %parallel_loop3A_394 = tpu.vector_load %arg9[%parallel_loop3A_392, %parallel_loop3A_393] {strides = array<i32>} : memref<16x2048xf32, #tpu.memory_space<vmem>>, vector<1x16xf32>,
          %parallel_loop3A_395 = vector.shape_cast %parallel_loop3A_394 : vector<1x16xf32> to vector<16xf32>
          %parallel_loop3A_396 = arith.mulf %parallel_loop3A_395, %get3A_39 : vector<16xf32>
          %parallel_loop3A_397 = arith.constant 16 : i32
          %parallel_loop3A_398 = arith.muli %parallel_loop3A_332, %parallel_loop3A_397 : i32
          %parallel_loop3A_399 = arith.constant 8 : i32
          %parallel_loop3A_400 = arith.index_cast %parallel_loop3A_399 : i32 to index
          %parallel_loop3A_401 = arith.index_cast %parallel_loop3A_398 : i32 to index
          %parallel_loop3A_402 = tpu.vector_load %arg9[%parallel_loop3A_400, %parallel_loop3A_401] {strides = array<i32>} : memref<16x2048xf32, #tpu.memory_space<vmem>>, vector<1x16xf32>,
          %parallel_loop3A_403 = vector.shape_cast %parallel_loop3A_402 : vector<1x16xf32> to vector<16xf32>
          %parallel_loop3A_404 = arith.mulf %parallel_loop3A_403, %get3A_44 : vector<16xf32>
          %parallel_loop3A_405 = arith.constant 16 : i32
          %parallel_loop3A_406 = arith.muli %parallel_loop3A_332, %parallel_loop3A_405 : i32
          %parallel_loop3A_407 = arith.constant 9 : i32
          %parallel_loop3A_408 = arith.index_cast %parallel_loop3A_407 : i32 to index
          %parallel_loop3A_409 = arith.index_cast %parallel_loop3A_406 : i32 to index
          %parallel_loop3A_410 = tpu.vector_load %arg9[%parallel_loop3A_408, %parallel_loop3A_409] {strides = array<i32>} : memref<16x2048xf32, #tpu.memory_space<vmem>>, vector<1x16xf32>,
          %parallel_loop3A_411 = vector.shape_cast %parallel_loop3A_410 : vector<1x16xf32> to vector<16xf32>
          %parallel_loop3A_412 = arith.mulf %parallel_loop3A_411, %get3A_49 : vector<16xf32>
          %parallel_loop3A_413 = arith.constant 16 : i32
          %parallel_loop3A_414 = arith.muli %parallel_loop3A_332, %parallel_loop3A_413 : i32
          %parallel_loop3A_415 = arith.constant 10 : i32
          %parallel_loop3A_416 = arith.index_cast %parallel_loop3A_415 : i32 to index
          %parallel_loop3A_417 = arith.index_cast %parallel_loop3A_414 : i32 to index
          %parallel_loop3A_418 = tpu.vector_load %arg9[%parallel_loop3A_416, %parallel_loop3A_417] {strides = array<i32>} : memref<16x2048xf32, #tpu.memory_space<vmem>>, vector<1x16xf32>,
          %parallel_loop3A_419 = vector.shape_cast %parallel_loop3A_418 : vector<1x16xf32> to vector<16xf32>
          %parallel_loop3A_420 = arith.mulf %parallel_loop3A_419, %get3A_54 : vector<16xf32>
          %parallel_loop3A_421 = arith.constant 16 : i32
          %parallel_loop3A_422 = arith.muli %parallel_loop3A_332, %parallel_loop3A_421 : i32
          %parallel_loop3A_423 = arith.constant 11 : i32
          %parallel_loop3A_424 = arith.index_cast %parallel_loop3A_423 : i32 to index
          %parallel_loop3A_425 = arith.index_cast %parallel_loop3A_422 : i32 to index
          %parallel_loop3A_426 = tpu.vector_load %arg9[%parallel_loop3A_424, %parallel_loop3A_425] {strides = array<i32>} : memref<16x2048xf32, #tpu.memory_space<vmem>>, vector<1x16xf32>,
          %parallel_loop3A_427 = vector.shape_cast %parallel_loop3A_426 : vector<1x16xf32> to vector<16xf32>
          %parallel_loop3A_428 = arith.mulf %parallel_loop3A_427, %get3A_59 : vector<16xf32>
          %parallel_loop3A_429 = arith.constant 16 : i32
          %parallel_loop3A_430 = arith.muli %parallel_loop3A_332, %parallel_loop3A_429 : i32
          %parallel_loop3A_431 = arith.constant 12 : i32
          %parallel_loop3A_432 = arith.index_cast %parallel_loop3A_431 : i32 to index
          %parallel_loop3A_433 = arith.index_cast %parallel_loop3A_430 : i32 to index
          %parallel_loop3A_434 = tpu.vector_load %arg9[%parallel_loop3A_432, %parallel_loop3A_433] {strides = array<i32>} : memref<16x2048xf32, #tpu.memory_space<vmem>>, vector<1x16xf32>,
          %parallel_loop3A_435 = vector.shape_cast %parallel_loop3A_434 : vector<1x16xf32> to vector<16xf32>
          %parallel_loop3A_436 = arith.mulf %parallel_loop3A_435, %get3A_64 : vector<16xf32>
          %parallel_loop3A_437 = arith.constant 16 : i32
          %parallel_loop3A_438 = arith.muli %parallel_loop3A_332, %parallel_loop3A_437 : i32
          %parallel_loop3A_439 = arith.constant 13 : i32
          %parallel_loop3A_440 = arith.index_cast %parallel_loop3A_439 : i32 to index
          %parallel_loop3A_441 = arith.index_cast %parallel_loop3A_438 : i32 to index
          %parallel_loop3A_442 = tpu.vector_load %arg9[%parallel_loop3A_440, %parallel_loop3A_441] {strides = array<i32>} : memref<16x2048xf32, #tpu.memory_space<vmem>>, vector<1x16xf32>,
          %parallel_loop3A_443 = vector.shape_cast %parallel_loop3A_442 : vector<1x16xf32> to vector<16xf32>
          %parallel_loop3A_444 = arith.mulf %parallel_loop3A_443, %get3A_69 : vector<16xf32>
          %parallel_loop3A_445 = arith.constant 16 : i32
          %parallel_loop3A_446 = arith.muli %parallel_loop3A_332, %parallel_loop3A_445 : i32
          %parallel_loop3A_447 = arith.constant 14 : i32
          %parallel_loop3A_448 = arith.index_cast %parallel_loop3A_447 : i32 to index
          %parallel_loop3A_449 = arith.index_cast %parallel_loop3A_446 : i32 to index
          %parallel_loop3A_450 = tpu.vector_load %arg9[%parallel_loop3A_448, %parallel_loop3A_449] {strides = array<i32>} : memref<16x2048xf32, #tpu.memory_space<vmem>>, vector<1x16xf32>,
          %parallel_loop3A_451 = vector.shape_cast %parallel_loop3A_450 : vector<1x16xf32> to vector<16xf32>
          %parallel_loop3A_452 = arith.mulf %parallel_loop3A_451, %get3A_74 : vector<16xf32>
          %parallel_loop3A_453 = arith.constant 16 : i32
          %parallel_loop3A_454 = arith.muli %parallel_loop3A_332, %parallel_loop3A_453 : i32
          %parallel_loop3A_455 = arith.constant 15 : i32
          %parallel_loop3A_456 = arith.index_cast %parallel_loop3A_455 : i32 to index
          %parallel_loop3A_457 = arith.index_cast %parallel_loop3A_454 : i32 to index
          %parallel_loop3A_458 = tpu.vector_load %arg9[%parallel_loop3A_456, %parallel_loop3A_457] {strides = array<i32>} : memref<16x2048xf32, #tpu.memory_space<vmem>>, vector<1x16xf32>,
          %parallel_loop3A_459 = vector.shape_cast %parallel_loop3A_458 : vector<1x16xf32> to vector<16xf32>
          %parallel_loop3A_460 = arith.mulf %parallel_loop3A_459, %get3A_79 : vector<16xf32>
          %parallel_loop3A_461 = arith.addf %parallel_loop3A_340, %parallel_loop3A_348 : vector<16xf32>
          %parallel_loop3A_462 = arith.addf %parallel_loop3A_356, %parallel_loop3A_364 : vector<16xf32>
          %parallel_loop3A_463 = arith.addf %parallel_loop3A_372, %parallel_loop3A_380 : vector<16xf32>
          %parallel_loop3A_464 = arith.addf %parallel_loop3A_388, %parallel_loop3A_396 : vector<16xf32>
          %parallel_loop3A_465 = arith.addf %parallel_loop3A_404, %parallel_loop3A_412 : vector<16xf32>
          %parallel_loop3A_466 = arith.addf %parallel_loop3A_420, %parallel_loop3A_428 : vector<16xf32>
          %parallel_loop3A_467 = arith.addf %parallel_loop3A_436, %parallel_loop3A_444 : vector<16xf32>
          %parallel_loop3A_468 = arith.addf %parallel_loop3A_452, %parallel_loop3A_460 : vector<16xf32>
          %parallel_loop3A_469 = arith.addf %parallel_loop3A_461, %parallel_loop3A_462 : vector<16xf32>
          %parallel_loop3A_470 = arith.addf %parallel_loop3A_463, %parallel_loop3A_464 : vector<16xf32>
          %parallel_loop3A_471 = arith.addf %parallel_loop3A_465, %parallel_loop3A_466 : vector<16xf32>
          %parallel_loop3A_472 = arith.addf %parallel_loop3A_467, %parallel_loop3A_468 : vector<16xf32>
          %parallel_loop3A_473 = arith.addf %parallel_loop3A_469, %parallel_loop3A_470 : vector<16xf32>
          %parallel_loop3A_474 = arith.addf %parallel_loop3A_471, %parallel_loop3A_472 : vector<16xf32>
          %parallel_loop3A_475 = arith.addf %parallel_loop3A_473, %parallel_loop3A_474 : vector<16xf32>
          %parallel_loop3A_476 = arith.constant 16 : i32
          %parallel_loop3A_477 = arith.muli %parallel_loop3A_332, %parallel_loop3A_476 : i32
          %parallel_loop3A_478 = arith.index_cast %parallel_loop3A_477 : i32 to index
          %parallel_loop3A_479 = tpu.vector_load %arg11[%parallel_loop3A_478] {strides = array<i32>} : memref<2048xf32, #tpu.memory_space<vmem>>, vector<16xf32>,
          %parallel_loop3A_480 = vector.shape_cast %parallel_loop3A_479 : vector<16xf32> to vector<16xf32>
          %parallel_loop3A_481 = vector.shape_cast %parallel_loop3A_475 : vector<16xf32> to vector<16xf32>
          tpu.vector_store %arg11[%parallel_loop3A_478], %parallel_loop3A_481 {strides = array<i32>} : memref<2048xf32, #tpu.memory_space<vmem>>, vector<16xf32>,
        } {sc.loop_unroll_factor = 4 : i64, sc.parallel_access}
        %mul3A_326 = arith.constant 2048 : i32
        %mul3A_327 = arith.muli %add3A_286, %mul3A_326 : i32
        %dma_start3A = arith.constant 0 : i32
        %dma_start3A_328 = tpu.memref_slice %arg7[%mul3A_327] : memref<1000000xf32, #tpu.memory_space<hbm>> -> memref<2048xf32, #tpu.memory_space<hbm>>
        %dma_start3A_329 = tpu.memref_slice %arg16[%dma_start3A] : memref<2x!tpu.dma_semaphore, #tpu.memory_space<semaphore_mem>> -> memref<1x!tpu.dma_semaphore, #tpu.memory_space<semaphore_mem>>
        %dma_start3A_330 = tpu.memref_squeeze %dma_start3A_329 : memref<1x!tpu.dma_semaphore, #tpu.memory_space<semaphore_mem>> -> memref<!tpu.dma_semaphore, #tpu.memory_space<semaphore_mem>>
        %dma_start3A_331 = tpu.memref_slice %arg7[%mul3A_327] : memref<1000000xf32, #tpu.memory_space<hbm>> -> memref<2048xf32, #tpu.memory_space<hbm>>
        tpu.enqueue_dma source(%arg11 : memref<2048xf32, #tpu.memory_space<vmem>>) target(%dma_start3A_331 : memref<2048xf32, #tpu.memory_space<hbm>>) target_semaphore(%dma_start3A_330 : memref<!tpu.dma_semaphore, #tpu.memory_space<semaphore_mem>>)
      } else {
      }
      %mul3A_292 = arith.constant 2 : i32
      %mul3A_293 = arith.muli %mul3A_292, %scan3A_281 : i32
      %add3A_294 = arith.constant 1 : i32
      %add3A_295 = arith.addi %mul3A_293, %add3A_294 : i32
      %mul3A_296 = arith.constant 32 : i32
      %mul3A_297 = arith.muli %mul3A_296, %add3A_295 : i32
      %add3A_298 = arith.addi %add3A, %mul3A_297 : i32
      %lt3A_299 = arith.constant 488 : i32
      %lt3A_300 = arith.cmpi slt, %add3A_298, %lt3A_299 : i32
      %convert_element_type3A_301 = arith.extui %lt3A_300 : i1 to i32
      %cond3A_302 = arith.constant 0 : i32
      %cond3A_303 = arith.cmpi ne, %convert_element_type3A_301, %cond3A_302 : i32
      scf.if %cond3A_303 {
        %dma_wait3A = arith.constant 1 : i32
        %dma_wait3A_304 = arith.constant 0 : i32
        %dma_wait3A_305 = arith.constant 0 : i32
        %dma_wait3A_306 = tpu.memref_slice %arg2[%dma_wait3A_304, %dma_wait3A_305] : memref<16x1000000xf32, #tpu.memory_space<hbm>> -> memref<16x2048xf32, #tpu.memory_space<hbm>>
        %dma_wait3A_307 = tpu.memref_slice %arg15[%dma_wait3A] : memref<2x!tpu.dma_semaphore, #tpu.memory_space<semaphore_mem>> -> memref<1x!tpu.dma_semaphore, #tpu.memory_space<semaphore_mem>>
        %dma_wait3A_308 = tpu.memref_squeeze %dma_wait3A_307 : memref<1x!tpu.dma_semaphore, #tpu.memory_space<semaphore_mem>> -> memref<!tpu.dma_semaphore, #tpu.memory_space<semaphore_mem>>
        %dma_wait3A_309 = arith.constant 0 : i32
        %dma_wait3A_310 = arith.constant 0 : i32
        %dma_wait3A_311 = tpu.memref_slice %arg2[%dma_wait3A_309, %dma_wait3A_310] : memref<16x1000000xf32, #tpu.memory_space<hbm>> -> memref<16x2048xf32, #tpu.memory_space<hbm>>
        tpu.wait_dma2 semaphore(%dma_wait3A_308 : memref<!tpu.dma_semaphore, #tpu.memory_space<semaphore_mem>>) src(%dma_wait3A_311 : memref<16x2048xf32, #tpu.memory_space<hbm>>) dst(%arg10 : memref<16x2048xf32, #tpu.memory_space<vmem>>)
        %add3A_312 = arith.constant 32 : i32
        %add3A_313 = arith.addi %add3A_298, %add3A_312 : i32
        %lt3A_314 = arith.constant 488 : i32
        %lt3A_315 = arith.cmpi slt, %add3A_313, %lt3A_314 : i32
        %convert_element_type3A_316 = arith.extui %lt3A_315 : i1 to i32
        %cond3A_317 = arith.constant 0 : i32
        %cond3A_318 = arith.cmpi ne, %convert_element_type3A_316, %cond3A_317 : i32
        scf.if %cond3A_318 {
          %mul3A_332 = arith.constant 2048 : i32
          %mul3A_333 = arith.muli %add3A_313, %mul3A_332 : i32
          %dma_start3A_334 = arith.constant 0 : i32
          %dma_start3A_335 = arith.constant 0 : i32
          %dma_start3A_336 = tpu.memref_slice %arg2[%dma_start3A_335, %mul3A_333] : memref<16x1000000xf32, #tpu.memory_space<hbm>> -> memref<16x2048xf32, #tpu.memory_space<hbm>>
          %dma_start3A_337 = tpu.memref_slice %arg15[%dma_start3A_334] : memref<2x!tpu.dma_semaphore, #tpu.memory_space<semaphore_mem>> -> memref<1x!tpu.dma_semaphore, #tpu.memory_space<semaphore_mem>>
          %dma_start3A_338 = tpu.memref_squeeze %dma_start3A_337 : memref<1x!tpu.dma_semaphore, #tpu.memory_space<semaphore_mem>> -> memref<!tpu.dma_semaphore, #tpu.memory_space<semaphore_mem>>
          %dma_start3A_339 = arith.constant 0 : i32
          %dma_start3A_340 = tpu.memref_slice %arg2[%dma_start3A_339, %mul3A_333] : memref<16x1000000xf32, #tpu.memory_space<hbm>> -> memref<16x2048xf32, #tpu.memory_space<hbm>>
          tpu.enqueue_dma source(%dma_start3A_340 : memref<16x2048xf32, #tpu.memory_space<hbm>>) target(%arg9 : memref<16x2048xf32, #tpu.memory_space<vmem>>) target_semaphore(%dma_start3A_338 : memref<!tpu.dma_semaphore, #tpu.memory_space<semaphore_mem>>)
        } else {
        }
        %ge3A_319 = arith.constant 2 : i32
        %ge3A_320 = arith.cmpi sge, %add3A_295, %ge3A_319 : i32
        %convert_element_type3A_321 = arith.extui %ge3A_320 : i1 to i32
        %cond3A_322 = arith.constant 0 : i32
        %cond3A_323 = arith.cmpi ne, %convert_element_type3A_321, %cond3A_322 : i32
        scf.if %cond3A_323 {
          %dma_wait3A_332 = arith.constant 1 : i32
          %dma_wait3A_333 = arith.constant 0 : i32
          %dma_wait3A_334 = tpu.memref_slice %arg7[%dma_wait3A_333] : memref<1000000xf32, #tpu.memory_space<hbm>> -> memref<2048xf32, #tpu.memory_space<hbm>>
          %dma_wait3A_335 = tpu.memref_slice %arg16[%dma_wait3A_332] : memref<2x!tpu.dma_semaphore, #tpu.memory_space<semaphore_mem>> -> memref<1x!tpu.dma_semaphore, #tpu.memory_space<semaphore_mem>>
          %dma_wait3A_336 = tpu.memref_squeeze %dma_wait3A_335 : memref<1x!tpu.dma_semaphore, #tpu.memory_space<semaphore_mem>> -> memref<!tpu.dma_semaphore, #tpu.memory_space<semaphore_mem>>
          %dma_wait3A_337 = arith.constant 0 : i32
          %dma_wait3A_338 = tpu.memref_slice %arg7[%dma_wait3A_337] : memref<1000000xf32, #tpu.memory_space<hbm>> -> memref<2048xf32, #tpu.memory_space<hbm>>
          tpu.wait_dma2 semaphore(%dma_wait3A_336 : memref<!tpu.dma_semaphore, #tpu.memory_space<semaphore_mem>>) src(%arg11 : memref<2048xf32, #tpu.memory_space<vmem>>) dst(%dma_wait3A_338 : memref<2048xf32, #tpu.memory_space<hbm>>)
        } else {
        }
        %parallel_loop3A = arith.constant 0 : i32
        %parallel_loop3A_324 = arith.constant 128 : i32
        %parallel_loop3A_325 = arith.constant 1 : i32
        scf.for %parallel_loop3A_332 = %parallel_loop3A to %parallel_loop3A_324 step %parallel_loop3A_325  : i32 {
          %parallel_loop3A_333 = arith.constant 16 : i32
          %parallel_loop3A_334 = arith.muli %parallel_loop3A_332, %parallel_loop3A_333 : i32
          %parallel_loop3A_335 = arith.constant 0 : i32
          %parallel_loop3A_336 = arith.index_cast %parallel_loop3A_335 : i32 to index
          %parallel_loop3A_337 = arith.index_cast %parallel_loop3A_334 : i32 to index
          %parallel_loop3A_338 = tpu.vector_load %arg10[%parallel_loop3A_336, %parallel_loop3A_337] {strides = array<i32>} : memref<16x2048xf32, #tpu.memory_space<vmem>>, vector<1x16xf32>,
          %parallel_loop3A_339 = vector.shape_cast %parallel_loop3A_338 : vector<1x16xf32> to vector<16xf32>
          %parallel_loop3A_340 = arith.mulf %parallel_loop3A_339, %get3A_4 : vector<16xf32>
          %parallel_loop3A_341 = arith.constant 16 : i32
          %parallel_loop3A_342 = arith.muli %parallel_loop3A_332, %parallel_loop3A_341 : i32
          %parallel_loop3A_343 = arith.constant 1 : i32
          %parallel_loop3A_344 = arith.index_cast %parallel_loop3A_343 : i32 to index
          %parallel_loop3A_345 = arith.index_cast %parallel_loop3A_342 : i32 to index
          %parallel_loop3A_346 = tpu.vector_load %arg10[%parallel_loop3A_344, %parallel_loop3A_345] {strides = array<i32>} : memref<16x2048xf32, #tpu.memory_space<vmem>>, vector<1x16xf32>,
          %parallel_loop3A_347 = vector.shape_cast %parallel_loop3A_346 : vector<1x16xf32> to vector<16xf32>
          %parallel_loop3A_348 = arith.mulf %parallel_loop3A_347, %get3A_9 : vector<16xf32>
          %parallel_loop3A_349 = arith.constant 16 : i32
          %parallel_loop3A_350 = arith.muli %parallel_loop3A_332, %parallel_loop3A_349 : i32
          %parallel_loop3A_351 = arith.constant 2 : i32
          %parallel_loop3A_352 = arith.index_cast %parallel_loop3A_351 : i32 to index
          %parallel_loop3A_353 = arith.index_cast %parallel_loop3A_350 : i32 to index
          %parallel_loop3A_354 = tpu.vector_load %arg10[%parallel_loop3A_352, %parallel_loop3A_353] {strides = array<i32>} : memref<16x2048xf32, #tpu.memory_space<vmem>>, vector<1x16xf32>,
          %parallel_loop3A_355 = vector.shape_cast %parallel_loop3A_354 : vector<1x16xf32> to vector<16xf32>
          %parallel_loop3A_356 = arith.mulf %parallel_loop3A_355, %get3A_14 : vector<16xf32>
          %parallel_loop3A_357 = arith.constant 16 : i32
          %parallel_loop3A_358 = arith.muli %parallel_loop3A_332, %parallel_loop3A_357 : i32
          %parallel_loop3A_359 = arith.constant 3 : i32
          %parallel_loop3A_360 = arith.index_cast %parallel_loop3A_359 : i32 to index
          %parallel_loop3A_361 = arith.index_cast %parallel_loop3A_358 : i32 to index
          %parallel_loop3A_362 = tpu.vector_load %arg10[%parallel_loop3A_360, %parallel_loop3A_361] {strides = array<i32>} : memref<16x2048xf32, #tpu.memory_space<vmem>>, vector<1x16xf32>,
          %parallel_loop3A_363 = vector.shape_cast %parallel_loop3A_362 : vector<1x16xf32> to vector<16xf32>
          %parallel_loop3A_364 = arith.mulf %parallel_loop3A_363, %get3A_19 : vector<16xf32>
          %parallel_loop3A_365 = arith.constant 16 : i32
          %parallel_loop3A_366 = arith.muli %parallel_loop3A_332, %parallel_loop3A_365 : i32
          %parallel_loop3A_367 = arith.constant 4 : i32
          %parallel_loop3A_368 = arith.index_cast %parallel_loop3A_367 : i32 to index
          %parallel_loop3A_369 = arith.index_cast %parallel_loop3A_366 : i32 to index
          %parallel_loop3A_370 = tpu.vector_load %arg10[%parallel_loop3A_368, %parallel_loop3A_369] {strides = array<i32>} : memref<16x2048xf32, #tpu.memory_space<vmem>>, vector<1x16xf32>,
          %parallel_loop3A_371 = vector.shape_cast %parallel_loop3A_370 : vector<1x16xf32> to vector<16xf32>
          %parallel_loop3A_372 = arith.mulf %parallel_loop3A_371, %get3A_24 : vector<16xf32>
          %parallel_loop3A_373 = arith.constant 16 : i32
          %parallel_loop3A_374 = arith.muli %parallel_loop3A_332, %parallel_loop3A_373 : i32
          %parallel_loop3A_375 = arith.constant 5 : i32
          %parallel_loop3A_376 = arith.index_cast %parallel_loop3A_375 : i32 to index
          %parallel_loop3A_377 = arith.index_cast %parallel_loop3A_374 : i32 to index
          %parallel_loop3A_378 = tpu.vector_load %arg10[%parallel_loop3A_376, %parallel_loop3A_377] {strides = array<i32>} : memref<16x2048xf32, #tpu.memory_space<vmem>>, vector<1x16xf32>,
          %parallel_loop3A_379 = vector.shape_cast %parallel_loop3A_378 : vector<1x16xf32> to vector<16xf32>
          %parallel_loop3A_380 = arith.mulf %parallel_loop3A_379, %get3A_29 : vector<16xf32>
          %parallel_loop3A_381 = arith.constant 16 : i32
          %parallel_loop3A_382 = arith.muli %parallel_loop3A_332, %parallel_loop3A_381 : i32
          %parallel_loop3A_383 = arith.constant 6 : i32
          %parallel_loop3A_384 = arith.index_cast %parallel_loop3A_383 : i32 to index
          %parallel_loop3A_385 = arith.index_cast %parallel_loop3A_382 : i32 to index
          %parallel_loop3A_386 = tpu.vector_load %arg10[%parallel_loop3A_384, %parallel_loop3A_385] {strides = array<i32>} : memref<16x2048xf32, #tpu.memory_space<vmem>>, vector<1x16xf32>,
          %parallel_loop3A_387 = vector.shape_cast %parallel_loop3A_386 : vector<1x16xf32> to vector<16xf32>
          %parallel_loop3A_388 = arith.mulf %parallel_loop3A_387, %get3A_34 : vector<16xf32>
          %parallel_loop3A_389 = arith.constant 16 : i32
          %parallel_loop3A_390 = arith.muli %parallel_loop3A_332, %parallel_loop3A_389 : i32
          %parallel_loop3A_391 = arith.constant 7 : i32
          %parallel_loop3A_392 = arith.index_cast %parallel_loop3A_391 : i32 to index
          %parallel_loop3A_393 = arith.index_cast %parallel_loop3A_390 : i32 to index
          %parallel_loop3A_394 = tpu.vector_load %arg10[%parallel_loop3A_392, %parallel_loop3A_393] {strides = array<i32>} : memref<16x2048xf32, #tpu.memory_space<vmem>>, vector<1x16xf32>,
          %parallel_loop3A_395 = vector.shape_cast %parallel_loop3A_394 : vector<1x16xf32> to vector<16xf32>
          %parallel_loop3A_396 = arith.mulf %parallel_loop3A_395, %get3A_39 : vector<16xf32>
          %parallel_loop3A_397 = arith.constant 16 : i32
          %parallel_loop3A_398 = arith.muli %parallel_loop3A_332, %parallel_loop3A_397 : i32
          %parallel_loop3A_399 = arith.constant 8 : i32
          %parallel_loop3A_400 = arith.index_cast %parallel_loop3A_399 : i32 to index
          %parallel_loop3A_401 = arith.index_cast %parallel_loop3A_398 : i32 to index
          %parallel_loop3A_402 = tpu.vector_load %arg10[%parallel_loop3A_400, %parallel_loop3A_401] {strides = array<i32>} : memref<16x2048xf32, #tpu.memory_space<vmem>>, vector<1x16xf32>,
          %parallel_loop3A_403 = vector.shape_cast %parallel_loop3A_402 : vector<1x16xf32> to vector<16xf32>
          %parallel_loop3A_404 = arith.mulf %parallel_loop3A_403, %get3A_44 : vector<16xf32>
          %parallel_loop3A_405 = arith.constant 16 : i32
          %parallel_loop3A_406 = arith.muli %parallel_loop3A_332, %parallel_loop3A_405 : i32
          %parallel_loop3A_407 = arith.constant 9 : i32
          %parallel_loop3A_408 = arith.index_cast %parallel_loop3A_407 : i32 to index
          %parallel_loop3A_409 = arith.index_cast %parallel_loop3A_406 : i32 to index
          %parallel_loop3A_410 = tpu.vector_load %arg10[%parallel_loop3A_408, %parallel_loop3A_409] {strides = array<i32>} : memref<16x2048xf32, #tpu.memory_space<vmem>>, vector<1x16xf32>,
          %parallel_loop3A_411 = vector.shape_cast %parallel_loop3A_410 : vector<1x16xf32> to vector<16xf32>
          %parallel_loop3A_412 = arith.mulf %parallel_loop3A_411, %get3A_49 : vector<16xf32>
          %parallel_loop3A_413 = arith.constant 16 : i32
          %parallel_loop3A_414 = arith.muli %parallel_loop3A_332, %parallel_loop3A_413 : i32
          %parallel_loop3A_415 = arith.constant 10 : i32
          %parallel_loop3A_416 = arith.index_cast %parallel_loop3A_415 : i32 to index
          %parallel_loop3A_417 = arith.index_cast %parallel_loop3A_414 : i32 to index
          %parallel_loop3A_418 = tpu.vector_load %arg10[%parallel_loop3A_416, %parallel_loop3A_417] {strides = array<i32>} : memref<16x2048xf32, #tpu.memory_space<vmem>>, vector<1x16xf32>,
          %parallel_loop3A_419 = vector.shape_cast %parallel_loop3A_418 : vector<1x16xf32> to vector<16xf32>
          %parallel_loop3A_420 = arith.mulf %parallel_loop3A_419, %get3A_54 : vector<16xf32>
          %parallel_loop3A_421 = arith.constant 16 : i32
          %parallel_loop3A_422 = arith.muli %parallel_loop3A_332, %parallel_loop3A_421 : i32
          %parallel_loop3A_423 = arith.constant 11 : i32
          %parallel_loop3A_424 = arith.index_cast %parallel_loop3A_423 : i32 to index
          %parallel_loop3A_425 = arith.index_cast %parallel_loop3A_422 : i32 to index
          %parallel_loop3A_426 = tpu.vector_load %arg10[%parallel_loop3A_424, %parallel_loop3A_425] {strides = array<i32>} : memref<16x2048xf32, #tpu.memory_space<vmem>>, vector<1x16xf32>,
          %parallel_loop3A_427 = vector.shape_cast %parallel_loop3A_426 : vector<1x16xf32> to vector<16xf32>
          %parallel_loop3A_428 = arith.mulf %parallel_loop3A_427, %get3A_59 : vector<16xf32>
          %parallel_loop3A_429 = arith.constant 16 : i32
          %parallel_loop3A_430 = arith.muli %parallel_loop3A_332, %parallel_loop3A_429 : i32
          %parallel_loop3A_431 = arith.constant 12 : i32
          %parallel_loop3A_432 = arith.index_cast %parallel_loop3A_431 : i32 to index
          %parallel_loop3A_433 = arith.index_cast %parallel_loop3A_430 : i32 to index
          %parallel_loop3A_434 = tpu.vector_load %arg10[%parallel_loop3A_432, %parallel_loop3A_433] {strides = array<i32>} : memref<16x2048xf32, #tpu.memory_space<vmem>>, vector<1x16xf32>,
          %parallel_loop3A_435 = vector.shape_cast %parallel_loop3A_434 : vector<1x16xf32> to vector<16xf32>
          %parallel_loop3A_436 = arith.mulf %parallel_loop3A_435, %get3A_64 : vector<16xf32>
          %parallel_loop3A_437 = arith.constant 16 : i32
          %parallel_loop3A_438 = arith.muli %parallel_loop3A_332, %parallel_loop3A_437 : i32
          %parallel_loop3A_439 = arith.constant 13 : i32
          %parallel_loop3A_440 = arith.index_cast %parallel_loop3A_439 : i32 to index
          %parallel_loop3A_441 = arith.index_cast %parallel_loop3A_438 : i32 to index
          %parallel_loop3A_442 = tpu.vector_load %arg10[%parallel_loop3A_440, %parallel_loop3A_441] {strides = array<i32>} : memref<16x2048xf32, #tpu.memory_space<vmem>>, vector<1x16xf32>,
          %parallel_loop3A_443 = vector.shape_cast %parallel_loop3A_442 : vector<1x16xf32> to vector<16xf32>
          %parallel_loop3A_444 = arith.mulf %parallel_loop3A_443, %get3A_69 : vector<16xf32>
          %parallel_loop3A_445 = arith.constant 16 : i32
          %parallel_loop3A_446 = arith.muli %parallel_loop3A_332, %parallel_loop3A_445 : i32
          %parallel_loop3A_447 = arith.constant 14 : i32
          %parallel_loop3A_448 = arith.index_cast %parallel_loop3A_447 : i32 to index
          %parallel_loop3A_449 = arith.index_cast %parallel_loop3A_446 : i32 to index
          %parallel_loop3A_450 = tpu.vector_load %arg10[%parallel_loop3A_448, %parallel_loop3A_449] {strides = array<i32>} : memref<16x2048xf32, #tpu.memory_space<vmem>>, vector<1x16xf32>,
          %parallel_loop3A_451 = vector.shape_cast %parallel_loop3A_450 : vector<1x16xf32> to vector<16xf32>
          %parallel_loop3A_452 = arith.mulf %parallel_loop3A_451, %get3A_74 : vector<16xf32>
          %parallel_loop3A_453 = arith.constant 16 : i32
          %parallel_loop3A_454 = arith.muli %parallel_loop3A_332, %parallel_loop3A_453 : i32
          %parallel_loop3A_455 = arith.constant 15 : i32
          %parallel_loop3A_456 = arith.index_cast %parallel_loop3A_455 : i32 to index
          %parallel_loop3A_457 = arith.index_cast %parallel_loop3A_454 : i32 to index
          %parallel_loop3A_458 = tpu.vector_load %arg10[%parallel_loop3A_456, %parallel_loop3A_457] {strides = array<i32>} : memref<16x2048xf32, #tpu.memory_space<vmem>>, vector<1x16xf32>,
          %parallel_loop3A_459 = vector.shape_cast %parallel_loop3A_458 : vector<1x16xf32> to vector<16xf32>
          %parallel_loop3A_460 = arith.mulf %parallel_loop3A_459, %get3A_79 : vector<16xf32>
          %parallel_loop3A_461 = arith.addf %parallel_loop3A_340, %parallel_loop3A_348 : vector<16xf32>
          %parallel_loop3A_462 = arith.addf %parallel_loop3A_356, %parallel_loop3A_364 : vector<16xf32>
          %parallel_loop3A_463 = arith.addf %parallel_loop3A_372, %parallel_loop3A_380 : vector<16xf32>
          %parallel_loop3A_464 = arith.addf %parallel_loop3A_388, %parallel_loop3A_396 : vector<16xf32>
          %parallel_loop3A_465 = arith.addf %parallel_loop3A_404, %parallel_loop3A_412 : vector<16xf32>
          %parallel_loop3A_466 = arith.addf %parallel_loop3A_420, %parallel_loop3A_428 : vector<16xf32>
          %parallel_loop3A_467 = arith.addf %parallel_loop3A_436, %parallel_loop3A_444 : vector<16xf32>
          %parallel_loop3A_468 = arith.addf %parallel_loop3A_452, %parallel_loop3A_460 : vector<16xf32>
          %parallel_loop3A_469 = arith.addf %parallel_loop3A_461, %parallel_loop3A_462 : vector<16xf32>
          %parallel_loop3A_470 = arith.addf %parallel_loop3A_463, %parallel_loop3A_464 : vector<16xf32>
          %parallel_loop3A_471 = arith.addf %parallel_loop3A_465, %parallel_loop3A_466 : vector<16xf32>
          %parallel_loop3A_472 = arith.addf %parallel_loop3A_467, %parallel_loop3A_468 : vector<16xf32>
          %parallel_loop3A_473 = arith.addf %parallel_loop3A_469, %parallel_loop3A_470 : vector<16xf32>
          %parallel_loop3A_474 = arith.addf %parallel_loop3A_471, %parallel_loop3A_472 : vector<16xf32>
          %parallel_loop3A_475 = arith.addf %parallel_loop3A_473, %parallel_loop3A_474 : vector<16xf32>
          %parallel_loop3A_476 = arith.constant 16 : i32
          %parallel_loop3A_477 = arith.muli %parallel_loop3A_332, %parallel_loop3A_476 : i32
          %parallel_loop3A_478 = arith.index_cast %parallel_loop3A_477 : i32 to index
          %parallel_loop3A_479 = tpu.vector_load %arg12[%parallel_loop3A_478] {strides = array<i32>} : memref<2048xf32, #tpu.memory_space<vmem>>, vector<16xf32>,
          %parallel_loop3A_480 = vector.shape_cast %parallel_loop3A_479 : vector<16xf32> to vector<16xf32>
          %parallel_loop3A_481 = vector.shape_cast %parallel_loop3A_475 : vector<16xf32> to vector<16xf32>
          tpu.vector_store %arg12[%parallel_loop3A_478], %parallel_loop3A_481 {strides = array<i32>} : memref<2048xf32, #tpu.memory_space<vmem>>, vector<16xf32>,
        } {sc.loop_unroll_factor = 4 : i64, sc.parallel_access}
        %mul3A_326 = arith.constant 2048 : i32
        %mul3A_327 = arith.muli %add3A_298, %mul3A_326 : i32
        %dma_start3A = arith.constant 1 : i32
        %dma_start3A_328 = tpu.memref_slice %arg7[%mul3A_327] : memref<1000000xf32, #tpu.memory_space<hbm>> -> memref<2048xf32, #tpu.memory_space<hbm>>
        %dma_start3A_329 = tpu.memref_slice %arg16[%dma_start3A] : memref<2x!tpu.dma_semaphore, #tpu.memory_space<semaphore_mem>> -> memref<1x!tpu.dma_semaphore, #tpu.memory_space<semaphore_mem>>
        %dma_start3A_330 = tpu.memref_squeeze %dma_start3A_329 : memref<1x!tpu.dma_semaphore, #tpu.memory_space<semaphore_mem>> -> memref<!tpu.dma_semaphore, #tpu.memory_space<semaphore_mem>>
        %dma_start3A_331 = tpu.memref_slice %arg7[%mul3A_327] : memref<1000000xf32, #tpu.memory_space<hbm>> -> memref<2048xf32, #tpu.memory_space<hbm>>
        tpu.enqueue_dma source(%arg12 : memref<2048xf32, #tpu.memory_space<vmem>>) target(%dma_start3A_331 : memref<2048xf32, #tpu.memory_space<hbm>>) target_semaphore(%dma_start3A_330 : memref<!tpu.dma_semaphore, #tpu.memory_space<semaphore_mem>>)
      } else {
      }
    }
    %scan3A_166 = arith.constant 8 : i32
    %lt3A_167 = arith.constant 488 : i32
    %lt3A_168 = arith.cmpi slt, %add3A, %lt3A_167 : i32
    %sub3A = arith.constant 487 : i32
    %sub3A_169 = arith.subi %sub3A, %add3A : i32
    %jit3A = arith.constant 32 : i32
    %div3A = arith.divsi %sub3A_169, %jit3A : i32
    %sign3A = arith.constant 0 : i32
    %sign3A_170 = arith.cmpi sgt, %sub3A_169, %sign3A : i32
    %sign3A_171 = arith.extui %sign3A_170 : i1 to i32
    %sign3A_172 = arith.constant 0 : i32
    %sign3A_173 = arith.cmpi slt, %sub3A_169, %sign3A_172 : i32
    %sign3A_174 = arith.extui %sign3A_173 : i1 to i32
    %sign3A_175 = arith.subi %sign3A_171, %sign3A_174 : i32
    %sign3A_176 = arith.constant 0 : i32
    %sign3A_177 = arith.cmpi sgt, %jit3A, %sign3A_176 : i32
    %sign3A_178 = arith.extui %sign3A_177 : i1 to i32
    %sign3A_179 = arith.constant 0 : i32
    %sign3A_180 = arith.cmpi slt, %jit3A, %sign3A_179 : i32
    %sign3A_181 = arith.extui %sign3A_180 : i1 to i32
    %sign3A_182 = arith.subi %sign3A_178, %sign3A_181 : i32
    %ne3A = arith.cmpi ne, %sign3A_175, %sign3A_182 : i32
    %rem3A = arith.remsi %sub3A_169, %jit3A : i32
    %ne3A_183 = arith.constant 0 : i32
    %ne3A_184 = arith.cmpi ne, %rem3A, %ne3A_183 : i32
    %and3A = arith.andi %ne3A, %ne3A_184 : i1
    %sub3A_185 = arith.constant 1 : i32
    %sub3A_186 = arith.subi %div3A, %sub3A_185 : i32
    %select_n3A = arith.select %and3A, %sub3A_186, %div3A : i32
    %add3A_187 = arith.constant 1 : i32
    %add3A_188 = arith.addi %select_n3A, %add3A_187 : i32
    %jit3A_189 = arith.constant 0 : i32
    %select_n3A_190 = arith.select %lt3A_168, %add3A_188, %jit3A_189 : i32
    %ge3A = arith.constant 2 : i32
    %ge3A_191 = arith.cmpi sge, %select_n3A_190, %ge3A : i32
    %convert_element_type3A_192 = arith.extui %ge3A_191 : i1 to i32
    %cond3A_193 = arith.constant 0 : i32
    %cond3A_194 = arith.cmpi ne, %convert_element_type3A_192, %cond3A_193 : i32
    scf.if %cond3A_194 {
      %and3A_281 = arith.constant 1 : i32
      %and3A_282 = arith.andi %select_n3A_190, %and3A_281 : i32
      %dma_wait3A = arith.constant 0 : i32
      %dma_wait3A_283 = tpu.memref_slice %arg7[%dma_wait3A] : memref<1000000xf32, #tpu.memory_space<hbm>> -> memref<2048xf32, #tpu.memory_space<hbm>>
      %dma_wait3A_284 = tpu.memref_slice %arg16[%and3A_282] : memref<2x!tpu.dma_semaphore, #tpu.memory_space<semaphore_mem>> -> memref<1x!tpu.dma_semaphore, #tpu.memory_space<semaphore_mem>>
      %dma_wait3A_285 = tpu.memref_squeeze %dma_wait3A_284 : memref<1x!tpu.dma_semaphore, #tpu.memory_space<semaphore_mem>> -> memref<!tpu.dma_semaphore, #tpu.memory_space<semaphore_mem>>
      %dma_wait3A_286 = arith.constant 0 : i32
      %dma_wait3A_287 = tpu.memref_slice %arg7[%dma_wait3A_286] : memref<1000000xf32, #tpu.memory_space<hbm>> -> memref<2048xf32, #tpu.memory_space<hbm>>
      tpu.wait_dma2 semaphore(%dma_wait3A_285 : memref<!tpu.dma_semaphore, #tpu.memory_space<semaphore_mem>>) src(%arg11 : memref<2048xf32, #tpu.memory_space<vmem>>) dst(%dma_wait3A_287 : memref<2048xf32, #tpu.memory_space<hbm>>)
    } else {
    }
    %ge3A_195 = arith.constant 1 : i32
    %ge3A_196 = arith.cmpi sge, %select_n3A_190, %ge3A_195 : i32
    %convert_element_type3A_197 = arith.extui %ge3A_196 : i1 to i32
    %cond3A_198 = arith.constant 0 : i32
    %cond3A_199 = arith.cmpi ne, %convert_element_type3A_197, %cond3A_198 : i32
    scf.if %cond3A_199 {
      %add3A_281 = arith.constant 1 : i32
      %add3A_282 = arith.addi %select_n3A_190, %add3A_281 : i32
      %and3A_283 = arith.constant 1 : i32
      %and3A_284 = arith.andi %add3A_282, %and3A_283 : i32
      %dma_wait3A = arith.constant 0 : i32
      %dma_wait3A_285 = tpu.memref_slice %arg7[%dma_wait3A] : memref<1000000xf32, #tpu.memory_space<hbm>> -> memref<2048xf32, #tpu.memory_space<hbm>>
      %dma_wait3A_286 = tpu.memref_slice %arg16[%and3A_284] : memref<2x!tpu.dma_semaphore, #tpu.memory_space<semaphore_mem>> -> memref<1x!tpu.dma_semaphore, #tpu.memory_space<semaphore_mem>>
      %dma_wait3A_287 = tpu.memref_squeeze %dma_wait3A_286 : memref<1x!tpu.dma_semaphore, #tpu.memory_space<semaphore_mem>> -> memref<!tpu.dma_semaphore, #tpu.memory_space<semaphore_mem>>
      %dma_wait3A_288 = arith.constant 0 : i32
      %dma_wait3A_289 = tpu.memref_slice %arg7[%dma_wait3A_288] : memref<1000000xf32, #tpu.memory_space<hbm>> -> memref<2048xf32, #tpu.memory_space<hbm>>
      tpu.wait_dma2 semaphore(%dma_wait3A_287 : memref<!tpu.dma_semaphore, #tpu.memory_space<semaphore_mem>>) src(%arg11 : memref<2048xf32, #tpu.memory_space<vmem>>) dst(%dma_wait3A_289 : memref<2048xf32, #tpu.memory_space<hbm>>)
    } else {
    }
    %lt3A_200 = arith.constant 48 : i32
    %lt3A_201 = arith.cmpi slt, %add3A, %lt3A_200 : i32
    %convert_element_type3A_202 = arith.extui %lt3A_201 : i1 to i32
    %cond3A_203 = arith.constant 0 : i32
    %cond3A_204 = arith.cmpi ne, %convert_element_type3A_202, %cond3A_203 : i32
    scf.if %cond3A_204 {
      %mul3A_281 = arith.constant 2048 : i32
      %mul3A_282 = arith.muli %add3A, %mul3A_281 : i32
      %dma_start3A = arith.constant 0 : i32
      %dma_start3A_283 = arith.constant 0 : i32
      %dma_start3A_284 = tpu.memref_slice %arg3[%dma_start3A_283, %mul3A_282] : memref<16x100000xf32, #tpu.memory_space<hbm>> -> memref<16x2048xf32, #tpu.memory_space<hbm>>
      %dma_start3A_285 = tpu.memref_slice %arg15[%dma_start3A] : memref<2x!tpu.dma_semaphore, #tpu.memory_space<semaphore_mem>> -> memref<1x!tpu.dma_semaphore, #tpu.memory_space<semaphore_mem>>
      %dma_start3A_286 = tpu.memref_squeeze %dma_start3A_285 : memref<1x!tpu.dma_semaphore, #tpu.memory_space<semaphore_mem>> -> memref<!tpu.dma_semaphore, #tpu.memory_space<semaphore_mem>>
      %dma_start3A_287 = arith.constant 0 : i32
      %dma_start3A_288 = tpu.memref_slice %arg3[%dma_start3A_287, %mul3A_282] : memref<16x100000xf32, #tpu.memory_space<hbm>> -> memref<16x2048xf32, #tpu.memory_space<hbm>>
      tpu.enqueue_dma source(%dma_start3A_288 : memref<16x2048xf32, #tpu.memory_space<hbm>>) target(%arg9 : memref<16x2048xf32, #tpu.memory_space<vmem>>) target_semaphore(%dma_start3A_286 : memref<!tpu.dma_semaphore, #tpu.memory_space<semaphore_mem>>)
    } else {
    }
    %scan3A_205 = arith.constant 0 : i32
    %scan3A_206 = arith.constant 0 : i32
    %mul3A_207 = arith.constant 2 : i32
    %mul3A_208 = arith.muli %mul3A_207, %scan3A_206 : i32
    %mul3A_209 = arith.constant 32 : i32
    %mul3A_210 = arith.muli %mul3A_209, %mul3A_208 : i32
    %add3A_211 = arith.addi %add3A, %mul3A_210 : i32
    %lt3A_212 = arith.constant 48 : i32
    %lt3A_213 = arith.cmpi slt, %add3A_211, %lt3A_212 : i32
    %convert_element_type3A_214 = arith.extui %lt3A_213 : i1 to i32
    %cond3A_215 = arith.constant 0 : i32
    %cond3A_216 = arith.cmpi ne, %convert_element_type3A_214, %cond3A_215 : i32
    scf.if %cond3A_216 {
      %dma_wait3A = arith.constant 0 : i32
      %dma_wait3A_281 = arith.constant 0 : i32
      %dma_wait3A_282 = arith.constant 0 : i32
      %dma_wait3A_283 = tpu.memref_slice %arg3[%dma_wait3A_281, %dma_wait3A_282] : memref<16x100000xf32, #tpu.memory_space<hbm>> -> memref<16x2048xf32, #tpu.memory_space<hbm>>
      %dma_wait3A_284 = tpu.memref_slice %arg15[%dma_wait3A] : memref<2x!tpu.dma_semaphore, #tpu.memory_space<semaphore_mem>> -> memref<1x!tpu.dma_semaphore, #tpu.memory_space<semaphore_mem>>
      %dma_wait3A_285 = tpu.memref_squeeze %dma_wait3A_284 : memref<1x!tpu.dma_semaphore, #tpu.memory_space<semaphore_mem>> -> memref<!tpu.dma_semaphore, #tpu.memory_space<semaphore_mem>>
      %dma_wait3A_286 = arith.constant 0 : i32
      %dma_wait3A_287 = arith.constant 0 : i32
      %dma_wait3A_288 = tpu.memref_slice %arg3[%dma_wait3A_286, %dma_wait3A_287] : memref<16x100000xf32, #tpu.memory_space<hbm>> -> memref<16x2048xf32, #tpu.memory_space<hbm>>
      tpu.wait_dma2 semaphore(%dma_wait3A_285 : memref<!tpu.dma_semaphore, #tpu.memory_space<semaphore_mem>>) src(%dma_wait3A_288 : memref<16x2048xf32, #tpu.memory_space<hbm>>) dst(%arg9 : memref<16x2048xf32, #tpu.memory_space<vmem>>)
      %add3A_289 = arith.constant 32 : i32
      %add3A_290 = arith.addi %add3A_211, %add3A_289 : i32
      %lt3A_291 = arith.constant 48 : i32
      %lt3A_292 = arith.cmpi slt, %add3A_290, %lt3A_291 : i32
      %convert_element_type3A_293 = arith.extui %lt3A_292 : i1 to i32
      %cond3A_294 = arith.constant 0 : i32
      %cond3A_295 = arith.cmpi ne, %convert_element_type3A_293, %cond3A_294 : i32
      scf.if %cond3A_295 {
        %mul3A_309 = arith.constant 2048 : i32
        %mul3A_310 = arith.muli %add3A_290, %mul3A_309 : i32
        %dma_start3A_311 = arith.constant 1 : i32
        %dma_start3A_312 = arith.constant 0 : i32
        %dma_start3A_313 = tpu.memref_slice %arg3[%dma_start3A_312, %mul3A_310] : memref<16x100000xf32, #tpu.memory_space<hbm>> -> memref<16x2048xf32, #tpu.memory_space<hbm>>
        %dma_start3A_314 = tpu.memref_slice %arg15[%dma_start3A_311] : memref<2x!tpu.dma_semaphore, #tpu.memory_space<semaphore_mem>> -> memref<1x!tpu.dma_semaphore, #tpu.memory_space<semaphore_mem>>
        %dma_start3A_315 = tpu.memref_squeeze %dma_start3A_314 : memref<1x!tpu.dma_semaphore, #tpu.memory_space<semaphore_mem>> -> memref<!tpu.dma_semaphore, #tpu.memory_space<semaphore_mem>>
        %dma_start3A_316 = arith.constant 0 : i32
        %dma_start3A_317 = tpu.memref_slice %arg3[%dma_start3A_316, %mul3A_310] : memref<16x100000xf32, #tpu.memory_space<hbm>> -> memref<16x2048xf32, #tpu.memory_space<hbm>>
        tpu.enqueue_dma source(%dma_start3A_317 : memref<16x2048xf32, #tpu.memory_space<hbm>>) target(%arg10 : memref<16x2048xf32, #tpu.memory_space<vmem>>) target_semaphore(%dma_start3A_315 : memref<!tpu.dma_semaphore, #tpu.memory_space<semaphore_mem>>)
      } else {
      }
      %ge3A_296 = arith.constant 2 : i32
      %ge3A_297 = arith.cmpi sge, %mul3A_208, %ge3A_296 : i32
      %convert_element_type3A_298 = arith.extui %ge3A_297 : i1 to i32
      %cond3A_299 = arith.constant 0 : i32
      %cond3A_300 = arith.cmpi ne, %convert_element_type3A_298, %cond3A_299 : i32
      scf.if %cond3A_300 {
        %dma_wait3A_309 = arith.constant 0 : i32
        %dma_wait3A_310 = arith.constant 0 : i32
        %dma_wait3A_311 = tpu.memref_slice %arg8[%dma_wait3A_310] : memref<100000xf32, #tpu.memory_space<hbm>> -> memref<2048xf32, #tpu.memory_space<hbm>>
        %dma_wait3A_312 = tpu.memref_slice %arg16[%dma_wait3A_309] : memref<2x!tpu.dma_semaphore, #tpu.memory_space<semaphore_mem>> -> memref<1x!tpu.dma_semaphore, #tpu.memory_space<semaphore_mem>>
        %dma_wait3A_313 = tpu.memref_squeeze %dma_wait3A_312 : memref<1x!tpu.dma_semaphore, #tpu.memory_space<semaphore_mem>> -> memref<!tpu.dma_semaphore, #tpu.memory_space<semaphore_mem>>
        %dma_wait3A_314 = arith.constant 0 : i32
        %dma_wait3A_315 = tpu.memref_slice %arg8[%dma_wait3A_314] : memref<100000xf32, #tpu.memory_space<hbm>> -> memref<2048xf32, #tpu.memory_space<hbm>>
        tpu.wait_dma2 semaphore(%dma_wait3A_313 : memref<!tpu.dma_semaphore, #tpu.memory_space<semaphore_mem>>) src(%arg11 : memref<2048xf32, #tpu.memory_space<vmem>>) dst(%dma_wait3A_315 : memref<2048xf32, #tpu.memory_space<hbm>>)
      } else {
      }
      %parallel_loop3A = arith.constant 0 : i32
      %parallel_loop3A_301 = arith.constant 128 : i32
      %parallel_loop3A_302 = arith.constant 1 : i32
      scf.for %parallel_loop3A_309 = %parallel_loop3A to %parallel_loop3A_301 step %parallel_loop3A_302  : i32 {
        %parallel_loop3A_310 = arith.constant 16 : i32
        %parallel_loop3A_311 = arith.muli %parallel_loop3A_309, %parallel_loop3A_310 : i32
        %parallel_loop3A_312 = arith.constant 0 : i32
        %parallel_loop3A_313 = arith.index_cast %parallel_loop3A_312 : i32 to index
        %parallel_loop3A_314 = arith.index_cast %parallel_loop3A_311 : i32 to index
        %parallel_loop3A_315 = tpu.vector_load %arg9[%parallel_loop3A_313, %parallel_loop3A_314] {strides = array<i32>} : memref<16x2048xf32, #tpu.memory_space<vmem>>, vector<1x16xf32>,
        %parallel_loop3A_316 = vector.shape_cast %parallel_loop3A_315 : vector<1x16xf32> to vector<16xf32>
        %parallel_loop3A_317 = arith.mulf %parallel_loop3A_316, %get3A_84 : vector<16xf32>
        %parallel_loop3A_318 = arith.constant 16 : i32
        %parallel_loop3A_319 = arith.muli %parallel_loop3A_309, %parallel_loop3A_318 : i32
        %parallel_loop3A_320 = arith.constant 1 : i32
        %parallel_loop3A_321 = arith.index_cast %parallel_loop3A_320 : i32 to index
        %parallel_loop3A_322 = arith.index_cast %parallel_loop3A_319 : i32 to index
        %parallel_loop3A_323 = tpu.vector_load %arg9[%parallel_loop3A_321, %parallel_loop3A_322] {strides = array<i32>} : memref<16x2048xf32, #tpu.memory_space<vmem>>, vector<1x16xf32>,
        %parallel_loop3A_324 = vector.shape_cast %parallel_loop3A_323 : vector<1x16xf32> to vector<16xf32>
        %parallel_loop3A_325 = arith.mulf %parallel_loop3A_324, %get3A_89 : vector<16xf32>
        %parallel_loop3A_326 = arith.constant 16 : i32
        %parallel_loop3A_327 = arith.muli %parallel_loop3A_309, %parallel_loop3A_326 : i32
        %parallel_loop3A_328 = arith.constant 2 : i32
        %parallel_loop3A_329 = arith.index_cast %parallel_loop3A_328 : i32 to index
        %parallel_loop3A_330 = arith.index_cast %parallel_loop3A_327 : i32 to index
        %parallel_loop3A_331 = tpu.vector_load %arg9[%parallel_loop3A_329, %parallel_loop3A_330] {strides = array<i32>} : memref<16x2048xf32, #tpu.memory_space<vmem>>, vector<1x16xf32>,
        %parallel_loop3A_332 = vector.shape_cast %parallel_loop3A_331 : vector<1x16xf32> to vector<16xf32>
        %parallel_loop3A_333 = arith.mulf %parallel_loop3A_332, %get3A_94 : vector<16xf32>
        %parallel_loop3A_334 = arith.constant 16 : i32
        %parallel_loop3A_335 = arith.muli %parallel_loop3A_309, %parallel_loop3A_334 : i32
        %parallel_loop3A_336 = arith.constant 3 : i32
        %parallel_loop3A_337 = arith.index_cast %parallel_loop3A_336 : i32 to index
        %parallel_loop3A_338 = arith.index_cast %parallel_loop3A_335 : i32 to index
        %parallel_loop3A_339 = tpu.vector_load %arg9[%parallel_loop3A_337, %parallel_loop3A_338] {strides = array<i32>} : memref<16x2048xf32, #tpu.memory_space<vmem>>, vector<1x16xf32>,
        %parallel_loop3A_340 = vector.shape_cast %parallel_loop3A_339 : vector<1x16xf32> to vector<16xf32>
        %parallel_loop3A_341 = arith.mulf %parallel_loop3A_340, %get3A_99 : vector<16xf32>
        %parallel_loop3A_342 = arith.constant 16 : i32
        %parallel_loop3A_343 = arith.muli %parallel_loop3A_309, %parallel_loop3A_342 : i32
        %parallel_loop3A_344 = arith.constant 4 : i32
        %parallel_loop3A_345 = arith.index_cast %parallel_loop3A_344 : i32 to index
        %parallel_loop3A_346 = arith.index_cast %parallel_loop3A_343 : i32 to index
        %parallel_loop3A_347 = tpu.vector_load %arg9[%parallel_loop3A_345, %parallel_loop3A_346] {strides = array<i32>} : memref<16x2048xf32, #tpu.memory_space<vmem>>, vector<1x16xf32>,
        %parallel_loop3A_348 = vector.shape_cast %parallel_loop3A_347 : vector<1x16xf32> to vector<16xf32>
        %parallel_loop3A_349 = arith.mulf %parallel_loop3A_348, %get3A_104 : vector<16xf32>
        %parallel_loop3A_350 = arith.constant 16 : i32
        %parallel_loop3A_351 = arith.muli %parallel_loop3A_309, %parallel_loop3A_350 : i32
        %parallel_loop3A_352 = arith.constant 5 : i32
        %parallel_loop3A_353 = arith.index_cast %parallel_loop3A_352 : i32 to index
        %parallel_loop3A_354 = arith.index_cast %parallel_loop3A_351 : i32 to index
        %parallel_loop3A_355 = tpu.vector_load %arg9[%parallel_loop3A_353, %parallel_loop3A_354] {strides = array<i32>} : memref<16x2048xf32, #tpu.memory_space<vmem>>, vector<1x16xf32>,
        %parallel_loop3A_356 = vector.shape_cast %parallel_loop3A_355 : vector<1x16xf32> to vector<16xf32>
        %parallel_loop3A_357 = arith.mulf %parallel_loop3A_356, %get3A_109 : vector<16xf32>
        %parallel_loop3A_358 = arith.constant 16 : i32
        %parallel_loop3A_359 = arith.muli %parallel_loop3A_309, %parallel_loop3A_358 : i32
        %parallel_loop3A_360 = arith.constant 6 : i32
        %parallel_loop3A_361 = arith.index_cast %parallel_loop3A_360 : i32 to index
        %parallel_loop3A_362 = arith.index_cast %parallel_loop3A_359 : i32 to index
        %parallel_loop3A_363 = tpu.vector_load %arg9[%parallel_loop3A_361, %parallel_loop3A_362] {strides = array<i32>} : memref<16x2048xf32, #tpu.memory_space<vmem>>, vector<1x16xf32>,
        %parallel_loop3A_364 = vector.shape_cast %parallel_loop3A_363 : vector<1x16xf32> to vector<16xf32>
        %parallel_loop3A_365 = arith.mulf %parallel_loop3A_364, %get3A_114 : vector<16xf32>
        %parallel_loop3A_366 = arith.constant 16 : i32
        %parallel_loop3A_367 = arith.muli %parallel_loop3A_309, %parallel_loop3A_366 : i32
        %parallel_loop3A_368 = arith.constant 7 : i32
        %parallel_loop3A_369 = arith.index_cast %parallel_loop3A_368 : i32 to index
        %parallel_loop3A_370 = arith.index_cast %parallel_loop3A_367 : i32 to index
        %parallel_loop3A_371 = tpu.vector_load %arg9[%parallel_loop3A_369, %parallel_loop3A_370] {strides = array<i32>} : memref<16x2048xf32, #tpu.memory_space<vmem>>, vector<1x16xf32>,
        %parallel_loop3A_372 = vector.shape_cast %parallel_loop3A_371 : vector<1x16xf32> to vector<16xf32>
        %parallel_loop3A_373 = arith.mulf %parallel_loop3A_372, %get3A_119 : vector<16xf32>
        %parallel_loop3A_374 = arith.constant 16 : i32
        %parallel_loop3A_375 = arith.muli %parallel_loop3A_309, %parallel_loop3A_374 : i32
        %parallel_loop3A_376 = arith.constant 8 : i32
        %parallel_loop3A_377 = arith.index_cast %parallel_loop3A_376 : i32 to index
        %parallel_loop3A_378 = arith.index_cast %parallel_loop3A_375 : i32 to index
        %parallel_loop3A_379 = tpu.vector_load %arg9[%parallel_loop3A_377, %parallel_loop3A_378] {strides = array<i32>} : memref<16x2048xf32, #tpu.memory_space<vmem>>, vector<1x16xf32>,
        %parallel_loop3A_380 = vector.shape_cast %parallel_loop3A_379 : vector<1x16xf32> to vector<16xf32>
        %parallel_loop3A_381 = arith.mulf %parallel_loop3A_380, %get3A_124 : vector<16xf32>
        %parallel_loop3A_382 = arith.constant 16 : i32
        %parallel_loop3A_383 = arith.muli %parallel_loop3A_309, %parallel_loop3A_382 : i32
        %parallel_loop3A_384 = arith.constant 9 : i32
        %parallel_loop3A_385 = arith.index_cast %parallel_loop3A_384 : i32 to index
        %parallel_loop3A_386 = arith.index_cast %parallel_loop3A_383 : i32 to index
        %parallel_loop3A_387 = tpu.vector_load %arg9[%parallel_loop3A_385, %parallel_loop3A_386] {strides = array<i32>} : memref<16x2048xf32, #tpu.memory_space<vmem>>, vector<1x16xf32>,
        %parallel_loop3A_388 = vector.shape_cast %parallel_loop3A_387 : vector<1x16xf32> to vector<16xf32>
        %parallel_loop3A_389 = arith.mulf %parallel_loop3A_388, %get3A_129 : vector<16xf32>
        %parallel_loop3A_390 = arith.constant 16 : i32
        %parallel_loop3A_391 = arith.muli %parallel_loop3A_309, %parallel_loop3A_390 : i32
        %parallel_loop3A_392 = arith.constant 10 : i32
        %parallel_loop3A_393 = arith.index_cast %parallel_loop3A_392 : i32 to index
        %parallel_loop3A_394 = arith.index_cast %parallel_loop3A_391 : i32 to index
        %parallel_loop3A_395 = tpu.vector_load %arg9[%parallel_loop3A_393, %parallel_loop3A_394] {strides = array<i32>} : memref<16x2048xf32, #tpu.memory_space<vmem>>, vector<1x16xf32>,
        %parallel_loop3A_396 = vector.shape_cast %parallel_loop3A_395 : vector<1x16xf32> to vector<16xf32>
        %parallel_loop3A_397 = arith.mulf %parallel_loop3A_396, %get3A_134 : vector<16xf32>
        %parallel_loop3A_398 = arith.constant 16 : i32
        %parallel_loop3A_399 = arith.muli %parallel_loop3A_309, %parallel_loop3A_398 : i32
        %parallel_loop3A_400 = arith.constant 11 : i32
        %parallel_loop3A_401 = arith.index_cast %parallel_loop3A_400 : i32 to index
        %parallel_loop3A_402 = arith.index_cast %parallel_loop3A_399 : i32 to index
        %parallel_loop3A_403 = tpu.vector_load %arg9[%parallel_loop3A_401, %parallel_loop3A_402] {strides = array<i32>} : memref<16x2048xf32, #tpu.memory_space<vmem>>, vector<1x16xf32>,
        %parallel_loop3A_404 = vector.shape_cast %parallel_loop3A_403 : vector<1x16xf32> to vector<16xf32>
        %parallel_loop3A_405 = arith.mulf %parallel_loop3A_404, %get3A_139 : vector<16xf32>
        %parallel_loop3A_406 = arith.constant 16 : i32
        %parallel_loop3A_407 = arith.muli %parallel_loop3A_309, %parallel_loop3A_406 : i32
        %parallel_loop3A_408 = arith.constant 12 : i32
        %parallel_loop3A_409 = arith.index_cast %parallel_loop3A_408 : i32 to index
        %parallel_loop3A_410 = arith.index_cast %parallel_loop3A_407 : i32 to index
        %parallel_loop3A_411 = tpu.vector_load %arg9[%parallel_loop3A_409, %parallel_loop3A_410] {strides = array<i32>} : memref<16x2048xf32, #tpu.memory_space<vmem>>, vector<1x16xf32>,
        %parallel_loop3A_412 = vector.shape_cast %parallel_loop3A_411 : vector<1x16xf32> to vector<16xf32>
        %parallel_loop3A_413 = arith.mulf %parallel_loop3A_412, %get3A_144 : vector<16xf32>
        %parallel_loop3A_414 = arith.constant 16 : i32
        %parallel_loop3A_415 = arith.muli %parallel_loop3A_309, %parallel_loop3A_414 : i32
        %parallel_loop3A_416 = arith.constant 13 : i32
        %parallel_loop3A_417 = arith.index_cast %parallel_loop3A_416 : i32 to index
        %parallel_loop3A_418 = arith.index_cast %parallel_loop3A_415 : i32 to index
        %parallel_loop3A_419 = tpu.vector_load %arg9[%parallel_loop3A_417, %parallel_loop3A_418] {strides = array<i32>} : memref<16x2048xf32, #tpu.memory_space<vmem>>, vector<1x16xf32>,
        %parallel_loop3A_420 = vector.shape_cast %parallel_loop3A_419 : vector<1x16xf32> to vector<16xf32>
        %parallel_loop3A_421 = arith.mulf %parallel_loop3A_420, %get3A_149 : vector<16xf32>
        %parallel_loop3A_422 = arith.constant 16 : i32
        %parallel_loop3A_423 = arith.muli %parallel_loop3A_309, %parallel_loop3A_422 : i32
        %parallel_loop3A_424 = arith.constant 14 : i32
        %parallel_loop3A_425 = arith.index_cast %parallel_loop3A_424 : i32 to index
        %parallel_loop3A_426 = arith.index_cast %parallel_loop3A_423 : i32 to index
        %parallel_loop3A_427 = tpu.vector_load %arg9[%parallel_loop3A_425, %parallel_loop3A_426] {strides = array<i32>} : memref<16x2048xf32, #tpu.memory_space<vmem>>, vector<1x16xf32>,
        %parallel_loop3A_428 = vector.shape_cast %parallel_loop3A_427 : vector<1x16xf32> to vector<16xf32>
        %parallel_loop3A_429 = arith.mulf %parallel_loop3A_428, %get3A_154 : vector<16xf32>
        %parallel_loop3A_430 = arith.constant 16 : i32
        %parallel_loop3A_431 = arith.muli %parallel_loop3A_309, %parallel_loop3A_430 : i32
        %parallel_loop3A_432 = arith.constant 15 : i32
        %parallel_loop3A_433 = arith.index_cast %parallel_loop3A_432 : i32 to index
        %parallel_loop3A_434 = arith.index_cast %parallel_loop3A_431 : i32 to index
        %parallel_loop3A_435 = tpu.vector_load %arg9[%parallel_loop3A_433, %parallel_loop3A_434] {strides = array<i32>} : memref<16x2048xf32, #tpu.memory_space<vmem>>, vector<1x16xf32>,
        %parallel_loop3A_436 = vector.shape_cast %parallel_loop3A_435 : vector<1x16xf32> to vector<16xf32>
        %parallel_loop3A_437 = arith.mulf %parallel_loop3A_436, %get3A_159 : vector<16xf32>
        %parallel_loop3A_438 = arith.addf %parallel_loop3A_317, %parallel_loop3A_325 : vector<16xf32>
        %parallel_loop3A_439 = arith.addf %parallel_loop3A_333, %parallel_loop3A_341 : vector<16xf32>
        %parallel_loop3A_440 = arith.addf %parallel_loop3A_349, %parallel_loop3A_357 : vector<16xf32>
        %parallel_loop3A_441 = arith.addf %parallel_loop3A_365, %parallel_loop3A_373 : vector<16xf32>
        %parallel_loop3A_442 = arith.addf %parallel_loop3A_381, %parallel_loop3A_389 : vector<16xf32>
        %parallel_loop3A_443 = arith.addf %parallel_loop3A_397, %parallel_loop3A_405 : vector<16xf32>
        %parallel_loop3A_444 = arith.addf %parallel_loop3A_413, %parallel_loop3A_421 : vector<16xf32>
        %parallel_loop3A_445 = arith.addf %parallel_loop3A_429, %parallel_loop3A_437 : vector<16xf32>
        %parallel_loop3A_446 = arith.addf %parallel_loop3A_438, %parallel_loop3A_439 : vector<16xf32>
        %parallel_loop3A_447 = arith.addf %parallel_loop3A_440, %parallel_loop3A_441 : vector<16xf32>
        %parallel_loop3A_448 = arith.addf %parallel_loop3A_442, %parallel_loop3A_443 : vector<16xf32>
        %parallel_loop3A_449 = arith.addf %parallel_loop3A_444, %parallel_loop3A_445 : vector<16xf32>
        %parallel_loop3A_450 = arith.addf %parallel_loop3A_446, %parallel_loop3A_447 : vector<16xf32>
        %parallel_loop3A_451 = arith.addf %parallel_loop3A_448, %parallel_loop3A_449 : vector<16xf32>
        %parallel_loop3A_452 = arith.addf %parallel_loop3A_450, %parallel_loop3A_451 : vector<16xf32>
        %parallel_loop3A_453 = arith.constant 16 : i32
        %parallel_loop3A_454 = arith.muli %parallel_loop3A_309, %parallel_loop3A_453 : i32
        %parallel_loop3A_455 = arith.index_cast %parallel_loop3A_454 : i32 to index
        %parallel_loop3A_456 = tpu.vector_load %arg11[%parallel_loop3A_455] {strides = array<i32>} : memref<2048xf32, #tpu.memory_space<vmem>>, vector<16xf32>,
        %parallel_loop3A_457 = vector.shape_cast %parallel_loop3A_456 : vector<16xf32> to vector<16xf32>
        %parallel_loop3A_458 = vector.shape_cast %parallel_loop3A_452 : vector<16xf32> to vector<16xf32>
        tpu.vector_store %arg11[%parallel_loop3A_455], %parallel_loop3A_458 {strides = array<i32>} : memref<2048xf32, #tpu.memory_space<vmem>>, vector<16xf32>,
      } {sc.loop_unroll_factor = 4 : i64, sc.parallel_access}
      %mul3A_303 = arith.constant 2048 : i32
      %mul3A_304 = arith.muli %add3A_211, %mul3A_303 : i32
      %dma_start3A = arith.constant 0 : i32
      %dma_start3A_305 = tpu.memref_slice %arg8[%mul3A_304] : memref<100000xf32, #tpu.memory_space<hbm>> -> memref<2048xf32, #tpu.memory_space<hbm>>
      %dma_start3A_306 = tpu.memref_slice %arg16[%dma_start3A] : memref<2x!tpu.dma_semaphore, #tpu.memory_space<semaphore_mem>> -> memref<1x!tpu.dma_semaphore, #tpu.memory_space<semaphore_mem>>
      %dma_start3A_307 = tpu.memref_squeeze %dma_start3A_306 : memref<1x!tpu.dma_semaphore, #tpu.memory_space<semaphore_mem>> -> memref<!tpu.dma_semaphore, #tpu.memory_space<semaphore_mem>>
      %dma_start3A_308 = tpu.memref_slice %arg8[%mul3A_304] : memref<100000xf32, #tpu.memory_space<hbm>> -> memref<2048xf32, #tpu.memory_space<hbm>>
      tpu.enqueue_dma source(%arg11 : memref<2048xf32, #tpu.memory_space<vmem>>) target(%dma_start3A_308 : memref<2048xf32, #tpu.memory_space<hbm>>) target_semaphore(%dma_start3A_307 : memref<!tpu.dma_semaphore, #tpu.memory_space<semaphore_mem>>)
    } else {
    }
    %mul3A_217 = arith.constant 2 : i32
    %mul3A_218 = arith.muli %mul3A_217, %scan3A_206 : i32
    %add3A_219 = arith.constant 1 : i32
    %add3A_220 = arith.addi %mul3A_218, %add3A_219 : i32
    %mul3A_221 = arith.constant 32 : i32
    %mul3A_222 = arith.muli %mul3A_221, %add3A_220 : i32
    %add3A_223 = arith.addi %add3A, %mul3A_222 : i32
    %lt3A_224 = arith.constant 48 : i32
    %lt3A_225 = arith.cmpi slt, %add3A_223, %lt3A_224 : i32
    %convert_element_type3A_226 = arith.extui %lt3A_225 : i1 to i32
    %cond3A_227 = arith.constant 0 : i32
    %cond3A_228 = arith.cmpi ne, %convert_element_type3A_226, %cond3A_227 : i32
    scf.if %cond3A_228 {
      %dma_wait3A = arith.constant 1 : i32
      %dma_wait3A_281 = arith.constant 0 : i32
      %dma_wait3A_282 = arith.constant 0 : i32
      %dma_wait3A_283 = tpu.memref_slice %arg3[%dma_wait3A_281, %dma_wait3A_282] : memref<16x100000xf32, #tpu.memory_space<hbm>> -> memref<16x2048xf32, #tpu.memory_space<hbm>>
      %dma_wait3A_284 = tpu.memref_slice %arg15[%dma_wait3A] : memref<2x!tpu.dma_semaphore, #tpu.memory_space<semaphore_mem>> -> memref<1x!tpu.dma_semaphore, #tpu.memory_space<semaphore_mem>>
      %dma_wait3A_285 = tpu.memref_squeeze %dma_wait3A_284 : memref<1x!tpu.dma_semaphore, #tpu.memory_space<semaphore_mem>> -> memref<!tpu.dma_semaphore, #tpu.memory_space<semaphore_mem>>
      %dma_wait3A_286 = arith.constant 0 : i32
      %dma_wait3A_287 = arith.constant 0 : i32
      %dma_wait3A_288 = tpu.memref_slice %arg3[%dma_wait3A_286, %dma_wait3A_287] : memref<16x100000xf32, #tpu.memory_space<hbm>> -> memref<16x2048xf32, #tpu.memory_space<hbm>>
      tpu.wait_dma2 semaphore(%dma_wait3A_285 : memref<!tpu.dma_semaphore, #tpu.memory_space<semaphore_mem>>) src(%dma_wait3A_288 : memref<16x2048xf32, #tpu.memory_space<hbm>>) dst(%arg10 : memref<16x2048xf32, #tpu.memory_space<vmem>>)
      %add3A_289 = arith.constant 32 : i32
      %add3A_290 = arith.addi %add3A_223, %add3A_289 : i32
      %lt3A_291 = arith.constant 48 : i32
      %lt3A_292 = arith.cmpi slt, %add3A_290, %lt3A_291 : i32
      %convert_element_type3A_293 = arith.extui %lt3A_292 : i1 to i32
      %cond3A_294 = arith.constant 0 : i32
      %cond3A_295 = arith.cmpi ne, %convert_element_type3A_293, %cond3A_294 : i32
      scf.if %cond3A_295 {
        %mul3A_309 = arith.constant 2048 : i32
        %mul3A_310 = arith.muli %add3A_290, %mul3A_309 : i32
        %dma_start3A_311 = arith.constant 0 : i32
        %dma_start3A_312 = arith.constant 0 : i32
        %dma_start3A_313 = tpu.memref_slice %arg3[%dma_start3A_312, %mul3A_310] : memref<16x100000xf32, #tpu.memory_space<hbm>> -> memref<16x2048xf32, #tpu.memory_space<hbm>>
        %dma_start3A_314 = tpu.memref_slice %arg15[%dma_start3A_311] : memref<2x!tpu.dma_semaphore, #tpu.memory_space<semaphore_mem>> -> memref<1x!tpu.dma_semaphore, #tpu.memory_space<semaphore_mem>>
        %dma_start3A_315 = tpu.memref_squeeze %dma_start3A_314 : memref<1x!tpu.dma_semaphore, #tpu.memory_space<semaphore_mem>> -> memref<!tpu.dma_semaphore, #tpu.memory_space<semaphore_mem>>
        %dma_start3A_316 = arith.constant 0 : i32
        %dma_start3A_317 = tpu.memref_slice %arg3[%dma_start3A_316, %mul3A_310] : memref<16x100000xf32, #tpu.memory_space<hbm>> -> memref<16x2048xf32, #tpu.memory_space<hbm>>
        tpu.enqueue_dma source(%dma_start3A_317 : memref<16x2048xf32, #tpu.memory_space<hbm>>) target(%arg9 : memref<16x2048xf32, #tpu.memory_space<vmem>>) target_semaphore(%dma_start3A_315 : memref<!tpu.dma_semaphore, #tpu.memory_space<semaphore_mem>>)
      } else {
      }
      %ge3A_296 = arith.constant 2 : i32
      %ge3A_297 = arith.cmpi sge, %add3A_220, %ge3A_296 : i32
      %convert_element_type3A_298 = arith.extui %ge3A_297 : i1 to i32
      %cond3A_299 = arith.constant 0 : i32
      %cond3A_300 = arith.cmpi ne, %convert_element_type3A_298, %cond3A_299 : i32
      scf.if %cond3A_300 {
        %dma_wait3A_309 = arith.constant 1 : i32
        %dma_wait3A_310 = arith.constant 0 : i32
        %dma_wait3A_311 = tpu.memref_slice %arg8[%dma_wait3A_310] : memref<100000xf32, #tpu.memory_space<hbm>> -> memref<2048xf32, #tpu.memory_space<hbm>>
        %dma_wait3A_312 = tpu.memref_slice %arg16[%dma_wait3A_309] : memref<2x!tpu.dma_semaphore, #tpu.memory_space<semaphore_mem>> -> memref<1x!tpu.dma_semaphore, #tpu.memory_space<semaphore_mem>>
        %dma_wait3A_313 = tpu.memref_squeeze %dma_wait3A_312 : memref<1x!tpu.dma_semaphore, #tpu.memory_space<semaphore_mem>> -> memref<!tpu.dma_semaphore, #tpu.memory_space<semaphore_mem>>
        %dma_wait3A_314 = arith.constant 0 : i32
        %dma_wait3A_315 = tpu.memref_slice %arg8[%dma_wait3A_314] : memref<100000xf32, #tpu.memory_space<hbm>> -> memref<2048xf32, #tpu.memory_space<hbm>>
        tpu.wait_dma2 semaphore(%dma_wait3A_313 : memref<!tpu.dma_semaphore, #tpu.memory_space<semaphore_mem>>) src(%arg11 : memref<2048xf32, #tpu.memory_space<vmem>>) dst(%dma_wait3A_315 : memref<2048xf32, #tpu.memory_space<hbm>>)
      } else {
      }
      %parallel_loop3A = arith.constant 0 : i32
      %parallel_loop3A_301 = arith.constant 128 : i32
      %parallel_loop3A_302 = arith.constant 1 : i32
      scf.for %parallel_loop3A_309 = %parallel_loop3A to %parallel_loop3A_301 step %parallel_loop3A_302  : i32 {
        %parallel_loop3A_310 = arith.constant 16 : i32
        %parallel_loop3A_311 = arith.muli %parallel_loop3A_309, %parallel_loop3A_310 : i32
        %parallel_loop3A_312 = arith.constant 0 : i32
        %parallel_loop3A_313 = arith.index_cast %parallel_loop3A_312 : i32 to index
        %parallel_loop3A_314 = arith.index_cast %parallel_loop3A_311 : i32 to index
        %parallel_loop3A_315 = tpu.vector_load %arg10[%parallel_loop3A_313, %parallel_loop3A_314] {strides = array<i32>} : memref<16x2048xf32, #tpu.memory_space<vmem>>, vector<1x16xf32>,
        %parallel_loop3A_316 = vector.shape_cast %parallel_loop3A_315 : vector<1x16xf32> to vector<16xf32>
        %parallel_loop3A_317 = arith.mulf %parallel_loop3A_316, %get3A_84 : vector<16xf32>
        %parallel_loop3A_318 = arith.constant 16 : i32
        %parallel_loop3A_319 = arith.muli %parallel_loop3A_309, %parallel_loop3A_318 : i32
        %parallel_loop3A_320 = arith.constant 1 : i32
        %parallel_loop3A_321 = arith.index_cast %parallel_loop3A_320 : i32 to index
        %parallel_loop3A_322 = arith.index_cast %parallel_loop3A_319 : i32 to index
        %parallel_loop3A_323 = tpu.vector_load %arg10[%parallel_loop3A_321, %parallel_loop3A_322] {strides = array<i32>} : memref<16x2048xf32, #tpu.memory_space<vmem>>, vector<1x16xf32>,
        %parallel_loop3A_324 = vector.shape_cast %parallel_loop3A_323 : vector<1x16xf32> to vector<16xf32>
        %parallel_loop3A_325 = arith.mulf %parallel_loop3A_324, %get3A_89 : vector<16xf32>
        %parallel_loop3A_326 = arith.constant 16 : i32
        %parallel_loop3A_327 = arith.muli %parallel_loop3A_309, %parallel_loop3A_326 : i32
        %parallel_loop3A_328 = arith.constant 2 : i32
        %parallel_loop3A_329 = arith.index_cast %parallel_loop3A_328 : i32 to index
        %parallel_loop3A_330 = arith.index_cast %parallel_loop3A_327 : i32 to index
        %parallel_loop3A_331 = tpu.vector_load %arg10[%parallel_loop3A_329, %parallel_loop3A_330] {strides = array<i32>} : memref<16x2048xf32, #tpu.memory_space<vmem>>, vector<1x16xf32>,
        %parallel_loop3A_332 = vector.shape_cast %parallel_loop3A_331 : vector<1x16xf32> to vector<16xf32>
        %parallel_loop3A_333 = arith.mulf %parallel_loop3A_332, %get3A_94 : vector<16xf32>
        %parallel_loop3A_334 = arith.constant 16 : i32
        %parallel_loop3A_335 = arith.muli %parallel_loop3A_309, %parallel_loop3A_334 : i32
        %parallel_loop3A_336 = arith.constant 3 : i32
        %parallel_loop3A_337 = arith.index_cast %parallel_loop3A_336 : i32 to index
        %parallel_loop3A_338 = arith.index_cast %parallel_loop3A_335 : i32 to index
        %parallel_loop3A_339 = tpu.vector_load %arg10[%parallel_loop3A_337, %parallel_loop3A_338] {strides = array<i32>} : memref<16x2048xf32, #tpu.memory_space<vmem>>, vector<1x16xf32>,
        %parallel_loop3A_340 = vector.shape_cast %parallel_loop3A_339 : vector<1x16xf32> to vector<16xf32>
        %parallel_loop3A_341 = arith.mulf %parallel_loop3A_340, %get3A_99 : vector<16xf32>
        %parallel_loop3A_342 = arith.constant 16 : i32
        %parallel_loop3A_343 = arith.muli %parallel_loop3A_309, %parallel_loop3A_342 : i32
        %parallel_loop3A_344 = arith.constant 4 : i32
        %parallel_loop3A_345 = arith.index_cast %parallel_loop3A_344 : i32 to index
        %parallel_loop3A_346 = arith.index_cast %parallel_loop3A_343 : i32 to index
        %parallel_loop3A_347 = tpu.vector_load %arg10[%parallel_loop3A_345, %parallel_loop3A_346] {strides = array<i32>} : memref<16x2048xf32, #tpu.memory_space<vmem>>, vector<1x16xf32>,
        %parallel_loop3A_348 = vector.shape_cast %parallel_loop3A_347 : vector<1x16xf32> to vector<16xf32>
        %parallel_loop3A_349 = arith.mulf %parallel_loop3A_348, %get3A_104 : vector<16xf32>
        %parallel_loop3A_350 = arith.constant 16 : i32
        %parallel_loop3A_351 = arith.muli %parallel_loop3A_309, %parallel_loop3A_350 : i32
        %parallel_loop3A_352 = arith.constant 5 : i32
        %parallel_loop3A_353 = arith.index_cast %parallel_loop3A_352 : i32 to index
        %parallel_loop3A_354 = arith.index_cast %parallel_loop3A_351 : i32 to index
        %parallel_loop3A_355 = tpu.vector_load %arg10[%parallel_loop3A_353, %parallel_loop3A_354] {strides = array<i32>} : memref<16x2048xf32, #tpu.memory_space<vmem>>, vector<1x16xf32>,
        %parallel_loop3A_356 = vector.shape_cast %parallel_loop3A_355 : vector<1x16xf32> to vector<16xf32>
        %parallel_loop3A_357 = arith.mulf %parallel_loop3A_356, %get3A_109 : vector<16xf32>
        %parallel_loop3A_358 = arith.constant 16 : i32
        %parallel_loop3A_359 = arith.muli %parallel_loop3A_309, %parallel_loop3A_358 : i32
        %parallel_loop3A_360 = arith.constant 6 : i32
        %parallel_loop3A_361 = arith.index_cast %parallel_loop3A_360 : i32 to index
        %parallel_loop3A_362 = arith.index_cast %parallel_loop3A_359 : i32 to index
        %parallel_loop3A_363 = tpu.vector_load %arg10[%parallel_loop3A_361, %parallel_loop3A_362] {strides = array<i32>} : memref<16x2048xf32, #tpu.memory_space<vmem>>, vector<1x16xf32>,
        %parallel_loop3A_364 = vector.shape_cast %parallel_loop3A_363 : vector<1x16xf32> to vector<16xf32>
        %parallel_loop3A_365 = arith.mulf %parallel_loop3A_364, %get3A_114 : vector<16xf32>
        %parallel_loop3A_366 = arith.constant 16 : i32
        %parallel_loop3A_367 = arith.muli %parallel_loop3A_309, %parallel_loop3A_366 : i32
        %parallel_loop3A_368 = arith.constant 7 : i32
        %parallel_loop3A_369 = arith.index_cast %parallel_loop3A_368 : i32 to index
        %parallel_loop3A_370 = arith.index_cast %parallel_loop3A_367 : i32 to index
        %parallel_loop3A_371 = tpu.vector_load %arg10[%parallel_loop3A_369, %parallel_loop3A_370] {strides = array<i32>} : memref<16x2048xf32, #tpu.memory_space<vmem>>, vector<1x16xf32>,
        %parallel_loop3A_372 = vector.shape_cast %parallel_loop3A_371 : vector<1x16xf32> to vector<16xf32>
        %parallel_loop3A_373 = arith.mulf %parallel_loop3A_372, %get3A_119 : vector<16xf32>
        %parallel_loop3A_374 = arith.constant 16 : i32
        %parallel_loop3A_375 = arith.muli %parallel_loop3A_309, %parallel_loop3A_374 : i32
        %parallel_loop3A_376 = arith.constant 8 : i32
        %parallel_loop3A_377 = arith.index_cast %parallel_loop3A_376 : i32 to index
        %parallel_loop3A_378 = arith.index_cast %parallel_loop3A_375 : i32 to index
        %parallel_loop3A_379 = tpu.vector_load %arg10[%parallel_loop3A_377, %parallel_loop3A_378] {strides = array<i32>} : memref<16x2048xf32, #tpu.memory_space<vmem>>, vector<1x16xf32>,
        %parallel_loop3A_380 = vector.shape_cast %parallel_loop3A_379 : vector<1x16xf32> to vector<16xf32>
        %parallel_loop3A_381 = arith.mulf %parallel_loop3A_380, %get3A_124 : vector<16xf32>
        %parallel_loop3A_382 = arith.constant 16 : i32
        %parallel_loop3A_383 = arith.muli %parallel_loop3A_309, %parallel_loop3A_382 : i32
        %parallel_loop3A_384 = arith.constant 9 : i32
        %parallel_loop3A_385 = arith.index_cast %parallel_loop3A_384 : i32 to index
        %parallel_loop3A_386 = arith.index_cast %parallel_loop3A_383 : i32 to index
        %parallel_loop3A_387 = tpu.vector_load %arg10[%parallel_loop3A_385, %parallel_loop3A_386] {strides = array<i32>} : memref<16x2048xf32, #tpu.memory_space<vmem>>, vector<1x16xf32>,
        %parallel_loop3A_388 = vector.shape_cast %parallel_loop3A_387 : vector<1x16xf32> to vector<16xf32>
        %parallel_loop3A_389 = arith.mulf %parallel_loop3A_388, %get3A_129 : vector<16xf32>
        %parallel_loop3A_390 = arith.constant 16 : i32
        %parallel_loop3A_391 = arith.muli %parallel_loop3A_309, %parallel_loop3A_390 : i32
        %parallel_loop3A_392 = arith.constant 10 : i32
        %parallel_loop3A_393 = arith.index_cast %parallel_loop3A_392 : i32 to index
        %parallel_loop3A_394 = arith.index_cast %parallel_loop3A_391 : i32 to index
        %parallel_loop3A_395 = tpu.vector_load %arg10[%parallel_loop3A_393, %parallel_loop3A_394] {strides = array<i32>} : memref<16x2048xf32, #tpu.memory_space<vmem>>, vector<1x16xf32>,
        %parallel_loop3A_396 = vector.shape_cast %parallel_loop3A_395 : vector<1x16xf32> to vector<16xf32>
        %parallel_loop3A_397 = arith.mulf %parallel_loop3A_396, %get3A_134 : vector<16xf32>
        %parallel_loop3A_398 = arith.constant 16 : i32
        %parallel_loop3A_399 = arith.muli %parallel_loop3A_309, %parallel_loop3A_398 : i32
        %parallel_loop3A_400 = arith.constant 11 : i32
        %parallel_loop3A_401 = arith.index_cast %parallel_loop3A_400 : i32 to index
        %parallel_loop3A_402 = arith.index_cast %parallel_loop3A_399 : i32 to index
        %parallel_loop3A_403 = tpu.vector_load %arg10[%parallel_loop3A_401, %parallel_loop3A_402] {strides = array<i32>} : memref<16x2048xf32, #tpu.memory_space<vmem>>, vector<1x16xf32>,
        %parallel_loop3A_404 = vector.shape_cast %parallel_loop3A_403 : vector<1x16xf32> to vector<16xf32>
        %parallel_loop3A_405 = arith.mulf %parallel_loop3A_404, %get3A_139 : vector<16xf32>
        %parallel_loop3A_406 = arith.constant 16 : i32
        %parallel_loop3A_407 = arith.muli %parallel_loop3A_309, %parallel_loop3A_406 : i32
        %parallel_loop3A_408 = arith.constant 12 : i32
        %parallel_loop3A_409 = arith.index_cast %parallel_loop3A_408 : i32 to index
        %parallel_loop3A_410 = arith.index_cast %parallel_loop3A_407 : i32 to index
        %parallel_loop3A_411 = tpu.vector_load %arg10[%parallel_loop3A_409, %parallel_loop3A_410] {strides = array<i32>} : memref<16x2048xf32, #tpu.memory_space<vmem>>, vector<1x16xf32>,
        %parallel_loop3A_412 = vector.shape_cast %parallel_loop3A_411 : vector<1x16xf32> to vector<16xf32>
        %parallel_loop3A_413 = arith.mulf %parallel_loop3A_412, %get3A_144 : vector<16xf32>
        %parallel_loop3A_414 = arith.constant 16 : i32
        %parallel_loop3A_415 = arith.muli %parallel_loop3A_309, %parallel_loop3A_414 : i32
        %parallel_loop3A_416 = arith.constant 13 : i32
        %parallel_loop3A_417 = arith.index_cast %parallel_loop3A_416 : i32 to index
        %parallel_loop3A_418 = arith.index_cast %parallel_loop3A_415 : i32 to index
        %parallel_loop3A_419 = tpu.vector_load %arg10[%parallel_loop3A_417, %parallel_loop3A_418] {strides = array<i32>} : memref<16x2048xf32, #tpu.memory_space<vmem>>, vector<1x16xf32>,
        %parallel_loop3A_420 = vector.shape_cast %parallel_loop3A_419 : vector<1x16xf32> to vector<16xf32>
        %parallel_loop3A_421 = arith.mulf %parallel_loop3A_420, %get3A_149 : vector<16xf32>
        %parallel_loop3A_422 = arith.constant 16 : i32
        %parallel_loop3A_423 = arith.muli %parallel_loop3A_309, %parallel_loop3A_422 : i32
        %parallel_loop3A_424 = arith.constant 14 : i32
        %parallel_loop3A_425 = arith.index_cast %parallel_loop3A_424 : i32 to index
        %parallel_loop3A_426 = arith.index_cast %parallel_loop3A_423 : i32 to index
        %parallel_loop3A_427 = tpu.vector_load %arg10[%parallel_loop3A_425, %parallel_loop3A_426] {strides = array<i32>} : memref<16x2048xf32, #tpu.memory_space<vmem>>, vector<1x16xf32>,
        %parallel_loop3A_428 = vector.shape_cast %parallel_loop3A_427 : vector<1x16xf32> to vector<16xf32>
        %parallel_loop3A_429 = arith.mulf %parallel_loop3A_428, %get3A_154 : vector<16xf32>
        %parallel_loop3A_430 = arith.constant 16 : i32
        %parallel_loop3A_431 = arith.muli %parallel_loop3A_309, %parallel_loop3A_430 : i32
        %parallel_loop3A_432 = arith.constant 15 : i32
        %parallel_loop3A_433 = arith.index_cast %parallel_loop3A_432 : i32 to index
        %parallel_loop3A_434 = arith.index_cast %parallel_loop3A_431 : i32 to index
        %parallel_loop3A_435 = tpu.vector_load %arg10[%parallel_loop3A_433, %parallel_loop3A_434] {strides = array<i32>} : memref<16x2048xf32, #tpu.memory_space<vmem>>, vector<1x16xf32>,
        %parallel_loop3A_436 = vector.shape_cast %parallel_loop3A_435 : vector<1x16xf32> to vector<16xf32>
        %parallel_loop3A_437 = arith.mulf %parallel_loop3A_436, %get3A_159 : vector<16xf32>
        %parallel_loop3A_438 = arith.addf %parallel_loop3A_317, %parallel_loop3A_325 : vector<16xf32>
        %parallel_loop3A_439 = arith.addf %parallel_loop3A_333, %parallel_loop3A_341 : vector<16xf32>
        %parallel_loop3A_440 = arith.addf %parallel_loop3A_349, %parallel_loop3A_357 : vector<16xf32>
        %parallel_loop3A_441 = arith.addf %parallel_loop3A_365, %parallel_loop3A_373 : vector<16xf32>
        %parallel_loop3A_442 = arith.addf %parallel_loop3A_381, %parallel_loop3A_389 : vector<16xf32>
        %parallel_loop3A_443 = arith.addf %parallel_loop3A_397, %parallel_loop3A_405 : vector<16xf32>
        %parallel_loop3A_444 = arith.addf %parallel_loop3A_413, %parallel_loop3A_421 : vector<16xf32>
        %parallel_loop3A_445 = arith.addf %parallel_loop3A_429, %parallel_loop3A_437 : vector<16xf32>
        %parallel_loop3A_446 = arith.addf %parallel_loop3A_438, %parallel_loop3A_439 : vector<16xf32>
        %parallel_loop3A_447 = arith.addf %parallel_loop3A_440, %parallel_loop3A_441 : vector<16xf32>
        %parallel_loop3A_448 = arith.addf %parallel_loop3A_442, %parallel_loop3A_443 : vector<16xf32>
        %parallel_loop3A_449 = arith.addf %parallel_loop3A_444, %parallel_loop3A_445 : vector<16xf32>
        %parallel_loop3A_450 = arith.addf %parallel_loop3A_446, %parallel_loop3A_447 : vector<16xf32>
        %parallel_loop3A_451 = arith.addf %parallel_loop3A_448, %parallel_loop3A_449 : vector<16xf32>
        %parallel_loop3A_452 = arith.addf %parallel_loop3A_450, %parallel_loop3A_451 : vector<16xf32>
        %parallel_loop3A_453 = arith.constant 16 : i32
        %parallel_loop3A_454 = arith.muli %parallel_loop3A_309, %parallel_loop3A_453 : i32
        %parallel_loop3A_455 = arith.index_cast %parallel_loop3A_454 : i32 to index
        %parallel_loop3A_456 = tpu.vector_load %arg12[%parallel_loop3A_455] {strides = array<i32>} : memref<2048xf32, #tpu.memory_space<vmem>>, vector<16xf32>,
        %parallel_loop3A_457 = vector.shape_cast %parallel_loop3A_456 : vector<16xf32> to vector<16xf32>
        %parallel_loop3A_458 = vector.shape_cast %parallel_loop3A_452 : vector<16xf32> to vector<16xf32>
        tpu.vector_store %arg12[%parallel_loop3A_455], %parallel_loop3A_458 {strides = array<i32>} : memref<2048xf32, #tpu.memory_space<vmem>>, vector<16xf32>,
      } {sc.loop_unroll_factor = 4 : i64, sc.parallel_access}
      %mul3A_303 = arith.constant 2048 : i32
      %mul3A_304 = arith.muli %add3A_223, %mul3A_303 : i32
      %dma_start3A = arith.constant 1 : i32
      %dma_start3A_305 = tpu.memref_slice %arg8[%mul3A_304] : memref<100000xf32, #tpu.memory_space<hbm>> -> memref<2048xf32, #tpu.memory_space<hbm>>
      %dma_start3A_306 = tpu.memref_slice %arg16[%dma_start3A] : memref<2x!tpu.dma_semaphore, #tpu.memory_space<semaphore_mem>> -> memref<1x!tpu.dma_semaphore, #tpu.memory_space<semaphore_mem>>
      %dma_start3A_307 = tpu.memref_squeeze %dma_start3A_306 : memref<1x!tpu.dma_semaphore, #tpu.memory_space<semaphore_mem>> -> memref<!tpu.dma_semaphore, #tpu.memory_space<semaphore_mem>>
      %dma_start3A_308 = tpu.memref_slice %arg8[%mul3A_304] : memref<100000xf32, #tpu.memory_space<hbm>> -> memref<2048xf32, #tpu.memory_space<hbm>>
      tpu.enqueue_dma source(%arg12 : memref<2048xf32, #tpu.memory_space<vmem>>) target(%dma_start3A_308 : memref<2048xf32, #tpu.memory_space<hbm>>) target_semaphore(%dma_start3A_307 : memref<!tpu.dma_semaphore, #tpu.memory_space<semaphore_mem>>)
    } else {
    }
    %scan3A_229 = arith.constant 1 : i32
    %lt3A_230 = arith.constant 48 : i32
    %lt3A_231 = arith.cmpi slt, %add3A, %lt3A_230 : i32
    %sub3A_232 = arith.constant 47 : i32
    %sub3A_233 = arith.subi %sub3A_232, %add3A : i32
    %jit3A_234 = arith.constant 32 : i32
    %div3A_235 = arith.divsi %sub3A_233, %jit3A_234 : i32
    %sign3A_236 = arith.constant 0 : i32
    %sign3A_237 = arith.cmpi sgt, %sub3A_233, %sign3A_236 : i32
    %sign3A_238 = arith.extui %sign3A_237 : i1 to i32
    %sign3A_239 = arith.constant 0 : i32
    %sign3A_240 = arith.cmpi slt, %sub3A_233, %sign3A_239 : i32
    %sign3A_241 = arith.extui %sign3A_240 : i1 to i32
    %sign3A_242 = arith.subi %sign3A_238, %sign3A_241 : i32
    %sign3A_243 = arith.constant 0 : i32
    %sign3A_244 = arith.cmpi sgt, %jit3A_234, %sign3A_243 : i32
    %sign3A_245 = arith.extui %sign3A_244 : i1 to i32
    %sign3A_246 = arith.constant 0 : i32
    %sign3A_247 = arith.cmpi slt, %jit3A_234, %sign3A_246 : i32
    %sign3A_248 = arith.extui %sign3A_247 : i1 to i32
    %sign3A_249 = arith.subi %sign3A_245, %sign3A_248 : i32
    %ne3A_250 = arith.cmpi ne, %sign3A_242, %sign3A_249 : i32
    %rem3A_251 = arith.remsi %sub3A_233, %jit3A_234 : i32
    %ne3A_252 = arith.constant 0 : i32
    %ne3A_253 = arith.cmpi ne, %rem3A_251, %ne3A_252 : i32
    %and3A_254 = arith.andi %ne3A_250, %ne3A_253 : i1
    %sub3A_255 = arith.constant 1 : i32
    %sub3A_256 = arith.subi %div3A_235, %sub3A_255 : i32
    %select_n3A_257 = arith.select %and3A_254, %sub3A_256, %div3A_235 : i32
    %add3A_258 = arith.constant 1 : i32
    %add3A_259 = arith.addi %select_n3A_257, %add3A_258 : i32
    %jit3A_260 = arith.constant 0 : i32
    %select_n3A_261 = arith.select %lt3A_231, %add3A_259, %jit3A_260 : i32
    %ge3A_262 = arith.constant 2 : i32
    %ge3A_263 = arith.cmpi sge, %select_n3A_261, %ge3A_262 : i32
    %convert_element_type3A_264 = arith.extui %ge3A_263 : i1 to i32
    %cond3A_265 = arith.constant 0 : i32
    %cond3A_266 = arith.cmpi ne, %convert_element_type3A_264, %cond3A_265 : i32
    scf.if %cond3A_266 {
      %and3A_281 = arith.constant 1 : i32
      %and3A_282 = arith.andi %select_n3A_261, %and3A_281 : i32
      %dma_wait3A = arith.constant 0 : i32
      %dma_wait3A_283 = tpu.memref_slice %arg8[%dma_wait3A] : memref<100000xf32, #tpu.memory_space<hbm>> -> memref<2048xf32, #tpu.memory_space<hbm>>
      %dma_wait3A_284 = tpu.memref_slice %arg16[%and3A_282] : memref<2x!tpu.dma_semaphore, #tpu.memory_space<semaphore_mem>> -> memref<1x!tpu.dma_semaphore, #tpu.memory_space<semaphore_mem>>
      %dma_wait3A_285 = tpu.memref_squeeze %dma_wait3A_284 : memref<1x!tpu.dma_semaphore, #tpu.memory_space<semaphore_mem>> -> memref<!tpu.dma_semaphore, #tpu.memory_space<semaphore_mem>>
      %dma_wait3A_286 = arith.constant 0 : i32
      %dma_wait3A_287 = tpu.memref_slice %arg8[%dma_wait3A_286] : memref<100000xf32, #tpu.memory_space<hbm>> -> memref<2048xf32, #tpu.memory_space<hbm>>
      tpu.wait_dma2 semaphore(%dma_wait3A_285 : memref<!tpu.dma_semaphore, #tpu.memory_space<semaphore_mem>>) src(%arg11 : memref<2048xf32, #tpu.memory_space<vmem>>) dst(%dma_wait3A_287 : memref<2048xf32, #tpu.memory_space<hbm>>)
    } else {
    }
    %ge3A_267 = arith.constant 1 : i32
    %ge3A_268 = arith.cmpi sge, %select_n3A_261, %ge3A_267 : i32
    %convert_element_type3A_269 = arith.extui %ge3A_268 : i1 to i32
    %cond3A_270 = arith.constant 0 : i32
    %cond3A_271 = arith.cmpi ne, %convert_element_type3A_269, %cond3A_270 : i32
    scf.if %cond3A_271 {
      %add3A_281 = arith.constant 1 : i32
      %add3A_282 = arith.addi %select_n3A_261, %add3A_281 : i32
      %and3A_283 = arith.constant 1 : i32
      %and3A_284 = arith.andi %add3A_282, %and3A_283 : i32
      %dma_wait3A = arith.constant 0 : i32
      %dma_wait3A_285 = tpu.memref_slice %arg8[%dma_wait3A] : memref<100000xf32, #tpu.memory_space<hbm>> -> memref<2048xf32, #tpu.memory_space<hbm>>
      %dma_wait3A_286 = tpu.memref_slice %arg16[%and3A_284] : memref<2x!tpu.dma_semaphore, #tpu.memory_space<semaphore_mem>> -> memref<1x!tpu.dma_semaphore, #tpu.memory_space<semaphore_mem>>
      %dma_wait3A_287 = tpu.memref_squeeze %dma_wait3A_286 : memref<1x!tpu.dma_semaphore, #tpu.memory_space<semaphore_mem>> -> memref<!tpu.dma_semaphore, #tpu.memory_space<semaphore_mem>>
      %dma_wait3A_288 = arith.constant 0 : i32
      %dma_wait3A_289 = tpu.memref_slice %arg8[%dma_wait3A_288] : memref<100000xf32, #tpu.memory_space<hbm>> -> memref<2048xf32, #tpu.memory_space<hbm>>
      tpu.wait_dma2 semaphore(%dma_wait3A_287 : memref<!tpu.dma_semaphore, #tpu.memory_space<semaphore_mem>>) src(%arg11 : memref<2048xf32, #tpu.memory_space<vmem>>) dst(%dma_wait3A_289 : memref<2048xf32, #tpu.memory_space<hbm>>)
    } else {
    }
    %eq3A = arith.constant 0 : i32
    %eq3A_272 = arith.cmpi eq, %add3A, %eq3A : i32
    %convert_element_type3A_273 = arith.extui %eq3A_272 : i1 to i32
    %cond3A_274 = arith.constant 0 : i32
    %cond3A_275 = arith.cmpi ne, %convert_element_type3A_273, %cond3A_274 : i32
    scf.if %cond3A_275 {
      %get3A_281 = arith.constant 33 : i32
      %get3A_282 = arith.index_cast %get3A_281 : i32 to index
      %get3A_283 = arith.constant 0 : index
      %get3A_284 = tpu.vector_load %arg14[%get3A_282, %get3A_283] {strides = array<i32>} : memref<35x16xf32, #tpu.memory_space<vmem>>, vector<1x16xf32>,
      %get3A_285 = vector.shape_cast %get3A_284 : vector<1x16xf32> to vector<16xf32>
      "tpu.region"() ({
        %run_scoped3A = tpu.sem_alloc : memref<!tpu.dma_semaphore, #tpu.memory_space<semaphore_mem>>
        %dma_start3A = arith.constant 0 : i32
        %dma_start3A_292 = tpu.memref_slice %arg13[%dma_start3A] : memref<27136xf32, #tpu.memory_space<vmem>> -> memref<9216xf32, #tpu.memory_space<vmem>>
        %dma_start3A_293 = arith.constant 0 : i32
        %dma_start3A_294 = tpu.memref_slice %arg13[%dma_start3A_293] : memref<27136xf32, #tpu.memory_space<vmem>> -> memref<9216xf32, #tpu.memory_space<vmem>>
        tpu.enqueue_dma source(%arg4 : memref<9216xf32, #tpu.memory_space<hbm>>) target(%dma_start3A_294 : memref<9216xf32, #tpu.memory_space<vmem>>) target_semaphore(%run_scoped3A : memref<!tpu.dma_semaphore, #tpu.memory_space<semaphore_mem>>)
        %dma_wait3A = arith.constant 0 : i32
        %dma_wait3A_295 = tpu.memref_slice %arg13[%dma_wait3A] : memref<27136xf32, #tpu.memory_space<vmem>> -> memref<9216xf32, #tpu.memory_space<vmem>>
        %dma_wait3A_296 = arith.constant 0 : i32
        %dma_wait3A_297 = tpu.memref_slice %arg13[%dma_wait3A_296] : memref<27136xf32, #tpu.memory_space<vmem>> -> memref<9216xf32, #tpu.memory_space<vmem>>
        tpu.wait_dma2 semaphore(%run_scoped3A : memref<!tpu.dma_semaphore, #tpu.memory_space<semaphore_mem>>) src(%arg4 : memref<9216xf32, #tpu.memory_space<hbm>>) dst(%dma_wait3A_297 : memref<9216xf32, #tpu.memory_space<vmem>>)
        tpu.yield
      }) : () -> ()
      %scan3A_286 = arith.constant 0 : i32
      %scan3A_287 = arith.constant 0 : i32
      %scan3A_288 = arith.constant 36 : i32
      %scan3A_289 = arith.addi %scan3A_287, %scan3A_288 : i32
      %scan3A_290 = arith.constant 1 : i32
      scf.for %scan3A_292 = %scan3A_287 to %scan3A_289 step %scan3A_290  : i32 {
        %mul3A_293 = arith.constant 16 : i32
        %mul3A_294 = arith.muli %scan3A_292, %mul3A_293 : i32
        %add3A_295 = arith.constant 0 : i32
        %add3A_296 = arith.addi %mul3A_294, %add3A_295 : i32
        %mul3A_297 = arith.constant 16 : i32
        %mul3A_298 = arith.muli %add3A_296, %mul3A_297 : i32
        %get3A_299 = arith.index_cast %mul3A_298 : i32 to index
        %get3A_300 = tpu.vector_load %arg13[%get3A_299] {strides = array<i32>} : memref<27136xf32, #tpu.memory_space<vmem>>, vector<16xf32>,
        %get3A_301 = vector.shape_cast %get3A_300 : vector<16xf32> to vector<16xf32>
        %mul3A_302 = arith.mulf %get3A_301, %get3A_285 : vector<16xf32>
        %mul3A_303 = arith.constant 16 : i32
        %mul3A_304 = arith.muli %scan3A_292, %mul3A_303 : i32
        %add3A_305 = arith.constant 1 : i32
        %add3A_306 = arith.addi %mul3A_304, %add3A_305 : i32
        %mul3A_307 = arith.constant 16 : i32
        %mul3A_308 = arith.muli %add3A_306, %mul3A_307 : i32
        %get3A_309 = arith.index_cast %mul3A_308 : i32 to index
        %get3A_310 = tpu.vector_load %arg13[%get3A_309] {strides = array<i32>} : memref<27136xf32, #tpu.memory_space<vmem>>, vector<16xf32>,
        %get3A_311 = vector.shape_cast %get3A_310 : vector<16xf32> to vector<16xf32>
        %mul3A_312 = arith.mulf %get3A_311, %get3A_285 : vector<16xf32>
        %mul3A_313 = arith.constant 16 : i32
        %mul3A_314 = arith.muli %scan3A_292, %mul3A_313 : i32
        %add3A_315 = arith.constant 2 : i32
        %add3A_316 = arith.addi %mul3A_314, %add3A_315 : i32
        %mul3A_317 = arith.constant 16 : i32
        %mul3A_318 = arith.muli %add3A_316, %mul3A_317 : i32
        %get3A_319 = arith.index_cast %mul3A_318 : i32 to index
        %get3A_320 = tpu.vector_load %arg13[%get3A_319] {strides = array<i32>} : memref<27136xf32, #tpu.memory_space<vmem>>, vector<16xf32>,
        %get3A_321 = vector.shape_cast %get3A_320 : vector<16xf32> to vector<16xf32>
        %mul3A_322 = arith.mulf %get3A_321, %get3A_285 : vector<16xf32>
        %mul3A_323 = arith.constant 16 : i32
        %mul3A_324 = arith.muli %scan3A_292, %mul3A_323 : i32
        %add3A_325 = arith.constant 3 : i32
        %add3A_326 = arith.addi %mul3A_324, %add3A_325 : i32
        %mul3A_327 = arith.constant 16 : i32
        %mul3A_328 = arith.muli %add3A_326, %mul3A_327 : i32
        %get3A_329 = arith.index_cast %mul3A_328 : i32 to index
        %get3A_330 = tpu.vector_load %arg13[%get3A_329] {strides = array<i32>} : memref<27136xf32, #tpu.memory_space<vmem>>, vector<16xf32>,
        %get3A_331 = vector.shape_cast %get3A_330 : vector<16xf32> to vector<16xf32>
        %mul3A_332 = arith.mulf %get3A_331, %get3A_285 : vector<16xf32>
        %mul3A_333 = arith.constant 16 : i32
        %mul3A_334 = arith.muli %scan3A_292, %mul3A_333 : i32
        %add3A_335 = arith.constant 4 : i32
        %add3A_336 = arith.addi %mul3A_334, %add3A_335 : i32
        %mul3A_337 = arith.constant 16 : i32
        %mul3A_338 = arith.muli %add3A_336, %mul3A_337 : i32
        %get3A_339 = arith.index_cast %mul3A_338 : i32 to index
        %get3A_340 = tpu.vector_load %arg13[%get3A_339] {strides = array<i32>} : memref<27136xf32, #tpu.memory_space<vmem>>, vector<16xf32>,
        %get3A_341 = vector.shape_cast %get3A_340 : vector<16xf32> to vector<16xf32>
        %mul3A_342 = arith.mulf %get3A_341, %get3A_285 : vector<16xf32>
        %mul3A_343 = arith.constant 16 : i32
        %mul3A_344 = arith.muli %scan3A_292, %mul3A_343 : i32
        %add3A_345 = arith.constant 5 : i32
        %add3A_346 = arith.addi %mul3A_344, %add3A_345 : i32
        %mul3A_347 = arith.constant 16 : i32
        %mul3A_348 = arith.muli %add3A_346, %mul3A_347 : i32
        %get3A_349 = arith.index_cast %mul3A_348 : i32 to index
        %get3A_350 = tpu.vector_load %arg13[%get3A_349] {strides = array<i32>} : memref<27136xf32, #tpu.memory_space<vmem>>, vector<16xf32>,
        %get3A_351 = vector.shape_cast %get3A_350 : vector<16xf32> to vector<16xf32>
        %mul3A_352 = arith.mulf %get3A_351, %get3A_285 : vector<16xf32>
        %mul3A_353 = arith.constant 16 : i32
        %mul3A_354 = arith.muli %scan3A_292, %mul3A_353 : i32
        %add3A_355 = arith.constant 6 : i32
        %add3A_356 = arith.addi %mul3A_354, %add3A_355 : i32
        %mul3A_357 = arith.constant 16 : i32
        %mul3A_358 = arith.muli %add3A_356, %mul3A_357 : i32
        %get3A_359 = arith.index_cast %mul3A_358 : i32 to index
        %get3A_360 = tpu.vector_load %arg13[%get3A_359] {strides = array<i32>} : memref<27136xf32, #tpu.memory_space<vmem>>, vector<16xf32>,
        %get3A_361 = vector.shape_cast %get3A_360 : vector<16xf32> to vector<16xf32>
        %mul3A_362 = arith.mulf %get3A_361, %get3A_285 : vector<16xf32>
        %mul3A_363 = arith.constant 16 : i32
        %mul3A_364 = arith.muli %scan3A_292, %mul3A_363 : i32
        %add3A_365 = arith.constant 7 : i32
        %add3A_366 = arith.addi %mul3A_364, %add3A_365 : i32
        %mul3A_367 = arith.constant 16 : i32
        %mul3A_368 = arith.muli %add3A_366, %mul3A_367 : i32
        %get3A_369 = arith.index_cast %mul3A_368 : i32 to index
        %get3A_370 = tpu.vector_load %arg13[%get3A_369] {strides = array<i32>} : memref<27136xf32, #tpu.memory_space<vmem>>, vector<16xf32>,
        %get3A_371 = vector.shape_cast %get3A_370 : vector<16xf32> to vector<16xf32>
        %mul3A_372 = arith.mulf %get3A_371, %get3A_285 : vector<16xf32>
        %mul3A_373 = arith.constant 16 : i32
        %mul3A_374 = arith.muli %scan3A_292, %mul3A_373 : i32
        %add3A_375 = arith.constant 8 : i32
        %add3A_376 = arith.addi %mul3A_374, %add3A_375 : i32
        %mul3A_377 = arith.constant 16 : i32
        %mul3A_378 = arith.muli %add3A_376, %mul3A_377 : i32
        %get3A_379 = arith.index_cast %mul3A_378 : i32 to index
        %get3A_380 = tpu.vector_load %arg13[%get3A_379] {strides = array<i32>} : memref<27136xf32, #tpu.memory_space<vmem>>, vector<16xf32>,
        %get3A_381 = vector.shape_cast %get3A_380 : vector<16xf32> to vector<16xf32>
        %mul3A_382 = arith.mulf %get3A_381, %get3A_285 : vector<16xf32>
        %mul3A_383 = arith.constant 16 : i32
        %mul3A_384 = arith.muli %scan3A_292, %mul3A_383 : i32
        %add3A_385 = arith.constant 9 : i32
        %add3A_386 = arith.addi %mul3A_384, %add3A_385 : i32
        %mul3A_387 = arith.constant 16 : i32
        %mul3A_388 = arith.muli %add3A_386, %mul3A_387 : i32
        %get3A_389 = arith.index_cast %mul3A_388 : i32 to index
        %get3A_390 = tpu.vector_load %arg13[%get3A_389] {strides = array<i32>} : memref<27136xf32, #tpu.memory_space<vmem>>, vector<16xf32>,
        %get3A_391 = vector.shape_cast %get3A_390 : vector<16xf32> to vector<16xf32>
        %mul3A_392 = arith.mulf %get3A_391, %get3A_285 : vector<16xf32>
        %mul3A_393 = arith.constant 16 : i32
        %mul3A_394 = arith.muli %scan3A_292, %mul3A_393 : i32
        %add3A_395 = arith.constant 10 : i32
        %add3A_396 = arith.addi %mul3A_394, %add3A_395 : i32
        %mul3A_397 = arith.constant 16 : i32
        %mul3A_398 = arith.muli %add3A_396, %mul3A_397 : i32
        %get3A_399 = arith.index_cast %mul3A_398 : i32 to index
        %get3A_400 = tpu.vector_load %arg13[%get3A_399] {strides = array<i32>} : memref<27136xf32, #tpu.memory_space<vmem>>, vector<16xf32>,
        %get3A_401 = vector.shape_cast %get3A_400 : vector<16xf32> to vector<16xf32>
        %mul3A_402 = arith.mulf %get3A_401, %get3A_285 : vector<16xf32>
        %mul3A_403 = arith.constant 16 : i32
        %mul3A_404 = arith.muli %scan3A_292, %mul3A_403 : i32
        %add3A_405 = arith.constant 11 : i32
        %add3A_406 = arith.addi %mul3A_404, %add3A_405 : i32
        %mul3A_407 = arith.constant 16 : i32
        %mul3A_408 = arith.muli %add3A_406, %mul3A_407 : i32
        %get3A_409 = arith.index_cast %mul3A_408 : i32 to index
        %get3A_410 = tpu.vector_load %arg13[%get3A_409] {strides = array<i32>} : memref<27136xf32, #tpu.memory_space<vmem>>, vector<16xf32>,
        %get3A_411 = vector.shape_cast %get3A_410 : vector<16xf32> to vector<16xf32>
        %mul3A_412 = arith.mulf %get3A_411, %get3A_285 : vector<16xf32>
        %mul3A_413 = arith.constant 16 : i32
        %mul3A_414 = arith.muli %scan3A_292, %mul3A_413 : i32
        %add3A_415 = arith.constant 12 : i32
        %add3A_416 = arith.addi %mul3A_414, %add3A_415 : i32
        %mul3A_417 = arith.constant 16 : i32
        %mul3A_418 = arith.muli %add3A_416, %mul3A_417 : i32
        %get3A_419 = arith.index_cast %mul3A_418 : i32 to index
        %get3A_420 = tpu.vector_load %arg13[%get3A_419] {strides = array<i32>} : memref<27136xf32, #tpu.memory_space<vmem>>, vector<16xf32>,
        %get3A_421 = vector.shape_cast %get3A_420 : vector<16xf32> to vector<16xf32>
        %mul3A_422 = arith.mulf %get3A_421, %get3A_285 : vector<16xf32>
        %mul3A_423 = arith.constant 16 : i32
        %mul3A_424 = arith.muli %scan3A_292, %mul3A_423 : i32
        %add3A_425 = arith.constant 13 : i32
        %add3A_426 = arith.addi %mul3A_424, %add3A_425 : i32
        %mul3A_427 = arith.constant 16 : i32
        %mul3A_428 = arith.muli %add3A_426, %mul3A_427 : i32
        %get3A_429 = arith.index_cast %mul3A_428 : i32 to index
        %get3A_430 = tpu.vector_load %arg13[%get3A_429] {strides = array<i32>} : memref<27136xf32, #tpu.memory_space<vmem>>, vector<16xf32>,
        %get3A_431 = vector.shape_cast %get3A_430 : vector<16xf32> to vector<16xf32>
        %mul3A_432 = arith.mulf %get3A_431, %get3A_285 : vector<16xf32>
        %mul3A_433 = arith.constant 16 : i32
        %mul3A_434 = arith.muli %scan3A_292, %mul3A_433 : i32
        %add3A_435 = arith.constant 14 : i32
        %add3A_436 = arith.addi %mul3A_434, %add3A_435 : i32
        %mul3A_437 = arith.constant 16 : i32
        %mul3A_438 = arith.muli %add3A_436, %mul3A_437 : i32
        %get3A_439 = arith.index_cast %mul3A_438 : i32 to index
        %get3A_440 = tpu.vector_load %arg13[%get3A_439] {strides = array<i32>} : memref<27136xf32, #tpu.memory_space<vmem>>, vector<16xf32>,
        %get3A_441 = vector.shape_cast %get3A_440 : vector<16xf32> to vector<16xf32>
        %mul3A_442 = arith.mulf %get3A_441, %get3A_285 : vector<16xf32>
        %mul3A_443 = arith.constant 16 : i32
        %mul3A_444 = arith.muli %scan3A_292, %mul3A_443 : i32
        %add3A_445 = arith.constant 15 : i32
        %add3A_446 = arith.addi %mul3A_444, %add3A_445 : i32
        %mul3A_447 = arith.constant 16 : i32
        %mul3A_448 = arith.muli %add3A_446, %mul3A_447 : i32
        %get3A_449 = arith.index_cast %mul3A_448 : i32 to index
        %get3A_450 = tpu.vector_load %arg13[%get3A_449] {strides = array<i32>} : memref<27136xf32, #tpu.memory_space<vmem>>, vector<16xf32>,
        %get3A_451 = vector.shape_cast %get3A_450 : vector<16xf32> to vector<16xf32>
        %mul3A_452 = arith.mulf %get3A_451, %get3A_285 : vector<16xf32>
        %and3A_453 = arith.constant 8 : i32
        %and3A_454 = vector.broadcast %and3A_453 : i32 to vector<16xi32>
        %and3A_455 = arith.andi %iota3A, %and3A_454 : vector<16xi32>
        %eq3A_456 = arith.constant 0 : i32
        %eq3A_457 = vector.broadcast %eq3A_456 : i32 to vector<16xi32>
        %eq3A_458 = arith.cmpi eq, %and3A_455, %eq3A_457 : vector<16xi32>
        %xor3A = arith.constant 8 : i32
        %xor3A_459 = vector.broadcast %xor3A : i32 to vector<16xi32>
        %xor3A_460 = arith.xori %iota3A, %xor3A_459 : vector<16xi32>
        %reshape3A = vector.shape_cast %xor3A_460 : vector<16xi32> to vector<16x1xi32>
        %gather3A = vector.shape_cast %reshape3A : vector<16x1xi32> to vector<16xi32>
        %gather3A_461 = tpu.dynamic_gather %mul3A_302[%gather3A] in [0] : vector<16xf32>, vector<16xi32> -> vector<16xf32>
        %add3A_462 = arith.addf %mul3A_302, %gather3A_461 : vector<16xf32>
        %xor3A_463 = arith.constant 8 : i32
        %xor3A_464 = vector.broadcast %xor3A_463 : i32 to vector<16xi32>
        %xor3A_465 = arith.xori %iota3A, %xor3A_464 : vector<16xi32>
        %reshape3A_466 = vector.shape_cast %xor3A_465 : vector<16xi32> to vector<16x1xi32>
        %gather3A_467 = vector.shape_cast %reshape3A_466 : vector<16x1xi32> to vector<16xi32>
        %gather3A_468 = tpu.dynamic_gather %mul3A_382[%gather3A_467] in [0] : vector<16xf32>, vector<16xi32> -> vector<16xf32>
        %add3A_469 = arith.addf %mul3A_382, %gather3A_468 : vector<16xf32>
        %select_n3A_470 = arith.select %eq3A_458, %add3A_462, %add3A_469 : vector<16xi1>, vector<16xf32>
        %and3A_471 = arith.constant 8 : i32
        %and3A_472 = vector.broadcast %and3A_471 : i32 to vector<16xi32>
        %and3A_473 = arith.andi %iota3A, %and3A_472 : vector<16xi32>
        %eq3A_474 = arith.constant 0 : i32
        %eq3A_475 = vector.broadcast %eq3A_474 : i32 to vector<16xi32>
        %eq3A_476 = arith.cmpi eq, %and3A_473, %eq3A_475 : vector<16xi32>
        %xor3A_477 = arith.constant 8 : i32
        %xor3A_478 = vector.broadcast %xor3A_477 : i32 to vector<16xi32>
        %xor3A_479 = arith.xori %iota3A, %xor3A_478 : vector<16xi32>
        %reshape3A_480 = vector.shape_cast %xor3A_479 : vector<16xi32> to vector<16x1xi32>
        %gather3A_481 = vector.shape_cast %reshape3A_480 : vector<16x1xi32> to vector<16xi32>
        %gather3A_482 = tpu.dynamic_gather %mul3A_312[%gather3A_481] in [0] : vector<16xf32>, vector<16xi32> -> vector<16xf32>
        %add3A_483 = arith.addf %mul3A_312, %gather3A_482 : vector<16xf32>
        %xor3A_484 = arith.constant 8 : i32
        %xor3A_485 = vector.broadcast %xor3A_484 : i32 to vector<16xi32>
        %xor3A_486 = arith.xori %iota3A, %xor3A_485 : vector<16xi32>
        %reshape3A_487 = vector.shape_cast %xor3A_486 : vector<16xi32> to vector<16x1xi32>
        %gather3A_488 = vector.shape_cast %reshape3A_487 : vector<16x1xi32> to vector<16xi32>
        %gather3A_489 = tpu.dynamic_gather %mul3A_392[%gather3A_488] in [0] : vector<16xf32>, vector<16xi32> -> vector<16xf32>
        %add3A_490 = arith.addf %mul3A_392, %gather3A_489 : vector<16xf32>
        %select_n3A_491 = arith.select %eq3A_476, %add3A_483, %add3A_490 : vector<16xi1>, vector<16xf32>
        %and3A_492 = arith.constant 8 : i32
        %and3A_493 = vector.broadcast %and3A_492 : i32 to vector<16xi32>
        %and3A_494 = arith.andi %iota3A, %and3A_493 : vector<16xi32>
        %eq3A_495 = arith.constant 0 : i32
        %eq3A_496 = vector.broadcast %eq3A_495 : i32 to vector<16xi32>
        %eq3A_497 = arith.cmpi eq, %and3A_494, %eq3A_496 : vector<16xi32>
        %xor3A_498 = arith.constant 8 : i32
        %xor3A_499 = vector.broadcast %xor3A_498 : i32 to vector<16xi32>
        %xor3A_500 = arith.xori %iota3A, %xor3A_499 : vector<16xi32>
        %reshape3A_501 = vector.shape_cast %xor3A_500 : vector<16xi32> to vector<16x1xi32>
        %gather3A_502 = vector.shape_cast %reshape3A_501 : vector<16x1xi32> to vector<16xi32>
        %gather3A_503 = tpu.dynamic_gather %mul3A_322[%gather3A_502] in [0] : vector<16xf32>, vector<16xi32> -> vector<16xf32>
        %add3A_504 = arith.addf %mul3A_322, %gather3A_503 : vector<16xf32>
        %xor3A_505 = arith.constant 8 : i32
        %xor3A_506 = vector.broadcast %xor3A_505 : i32 to vector<16xi32>
        %xor3A_507 = arith.xori %iota3A, %xor3A_506 : vector<16xi32>
        %reshape3A_508 = vector.shape_cast %xor3A_507 : vector<16xi32> to vector<16x1xi32>
        %gather3A_509 = vector.shape_cast %reshape3A_508 : vector<16x1xi32> to vector<16xi32>
        %gather3A_510 = tpu.dynamic_gather %mul3A_402[%gather3A_509] in [0] : vector<16xf32>, vector<16xi32> -> vector<16xf32>
        %add3A_511 = arith.addf %mul3A_402, %gather3A_510 : vector<16xf32>
        %select_n3A_512 = arith.select %eq3A_497, %add3A_504, %add3A_511 : vector<16xi1>, vector<16xf32>
        %and3A_513 = arith.constant 8 : i32
        %and3A_514 = vector.broadcast %and3A_513 : i32 to vector<16xi32>
        %and3A_515 = arith.andi %iota3A, %and3A_514 : vector<16xi32>
        %eq3A_516 = arith.constant 0 : i32
        %eq3A_517 = vector.broadcast %eq3A_516 : i32 to vector<16xi32>
        %eq3A_518 = arith.cmpi eq, %and3A_515, %eq3A_517 : vector<16xi32>
        %xor3A_519 = arith.constant 8 : i32
        %xor3A_520 = vector.broadcast %xor3A_519 : i32 to vector<16xi32>
        %xor3A_521 = arith.xori %iota3A, %xor3A_520 : vector<16xi32>
        %reshape3A_522 = vector.shape_cast %xor3A_521 : vector<16xi32> to vector<16x1xi32>
        %gather3A_523 = vector.shape_cast %reshape3A_522 : vector<16x1xi32> to vector<16xi32>
        %gather3A_524 = tpu.dynamic_gather %mul3A_332[%gather3A_523] in [0] : vector<16xf32>, vector<16xi32> -> vector<16xf32>
        %add3A_525 = arith.addf %mul3A_332, %gather3A_524 : vector<16xf32>
        %xor3A_526 = arith.constant 8 : i32
        %xor3A_527 = vector.broadcast %xor3A_526 : i32 to vector<16xi32>
        %xor3A_528 = arith.xori %iota3A, %xor3A_527 : vector<16xi32>
        %reshape3A_529 = vector.shape_cast %xor3A_528 : vector<16xi32> to vector<16x1xi32>
        %gather3A_530 = vector.shape_cast %reshape3A_529 : vector<16x1xi32> to vector<16xi32>
        %gather3A_531 = tpu.dynamic_gather %mul3A_412[%gather3A_530] in [0] : vector<16xf32>, vector<16xi32> -> vector<16xf32>
        %add3A_532 = arith.addf %mul3A_412, %gather3A_531 : vector<16xf32>
        %select_n3A_533 = arith.select %eq3A_518, %add3A_525, %add3A_532 : vector<16xi1>, vector<16xf32>
        %and3A_534 = arith.constant 8 : i32
        %and3A_535 = vector.broadcast %and3A_534 : i32 to vector<16xi32>
        %and3A_536 = arith.andi %iota3A, %and3A_535 : vector<16xi32>
        %eq3A_537 = arith.constant 0 : i32
        %eq3A_538 = vector.broadcast %eq3A_537 : i32 to vector<16xi32>
        %eq3A_539 = arith.cmpi eq, %and3A_536, %eq3A_538 : vector<16xi32>
        %xor3A_540 = arith.constant 8 : i32
        %xor3A_541 = vector.broadcast %xor3A_540 : i32 to vector<16xi32>
        %xor3A_542 = arith.xori %iota3A, %xor3A_541 : vector<16xi32>
        %reshape3A_543 = vector.shape_cast %xor3A_542 : vector<16xi32> to vector<16x1xi32>
        %gather3A_544 = vector.shape_cast %reshape3A_543 : vector<16x1xi32> to vector<16xi32>
        %gather3A_545 = tpu.dynamic_gather %mul3A_342[%gather3A_544] in [0] : vector<16xf32>, vector<16xi32> -> vector<16xf32>
        %add3A_546 = arith.addf %mul3A_342, %gather3A_545 : vector<16xf32>
        %xor3A_547 = arith.constant 8 : i32
        %xor3A_548 = vector.broadcast %xor3A_547 : i32 to vector<16xi32>
        %xor3A_549 = arith.xori %iota3A, %xor3A_548 : vector<16xi32>
        %reshape3A_550 = vector.shape_cast %xor3A_549 : vector<16xi32> to vector<16x1xi32>
        %gather3A_551 = vector.shape_cast %reshape3A_550 : vector<16x1xi32> to vector<16xi32>
        %gather3A_552 = tpu.dynamic_gather %mul3A_422[%gather3A_551] in [0] : vector<16xf32>, vector<16xi32> -> vector<16xf32>
        %add3A_553 = arith.addf %mul3A_422, %gather3A_552 : vector<16xf32>
        %select_n3A_554 = arith.select %eq3A_539, %add3A_546, %add3A_553 : vector<16xi1>, vector<16xf32>
        %and3A_555 = arith.constant 8 : i32
        %and3A_556 = vector.broadcast %and3A_555 : i32 to vector<16xi32>
        %and3A_557 = arith.andi %iota3A, %and3A_556 : vector<16xi32>
        %eq3A_558 = arith.constant 0 : i32
        %eq3A_559 = vector.broadcast %eq3A_558 : i32 to vector<16xi32>
        %eq3A_560 = arith.cmpi eq, %and3A_557, %eq3A_559 : vector<16xi32>
        %xor3A_561 = arith.constant 8 : i32
        %xor3A_562 = vector.broadcast %xor3A_561 : i32 to vector<16xi32>
        %xor3A_563 = arith.xori %iota3A, %xor3A_562 : vector<16xi32>
        %reshape3A_564 = vector.shape_cast %xor3A_563 : vector<16xi32> to vector<16x1xi32>
        %gather3A_565 = vector.shape_cast %reshape3A_564 : vector<16x1xi32> to vector<16xi32>
        %gather3A_566 = tpu.dynamic_gather %mul3A_352[%gather3A_565] in [0] : vector<16xf32>, vector<16xi32> -> vector<16xf32>
        %add3A_567 = arith.addf %mul3A_352, %gather3A_566 : vector<16xf32>
        %xor3A_568 = arith.constant 8 : i32
        %xor3A_569 = vector.broadcast %xor3A_568 : i32 to vector<16xi32>
        %xor3A_570 = arith.xori %iota3A, %xor3A_569 : vector<16xi32>
        %reshape3A_571 = vector.shape_cast %xor3A_570 : vector<16xi32> to vector<16x1xi32>
        %gather3A_572 = vector.shape_cast %reshape3A_571 : vector<16x1xi32> to vector<16xi32>
        %gather3A_573 = tpu.dynamic_gather %mul3A_432[%gather3A_572] in [0] : vector<16xf32>, vector<16xi32> -> vector<16xf32>
        %add3A_574 = arith.addf %mul3A_432, %gather3A_573 : vector<16xf32>
        %select_n3A_575 = arith.select %eq3A_560, %add3A_567, %add3A_574 : vector<16xi1>, vector<16xf32>
        %and3A_576 = arith.constant 8 : i32
        %and3A_577 = vector.broadcast %and3A_576 : i32 to vector<16xi32>
        %and3A_578 = arith.andi %iota3A, %and3A_577 : vector<16xi32>
        %eq3A_579 = arith.constant 0 : i32
        %eq3A_580 = vector.broadcast %eq3A_579 : i32 to vector<16xi32>
        %eq3A_581 = arith.cmpi eq, %and3A_578, %eq3A_580 : vector<16xi32>
        %xor3A_582 = arith.constant 8 : i32
        %xor3A_583 = vector.broadcast %xor3A_582 : i32 to vector<16xi32>
        %xor3A_584 = arith.xori %iota3A, %xor3A_583 : vector<16xi32>
        %reshape3A_585 = vector.shape_cast %xor3A_584 : vector<16xi32> to vector<16x1xi32>
        %gather3A_586 = vector.shape_cast %reshape3A_585 : vector<16x1xi32> to vector<16xi32>
        %gather3A_587 = tpu.dynamic_gather %mul3A_362[%gather3A_586] in [0] : vector<16xf32>, vector<16xi32> -> vector<16xf32>
        %add3A_588 = arith.addf %mul3A_362, %gather3A_587 : vector<16xf32>
        %xor3A_589 = arith.constant 8 : i32
        %xor3A_590 = vector.broadcast %xor3A_589 : i32 to vector<16xi32>
        %xor3A_591 = arith.xori %iota3A, %xor3A_590 : vector<16xi32>
        %reshape3A_592 = vector.shape_cast %xor3A_591 : vector<16xi32> to vector<16x1xi32>
        %gather3A_593 = vector.shape_cast %reshape3A_592 : vector<16x1xi32> to vector<16xi32>
        %gather3A_594 = tpu.dynamic_gather %mul3A_442[%gather3A_593] in [0] : vector<16xf32>, vector<16xi32> -> vector<16xf32>
        %add3A_595 = arith.addf %mul3A_442, %gather3A_594 : vector<16xf32>
        %select_n3A_596 = arith.select %eq3A_581, %add3A_588, %add3A_595 : vector<16xi1>, vector<16xf32>
        %and3A_597 = arith.constant 8 : i32
        %and3A_598 = vector.broadcast %and3A_597 : i32 to vector<16xi32>
        %and3A_599 = arith.andi %iota3A, %and3A_598 : vector<16xi32>
        %eq3A_600 = arith.constant 0 : i32
        %eq3A_601 = vector.broadcast %eq3A_600 : i32 to vector<16xi32>
        %eq3A_602 = arith.cmpi eq, %and3A_599, %eq3A_601 : vector<16xi32>
        %xor3A_603 = arith.constant 8 : i32
        %xor3A_604 = vector.broadcast %xor3A_603 : i32 to vector<16xi32>
        %xor3A_605 = arith.xori %iota3A, %xor3A_604 : vector<16xi32>
        %reshape3A_606 = vector.shape_cast %xor3A_605 : vector<16xi32> to vector<16x1xi32>
        %gather3A_607 = vector.shape_cast %reshape3A_606 : vector<16x1xi32> to vector<16xi32>
        %gather3A_608 = tpu.dynamic_gather %mul3A_372[%gather3A_607] in [0] : vector<16xf32>, vector<16xi32> -> vector<16xf32>
        %add3A_609 = arith.addf %mul3A_372, %gather3A_608 : vector<16xf32>
        %xor3A_610 = arith.constant 8 : i32
        %xor3A_611 = vector.broadcast %xor3A_610 : i32 to vector<16xi32>
        %xor3A_612 = arith.xori %iota3A, %xor3A_611 : vector<16xi32>
        %reshape3A_613 = vector.shape_cast %xor3A_612 : vector<16xi32> to vector<16x1xi32>
        %gather3A_614 = vector.shape_cast %reshape3A_613 : vector<16x1xi32> to vector<16xi32>
        %gather3A_615 = tpu.dynamic_gather %mul3A_452[%gather3A_614] in [0] : vector<16xf32>, vector<16xi32> -> vector<16xf32>
        %add3A_616 = arith.addf %mul3A_452, %gather3A_615 : vector<16xf32>
        %select_n3A_617 = arith.select %eq3A_602, %add3A_609, %add3A_616 : vector<16xi1>, vector<16xf32>
        %and3A_618 = arith.constant 4 : i32
        %and3A_619 = vector.broadcast %and3A_618 : i32 to vector<16xi32>
        %and3A_620 = arith.andi %iota3A, %and3A_619 : vector<16xi32>
        %eq3A_621 = arith.constant 0 : i32
        %eq3A_622 = vector.broadcast %eq3A_621 : i32 to vector<16xi32>
        %eq3A_623 = arith.cmpi eq, %and3A_620, %eq3A_622 : vector<16xi32>
        %xor3A_624 = arith.constant 4 : i32
        %xor3A_625 = vector.broadcast %xor3A_624 : i32 to vector<16xi32>
        %xor3A_626 = arith.xori %iota3A, %xor3A_625 : vector<16xi32>
        %reshape3A_627 = vector.shape_cast %xor3A_626 : vector<16xi32> to vector<16x1xi32>
        %gather3A_628 = vector.shape_cast %reshape3A_627 : vector<16x1xi32> to vector<16xi32>
        %gather3A_629 = tpu.dynamic_gather %select_n3A_470[%gather3A_628] in [0] : vector<16xf32>, vector<16xi32> -> vector<16xf32>
        %add3A_630 = arith.addf %select_n3A_470, %gather3A_629 : vector<16xf32>
        %xor3A_631 = arith.constant 4 : i32
        %xor3A_632 = vector.broadcast %xor3A_631 : i32 to vector<16xi32>
        %xor3A_633 = arith.xori %iota3A, %xor3A_632 : vector<16xi32>
        %reshape3A_634 = vector.shape_cast %xor3A_633 : vector<16xi32> to vector<16x1xi32>
        %gather3A_635 = vector.shape_cast %reshape3A_634 : vector<16x1xi32> to vector<16xi32>
        %gather3A_636 = tpu.dynamic_gather %select_n3A_554[%gather3A_635] in [0] : vector<16xf32>, vector<16xi32> -> vector<16xf32>
        %add3A_637 = arith.addf %select_n3A_554, %gather3A_636 : vector<16xf32>
        %select_n3A_638 = arith.select %eq3A_623, %add3A_630, %add3A_637 : vector<16xi1>, vector<16xf32>
        %and3A_639 = arith.constant 4 : i32
        %and3A_640 = vector.broadcast %and3A_639 : i32 to vector<16xi32>
        %and3A_641 = arith.andi %iota3A, %and3A_640 : vector<16xi32>
        %eq3A_642 = arith.constant 0 : i32
        %eq3A_643 = vector.broadcast %eq3A_642 : i32 to vector<16xi32>
        %eq3A_644 = arith.cmpi eq, %and3A_641, %eq3A_643 : vector<16xi32>
        %xor3A_645 = arith.constant 4 : i32
        %xor3A_646 = vector.broadcast %xor3A_645 : i32 to vector<16xi32>
        %xor3A_647 = arith.xori %iota3A, %xor3A_646 : vector<16xi32>
        %reshape3A_648 = vector.shape_cast %xor3A_647 : vector<16xi32> to vector<16x1xi32>
        %gather3A_649 = vector.shape_cast %reshape3A_648 : vector<16x1xi32> to vector<16xi32>
        %gather3A_650 = tpu.dynamic_gather %select_n3A_491[%gather3A_649] in [0] : vector<16xf32>, vector<16xi32> -> vector<16xf32>
        %add3A_651 = arith.addf %select_n3A_491, %gather3A_650 : vector<16xf32>
        %xor3A_652 = arith.constant 4 : i32
        %xor3A_653 = vector.broadcast %xor3A_652 : i32 to vector<16xi32>
        %xor3A_654 = arith.xori %iota3A, %xor3A_653 : vector<16xi32>
        %reshape3A_655 = vector.shape_cast %xor3A_654 : vector<16xi32> to vector<16x1xi32>
        %gather3A_656 = vector.shape_cast %reshape3A_655 : vector<16x1xi32> to vector<16xi32>
        %gather3A_657 = tpu.dynamic_gather %select_n3A_575[%gather3A_656] in [0] : vector<16xf32>, vector<16xi32> -> vector<16xf32>
        %add3A_658 = arith.addf %select_n3A_575, %gather3A_657 : vector<16xf32>
        %select_n3A_659 = arith.select %eq3A_644, %add3A_651, %add3A_658 : vector<16xi1>, vector<16xf32>
        %and3A_660 = arith.constant 4 : i32
        %and3A_661 = vector.broadcast %and3A_660 : i32 to vector<16xi32>
        %and3A_662 = arith.andi %iota3A, %and3A_661 : vector<16xi32>
        %eq3A_663 = arith.constant 0 : i32
        %eq3A_664 = vector.broadcast %eq3A_663 : i32 to vector<16xi32>
        %eq3A_665 = arith.cmpi eq, %and3A_662, %eq3A_664 : vector<16xi32>
        %xor3A_666 = arith.constant 4 : i32
        %xor3A_667 = vector.broadcast %xor3A_666 : i32 to vector<16xi32>
        %xor3A_668 = arith.xori %iota3A, %xor3A_667 : vector<16xi32>
        %reshape3A_669 = vector.shape_cast %xor3A_668 : vector<16xi32> to vector<16x1xi32>
        %gather3A_670 = vector.shape_cast %reshape3A_669 : vector<16x1xi32> to vector<16xi32>
        %gather3A_671 = tpu.dynamic_gather %select_n3A_512[%gather3A_670] in [0] : vector<16xf32>, vector<16xi32> -> vector<16xf32>
        %add3A_672 = arith.addf %select_n3A_512, %gather3A_671 : vector<16xf32>
        %xor3A_673 = arith.constant 4 : i32
        %xor3A_674 = vector.broadcast %xor3A_673 : i32 to vector<16xi32>
        %xor3A_675 = arith.xori %iota3A, %xor3A_674 : vector<16xi32>
        %reshape3A_676 = vector.shape_cast %xor3A_675 : vector<16xi32> to vector<16x1xi32>
        %gather3A_677 = vector.shape_cast %reshape3A_676 : vector<16x1xi32> to vector<16xi32>
        %gather3A_678 = tpu.dynamic_gather %select_n3A_596[%gather3A_677] in [0] : vector<16xf32>, vector<16xi32> -> vector<16xf32>
        %add3A_679 = arith.addf %select_n3A_596, %gather3A_678 : vector<16xf32>
        %select_n3A_680 = arith.select %eq3A_665, %add3A_672, %add3A_679 : vector<16xi1>, vector<16xf32>
        %and3A_681 = arith.constant 4 : i32
        %and3A_682 = vector.broadcast %and3A_681 : i32 to vector<16xi32>
        %and3A_683 = arith.andi %iota3A, %and3A_682 : vector<16xi32>
        %eq3A_684 = arith.constant 0 : i32
        %eq3A_685 = vector.broadcast %eq3A_684 : i32 to vector<16xi32>
        %eq3A_686 = arith.cmpi eq, %and3A_683, %eq3A_685 : vector<16xi32>
        %xor3A_687 = arith.constant 4 : i32
        %xor3A_688 = vector.broadcast %xor3A_687 : i32 to vector<16xi32>
        %xor3A_689 = arith.xori %iota3A, %xor3A_688 : vector<16xi32>
        %reshape3A_690 = vector.shape_cast %xor3A_689 : vector<16xi32> to vector<16x1xi32>
        %gather3A_691 = vector.shape_cast %reshape3A_690 : vector<16x1xi32> to vector<16xi32>
        %gather3A_692 = tpu.dynamic_gather %select_n3A_533[%gather3A_691] in [0] : vector<16xf32>, vector<16xi32> -> vector<16xf32>
        %add3A_693 = arith.addf %select_n3A_533, %gather3A_692 : vector<16xf32>
        %xor3A_694 = arith.constant 4 : i32
        %xor3A_695 = vector.broadcast %xor3A_694 : i32 to vector<16xi32>
        %xor3A_696 = arith.xori %iota3A, %xor3A_695 : vector<16xi32>
        %reshape3A_697 = vector.shape_cast %xor3A_696 : vector<16xi32> to vector<16x1xi32>
        %gather3A_698 = vector.shape_cast %reshape3A_697 : vector<16x1xi32> to vector<16xi32>
        %gather3A_699 = tpu.dynamic_gather %select_n3A_617[%gather3A_698] in [0] : vector<16xf32>, vector<16xi32> -> vector<16xf32>
        %add3A_700 = arith.addf %select_n3A_617, %gather3A_699 : vector<16xf32>
        %select_n3A_701 = arith.select %eq3A_686, %add3A_693, %add3A_700 : vector<16xi1>, vector<16xf32>
        %and3A_702 = arith.constant 2 : i32
        %and3A_703 = vector.broadcast %and3A_702 : i32 to vector<16xi32>
        %and3A_704 = arith.andi %iota3A, %and3A_703 : vector<16xi32>
        %eq3A_705 = arith.constant 0 : i32
        %eq3A_706 = vector.broadcast %eq3A_705 : i32 to vector<16xi32>
        %eq3A_707 = arith.cmpi eq, %and3A_704, %eq3A_706 : vector<16xi32>
        %xor3A_708 = arith.constant 2 : i32
        %xor3A_709 = vector.broadcast %xor3A_708 : i32 to vector<16xi32>
        %xor3A_710 = arith.xori %iota3A, %xor3A_709 : vector<16xi32>
        %reshape3A_711 = vector.shape_cast %xor3A_710 : vector<16xi32> to vector<16x1xi32>
        %gather3A_712 = vector.shape_cast %reshape3A_711 : vector<16x1xi32> to vector<16xi32>
        %gather3A_713 = tpu.dynamic_gather %select_n3A_638[%gather3A_712] in [0] : vector<16xf32>, vector<16xi32> -> vector<16xf32>
        %add3A_714 = arith.addf %select_n3A_638, %gather3A_713 : vector<16xf32>
        %xor3A_715 = arith.constant 2 : i32
        %xor3A_716 = vector.broadcast %xor3A_715 : i32 to vector<16xi32>
        %xor3A_717 = arith.xori %iota3A, %xor3A_716 : vector<16xi32>
        %reshape3A_718 = vector.shape_cast %xor3A_717 : vector<16xi32> to vector<16x1xi32>
        %gather3A_719 = vector.shape_cast %reshape3A_718 : vector<16x1xi32> to vector<16xi32>
        %gather3A_720 = tpu.dynamic_gather %select_n3A_680[%gather3A_719] in [0] : vector<16xf32>, vector<16xi32> -> vector<16xf32>
        %add3A_721 = arith.addf %select_n3A_680, %gather3A_720 : vector<16xf32>
        %select_n3A_722 = arith.select %eq3A_707, %add3A_714, %add3A_721 : vector<16xi1>, vector<16xf32>
        %and3A_723 = arith.constant 2 : i32
        %and3A_724 = vector.broadcast %and3A_723 : i32 to vector<16xi32>
        %and3A_725 = arith.andi %iota3A, %and3A_724 : vector<16xi32>
        %eq3A_726 = arith.constant 0 : i32
        %eq3A_727 = vector.broadcast %eq3A_726 : i32 to vector<16xi32>
        %eq3A_728 = arith.cmpi eq, %and3A_725, %eq3A_727 : vector<16xi32>
        %xor3A_729 = arith.constant 2 : i32
        %xor3A_730 = vector.broadcast %xor3A_729 : i32 to vector<16xi32>
        %xor3A_731 = arith.xori %iota3A, %xor3A_730 : vector<16xi32>
        %reshape3A_732 = vector.shape_cast %xor3A_731 : vector<16xi32> to vector<16x1xi32>
        %gather3A_733 = vector.shape_cast %reshape3A_732 : vector<16x1xi32> to vector<16xi32>
        %gather3A_734 = tpu.dynamic_gather %select_n3A_659[%gather3A_733] in [0] : vector<16xf32>, vector<16xi32> -> vector<16xf32>
        %add3A_735 = arith.addf %select_n3A_659, %gather3A_734 : vector<16xf32>
        %xor3A_736 = arith.constant 2 : i32
        %xor3A_737 = vector.broadcast %xor3A_736 : i32 to vector<16xi32>
        %xor3A_738 = arith.xori %iota3A, %xor3A_737 : vector<16xi32>
        %reshape3A_739 = vector.shape_cast %xor3A_738 : vector<16xi32> to vector<16x1xi32>
        %gather3A_740 = vector.shape_cast %reshape3A_739 : vector<16x1xi32> to vector<16xi32>
        %gather3A_741 = tpu.dynamic_gather %select_n3A_701[%gather3A_740] in [0] : vector<16xf32>, vector<16xi32> -> vector<16xf32>
        %add3A_742 = arith.addf %select_n3A_701, %gather3A_741 : vector<16xf32>
        %select_n3A_743 = arith.select %eq3A_728, %add3A_735, %add3A_742 : vector<16xi1>, vector<16xf32>
        %and3A_744 = arith.constant 1 : i32
        %and3A_745 = vector.broadcast %and3A_744 : i32 to vector<16xi32>
        %and3A_746 = arith.andi %iota3A, %and3A_745 : vector<16xi32>
        %eq3A_747 = arith.constant 0 : i32
        %eq3A_748 = vector.broadcast %eq3A_747 : i32 to vector<16xi32>
        %eq3A_749 = arith.cmpi eq, %and3A_746, %eq3A_748 : vector<16xi32>
        %xor3A_750 = arith.constant 1 : i32
        %xor3A_751 = vector.broadcast %xor3A_750 : i32 to vector<16xi32>
        %xor3A_752 = arith.xori %iota3A, %xor3A_751 : vector<16xi32>
        %reshape3A_753 = vector.shape_cast %xor3A_752 : vector<16xi32> to vector<16x1xi32>
        %gather3A_754 = vector.shape_cast %reshape3A_753 : vector<16x1xi32> to vector<16xi32>
        %gather3A_755 = tpu.dynamic_gather %select_n3A_722[%gather3A_754] in [0] : vector<16xf32>, vector<16xi32> -> vector<16xf32>
        %add3A_756 = arith.addf %select_n3A_722, %gather3A_755 : vector<16xf32>
        %xor3A_757 = arith.constant 1 : i32
        %xor3A_758 = vector.broadcast %xor3A_757 : i32 to vector<16xi32>
        %xor3A_759 = arith.xori %iota3A, %xor3A_758 : vector<16xi32>
        %reshape3A_760 = vector.shape_cast %xor3A_759 : vector<16xi32> to vector<16x1xi32>
        %gather3A_761 = vector.shape_cast %reshape3A_760 : vector<16x1xi32> to vector<16xi32>
        %gather3A_762 = tpu.dynamic_gather %select_n3A_743[%gather3A_761] in [0] : vector<16xf32>, vector<16xi32> -> vector<16xf32>
        %add3A_763 = arith.addf %select_n3A_743, %gather3A_762 : vector<16xf32>
        %select_n3A_764 = arith.select %eq3A_749, %add3A_756, %add3A_763 : vector<16xi1>, vector<16xf32>
        %mul3A_765 = arith.constant 16 : i32
        %mul3A_766 = arith.muli %scan3A_292, %mul3A_765 : i32
        %swap3A = arith.index_cast %mul3A_766 : i32 to index
        %swap3A_767 = tpu.vector_load %arg11[%swap3A] {strides = array<i32>} : memref<2048xf32, #tpu.memory_space<vmem>>, vector<16xf32>,
        %swap3A_768 = vector.shape_cast %swap3A_767 : vector<16xf32> to vector<16xf32>
        %swap3A_769 = vector.shape_cast %select_n3A_764 : vector<16xf32> to vector<16xf32>
        tpu.vector_store %arg11[%swap3A], %swap3A_769 {strides = array<i32>} : memref<2048xf32, #tpu.memory_space<vmem>>, vector<16xf32>,
      }
      %scan3A_291 = arith.constant 36 : i32
      "tpu.region"() ({
        %run_scoped3A = tpu.sem_alloc : memref<!tpu.dma_semaphore, #tpu.memory_space<semaphore_mem>>
        %dma_start3A = arith.constant 0 : i32
        %dma_start3A_292 = tpu.memref_slice %arg11[%dma_start3A] : memref<2048xf32, #tpu.memory_space<vmem>> -> memref<576xf32, #tpu.memory_space<vmem>>
        %dma_start3A_293 = arith.constant 999424 : i32
        %dma_start3A_294 = tpu.memref_slice %arg7[%dma_start3A_293] : memref<1000000xf32, #tpu.memory_space<hbm>> -> memref<576xf32, #tpu.memory_space<hbm>>
        %dma_start3A_295 = arith.constant 999424 : i32
        %dma_start3A_296 = tpu.memref_slice %arg7[%dma_start3A_295] : memref<1000000xf32, #tpu.memory_space<hbm>> -> memref<576xf32, #tpu.memory_space<hbm>>
        %dma_start3A_297 = arith.constant 0 : i32
        %dma_start3A_298 = tpu.memref_slice %arg11[%dma_start3A_297] : memref<2048xf32, #tpu.memory_space<vmem>> -> memref<576xf32, #tpu.memory_space<vmem>>
        tpu.enqueue_dma source(%dma_start3A_298 : memref<576xf32, #tpu.memory_space<vmem>>) target(%dma_start3A_296 : memref<576xf32, #tpu.memory_space<hbm>>) target_semaphore(%run_scoped3A : memref<!tpu.dma_semaphore, #tpu.memory_space<semaphore_mem>>)
        %dma_wait3A = arith.constant 0 : i32
        %dma_wait3A_299 = tpu.memref_slice %arg11[%dma_wait3A] : memref<2048xf32, #tpu.memory_space<vmem>> -> memref<576xf32, #tpu.memory_space<vmem>>
        %dma_wait3A_300 = arith.constant 999424 : i32
        %dma_wait3A_301 = tpu.memref_slice %arg7[%dma_wait3A_300] : memref<1000000xf32, #tpu.memory_space<hbm>> -> memref<576xf32, #tpu.memory_space<hbm>>
        %dma_wait3A_302 = arith.constant 999424 : i32
        %dma_wait3A_303 = tpu.memref_slice %arg7[%dma_wait3A_302] : memref<1000000xf32, #tpu.memory_space<hbm>> -> memref<576xf32, #tpu.memory_space<hbm>>
        %dma_wait3A_304 = arith.constant 0 : i32
        %dma_wait3A_305 = tpu.memref_slice %arg11[%dma_wait3A_304] : memref<2048xf32, #tpu.memory_space<vmem>> -> memref<576xf32, #tpu.memory_space<vmem>>
        tpu.wait_dma2 semaphore(%run_scoped3A : memref<!tpu.dma_semaphore, #tpu.memory_space<semaphore_mem>>) src(%dma_wait3A_305 : memref<576xf32, #tpu.memory_space<vmem>>) dst(%dma_wait3A_303 : memref<576xf32, #tpu.memory_space<hbm>>)
        tpu.yield
      }) : () -> ()
    } else {
    }
    %eq3A_276 = arith.constant 1 : i32
    %eq3A_277 = arith.cmpi eq, %add3A, %eq3A_276 : i32
    %convert_element_type3A_278 = arith.extui %eq3A_277 : i1 to i32
    %cond3A_279 = arith.constant 0 : i32
    %cond3A_280 = arith.cmpi ne, %convert_element_type3A_278, %cond3A_279 : i32
    scf.if %cond3A_280 {
      %get3A_281 = arith.constant 34 : i32
      %get3A_282 = arith.index_cast %get3A_281 : i32 to index
      %get3A_283 = arith.constant 0 : index
      %get3A_284 = tpu.vector_load %arg14[%get3A_282, %get3A_283] {strides = array<i32>} : memref<35x16xf32, #tpu.memory_space<vmem>>, vector<1x16xf32>,
      %get3A_285 = vector.shape_cast %get3A_284 : vector<1x16xf32> to vector<16xf32>
      "tpu.region"() ({
        %run_scoped3A = tpu.sem_alloc : memref<!tpu.dma_semaphore, #tpu.memory_space<semaphore_mem>>
        %dma_start3A = arith.constant 0 : i32
        %dma_start3A_292 = tpu.memref_slice %arg13[%dma_start3A] : memref<27136xf32, #tpu.memory_space<vmem>> -> memref<27136xf32, #tpu.memory_space<vmem>>
        %dma_start3A_293 = arith.constant 0 : i32
        %dma_start3A_294 = tpu.memref_slice %arg13[%dma_start3A_293] : memref<27136xf32, #tpu.memory_space<vmem>> -> memref<27136xf32, #tpu.memory_space<vmem>>
        tpu.enqueue_dma source(%arg5 : memref<27136xf32, #tpu.memory_space<hbm>>) target(%dma_start3A_294 : memref<27136xf32, #tpu.memory_space<vmem>>) target_semaphore(%run_scoped3A : memref<!tpu.dma_semaphore, #tpu.memory_space<semaphore_mem>>)
        %dma_wait3A = arith.constant 0 : i32
        %dma_wait3A_295 = tpu.memref_slice %arg13[%dma_wait3A] : memref<27136xf32, #tpu.memory_space<vmem>> -> memref<27136xf32, #tpu.memory_space<vmem>>
        %dma_wait3A_296 = arith.constant 0 : i32
        %dma_wait3A_297 = tpu.memref_slice %arg13[%dma_wait3A_296] : memref<27136xf32, #tpu.memory_space<vmem>> -> memref<27136xf32, #tpu.memory_space<vmem>>
        tpu.wait_dma2 semaphore(%run_scoped3A : memref<!tpu.dma_semaphore, #tpu.memory_space<semaphore_mem>>) src(%arg5 : memref<27136xf32, #tpu.memory_space<hbm>>) dst(%dma_wait3A_297 : memref<27136xf32, #tpu.memory_space<vmem>>)
        tpu.yield
      }) : () -> ()
      %scan3A_286 = arith.constant 0 : i32
      %scan3A_287 = arith.constant 0 : i32
      %scan3A_288 = arith.constant 106 : i32
      %scan3A_289 = arith.addi %scan3A_287, %scan3A_288 : i32
      %scan3A_290 = arith.constant 1 : i32
      scf.for %scan3A_292 = %scan3A_287 to %scan3A_289 step %scan3A_290  : i32 {
        %mul3A_293 = arith.constant 16 : i32
        %mul3A_294 = arith.muli %scan3A_292, %mul3A_293 : i32
        %add3A_295 = arith.constant 0 : i32
        %add3A_296 = arith.addi %mul3A_294, %add3A_295 : i32
        %mul3A_297 = arith.constant 16 : i32
        %mul3A_298 = arith.muli %add3A_296, %mul3A_297 : i32
        %get3A_299 = arith.index_cast %mul3A_298 : i32 to index
        %get3A_300 = tpu.vector_load %arg13[%get3A_299] {strides = array<i32>} : memref<27136xf32, #tpu.memory_space<vmem>>, vector<16xf32>,
        %get3A_301 = vector.shape_cast %get3A_300 : vector<16xf32> to vector<16xf32>
        %mul3A_302 = arith.mulf %get3A_301, %get3A_285 : vector<16xf32>
        %mul3A_303 = arith.constant 16 : i32
        %mul3A_304 = arith.muli %scan3A_292, %mul3A_303 : i32
        %add3A_305 = arith.constant 1 : i32
        %add3A_306 = arith.addi %mul3A_304, %add3A_305 : i32
        %mul3A_307 = arith.constant 16 : i32
        %mul3A_308 = arith.muli %add3A_306, %mul3A_307 : i32
        %get3A_309 = arith.index_cast %mul3A_308 : i32 to index
        %get3A_310 = tpu.vector_load %arg13[%get3A_309] {strides = array<i32>} : memref<27136xf32, #tpu.memory_space<vmem>>, vector<16xf32>,
        %get3A_311 = vector.shape_cast %get3A_310 : vector<16xf32> to vector<16xf32>
        %mul3A_312 = arith.mulf %get3A_311, %get3A_285 : vector<16xf32>
        %mul3A_313 = arith.constant 16 : i32
        %mul3A_314 = arith.muli %scan3A_292, %mul3A_313 : i32
        %add3A_315 = arith.constant 2 : i32
        %add3A_316 = arith.addi %mul3A_314, %add3A_315 : i32
        %mul3A_317 = arith.constant 16 : i32
        %mul3A_318 = arith.muli %add3A_316, %mul3A_317 : i32
        %get3A_319 = arith.index_cast %mul3A_318 : i32 to index
        %get3A_320 = tpu.vector_load %arg13[%get3A_319] {strides = array<i32>} : memref<27136xf32, #tpu.memory_space<vmem>>, vector<16xf32>,
        %get3A_321 = vector.shape_cast %get3A_320 : vector<16xf32> to vector<16xf32>
        %mul3A_322 = arith.mulf %get3A_321, %get3A_285 : vector<16xf32>
        %mul3A_323 = arith.constant 16 : i32
        %mul3A_324 = arith.muli %scan3A_292, %mul3A_323 : i32
        %add3A_325 = arith.constant 3 : i32
        %add3A_326 = arith.addi %mul3A_324, %add3A_325 : i32
        %mul3A_327 = arith.constant 16 : i32
        %mul3A_328 = arith.muli %add3A_326, %mul3A_327 : i32
        %get3A_329 = arith.index_cast %mul3A_328 : i32 to index
        %get3A_330 = tpu.vector_load %arg13[%get3A_329] {strides = array<i32>} : memref<27136xf32, #tpu.memory_space<vmem>>, vector<16xf32>,
        %get3A_331 = vector.shape_cast %get3A_330 : vector<16xf32> to vector<16xf32>
        %mul3A_332 = arith.mulf %get3A_331, %get3A_285 : vector<16xf32>
        %mul3A_333 = arith.constant 16 : i32
        %mul3A_334 = arith.muli %scan3A_292, %mul3A_333 : i32
        %add3A_335 = arith.constant 4 : i32
        %add3A_336 = arith.addi %mul3A_334, %add3A_335 : i32
        %mul3A_337 = arith.constant 16 : i32
        %mul3A_338 = arith.muli %add3A_336, %mul3A_337 : i32
        %get3A_339 = arith.index_cast %mul3A_338 : i32 to index
        %get3A_340 = tpu.vector_load %arg13[%get3A_339] {strides = array<i32>} : memref<27136xf32, #tpu.memory_space<vmem>>, vector<16xf32>,
        %get3A_341 = vector.shape_cast %get3A_340 : vector<16xf32> to vector<16xf32>
        %mul3A_342 = arith.mulf %get3A_341, %get3A_285 : vector<16xf32>
        %mul3A_343 = arith.constant 16 : i32
        %mul3A_344 = arith.muli %scan3A_292, %mul3A_343 : i32
        %add3A_345 = arith.constant 5 : i32
        %add3A_346 = arith.addi %mul3A_344, %add3A_345 : i32
        %mul3A_347 = arith.constant 16 : i32
        %mul3A_348 = arith.muli %add3A_346, %mul3A_347 : i32
        %get3A_349 = arith.index_cast %mul3A_348 : i32 to index
        %get3A_350 = tpu.vector_load %arg13[%get3A_349] {strides = array<i32>} : memref<27136xf32, #tpu.memory_space<vmem>>, vector<16xf32>,
        %get3A_351 = vector.shape_cast %get3A_350 : vector<16xf32> to vector<16xf32>
        %mul3A_352 = arith.mulf %get3A_351, %get3A_285 : vector<16xf32>
        %mul3A_353 = arith.constant 16 : i32
        %mul3A_354 = arith.muli %scan3A_292, %mul3A_353 : i32
        %add3A_355 = arith.constant 6 : i32
        %add3A_356 = arith.addi %mul3A_354, %add3A_355 : i32
        %mul3A_357 = arith.constant 16 : i32
        %mul3A_358 = arith.muli %add3A_356, %mul3A_357 : i32
        %get3A_359 = arith.index_cast %mul3A_358 : i32 to index
        %get3A_360 = tpu.vector_load %arg13[%get3A_359] {strides = array<i32>} : memref<27136xf32, #tpu.memory_space<vmem>>, vector<16xf32>,
        %get3A_361 = vector.shape_cast %get3A_360 : vector<16xf32> to vector<16xf32>
        %mul3A_362 = arith.mulf %get3A_361, %get3A_285 : vector<16xf32>
        %mul3A_363 = arith.constant 16 : i32
        %mul3A_364 = arith.muli %scan3A_292, %mul3A_363 : i32
        %add3A_365 = arith.constant 7 : i32
        %add3A_366 = arith.addi %mul3A_364, %add3A_365 : i32
        %mul3A_367 = arith.constant 16 : i32
        %mul3A_368 = arith.muli %add3A_366, %mul3A_367 : i32
        %get3A_369 = arith.index_cast %mul3A_368 : i32 to index
        %get3A_370 = tpu.vector_load %arg13[%get3A_369] {strides = array<i32>} : memref<27136xf32, #tpu.memory_space<vmem>>, vector<16xf32>,
        %get3A_371 = vector.shape_cast %get3A_370 : vector<16xf32> to vector<16xf32>
        %mul3A_372 = arith.mulf %get3A_371, %get3A_285 : vector<16xf32>
        %mul3A_373 = arith.constant 16 : i32
        %mul3A_374 = arith.muli %scan3A_292, %mul3A_373 : i32
        %add3A_375 = arith.constant 8 : i32
        %add3A_376 = arith.addi %mul3A_374, %add3A_375 : i32
        %mul3A_377 = arith.constant 16 : i32
        %mul3A_378 = arith.muli %add3A_376, %mul3A_377 : i32
        %get3A_379 = arith.index_cast %mul3A_378 : i32 to index
        %get3A_380 = tpu.vector_load %arg13[%get3A_379] {strides = array<i32>} : memref<27136xf32, #tpu.memory_space<vmem>>, vector<16xf32>,
        %get3A_381 = vector.shape_cast %get3A_380 : vector<16xf32> to vector<16xf32>
        %mul3A_382 = arith.mulf %get3A_381, %get3A_285 : vector<16xf32>
        %mul3A_383 = arith.constant 16 : i32
        %mul3A_384 = arith.muli %scan3A_292, %mul3A_383 : i32
        %add3A_385 = arith.constant 9 : i32
        %add3A_386 = arith.addi %mul3A_384, %add3A_385 : i32
        %mul3A_387 = arith.constant 16 : i32
        %mul3A_388 = arith.muli %add3A_386, %mul3A_387 : i32
        %get3A_389 = arith.index_cast %mul3A_388 : i32 to index
        %get3A_390 = tpu.vector_load %arg13[%get3A_389] {strides = array<i32>} : memref<27136xf32, #tpu.memory_space<vmem>>, vector<16xf32>,
        %get3A_391 = vector.shape_cast %get3A_390 : vector<16xf32> to vector<16xf32>
        %mul3A_392 = arith.mulf %get3A_391, %get3A_285 : vector<16xf32>
        %mul3A_393 = arith.constant 16 : i32
        %mul3A_394 = arith.muli %scan3A_292, %mul3A_393 : i32
        %add3A_395 = arith.constant 10 : i32
        %add3A_396 = arith.addi %mul3A_394, %add3A_395 : i32
        %mul3A_397 = arith.constant 16 : i32
        %mul3A_398 = arith.muli %add3A_396, %mul3A_397 : i32
        %get3A_399 = arith.index_cast %mul3A_398 : i32 to index
        %get3A_400 = tpu.vector_load %arg13[%get3A_399] {strides = array<i32>} : memref<27136xf32, #tpu.memory_space<vmem>>, vector<16xf32>,
        %get3A_401 = vector.shape_cast %get3A_400 : vector<16xf32> to vector<16xf32>
        %mul3A_402 = arith.mulf %get3A_401, %get3A_285 : vector<16xf32>
        %mul3A_403 = arith.constant 16 : i32
        %mul3A_404 = arith.muli %scan3A_292, %mul3A_403 : i32
        %add3A_405 = arith.constant 11 : i32
        %add3A_406 = arith.addi %mul3A_404, %add3A_405 : i32
        %mul3A_407 = arith.constant 16 : i32
        %mul3A_408 = arith.muli %add3A_406, %mul3A_407 : i32
        %get3A_409 = arith.index_cast %mul3A_408 : i32 to index
        %get3A_410 = tpu.vector_load %arg13[%get3A_409] {strides = array<i32>} : memref<27136xf32, #tpu.memory_space<vmem>>, vector<16xf32>,
        %get3A_411 = vector.shape_cast %get3A_410 : vector<16xf32> to vector<16xf32>
        %mul3A_412 = arith.mulf %get3A_411, %get3A_285 : vector<16xf32>
        %mul3A_413 = arith.constant 16 : i32
        %mul3A_414 = arith.muli %scan3A_292, %mul3A_413 : i32
        %add3A_415 = arith.constant 12 : i32
        %add3A_416 = arith.addi %mul3A_414, %add3A_415 : i32
        %mul3A_417 = arith.constant 16 : i32
        %mul3A_418 = arith.muli %add3A_416, %mul3A_417 : i32
        %get3A_419 = arith.index_cast %mul3A_418 : i32 to index
        %get3A_420 = tpu.vector_load %arg13[%get3A_419] {strides = array<i32>} : memref<27136xf32, #tpu.memory_space<vmem>>, vector<16xf32>,
        %get3A_421 = vector.shape_cast %get3A_420 : vector<16xf32> to vector<16xf32>
        %mul3A_422 = arith.mulf %get3A_421, %get3A_285 : vector<16xf32>
        %mul3A_423 = arith.constant 16 : i32
        %mul3A_424 = arith.muli %scan3A_292, %mul3A_423 : i32
        %add3A_425 = arith.constant 13 : i32
        %add3A_426 = arith.addi %mul3A_424, %add3A_425 : i32
        %mul3A_427 = arith.constant 16 : i32
        %mul3A_428 = arith.muli %add3A_426, %mul3A_427 : i32
        %get3A_429 = arith.index_cast %mul3A_428 : i32 to index
        %get3A_430 = tpu.vector_load %arg13[%get3A_429] {strides = array<i32>} : memref<27136xf32, #tpu.memory_space<vmem>>, vector<16xf32>,
        %get3A_431 = vector.shape_cast %get3A_430 : vector<16xf32> to vector<16xf32>
        %mul3A_432 = arith.mulf %get3A_431, %get3A_285 : vector<16xf32>
        %mul3A_433 = arith.constant 16 : i32
        %mul3A_434 = arith.muli %scan3A_292, %mul3A_433 : i32
        %add3A_435 = arith.constant 14 : i32
        %add3A_436 = arith.addi %mul3A_434, %add3A_435 : i32
        %mul3A_437 = arith.constant 16 : i32
        %mul3A_438 = arith.muli %add3A_436, %mul3A_437 : i32
        %get3A_439 = arith.index_cast %mul3A_438 : i32 to index
        %get3A_440 = tpu.vector_load %arg13[%get3A_439] {strides = array<i32>} : memref<27136xf32, #tpu.memory_space<vmem>>, vector<16xf32>,
        %get3A_441 = vector.shape_cast %get3A_440 : vector<16xf32> to vector<16xf32>
        %mul3A_442 = arith.mulf %get3A_441, %get3A_285 : vector<16xf32>
        %mul3A_443 = arith.constant 16 : i32
        %mul3A_444 = arith.muli %scan3A_292, %mul3A_443 : i32
        %add3A_445 = arith.constant 15 : i32
        %add3A_446 = arith.addi %mul3A_444, %add3A_445 : i32
        %mul3A_447 = arith.constant 16 : i32
        %mul3A_448 = arith.muli %add3A_446, %mul3A_447 : i32
        %get3A_449 = arith.index_cast %mul3A_448 : i32 to index
        %get3A_450 = tpu.vector_load %arg13[%get3A_449] {strides = array<i32>} : memref<27136xf32, #tpu.memory_space<vmem>>, vector<16xf32>,
        %get3A_451 = vector.shape_cast %get3A_450 : vector<16xf32> to vector<16xf32>
        %mul3A_452 = arith.mulf %get3A_451, %get3A_285 : vector<16xf32>
        %and3A_453 = arith.constant 8 : i32
        %and3A_454 = vector.broadcast %and3A_453 : i32 to vector<16xi32>
        %and3A_455 = arith.andi %iota3A, %and3A_454 : vector<16xi32>
        %eq3A_456 = arith.constant 0 : i32
        %eq3A_457 = vector.broadcast %eq3A_456 : i32 to vector<16xi32>
        %eq3A_458 = arith.cmpi eq, %and3A_455, %eq3A_457 : vector<16xi32>
        %xor3A = arith.constant 8 : i32
        %xor3A_459 = vector.broadcast %xor3A : i32 to vector<16xi32>
        %xor3A_460 = arith.xori %iota3A, %xor3A_459 : vector<16xi32>
        %reshape3A = vector.shape_cast %xor3A_460 : vector<16xi32> to vector<16x1xi32>
        %gather3A = vector.shape_cast %reshape3A : vector<16x1xi32> to vector<16xi32>
        %gather3A_461 = tpu.dynamic_gather %mul3A_302[%gather3A] in [0] : vector<16xf32>, vector<16xi32> -> vector<16xf32>
        %add3A_462 = arith.addf %mul3A_302, %gather3A_461 : vector<16xf32>
        %xor3A_463 = arith.constant 8 : i32
        %xor3A_464 = vector.broadcast %xor3A_463 : i32 to vector<16xi32>
        %xor3A_465 = arith.xori %iota3A, %xor3A_464 : vector<16xi32>
        %reshape3A_466 = vector.shape_cast %xor3A_465 : vector<16xi32> to vector<16x1xi32>
        %gather3A_467 = vector.shape_cast %reshape3A_466 : vector<16x1xi32> to vector<16xi32>
        %gather3A_468 = tpu.dynamic_gather %mul3A_382[%gather3A_467] in [0] : vector<16xf32>, vector<16xi32> -> vector<16xf32>
        %add3A_469 = arith.addf %mul3A_382, %gather3A_468 : vector<16xf32>
        %select_n3A_470 = arith.select %eq3A_458, %add3A_462, %add3A_469 : vector<16xi1>, vector<16xf32>
        %and3A_471 = arith.constant 8 : i32
        %and3A_472 = vector.broadcast %and3A_471 : i32 to vector<16xi32>
        %and3A_473 = arith.andi %iota3A, %and3A_472 : vector<16xi32>
        %eq3A_474 = arith.constant 0 : i32
        %eq3A_475 = vector.broadcast %eq3A_474 : i32 to vector<16xi32>
        %eq3A_476 = arith.cmpi eq, %and3A_473, %eq3A_475 : vector<16xi32>
        %xor3A_477 = arith.constant 8 : i32
        %xor3A_478 = vector.broadcast %xor3A_477 : i32 to vector<16xi32>
        %xor3A_479 = arith.xori %iota3A, %xor3A_478 : vector<16xi32>
        %reshape3A_480 = vector.shape_cast %xor3A_479 : vector<16xi32> to vector<16x1xi32>
        %gather3A_481 = vector.shape_cast %reshape3A_480 : vector<16x1xi32> to vector<16xi32>
        %gather3A_482 = tpu.dynamic_gather %mul3A_312[%gather3A_481] in [0] : vector<16xf32>, vector<16xi32> -> vector<16xf32>
        %add3A_483 = arith.addf %mul3A_312, %gather3A_482 : vector<16xf32>
        %xor3A_484 = arith.constant 8 : i32
        %xor3A_485 = vector.broadcast %xor3A_484 : i32 to vector<16xi32>
        %xor3A_486 = arith.xori %iota3A, %xor3A_485 : vector<16xi32>
        %reshape3A_487 = vector.shape_cast %xor3A_486 : vector<16xi32> to vector<16x1xi32>
        %gather3A_488 = vector.shape_cast %reshape3A_487 : vector<16x1xi32> to vector<16xi32>
        %gather3A_489 = tpu.dynamic_gather %mul3A_392[%gather3A_488] in [0] : vector<16xf32>, vector<16xi32> -> vector<16xf32>
        %add3A_490 = arith.addf %mul3A_392, %gather3A_489 : vector<16xf32>
        %select_n3A_491 = arith.select %eq3A_476, %add3A_483, %add3A_490 : vector<16xi1>, vector<16xf32>
        %and3A_492 = arith.constant 8 : i32
        %and3A_493 = vector.broadcast %and3A_492 : i32 to vector<16xi32>
        %and3A_494 = arith.andi %iota3A, %and3A_493 : vector<16xi32>
        %eq3A_495 = arith.constant 0 : i32
        %eq3A_496 = vector.broadcast %eq3A_495 : i32 to vector<16xi32>
        %eq3A_497 = arith.cmpi eq, %and3A_494, %eq3A_496 : vector<16xi32>
        %xor3A_498 = arith.constant 8 : i32
        %xor3A_499 = vector.broadcast %xor3A_498 : i32 to vector<16xi32>
        %xor3A_500 = arith.xori %iota3A, %xor3A_499 : vector<16xi32>
        %reshape3A_501 = vector.shape_cast %xor3A_500 : vector<16xi32> to vector<16x1xi32>
        %gather3A_502 = vector.shape_cast %reshape3A_501 : vector<16x1xi32> to vector<16xi32>
        %gather3A_503 = tpu.dynamic_gather %mul3A_322[%gather3A_502] in [0] : vector<16xf32>, vector<16xi32> -> vector<16xf32>
        %add3A_504 = arith.addf %mul3A_322, %gather3A_503 : vector<16xf32>
        %xor3A_505 = arith.constant 8 : i32
        %xor3A_506 = vector.broadcast %xor3A_505 : i32 to vector<16xi32>
        %xor3A_507 = arith.xori %iota3A, %xor3A_506 : vector<16xi32>
        %reshape3A_508 = vector.shape_cast %xor3A_507 : vector<16xi32> to vector<16x1xi32>
        %gather3A_509 = vector.shape_cast %reshape3A_508 : vector<16x1xi32> to vector<16xi32>
        %gather3A_510 = tpu.dynamic_gather %mul3A_402[%gather3A_509] in [0] : vector<16xf32>, vector<16xi32> -> vector<16xf32>
        %add3A_511 = arith.addf %mul3A_402, %gather3A_510 : vector<16xf32>
        %select_n3A_512 = arith.select %eq3A_497, %add3A_504, %add3A_511 : vector<16xi1>, vector<16xf32>
        %and3A_513 = arith.constant 8 : i32
        %and3A_514 = vector.broadcast %and3A_513 : i32 to vector<16xi32>
        %and3A_515 = arith.andi %iota3A, %and3A_514 : vector<16xi32>
        %eq3A_516 = arith.constant 0 : i32
        %eq3A_517 = vector.broadcast %eq3A_516 : i32 to vector<16xi32>
        %eq3A_518 = arith.cmpi eq, %and3A_515, %eq3A_517 : vector<16xi32>
        %xor3A_519 = arith.constant 8 : i32
        %xor3A_520 = vector.broadcast %xor3A_519 : i32 to vector<16xi32>
        %xor3A_521 = arith.xori %iota3A, %xor3A_520 : vector<16xi32>
        %reshape3A_522 = vector.shape_cast %xor3A_521 : vector<16xi32> to vector<16x1xi32>
        %gather3A_523 = vector.shape_cast %reshape3A_522 : vector<16x1xi32> to vector<16xi32>
        %gather3A_524 = tpu.dynamic_gather %mul3A_332[%gather3A_523] in [0] : vector<16xf32>, vector<16xi32> -> vector<16xf32>
        %add3A_525 = arith.addf %mul3A_332, %gather3A_524 : vector<16xf32>
        %xor3A_526 = arith.constant 8 : i32
        %xor3A_527 = vector.broadcast %xor3A_526 : i32 to vector<16xi32>
        %xor3A_528 = arith.xori %iota3A, %xor3A_527 : vector<16xi32>
        %reshape3A_529 = vector.shape_cast %xor3A_528 : vector<16xi32> to vector<16x1xi32>
        %gather3A_530 = vector.shape_cast %reshape3A_529 : vector<16x1xi32> to vector<16xi32>
        %gather3A_531 = tpu.dynamic_gather %mul3A_412[%gather3A_530] in [0] : vector<16xf32>, vector<16xi32> -> vector<16xf32>
        %add3A_532 = arith.addf %mul3A_412, %gather3A_531 : vector<16xf32>
        %select_n3A_533 = arith.select %eq3A_518, %add3A_525, %add3A_532 : vector<16xi1>, vector<16xf32>
        %and3A_534 = arith.constant 8 : i32
        %and3A_535 = vector.broadcast %and3A_534 : i32 to vector<16xi32>
        %and3A_536 = arith.andi %iota3A, %and3A_535 : vector<16xi32>
        %eq3A_537 = arith.constant 0 : i32
        %eq3A_538 = vector.broadcast %eq3A_537 : i32 to vector<16xi32>
        %eq3A_539 = arith.cmpi eq, %and3A_536, %eq3A_538 : vector<16xi32>
        %xor3A_540 = arith.constant 8 : i32
        %xor3A_541 = vector.broadcast %xor3A_540 : i32 to vector<16xi32>
        %xor3A_542 = arith.xori %iota3A, %xor3A_541 : vector<16xi32>
        %reshape3A_543 = vector.shape_cast %xor3A_542 : vector<16xi32> to vector<16x1xi32>
        %gather3A_544 = vector.shape_cast %reshape3A_543 : vector<16x1xi32> to vector<16xi32>
        %gather3A_545 = tpu.dynamic_gather %mul3A_342[%gather3A_544] in [0] : vector<16xf32>, vector<16xi32> -> vector<16xf32>
        %add3A_546 = arith.addf %mul3A_342, %gather3A_545 : vector<16xf32>
        %xor3A_547 = arith.constant 8 : i32
        %xor3A_548 = vector.broadcast %xor3A_547 : i32 to vector<16xi32>
        %xor3A_549 = arith.xori %iota3A, %xor3A_548 : vector<16xi32>
        %reshape3A_550 = vector.shape_cast %xor3A_549 : vector<16xi32> to vector<16x1xi32>
        %gather3A_551 = vector.shape_cast %reshape3A_550 : vector<16x1xi32> to vector<16xi32>
        %gather3A_552 = tpu.dynamic_gather %mul3A_422[%gather3A_551] in [0] : vector<16xf32>, vector<16xi32> -> vector<16xf32>
        %add3A_553 = arith.addf %mul3A_422, %gather3A_552 : vector<16xf32>
        %select_n3A_554 = arith.select %eq3A_539, %add3A_546, %add3A_553 : vector<16xi1>, vector<16xf32>
        %and3A_555 = arith.constant 8 : i32
        %and3A_556 = vector.broadcast %and3A_555 : i32 to vector<16xi32>
        %and3A_557 = arith.andi %iota3A, %and3A_556 : vector<16xi32>
        %eq3A_558 = arith.constant 0 : i32
        %eq3A_559 = vector.broadcast %eq3A_558 : i32 to vector<16xi32>
        %eq3A_560 = arith.cmpi eq, %and3A_557, %eq3A_559 : vector<16xi32>
        %xor3A_561 = arith.constant 8 : i32
        %xor3A_562 = vector.broadcast %xor3A_561 : i32 to vector<16xi32>
        %xor3A_563 = arith.xori %iota3A, %xor3A_562 : vector<16xi32>
        %reshape3A_564 = vector.shape_cast %xor3A_563 : vector<16xi32> to vector<16x1xi32>
        %gather3A_565 = vector.shape_cast %reshape3A_564 : vector<16x1xi32> to vector<16xi32>
        %gather3A_566 = tpu.dynamic_gather %mul3A_352[%gather3A_565] in [0] : vector<16xf32>, vector<16xi32> -> vector<16xf32>
        %add3A_567 = arith.addf %mul3A_352, %gather3A_566 : vector<16xf32>
        %xor3A_568 = arith.constant 8 : i32
        %xor3A_569 = vector.broadcast %xor3A_568 : i32 to vector<16xi32>
        %xor3A_570 = arith.xori %iota3A, %xor3A_569 : vector<16xi32>
        %reshape3A_571 = vector.shape_cast %xor3A_570 : vector<16xi32> to vector<16x1xi32>
        %gather3A_572 = vector.shape_cast %reshape3A_571 : vector<16x1xi32> to vector<16xi32>
        %gather3A_573 = tpu.dynamic_gather %mul3A_432[%gather3A_572] in [0] : vector<16xf32>, vector<16xi32> -> vector<16xf32>
        %add3A_574 = arith.addf %mul3A_432, %gather3A_573 : vector<16xf32>
        %select_n3A_575 = arith.select %eq3A_560, %add3A_567, %add3A_574 : vector<16xi1>, vector<16xf32>
        %and3A_576 = arith.constant 8 : i32
        %and3A_577 = vector.broadcast %and3A_576 : i32 to vector<16xi32>
        %and3A_578 = arith.andi %iota3A, %and3A_577 : vector<16xi32>
        %eq3A_579 = arith.constant 0 : i32
        %eq3A_580 = vector.broadcast %eq3A_579 : i32 to vector<16xi32>
        %eq3A_581 = arith.cmpi eq, %and3A_578, %eq3A_580 : vector<16xi32>
        %xor3A_582 = arith.constant 8 : i32
        %xor3A_583 = vector.broadcast %xor3A_582 : i32 to vector<16xi32>
        %xor3A_584 = arith.xori %iota3A, %xor3A_583 : vector<16xi32>
        %reshape3A_585 = vector.shape_cast %xor3A_584 : vector<16xi32> to vector<16x1xi32>
        %gather3A_586 = vector.shape_cast %reshape3A_585 : vector<16x1xi32> to vector<16xi32>
        %gather3A_587 = tpu.dynamic_gather %mul3A_362[%gather3A_586] in [0] : vector<16xf32>, vector<16xi32> -> vector<16xf32>
        %add3A_588 = arith.addf %mul3A_362, %gather3A_587 : vector<16xf32>
        %xor3A_589 = arith.constant 8 : i32
        %xor3A_590 = vector.broadcast %xor3A_589 : i32 to vector<16xi32>
        %xor3A_591 = arith.xori %iota3A, %xor3A_590 : vector<16xi32>
        %reshape3A_592 = vector.shape_cast %xor3A_591 : vector<16xi32> to vector<16x1xi32>
        %gather3A_593 = vector.shape_cast %reshape3A_592 : vector<16x1xi32> to vector<16xi32>
        %gather3A_594 = tpu.dynamic_gather %mul3A_442[%gather3A_593] in [0] : vector<16xf32>, vector<16xi32> -> vector<16xf32>
        %add3A_595 = arith.addf %mul3A_442, %gather3A_594 : vector<16xf32>
        %select_n3A_596 = arith.select %eq3A_581, %add3A_588, %add3A_595 : vector<16xi1>, vector<16xf32>
        %and3A_597 = arith.constant 8 : i32
        %and3A_598 = vector.broadcast %and3A_597 : i32 to vector<16xi32>
        %and3A_599 = arith.andi %iota3A, %and3A_598 : vector<16xi32>
        %eq3A_600 = arith.constant 0 : i32
        %eq3A_601 = vector.broadcast %eq3A_600 : i32 to vector<16xi32>
        %eq3A_602 = arith.cmpi eq, %and3A_599, %eq3A_601 : vector<16xi32>
        %xor3A_603 = arith.constant 8 : i32
        %xor3A_604 = vector.broadcast %xor3A_603 : i32 to vector<16xi32>
        %xor3A_605 = arith.xori %iota3A, %xor3A_604 : vector<16xi32>
        %reshape3A_606 = vector.shape_cast %xor3A_605 : vector<16xi32> to vector<16x1xi32>
        %gather3A_607 = vector.shape_cast %reshape3A_606 : vector<16x1xi32> to vector<16xi32>
        %gather3A_608 = tpu.dynamic_gather %mul3A_372[%gather3A_607] in [0] : vector<16xf32>, vector<16xi32> -> vector<16xf32>
        %add3A_609 = arith.addf %mul3A_372, %gather3A_608 : vector<16xf32>
        %xor3A_610 = arith.constant 8 : i32
        %xor3A_611 = vector.broadcast %xor3A_610 : i32 to vector<16xi32>
        %xor3A_612 = arith.xori %iota3A, %xor3A_611 : vector<16xi32>
        %reshape3A_613 = vector.shape_cast %xor3A_612 : vector<16xi32> to vector<16x1xi32>
        %gather3A_614 = vector.shape_cast %reshape3A_613 : vector<16x1xi32> to vector<16xi32>
        %gather3A_615 = tpu.dynamic_gather %mul3A_452[%gather3A_614] in [0] : vector<16xf32>, vector<16xi32> -> vector<16xf32>
        %add3A_616 = arith.addf %mul3A_452, %gather3A_615 : vector<16xf32>
        %select_n3A_617 = arith.select %eq3A_602, %add3A_609, %add3A_616 : vector<16xi1>, vector<16xf32>
        %and3A_618 = arith.constant 4 : i32
        %and3A_619 = vector.broadcast %and3A_618 : i32 to vector<16xi32>
        %and3A_620 = arith.andi %iota3A, %and3A_619 : vector<16xi32>
        %eq3A_621 = arith.constant 0 : i32
        %eq3A_622 = vector.broadcast %eq3A_621 : i32 to vector<16xi32>
        %eq3A_623 = arith.cmpi eq, %and3A_620, %eq3A_622 : vector<16xi32>
        %xor3A_624 = arith.constant 4 : i32
        %xor3A_625 = vector.broadcast %xor3A_624 : i32 to vector<16xi32>
        %xor3A_626 = arith.xori %iota3A, %xor3A_625 : vector<16xi32>
        %reshape3A_627 = vector.shape_cast %xor3A_626 : vector<16xi32> to vector<16x1xi32>
        %gather3A_628 = vector.shape_cast %reshape3A_627 : vector<16x1xi32> to vector<16xi32>
        %gather3A_629 = tpu.dynamic_gather %select_n3A_470[%gather3A_628] in [0] : vector<16xf32>, vector<16xi32> -> vector<16xf32>
        %add3A_630 = arith.addf %select_n3A_470, %gather3A_629 : vector<16xf32>
        %xor3A_631 = arith.constant 4 : i32
        %xor3A_632 = vector.broadcast %xor3A_631 : i32 to vector<16xi32>
        %xor3A_633 = arith.xori %iota3A, %xor3A_632 : vector<16xi32>
        %reshape3A_634 = vector.shape_cast %xor3A_633 : vector<16xi32> to vector<16x1xi32>
        %gather3A_635 = vector.shape_cast %reshape3A_634 : vector<16x1xi32> to vector<16xi32>
        %gather3A_636 = tpu.dynamic_gather %select_n3A_554[%gather3A_635] in [0] : vector<16xf32>, vector<16xi32> -> vector<16xf32>
        %add3A_637 = arith.addf %select_n3A_554, %gather3A_636 : vector<16xf32>
        %select_n3A_638 = arith.select %eq3A_623, %add3A_630, %add3A_637 : vector<16xi1>, vector<16xf32>
        %and3A_639 = arith.constant 4 : i32
        %and3A_640 = vector.broadcast %and3A_639 : i32 to vector<16xi32>
        %and3A_641 = arith.andi %iota3A, %and3A_640 : vector<16xi32>
        %eq3A_642 = arith.constant 0 : i32
        %eq3A_643 = vector.broadcast %eq3A_642 : i32 to vector<16xi32>
        %eq3A_644 = arith.cmpi eq, %and3A_641, %eq3A_643 : vector<16xi32>
        %xor3A_645 = arith.constant 4 : i32
        %xor3A_646 = vector.broadcast %xor3A_645 : i32 to vector<16xi32>
        %xor3A_647 = arith.xori %iota3A, %xor3A_646 : vector<16xi32>
        %reshape3A_648 = vector.shape_cast %xor3A_647 : vector<16xi32> to vector<16x1xi32>
        %gather3A_649 = vector.shape_cast %reshape3A_648 : vector<16x1xi32> to vector<16xi32>
        %gather3A_650 = tpu.dynamic_gather %select_n3A_491[%gather3A_649] in [0] : vector<16xf32>, vector<16xi32> -> vector<16xf32>
        %add3A_651 = arith.addf %select_n3A_491, %gather3A_650 : vector<16xf32>
        %xor3A_652 = arith.constant 4 : i32
        %xor3A_653 = vector.broadcast %xor3A_652 : i32 to vector<16xi32>
        %xor3A_654 = arith.xori %iota3A, %xor3A_653 : vector<16xi32>
        %reshape3A_655 = vector.shape_cast %xor3A_654 : vector<16xi32> to vector<16x1xi32>
        %gather3A_656 = vector.shape_cast %reshape3A_655 : vector<16x1xi32> to vector<16xi32>
        %gather3A_657 = tpu.dynamic_gather %select_n3A_575[%gather3A_656] in [0] : vector<16xf32>, vector<16xi32> -> vector<16xf32>
        %add3A_658 = arith.addf %select_n3A_575, %gather3A_657 : vector<16xf32>
        %select_n3A_659 = arith.select %eq3A_644, %add3A_651, %add3A_658 : vector<16xi1>, vector<16xf32>
        %and3A_660 = arith.constant 4 : i32
        %and3A_661 = vector.broadcast %and3A_660 : i32 to vector<16xi32>
        %and3A_662 = arith.andi %iota3A, %and3A_661 : vector<16xi32>
        %eq3A_663 = arith.constant 0 : i32
        %eq3A_664 = vector.broadcast %eq3A_663 : i32 to vector<16xi32>
        %eq3A_665 = arith.cmpi eq, %and3A_662, %eq3A_664 : vector<16xi32>
        %xor3A_666 = arith.constant 4 : i32
        %xor3A_667 = vector.broadcast %xor3A_666 : i32 to vector<16xi32>
        %xor3A_668 = arith.xori %iota3A, %xor3A_667 : vector<16xi32>
        %reshape3A_669 = vector.shape_cast %xor3A_668 : vector<16xi32> to vector<16x1xi32>
        %gather3A_670 = vector.shape_cast %reshape3A_669 : vector<16x1xi32> to vector<16xi32>
        %gather3A_671 = tpu.dynamic_gather %select_n3A_512[%gather3A_670] in [0] : vector<16xf32>, vector<16xi32> -> vector<16xf32>
        %add3A_672 = arith.addf %select_n3A_512, %gather3A_671 : vector<16xf32>
        %xor3A_673 = arith.constant 4 : i32
        %xor3A_674 = vector.broadcast %xor3A_673 : i32 to vector<16xi32>
        %xor3A_675 = arith.xori %iota3A, %xor3A_674 : vector<16xi32>
        %reshape3A_676 = vector.shape_cast %xor3A_675 : vector<16xi32> to vector<16x1xi32>
        %gather3A_677 = vector.shape_cast %reshape3A_676 : vector<16x1xi32> to vector<16xi32>
        %gather3A_678 = tpu.dynamic_gather %select_n3A_596[%gather3A_677] in [0] : vector<16xf32>, vector<16xi32> -> vector<16xf32>
        %add3A_679 = arith.addf %select_n3A_596, %gather3A_678 : vector<16xf32>
        %select_n3A_680 = arith.select %eq3A_665, %add3A_672, %add3A_679 : vector<16xi1>, vector<16xf32>
        %and3A_681 = arith.constant 4 : i32
        %and3A_682 = vector.broadcast %and3A_681 : i32 to vector<16xi32>
        %and3A_683 = arith.andi %iota3A, %and3A_682 : vector<16xi32>
        %eq3A_684 = arith.constant 0 : i32
        %eq3A_685 = vector.broadcast %eq3A_684 : i32 to vector<16xi32>
        %eq3A_686 = arith.cmpi eq, %and3A_683, %eq3A_685 : vector<16xi32>
        %xor3A_687 = arith.constant 4 : i32
        %xor3A_688 = vector.broadcast %xor3A_687 : i32 to vector<16xi32>
        %xor3A_689 = arith.xori %iota3A, %xor3A_688 : vector<16xi32>
        %reshape3A_690 = vector.shape_cast %xor3A_689 : vector<16xi32> to vector<16x1xi32>
        %gather3A_691 = vector.shape_cast %reshape3A_690 : vector<16x1xi32> to vector<16xi32>
        %gather3A_692 = tpu.dynamic_gather %select_n3A_533[%gather3A_691] in [0] : vector<16xf32>, vector<16xi32> -> vector<16xf32>
        %add3A_693 = arith.addf %select_n3A_533, %gather3A_692 : vector<16xf32>
        %xor3A_694 = arith.constant 4 : i32
        %xor3A_695 = vector.broadcast %xor3A_694 : i32 to vector<16xi32>
        %xor3A_696 = arith.xori %iota3A, %xor3A_695 : vector<16xi32>
        %reshape3A_697 = vector.shape_cast %xor3A_696 : vector<16xi32> to vector<16x1xi32>
        %gather3A_698 = vector.shape_cast %reshape3A_697 : vector<16x1xi32> to vector<16xi32>
        %gather3A_699 = tpu.dynamic_gather %select_n3A_617[%gather3A_698] in [0] : vector<16xf32>, vector<16xi32> -> vector<16xf32>
        %add3A_700 = arith.addf %select_n3A_617, %gather3A_699 : vector<16xf32>
        %select_n3A_701 = arith.select %eq3A_686, %add3A_693, %add3A_700 : vector<16xi1>, vector<16xf32>
        %and3A_702 = arith.constant 2 : i32
        %and3A_703 = vector.broadcast %and3A_702 : i32 to vector<16xi32>
        %and3A_704 = arith.andi %iota3A, %and3A_703 : vector<16xi32>
        %eq3A_705 = arith.constant 0 : i32
        %eq3A_706 = vector.broadcast %eq3A_705 : i32 to vector<16xi32>
        %eq3A_707 = arith.cmpi eq, %and3A_704, %eq3A_706 : vector<16xi32>
        %xor3A_708 = arith.constant 2 : i32
        %xor3A_709 = vector.broadcast %xor3A_708 : i32 to vector<16xi32>
        %xor3A_710 = arith.xori %iota3A, %xor3A_709 : vector<16xi32>
        %reshape3A_711 = vector.shape_cast %xor3A_710 : vector<16xi32> to vector<16x1xi32>
        %gather3A_712 = vector.shape_cast %reshape3A_711 : vector<16x1xi32> to vector<16xi32>
        %gather3A_713 = tpu.dynamic_gather %select_n3A_638[%gather3A_712] in [0] : vector<16xf32>, vector<16xi32> -> vector<16xf32>
        %add3A_714 = arith.addf %select_n3A_638, %gather3A_713 : vector<16xf32>
        %xor3A_715 = arith.constant 2 : i32
        %xor3A_716 = vector.broadcast %xor3A_715 : i32 to vector<16xi32>
        %xor3A_717 = arith.xori %iota3A, %xor3A_716 : vector<16xi32>
        %reshape3A_718 = vector.shape_cast %xor3A_717 : vector<16xi32> to vector<16x1xi32>
        %gather3A_719 = vector.shape_cast %reshape3A_718 : vector<16x1xi32> to vector<16xi32>
        %gather3A_720 = tpu.dynamic_gather %select_n3A_680[%gather3A_719] in [0] : vector<16xf32>, vector<16xi32> -> vector<16xf32>
        %add3A_721 = arith.addf %select_n3A_680, %gather3A_720 : vector<16xf32>
        %select_n3A_722 = arith.select %eq3A_707, %add3A_714, %add3A_721 : vector<16xi1>, vector<16xf32>
        %and3A_723 = arith.constant 2 : i32
        %and3A_724 = vector.broadcast %and3A_723 : i32 to vector<16xi32>
        %and3A_725 = arith.andi %iota3A, %and3A_724 : vector<16xi32>
        %eq3A_726 = arith.constant 0 : i32
        %eq3A_727 = vector.broadcast %eq3A_726 : i32 to vector<16xi32>
        %eq3A_728 = arith.cmpi eq, %and3A_725, %eq3A_727 : vector<16xi32>
        %xor3A_729 = arith.constant 2 : i32
        %xor3A_730 = vector.broadcast %xor3A_729 : i32 to vector<16xi32>
        %xor3A_731 = arith.xori %iota3A, %xor3A_730 : vector<16xi32>
        %reshape3A_732 = vector.shape_cast %xor3A_731 : vector<16xi32> to vector<16x1xi32>
        %gather3A_733 = vector.shape_cast %reshape3A_732 : vector<16x1xi32> to vector<16xi32>
        %gather3A_734 = tpu.dynamic_gather %select_n3A_659[%gather3A_733] in [0] : vector<16xf32>, vector<16xi32> -> vector<16xf32>
        %add3A_735 = arith.addf %select_n3A_659, %gather3A_734 : vector<16xf32>
        %xor3A_736 = arith.constant 2 : i32
        %xor3A_737 = vector.broadcast %xor3A_736 : i32 to vector<16xi32>
        %xor3A_738 = arith.xori %iota3A, %xor3A_737 : vector<16xi32>
        %reshape3A_739 = vector.shape_cast %xor3A_738 : vector<16xi32> to vector<16x1xi32>
        %gather3A_740 = vector.shape_cast %reshape3A_739 : vector<16x1xi32> to vector<16xi32>
        %gather3A_741 = tpu.dynamic_gather %select_n3A_701[%gather3A_740] in [0] : vector<16xf32>, vector<16xi32> -> vector<16xf32>
        %add3A_742 = arith.addf %select_n3A_701, %gather3A_741 : vector<16xf32>
        %select_n3A_743 = arith.select %eq3A_728, %add3A_735, %add3A_742 : vector<16xi1>, vector<16xf32>
        %and3A_744 = arith.constant 1 : i32
        %and3A_745 = vector.broadcast %and3A_744 : i32 to vector<16xi32>
        %and3A_746 = arith.andi %iota3A, %and3A_745 : vector<16xi32>
        %eq3A_747 = arith.constant 0 : i32
        %eq3A_748 = vector.broadcast %eq3A_747 : i32 to vector<16xi32>
        %eq3A_749 = arith.cmpi eq, %and3A_746, %eq3A_748 : vector<16xi32>
        %xor3A_750 = arith.constant 1 : i32
        %xor3A_751 = vector.broadcast %xor3A_750 : i32 to vector<16xi32>
        %xor3A_752 = arith.xori %iota3A, %xor3A_751 : vector<16xi32>
        %reshape3A_753 = vector.shape_cast %xor3A_752 : vector<16xi32> to vector<16x1xi32>
        %gather3A_754 = vector.shape_cast %reshape3A_753 : vector<16x1xi32> to vector<16xi32>
        %gather3A_755 = tpu.dynamic_gather %select_n3A_722[%gather3A_754] in [0] : vector<16xf32>, vector<16xi32> -> vector<16xf32>
        %add3A_756 = arith.addf %select_n3A_722, %gather3A_755 : vector<16xf32>
        %xor3A_757 = arith.constant 1 : i32
        %xor3A_758 = vector.broadcast %xor3A_757 : i32 to vector<16xi32>
        %xor3A_759 = arith.xori %iota3A, %xor3A_758 : vector<16xi32>
        %reshape3A_760 = vector.shape_cast %xor3A_759 : vector<16xi32> to vector<16x1xi32>
        %gather3A_761 = vector.shape_cast %reshape3A_760 : vector<16x1xi32> to vector<16xi32>
        %gather3A_762 = tpu.dynamic_gather %select_n3A_743[%gather3A_761] in [0] : vector<16xf32>, vector<16xi32> -> vector<16xf32>
        %add3A_763 = arith.addf %select_n3A_743, %gather3A_762 : vector<16xf32>
        %select_n3A_764 = arith.select %eq3A_749, %add3A_756, %add3A_763 : vector<16xi1>, vector<16xf32>
        %mul3A_765 = arith.constant 16 : i32
        %mul3A_766 = arith.muli %scan3A_292, %mul3A_765 : i32
        %swap3A = arith.index_cast %mul3A_766 : i32 to index
        %swap3A_767 = tpu.vector_load %arg11[%swap3A] {strides = array<i32>} : memref<2048xf32, #tpu.memory_space<vmem>>, vector<16xf32>,
        %swap3A_768 = vector.shape_cast %swap3A_767 : vector<16xf32> to vector<16xf32>
        %swap3A_769 = vector.shape_cast %select_n3A_764 : vector<16xf32> to vector<16xf32>
        tpu.vector_store %arg11[%swap3A], %swap3A_769 {strides = array<i32>} : memref<2048xf32, #tpu.memory_space<vmem>>, vector<16xf32>,
      }
      %scan3A_291 = arith.constant 106 : i32
      "tpu.region"() ({
        %run_scoped3A = tpu.sem_alloc : memref<!tpu.dma_semaphore, #tpu.memory_space<semaphore_mem>>
        %dma_start3A = arith.constant 0 : i32
        %dma_start3A_292 = tpu.memref_slice %arg11[%dma_start3A] : memref<2048xf32, #tpu.memory_space<vmem>> -> memref<1696xf32, #tpu.memory_space<vmem>>
        %dma_start3A_293 = arith.constant 98304 : i32
        %dma_start3A_294 = tpu.memref_slice %arg8[%dma_start3A_293] : memref<100000xf32, #tpu.memory_space<hbm>> -> memref<1696xf32, #tpu.memory_space<hbm>>
        %dma_start3A_295 = arith.constant 98304 : i32
        %dma_start3A_296 = tpu.memref_slice %arg8[%dma_start3A_295] : memref<100000xf32, #tpu.memory_space<hbm>> -> memref<1696xf32, #tpu.memory_space<hbm>>
        %dma_start3A_297 = arith.constant 0 : i32
        %dma_start3A_298 = tpu.memref_slice %arg11[%dma_start3A_297] : memref<2048xf32, #tpu.memory_space<vmem>> -> memref<1696xf32, #tpu.memory_space<vmem>>
        tpu.enqueue_dma source(%dma_start3A_298 : memref<1696xf32, #tpu.memory_space<vmem>>) target(%dma_start3A_296 : memref<1696xf32, #tpu.memory_space<hbm>>) target_semaphore(%run_scoped3A : memref<!tpu.dma_semaphore, #tpu.memory_space<semaphore_mem>>)
        %dma_wait3A = arith.constant 0 : i32
        %dma_wait3A_299 = tpu.memref_slice %arg11[%dma_wait3A] : memref<2048xf32, #tpu.memory_space<vmem>> -> memref<1696xf32, #tpu.memory_space<vmem>>
        %dma_wait3A_300 = arith.constant 98304 : i32
        %dma_wait3A_301 = tpu.memref_slice %arg8[%dma_wait3A_300] : memref<100000xf32, #tpu.memory_space<hbm>> -> memref<1696xf32, #tpu.memory_space<hbm>>
        %dma_wait3A_302 = arith.constant 98304 : i32
        %dma_wait3A_303 = tpu.memref_slice %arg8[%dma_wait3A_302] : memref<100000xf32, #tpu.memory_space<hbm>> -> memref<1696xf32, #tpu.memory_space<hbm>>
        %dma_wait3A_304 = arith.constant 0 : i32
        %dma_wait3A_305 = tpu.memref_slice %arg11[%dma_wait3A_304] : memref<2048xf32, #tpu.memory_space<vmem>> -> memref<1696xf32, #tpu.memory_space<vmem>>
        tpu.wait_dma2 semaphore(%run_scoped3A : memref<!tpu.dma_semaphore, #tpu.memory_space<semaphore_mem>>) src(%dma_wait3A_305 : memref<1696xf32, #tpu.memory_space<vmem>>) dst(%dma_wait3A_303 : memref<1696xf32, #tpu.memory_space<hbm>>)
        tpu.yield
      }) : () -> ()
    } else {
    }
    return
  }
}

</mosaic_0001>

<sc_bundles>
// kernel: kernel.4.cloned.1.call-start
scs
__scs_entry_jumppad:
0x0: {  	(pc) =	sbr.rel $0x88, $3  }
0x1: {  	(tag) =	ssettag $0x0;
	lr =	simm.s32 $0x1  }
0x2: {  	[smem:$0x3F9B] =	sst lr;
	_ =	strace $0xD0000000  }
0x3: {  	_ = 	snop  }
0x4: {  	_ = 	snop  }
0x5: {  	_ = 	snop  }
0x6: {  	_ = 	snop  }
0x7: {  	_ = 	snop  }
__scs_overlays_trampoline_lowered:
0x8: {  	[smem:$0x3FAA] =	sst s0  }
0x9: {  	[smem:$0x3FAB] =	sst s1  }
0xa: {  	[smem:$0x3FAC] =	sst s2  }
0xb: {  	[smem:$0x3FAD] =	sst s3  }
0xc: {  	[smem:$0x3FAE] =	sst s4  }
0xd: {  	[smem:$0x3FAF] =	sst s5  }
0xe: {  	[smem:$0x3FB0] =	sst s6  }
0xf: {  	[smem:$0x3FB1] =	sst s7  }
0x10: {  	[smem:$0x3FB2] =	sst s8  }
0x11: {  	[smem:$0x3FB3] =	sst s9;
	s0 =	simm.s32 @!p0 $0x0  }
0x12: {  	s1 =	sld [smem:$0x3F99];
	s0 =	simm.s32 @p0 $0x1  }
0x13: {  	[smem:$0x3FB4] =	sst s0;
	s0 =	simm.s32 @!p1 $0x0  }
0x14: {  	s2 =	sld [smem:$0x3F98];
	s0 =	simm.s32 @p1 $0x1  }
0x15: {  	[smem:$0x3FB5] =	sst s0;
	s0 =	simm.s32 @!p2 $0x0  }
0x16: {  	s3 =	sld [smem:$0x3FDB];
	s0 =	simm.s32 @p2 $0x1  }
0x17: {  	s4 =	simm.s32 $0x1BF5;
	[smem:$0x3FB7] =	sst s0  }
0x18: {  	s0 =	sld [smem:$0x3F9A];
	_ =	swait.ge [sflag:s4], $0x0  }
0x19: {  	s7 =	sld [smem:$0x3F9B]  }
0x1a: {  	s8 =	sadd.s32 $0xFFFFE003, lr  }
0x1b: {  	s9 =	sadd.s32 $0xFFFFFEF7, lr;
	s5 =	simm.s32 $0xFFFFFFFF;
	p2 =	slt.u32 s8, $0xFFFFF086  }
0x1c: {  	p1 =	slt.u32 s9, $0xF7A;
	s5 =	simm.s32 @!p2 $0x0  }
0x1d: {  	s5 =	simm.s32 @p1 $0x1;
	p0 =	seq.s32 s7, s2  }
0x1e: {  	s7 =	smul.u32 @!p0 $0xF7A, s2;
	p2 =	seq.s32 @!p0 s5, $0x0  }
0x1f: {  	s9 =	smul.u32 $0xF7A, s1;
	s8 =	simm.s32 @!p0 $0x1BF5;
	p2 =	por !p2, p0  }
0x20: {  	[sflag:s8] =	ssyncset.s32 @!p0 $0xFFFFF086;
	s6 =	sadd.s32 @!p0 s3, s7;
	s7 =	simm.s32 @!p0 $0x108  }
0x21: {  	s3 =	sadd.s32 s3, s9;
	s6 =	sadd.s32 @!p0 $0x88, s6;
	s7 =	simm.s32 @p2 $0x1082  }
0x22: {  	[simem:s7], [sflag:s8] =	dma.local @!p0 [hbm:s6], $0xF7A  }
0x23: {  	s9 =	sor.u32 $0xD0000000, s2;
	s6 =	simm.s32 $0x108;
	_ =	swait.ge @!p0 [sflag:s8], $0x0  }
0x24: {  	s3 =	sadd.s32 $0x88, s3;
	s6 =	simm.s32 @!p1 $0x1082;
	[sflag:s4] =	ssyncset.s32 $0xFFFFF086  }
0x25: {  	[simem:s6], [sflag:s4] =	dma.local [hbm:s3], $0xF7A  }
0x26: {  	[smem:$0x3F9B] =	sst s1;
	(tag) =	ssettag s2;
	_ =	strace s9  }
0x27: {  	s1 =	sld [smem:$0x3FAB]  }
0x28: {  	s2 =	sld [smem:$0x3FAC]  }
0x29: {  	s4 =	sld [smem:$0x3FAE]  }
0x2a: {  	p0 =	seq.s32 s5, $0x0;
	s5 =	sld [smem:$0x3FAF]  }
0x2b: {  	s6 =	sld [smem:$0x3FB0]  }
0x2c: {  	s7 =	sld [smem:$0x3FB1]  }
0x2d: {  	s3 =	simm.s32 $0x108;
	s8 =	sld [smem:$0x3FB2]  }
0x2e: {  	s3 =	simm.s32 @!p0 $0x1082;
	s9 =	sld [smem:$0x3FB3]  }
0x2f: {  	lr =	sadd.s32 s0, s3;
	s0 =	sld [smem:$0x3FAA]  }
0x30: {  	s3 =	sld [smem:$0x3FAD]  }
0x31: {  	[smem:$0x3FB6] =	sst s10  }
0x32: {  	s10 =	sld [smem:$0x3FB4];
	_ =	sdelay $0x3  }
0x33: {  	p0 =	seq.s32 s10, $0x1;
	s10 =	sld [smem:$0x3FB6];
	_ =	sdelay $0x3  }
0x34: {  	[smem:$0x3FB6] =	sst s10  }
0x35: {  	s10 =	sld [smem:$0x3FB5];
	_ =	sdelay $0x3  }
0x36: {  	p1 =	seq.s32 s10, $0x1;
	s10 =	sld [smem:$0x3FB6];
	_ =	sdelay $0x3  }
0x37: {  	[smem:$0x3FB6] =	sst s10  }
0x38: {  	s10 =	sld [smem:$0x3FB7]  }
0x39: {  	_ = 	snop;
	(pc) =	sbr.ind lr, $3  }
0x3a: {  	_ = 	snop  }
0x3b: {  	_ = 	snop  }
0x3c: {  	p2 =	seq.s32 s10, $0x1;
	s10 =	sld [smem:$0x3FB6]  }
0x3d: {  	_ =	shalt  }
0x3e: {  	_ =	shalt  }
0x3f: {  	_ =	shalt  }
0x40: {  	_ =	shalt  }
0x41: {  	_ =	shalt  }
0x42: {  	_ =	shalt  }
0x43: {  	_ =	shalt  }
0x44: {  	_ =	shalt  }
0x45: {  	_ =	shalt  }
0x46: {  	_ =	shalt  }
0x47: {  	_ =	shalt  }
0x48: {  	_ =	shalt  }
0x49: {  	_ =	shalt  }
0x4a: {  	_ =	shalt  }
0x4b: {  	_ =	shalt  }
0x4c: {  	_ =	shalt  }
0x4d: {  	_ =	shalt  }
0x4e: {  	_ =	shalt  }
0x4f: {  	_ =	shalt  }
0x50: {  	_ =	shalt  }
0x51: {  	_ =	shalt  }
0x52: {  	_ =	shalt  }
0x53: {  	_ =	shalt  }
0x54: {  	_ =	shalt  }
0x55: {  	_ =	shalt  }
0x56: {  	_ =	shalt  }
0x57: {  	_ =	shalt  }
0x58: {  	_ =	shalt  }
0x59: {  	_ =	shalt  }
0x5a: {  	_ =	shalt  }
0x5b: {  	_ =	shalt  }
0x5c: {  	_ =	shalt  }
0x5d: {  	_ =	shalt  }
0x5e: {  	_ =	shalt  }
0x5f: {  	_ =	shalt  }
0x60: {  	_ =	shalt  }
0x61: {  	_ =	shalt  }
0x62: {  	_ =	shalt  }
0x63: {  	_ =	shalt  }
0x64: {  	_ =	shalt  }
0x65: {  	_ =	shalt  }
0x66: {  	_ =	shalt  }
0x67: {  	_ =	shalt  }
0x68: {  	_ =	shalt  }
0x69: {  	_ =	shalt  }
0x6a: {  	_ =	shalt  }
0x6b: {  	_ =	shalt  }
0x6c: {  	_ =	shalt  }
0x6d: {  	_ =	shalt  }
0x6e: {  	_ =	shalt  }
0x6f: {  	_ =	shalt  }
0x70: {  	_ =	shalt  }
0x71: {  	_ =	shalt  }
0x72: {  	_ =	shalt  }
0x73: {  	_ =	shalt  }
0x74: {  	_ =	shalt  }
0x75: {  	_ =	shalt  }
0x76: {  	_ =	shalt  }
0x77: {  	_ =	shalt  }
0x78: {  	_ =	shalt  }
0x79: {  	_ =	shalt  }
0x7a: {  	_ =	shalt  }
0x7b: {  	_ =	shalt  }
0x7c: {  	_ =	shalt  }
0x7d: {  	_ =	shalt  }
0x7e: {  	_ =	shalt  }
0x7f: {  	_ =	shalt  }
0x80: {  	_ =	shalt  }
0x81: {  	_ =	shalt  }
0x82: {  	_ =	shalt  }
0x83: {  	_ =	shalt  }
0x84: {  	_ =	shalt  }
0x85: {  	_ =	shalt  }
0x86: {  	_ =	shalt  }
0x87: {  	_ =	shalt  }
.Lfunc_end0:
.L_simem_size_0:
called_computation_lowered:
.L_overlay_start_0:
0x88: {  	s2 =	sld [smem:$0x3FD9]  }
0x89: {  	s3 =	sld [smem:$0x3FFE];
	_ =	sdelay $0x1  }
0x8a: {  	s1 =	srdreg.scid  }
0x8b: {  	s0 =	sand.u32 $0x1, s1  }
0x8c: {  	s17 =	sshll.u32 s0, $0xA;
	s2 =	sadd.s32 s3, s2  }
0x8d: {  	s2 =	sadd.s32 s2, s17  }
0x8e: {  	[smem:$0x3FC2] =	sst s2  }
0x8f: {  	_ = 	snop  }
0x90: {  	s2 =	sld [smem:$0x3FC7]  }
0x91: {  	s18 =	sld [smem:$0x3FC6]  }
0x92: {  	s4 =	sld [smem:$0x3FD0];
	(tm) =	ssettm $0x1  }
0x93: {  	s5 =	sld [smem:$0x3FFB];
	_ =	sdelay $0x3  }
0x94: {  	_ =	strace s5  }
0x95: {  	s5 =	sld [smem:$0x3FFC];
	_ =	sdelay $0x3  }
0x96: {  	_ =	strace s5  }
0x97: {  	s5 =	sld [smem:$0x3FFD];
	_ =	sdelay $0x3  }
0x98: {  	_ =	strace s5  }
0x99: {  	_ =	strace $0x8FFFFFFF  }
0x9a: {  	s19 =	sld [smem:$0x3FDB];
	_ =	sdelay $0x1  }
0x9b: {  	s6 =	simm.s32 $_scs_section_size  }
0x9c: {  	s7 =	simm.s32 $_size__tile_overlayer_lowered;
	s8 =	simm.s32 $_tile_overlayer_lowered  }
0x9d: {  	s22 =	simm.s32 $0x1BFF;
	s21 =	sshll.u32 s8, $0x1;
	s5 =	sadd.s32 s6, s19  }
0x9e: {  	s9 =	simm.s32 $0x0;
	s20 =	sshll.u32 s7, $0x1;
	s7 =	sadd.s32 s21, s5  }
0x9f: {  	[timem:s9], [sflag:s22] =	dma.local [hbm:s7], s20  }
0xa0: {  	_ =	swait.ge [sflag:s22], s20  }
0xa1: {  	s6 =	ssub.s32 $0x0, s20;
	[sflag:s22] =	ssyncset.done $0x0  }
0xa2: {  	[sflag:s22] =	ssyncadd.s32 s6;
	_ =	sdelay $0x1  }
0xa3: {  	s23 =	simm.s32 $0x1B8B  }
0xa4: {  	_ =	swait.ge [sflag:s23], $0x1  }
0xa5: {  	[sflag:s23] =	ssyncset.done $0x0  }
0xa6: {  	s25 =	simm.s32 $0x1B8E;
	s24 =	sld [smem:$0x3FFE];
	[sflag:s23] =	ssyncadd.s32 $0xFFFFFFFF  }
0xa7: {  	s26 =	simm.s32 $execute0_lowered;
	[smem:$0x3FD2] =	sst s25  }
0xa8: {  	s7 =	sshll.u32 s26, $0x1;
	_ =	strace $0x80000046;
	[dreg:$0x1] =	wrdreg $0xFFFFFFFF  }
0xa9: {  	s28 =	simm.s32 $_size_execute0_lowered;
	s5 =	sadd.s32 s5, s7;
	[dreg:$0x0] =	wrdreg $0x0  }
0xaa: {  	s7 =	sshll.u32 s28, $0x1;
	[dreg:$0x2] =	wrdreg s5  }
0xab: {  	[dreg:$0x3] =	wrdreg s7  }
0xac: {  	[dreg:$0x4] =	wrdreg $0xC0  }
0xad: {  	_ =	task [dreg:s9], $0x5FFFF  }
0xae: {  	[dreg:$0x1] =	wrdreg $0xFFFFFFFF  }
0xaf: {  	[dreg:$0x0] =	wrdreg $0x60  }
0xb0: {  	[dreg:$0x2] =	wrdreg s2  }
0xb1: {  	[dreg:$0x3] =	wrdreg s18  }
0xb2: {  	[dreg:$0x4] =	wrdreg s4  }
0xb3: {  	[dreg:$0x5] =	wrdreg s24  }
0xb4: {  	[dreg:$0x6] =	wrdreg $0x9  }
0xb5: {  	_ =	task.clear_ibuf [dreg:s9], $0x7FFFF;
	_ =	strace $0x90000046  }
0xb6: {  	s29 =	simm.s32 $0x9;
	_ =	strace $0x80000048  }
0xb7: {  	_ =	swait.ge [sflag:s29], $0x1  }
0xb8: {  	[sflag:s29] =	ssyncadd.s32 $0xFFFFFFFF  }
0xb9: {  	_ =	strace $0x90000048  }
0xba: {  	_ =	sfence  }
0xbb: {  	s30 =	sld [smem:$0x0];
	_ =	sdelay $0x2  }
0xbc: {  	s31 =	sshll.u32 s1, $0xD;
	s1 =	sshrl.u32 s1, $0x2  }
0xbd: {  	s3 =	sand.u32 $0x4000, s31;
	s1 =	sadd.s32 s1, s30  }
0xbe: {  	s0 =	sor.u32 s3, s0;
	s1 =	sshll.u32 s1, $0x11  }
0xbf: {  	s0 =	sor.u32 s1, s0  }
0xc0: {  	s0 =	sadd.s32 $0x8F2B, s0  }
0xc1: {  	[sflag:s0] =	ssyncadd.remote.s32 $0x1  }
0xc2: {  	_ =	sfence.sel $0xFFFF  }
0xc3: {  	[dreg:$0x0] =	wrdreg $0xFFFFFFFF;
	(pc) =	sbr.abs _section_cstart, $3  }
0xc4: {  	[dreg:$0x1] =	wrdreg $0xFFFFFFFF  }
0xc5: {  	_ =	task.clear_ibuf [dreg:s9], $0x2FFFF;
	_ =	strace $0x9FFFFFFF  }
0xc6: {  	(tm) =	ssettm $0x7FFFFFFF  }
0xc7: {  	_ =	shalt  }
tec
execute0_lowered:
.L_overlay_start_1:
0x0: {  	(tag) =	ssettag $0x1  }
0x1: {  	s6 =	rddreg [dreg:$0x0]  }
0x2: {  	s1 =	rddreg [dreg:$0x1]  }
0x3: {  	v0 =	vimm.s32 $0x76543210;
	s0 =	rddreg [dreg:$0x3]  }
0x4: {  	v1 =	vimm.s32 $0xFEDCBA98;
	v2 =	vimm.s32 $0xBA98FEDC;
	v3 =	vimm.s32 $0x32107654;
	s2 =	simm.s32 $0x0;
	s19 =	srdreg.scid;
	s7 =	stileid.u32  }
0x5: {  	v4 =	vimm.s32 $0xDCFE98BA;
	v5 =	vimm.s32 $0x54761032;
	v1 =	vunpack.c.l.s4.s8 v1;
	[smem:$0x7FF] =	sst s2;
	s2 =	sand.u32 $0x1, s19;
	s4 =	sadd.s32 $0xE00, s0  }
0x6: {  	v0 =	vunpack.c.l.s4.s8 v0;
	v2 =	vunpack.c.l.s4.s8 v2;
	v3 =	vunpack.c.l.s4.s8 v3;
	s20 =	sadd.s32 $0x1C00, s0;
	_ =	strace $0x80000047;
	[dreg:$0x17] =	wrdreg s4  }
0x7: {  	vm0 =	vcmask $0x2F20;
	vm1 =	vcmask $0xF00;
	s3 =	sshll.u32 s7, $0x1;
	s21 =	sadd.s32 $0x2000, s0;
	[dreg:$0x18] =	wrdreg s20;
	v1 =	vunpack.c.0.s8.s32 v1  }
0x8: {  	s30 =	sadd.s32 $0x23A00, s0;
	p1 =	sgt.u32 s7, $0x7;
	[dreg:$0x1a] =	wrdreg s21;
	v0 =	vunpack.c.0.s8.s32 v0;
	v2 =	vunpack.c.0.s8.s32 v2;
	v3 =	vunpack.c.0.s8.s32 v3  }
0x9: {  	vm2 =	vcmask $0x1710;
	v4 =	vunpack.c.l.s4.s8 v4;
	s8 =	sor.u32 s2, s3;
	s2 =	ssub.s32 $0x2, s2;
	[smem:$0x7FB] =	sst s30;
	v1 =	vand.u32 $0xF, v1  }
0xa: {  	s22 =	sshll.u32 s8, $0x8;
	s23 =	sshrl.u32 s2, $0x1;
	s24 =	sshll.u32 s8, $0xB;
	v0 =	vcombine.low v1, v0;
	v1 =	vcombine.low v3, v2;
	v2 =	vunpack.c.l.s4.s8 v5  }
0xb: {  	vm3 =	vcmask $0x700;
	v63 =	vimm.s32 $0x67452301;
	vm4 =	vcmask $0x300;
	s5 =	ssub.s32 $0x27, s8;
	[dreg:$0x19] =	wrdreg s8;
	s9 =	sadd.s32 s6, s24  }
0xc: {  	vm0 =	vmor vm1, vm0;
	s26 =	ssub.s32 $0x2F, s8;
	s6 =	sadd.s32 $0x10000, s6;
	[dreg:$0x1b] =	wrdreg s9;
	v3 =	vunpack.c.0.s8.s32 v4;
	v2 =	vunpack.c.0.s8.s32 v2  }
0xd: {  	vm1 =	vmor vm3, vm2;
	vm2 =	vcmask $0x2720;
	vm3 =	vcmask $0xB08;
	s3 =	sadd.s32 s22, s0;
	s4 =	sadd.s32 s1, s24;
	[dreg:$0x1c] =	wrdreg s6  }
0xe: {  	vm3 =	vmor vm4, vm3;
	s5 =	sshrl.u32 s5, $0x5;
	s0 =	sadd.s32 $0x20800, s0;
	[dreg:$0x1e] =	wrdreg s4;
	v2 =	vcombine.low v2, v3;
	v3 =	vimm.s32 $0xEFCDAB89  }
0xf: {  	vm4 =	vcmask $0x1310;
	s25 =	sxor.u32 $0x1, s5;
	s5 =	sadd.s32 $0x3, s5;
	[smem:$0x7FC] =	sst s0;
	v4 =	vunpack.c.l.s4.s8 v63;
	v3 =	vunpack.c.l.s4.s8 v3  }
0x10: {  	vm1 =	vmor vm1, vm2;
	vm2 =	vcmask $0x3730;
	vm3 =	vmor vm3, vm4;
	p2 =	seq.s32 s8, $0x1;
	s4 =	sadd.s32 $0x10000, s4;
	[dreg:$0x1f] =	wrdreg s5  }
0x11: {  	vm4 =	vcmask $0x1B18;
	s1 =	sshrl.u32 s26, $0x5;
	s28 =	sadd.s32 $0x20A00, s3;
	[smem:$0x7F7] =	sst s4;
	v4 =	vunpack.c.0.s8.s32 v4;
	v3 =	vunpack.c.0.s8.s32 v3  }
.Ltmp0:
0x12: {  	vm1 =	vmor vm1, vm2;
	vm2 =	vmor vm3, vm4;
	vm3 =	vcmask $0x2320;
	s3 =	sadd.s32 $0x22A00, s3;
	[smem:$0x7F8] =	sst s28;
	(pc) =	sbr.rel .LBB2_1-.Ltmp0, $4  }
0x13: {  	s2 =	ssub.s32 s2, s23;
	vm4 =	vcmask $0x2B28;
	s29 =	sadd.s32 $0x3, s1;
	vm3 =	vmor vm2, vm3;
	[smem:$0x7F9] =	sst s3;
	v3 =	vcombine.low v4, v3  }
0x14: {  	p3 =	sne.s32 s8, $0x0;
	s31 =	smax.u32 s2, $0x1;
	[smem:$0x7FA] =	sst s29;
	vm3 =	vmor vm3, vm4;
	vm4 =	vcmask $0x3330;
	v22 =	vand.u32 $0xF, v2  }
0x15: {  	p0 =	seq.s32 s1, $0x0;
	s6 =	sadd.s32 $0x3, s25;
	[smem:$0x7FD] =	sst s31;
	vm3 =	vmor vm3, vm4;
	vm4 =	vcmask $0x3B38;
	[tilespmem:$0x1FFE0] =	vst v22;
	v23 =	vand.u32 $0xF, v3  }
0x16: {  	vm2 =	vmmov $0xff;
	s3 =	simm.s32 $0x5;
	[dreg:$0x1d] =	wrdreg s6;
	s6 =	simm.s32 $0x0;
	v1 =	vand.u32 $0xF, v1;
	vm3 =	vmor vm3, vm4;
	[tilespmem:$0x1FFF0] =	vst v23  }
.LBB2_23:
0x17: {  	s0 =	sld [smem:$0x7FD];
	_ =	sdelay $0x1  }
0x18: {  	s6 =	sadd.s32 $0x1, s6  }
0x19: {  	p4 =	sne.s32 s6, s0  }
.Ltmp1:
0x1a: {  	_ = 	snop;
	(pc) =	sbr.rel @!p4 .LBB2_24-.Ltmp1, $1  }
0x1b: {  	_ =	sdelay $0x3  }
.LBB2_1:
0x1c: {  	[smem:$0x7F6] =	sst s6  }
0x1d: {  	s0 =	simm.s32 $0x0;
	s1 =	rddreg [dreg:$0x18];
	s2 =	simm.s32 $0x17A00  }
0x1e: {  	[tilespmem:s2], [sflag:$0x5] =	stream.linear.gather [hbm4b:s1+s0], $0x1180, $0x38;
	[tilespmem:$0x18E00] =	vst v63  }
0x1f: {  	_ =	swait.ge [sflag:s3], $0x1180  }
0x20: {  	[sflag:s3] =	ssyncset.done $0x0  }
0x21: {  	[sflag:s3] =	ssyncadd.s32 $0xFFFFEE80  }
0x22: {  	v20 =	vld [tilespmem:$0x17A00]  }
0x23: {  	v21 =	vld [tilespmem:$0x17A80]  }
0x24: {  	v22 =	vld [tilespmem:$0x17B00]  }
0x25: {  	v23 =	vld [tilespmem:$0x17B80]  }
0x26: {  	v24 =	vld [tilespmem:$0x17C00]  }
0x27: {  	v25 =	vld [tilespmem:$0x17C80]  }
0x28: {  	v26 =	vld [tilespmem:$0x17D00]  }
0x29: {  	v27 =	vld [tilespmem:$0x17D80]  }
0x2a: {  	v28 =	vld [tilespmem:$0x17E00]  }
0x2b: {  	v29 =	vld [tilespmem:$0x17E80]  }
0x2c: {  	v30 =	vld [tilespmem:$0x17F00]  }
0x2d: {  	v31 =	vld [tilespmem:$0x17F80]  }
0x2e: {  	v32 =	vld [tilespmem:$0x18000]  }
0x2f: {  	v33 =	vld [tilespmem:$0x18080]  }
0x30: {  	v34 =	vld [tilespmem:$0x18100]  }
0x31: {  	v35 =	vld [tilespmem:$0x18180]  }
0x32: {  	v4 =	vld [tilespmem:$0x18200]  }
0x33: {  	v5 =	vld [tilespmem:$0x18280]  }
0x34: {  	v6 =	vld [tilespmem:$0x18300]  }
0x35: {  	v9 =	vld [tilespmem:$0x18380]  }
0x36: {  	v16 =	vld [tilespmem:$0x18400]  }
0x37: {  	v17 =	vld [tilespmem:$0x18480]  }
0x38: {  	v18 =	vld [tilespmem:$0x18500]  }
0x39: {  	v19 =	vld [tilespmem:$0x18580]  }
0x3a: {  	v10 =	vld [tilespmem:$0x18600]  }
0x3b: {  	v11 =	vld [tilespmem:$0x18680]  }
0x3c: {  	v12 =	vld [tilespmem:$0x18700]  }
.Ltmp2:
0x3d: {  	v13 =	vld [tilespmem:$0x18780];
	(pc) =	sbr.rel .LBB2_2-.Ltmp2, $4  }
0x3e: {  	v14 =	vld [tilespmem:$0x18800]  }
0x3f: {  	s30 =	simm.s32 $0x4000;
	v15 =	vld [tilespmem:$0x18880]  }
0x40: {  	s31 =	simm.s32 $0x7A1400;
	s4 =	simm.s32 $0x0;
	s29 =	rddreg [dreg:$0x1b];
	v7 =	vld [tilespmem:$0x18900]  }
0x41: {  	v8 =	vld [tilespmem:$0x18980];
	[tilespmem:s0], [sflag:$0x1] =	stream.strided.gather [hbm4b:s29+s30], $0x8000, s31, s30, $0x38  }
.LBB2_8:
0x42: {  	s4 =	sld [smem:$0x7F5];
	_ =	sdelay $0x2  }
0x43: {  	s4 =	sadd.s32 $0x1, s4  }
0x44: {  	p4 =	sne.s32 s4, $0x8  }
.Ltmp3:
0x45: {  	_ = 	snop;
	(pc) =	sbr.rel @!p4 .LBB2_9-.Ltmp3, $1  }
0x46: {  	_ =	sdelay $0x3  }
.LBB2_2:
0x47: {  	s0 =	sshll.u32 s4, $0x6;
	s1 =	rddreg [dreg:$0x19]  }
0x48: {  	s0 =	sor.u32 s1, s0  }
0x49: {  	s16 =	simm.s32 $0x1;
	[smem:$0x7F3] =	sst s0  }
0x4a: {  	_ =	swait.ge [sflag:s16], $0x8000  }
0x4b: {  	p4 =	seq.s32 s4, $0x0;
	s0 =	sor.u32 $0x20, s0;
	[sflag:s16] =	ssyncset.done $0x0  }
0x4c: {  	p5 =	sgt.u32 s0, $0x1E7;
	[smem:$0x7F4] =	sst s0;
	[sflag:s16] =	ssyncadd.s32 $0xFFFF8000  }
0x4d: {  	s0 =	sshll.u32 @!p5 s0, $0xB;
	s2 =	simm.s32 @!p5 $0x7A1400;
	s1 =	rddreg [dreg:$0x0]  }
0x4e: {  	s3 =	simm.s32 @!p5 $0x8000;
	s0 =	sadd.s32 @!p5 s1, s0;
	s1 =	simm.s32 @!p5 $0x4000  }
0x4f: {  	[tilespmem:s3], [sflag:$0x2] =	stream.strided.gather @!p5 [hbm4b:s0+s1], $0x8000, s2, s1, $0x38;
	[tilespmem:$0x18E00] =	vst v63  }
0x50: {  	s19 =	simm.s32 $0x0;
	[smem:$0x7F5] =	sst s4;
	s0 =	simm.s32 @!p4 $0x3  }
0x51: {  	s5 =	sand.u32 $0x40, s19;
	_ =	swait.ge @!p4 [sflag:s0], $0x800  }
0x52: {  	s18 =	sor.u32 $0x30, s5;
	s2 =	sand.u32 $0x3C00, s19;
	[sflag:s0] =	ssyncset.done @!p4 $0x0  }
0x53: {  	s17 =	sor.u32 s18, s2;
	[sflag:s0] =	ssyncadd.s32 @!p4 $0xFFFFF800  }
0x54: {  	v36 =	vld [tilespmem:s17+$0x0]  }
0x55: {  	v37 =	vld [tilespmem:s17+$0x80]  }
0x56: {  	v38 =	vld [tilespmem:s17+$0x100]  }
0x57: {  	v39 =	vld [tilespmem:s17+$0x180]  }
0x58: {  	v40 =	vld [tilespmem:s17+$0x200]  }
0x59: {  	v41 =	vld [tilespmem:s17+$0x280]  }
0x5a: {  	s9 =	sor.u32 $0x4000, s2;
	v42 =	vld [tilespmem:s17+$0x300]  }
0x5b: {  	s8 =	sor.u32 $0x4080, s2;
	s20 =	sor.u32 s18, s9;
	v43 =	vld [tilespmem:s17+$0x380]  }
0x5c: {  	s6 =	sor.u32 $0x4100, s2;
	s21 =	sor.u32 s18, s8;
	v44 =	vld [tilespmem:s20+$0x0]  }
0x5d: {  	s7 =	sor.u32 $0x4180, s2;
	s22 =	sor.u32 s18, s6;
	v45 =	vld [tilespmem:s21+$0x0]  }
0x5e: {  	s3 =	sor.u32 $0x4200, s2;
	s23 =	sor.u32 s18, s7;
	v46 =	vld [tilespmem:s22+$0x0]  }
0x5f: {  	s4 =	sor.u32 $0x4280, s2;
	s24 =	sor.u32 s18, s3;
	v47 =	vld [tilespmem:s23+$0x0]  }
0x60: {  	s1 =	sor.u32 $0x4300, s2;
	s10 =	sor.u32 s18, s4;
	v48 =	vld [tilespmem:s24+$0x0]  }
0x61: {  	s25 =	sor.u32 s18, s1;
	v49 =	vld [tilespmem:s10+$0x0]  }
0x62: {  	s11 =	sor.u32 s5, s9;
	v50 =	vld [tilespmem:s25+$0x0]  }
0x63: {  	s28 =	sor.u32 s5, s8;
	v52 =	vld [tilespmem:s11+$0x0]  }
0x64: {  	s29 =	sor.u32 s5, s6;
	v53 =	vld [tilespmem:s28+$0x0]  }
0x65: {  	s30 =	sor.u32 s5, s7;
	v54 =	vld [tilespmem:s29+$0x0]  }
0x66: {  	s31 =	sor.u32 s5, s3;
	v55 =	vld [tilespmem:s30+$0x0]  }
0x67: {  	s12 =	sor.u32 s5, s4;
	v58 =	vld [tilespmem:s31+$0x0]  }
0x68: {  	s13 =	sor.u32 s5, s1;
	s0 =	sor.u32 $0x4380, s2;
	v57 =	vld [tilespmem:s12+$0x0]  }
0x69: {  	s26 =	sor.u32 s18, s0;
	v61 =	vld [tilespmem:s13+$0x0]  }
0x6a: {  	s21 =	sor.u32 $0x10, s5;
	s14 =	sor.u32 s5, s0;
	v51 =	vld [tilespmem:s26+$0x0]  }
0x6b: {  	s15 =	sor.u32 s21, s2;
	v56 =	vld [tilespmem:s14+$0x0]  }
0x6c: {  	v59 =	vld [tilespmem:s15+$0x280]  }
0x6d: {  	v60 =	vld [tilespmem:s15+$0x0]  }
0x6e: {  	v2 =	vld [tilespmem:s15+$0x80]  }
0x6f: {  	v62 =	vld [tilespmem:s15+$0x100]  }
0x70: {  	v63 =	vld [tilespmem:s15+$0x180]  }
0x71: {  	v3 =	vld [tilespmem:s15+$0x200];
	[tilespmem:$0x1FE70] =	vst v59  }
0x72: {  	v59 =	vld [tilespmem:s15+$0x300];
	_ =	sdelay $0x4  }
0x73: {  	[tilespmem:$0x1FE80] =	vst v59  }
0x74: {  	v59 =	vld [tilespmem:s15+$0x380];
	_ =	sdelay $0x4  }
0x75: {  	s16 =	sor.u32 s21, s9;
	[tilespmem:$0x1FE90] =	vst v59  }
0x76: {  	v59 =	vld [tilespmem:s16+$0x0];
	_ =	sdelay $0x4  }
0x77: {  	s17 =	sor.u32 s21, s8;
	[tilespmem:$0x1FEA0] =	vst v59  }
0x78: {  	v59 =	vld [tilespmem:s17+$0x0];
	_ =	sdelay $0x4  }
0x79: {  	s20 =	sor.u32 s21, s6;
	[tilespmem:$0x1FEB0] =	vst v59  }
0x7a: {  	v59 =	vld [tilespmem:s20+$0x0];
	_ =	sdelay $0x4  }
0x7b: {  	s22 =	sor.u32 s21, s7;
	[tilespmem:$0x1FEC0] =	vst v59  }
0x7c: {  	v59 =	vld [tilespmem:s22+$0x0];
	_ =	sdelay $0x4  }
0x7d: {  	s23 =	sor.u32 s21, s3;
	[tilespmem:$0x1FED0] =	vst v59  }
0x7e: {  	v59 =	vld [tilespmem:s23+$0x0];
	_ =	sdelay $0x4  }
0x7f: {  	s24 =	sor.u32 s21, s4;
	[tilespmem:$0x1FEE0] =	vst v59  }
0x80: {  	v59 =	vld [tilespmem:s24+$0x0];
	_ =	sdelay $0x4  }
0x81: {  	s25 =	sor.u32 s21, s1;
	[tilespmem:$0x1FEF0] =	vst v59  }
0x82: {  	v59 =	vld [tilespmem:s25+$0x0];
	_ =	sdelay $0x4  }
0x83: {  	s26 =	sor.u32 s21, s0;
	[tilespmem:$0x1FF00] =	vst v59  }
0x84: {  	v59 =	vld [tilespmem:s26+$0x0];
	_ =	sdelay $0x3  }
0x85: {  	s24 =	sor.u32 $0x20, s5  }
0x86: {  	s28 =	sor.u32 s24, s2;
	[tilespmem:$0x1FF10] =	vst v59  }
0x87: {  	v59 =	vld [tilespmem:s28+$0x0];
	_ =	sdelay $0x4  }
0x88: {  	[tilespmem:$0x1FF20] =	vst v59  }
0x89: {  	v59 =	vld [tilespmem:s28+$0x80];
	_ =	sdelay $0x3  }
0x8a: {  	v38 =	vmul.f32 v38, v22;
	v39 =	vmul.f32 v39, v23  }
0x8b: {  	[tilespmem:$0x1FF30] =	vst v59  }
0x8c: {  	v38 =	vadd.f32 v39, v38;
	v39 =	vld [tilespmem:s28+$0x200];
	_ =	sdelay $0x2  }
0x8d: {  	v36 =	vmul.f32 v36, v20;
	v37 =	vmul.f32 v37, v21  }
0x8e: {  	v59 =	vld [tilespmem:s28+$0x100]  }
0x8f: {  	v36 =	vadd.f32 v37, v36;
	v37 =	vld [tilespmem:s28+$0x180];
	[tilespmem:$0x1FF40] =	vst v39  }
0x90: {  	v39 =	vld [tilespmem:s28+$0x300];
	_ =	sdelay $0x2  }
0x91: {  	v40 =	vmul.f32 v40, v24;
	v41 =	vmul.f32 v41, v25;
	_ =	sdelay $0x1  }
0x92: {  	v40 =	vadd.f32 v41, v40;
	v41 =	vld [tilespmem:s28+$0x280];
	[tilespmem:$0x1FF50] =	vst v39  }
0x93: {  	v39 =	vld [tilespmem:s28+$0x380];
	_ =	sdelay $0x4  }
0x94: {  	s9 =	sor.u32 s24, s9;
	[tilespmem:$0x1FF60] =	vst v39  }
0x95: {  	v39 =	vld [tilespmem:s9+$0x0];
	_ =	sdelay $0x4  }
0x96: {  	s6 =	sor.u32 s24, s6;
	[tilespmem:$0x1FF70] =	vst v39  }
0x97: {  	v42 =	vmul.f32 v42, v26;
	v39 =	vld [tilespmem:s6+$0x0]  }
0x98: {  	v46 =	vmul.f32 v46, v30;
	v47 =	vmul.f32 v47, v31  }
0x99: {  	v48 =	vmul.f32 v48, v32;
	v49 =	vmul.f32 v49, v33  }
0x9a: {  	v50 =	vmul.f32 v50, v34;
	v51 =	vmul.f32 v51, v35  }
0x9b: {  	v43 =	vmul.f32 v43, v27;
	v44 =	vmul.f32 v44, v28;
	v46 =	vadd.f32 v47, v46;
	s8 =	sor.u32 s24, s8  }
0x9c: {  	v45 =	vmul.f32 v45, v29;
	v47 =	vadd.f32 v49, v48;
	v49 =	vadd.f32 v51, v50;
	s7 =	sor.u32 s24, s7;
	v50 =	vld [tilespmem:s8+$0x0];
	[tilespmem:$0x1FF80] =	vst v39  }
0x9d: {  	v42 =	vadd.f32 v43, v42;
	v39 =	vld [tilespmem:s7+$0x0]  }
0x9e: {  	v57 =	vmul.f32 v57, v33;
	v44 =	vadd.f32 v45, v44;
	v48 =	vmul.f32 v2, v21  }
0x9f: {  	v51 =	vmul.f32 v53, v29;
	v36 =	vadd.f32 v38, v36;
	v40 =	vadd.f32 v42, v40  }
0xa0: {  	v53 =	vmul.f32 v58, v32;
	v44 =	vadd.f32 v46, v44;
	v43 =	vadd.f32 v49, v47  }
0xa1: {  	v58 =	vmul.f32 v61, v34;
	v38 =	vmul.f32 v52, v28  }
0xa2: {  	v61 =	vmul.f32 v56, v35;
	v2 =	vld [tilespmem:$0x1FE70];
	v36 =	vadd.f32 v40, v36;
	v44 =	vadd.f32 v43, v44;
	s3 =	sor.u32 s24, s3;
	[tilespmem:$0x1FF90] =	vst v39  }
0xa3: {  	v52 =	vmul.f32 v55, v31;
	v49 =	vmul.f32 v54, v30;
	v38 =	vadd.f32 v51, v38;
	s4 =	sor.u32 s24, s4;
	v51 =	vld [tilespmem:s3+$0x0]  }
0xa4: {  	v61 =	vadd.f32 v61, v58;
	v36 =	vadd.f32 v44, v36;
	s1 =	sor.u32 s24, s1;
	v45 =	vld [tilespmem:s4+$0x0]  }
0xa5: {  	v40 =	vadd.f32 v57, v53;
	v49 =	vadd.f32 v52, v49;
	s0 =	sor.u32 s24, s0;
	v47 =	vld [tilespmem:s1+$0x0]  }
0xa6: {  	s29 =	sor.u32 s5, s2;
	v53 =	vld [tilespmem:s0+$0x0];
	[tilespmem:$0x1FFC0] =	vst v36  }
0xa7: {  	v38 =	vadd.f32 v49, v38;
	v44 =	vadd.f32 v61, v40;
	v46 =	vld [tilespmem:s29+$0x0]  }
0xa8: {  	v39 =	vmul.f32 v60, v20;
	v55 =	vld [tilespmem:s29+$0x80]  }
0xa9: {  	v58 =	vmul.f32 v2, v25;
	v2 =	vadd.f32 v44, v38;
	v42 =	vld [tilespmem:s29+$0x100]  }
0xaa: {  	v49 =	vadd.f32 v48, v39;
	v39 =	vld [tilespmem:s29+$0x180]  }
0xab: {  	[tilespmem:$0x1FFB0] =	vst v2;
	v2 =	vld [tilespmem:$0x1FE80];
	_ =	sdelay $0x4  }
0xac: {  	v38 =	vmul.f32 v2, v26;
	v2 =	vld [tilespmem:$0x1FE90];
	_ =	sdelay $0x4  }
0xad: {  	v48 =	vmul.f32 v2, v27;
	v2 =	vld [tilespmem:$0x1FEA0];
	_ =	sdelay $0x2  }
0xae: {  	v57 =	vmul.f32 v62, v22;
	v52 =	vmul.f32 v63, v23;
	_ =	sdelay $0x1  }
0xaf: {  	v52 =	vadd.f32 v52, v57;
	v57 =	vmul.f32 v2, v28;
	v2 =	vld [tilespmem:$0x1FEB0];
	_ =	sdelay $0x2  }
0xb0: {  	v3 =	vmul.f32 v3, v24;
	_ =	sdelay $0x1  }
0xb1: {  	v3 =	vadd.f32 v58, v3;
	v58 =	vmul.f32 v2, v29;
	v2 =	vld [tilespmem:$0x1FEC0];
	_ =	sdelay $0x1  }
0xb2: {  	v62 =	vld [tilespmem:$0x1FF00];
	_ =	sdelay $0x2  }
0xb3: {  	s16 =	simm.s32 $0x40;
	v49 =	vadd.f32 v52, v49;
	v52 =	vmul.f32 v2, v30;
	v2 =	vld [tilespmem:$0x1FED0]  }
0xb4: {  	v56 =	vld [tilespmem:$0x1FF10];
	s6 =	sand.u32 $0x40, s16;
	s4 =	simm.s32 $0x200  }
0xb5: {  	v43 =	vmul.f32 v62, v34;
	v62 =	vld [tilespmem:$0x1FF20];
	s30 =	sor.u32 $0x30, s6;
	s23 =	sand.u32 $0x3C00, s4  }
0xb6: {  	v40 =	vld [tilespmem:s29+$0x200];
	s31 =	sor.u32 s30, s23  }
0xb7: {  	v36 =	vld [tilespmem:s31+$0x0]  }
0xb8: {  	v63 =	vmul.f32 v2, v31;
	v2 =	vld [tilespmem:$0x1FEE0]  }
0xb9: {  	v54 =	vld [tilespmem:s29+$0x280]  }
0xba: {  	v60 =	vld [tilespmem:s29+$0x300]  }
0xbb: {  	v44 =	vadd.f32 v48, v38;
	v38 =	vld [tilespmem:s29+$0x380]  }
0xbc: {  	v47 =	vmul.f32 v47, v34;
	v57 =	vadd.f32 v58, v57;
	v58 =	vmul.f32 v56, v35;
	v56 =	vld [tilespmem:$0x1FF40]  }
0xbd: {  	v53 =	vmul.f32 v53, v35;
	[tilespmem:$0x1FFA0] =	vst v36;
	v3 =	vadd.f32 v44, v3;
	v44 =	vmul.f32 v2, v32;
	v2 =	vld [tilespmem:$0x1FEF0]  }
0xbe: {  	v48 =	vld [tilespmem:s31+$0x80];
	v52 =	vadd.f32 v63, v52  }
0xbf: {  	v47 =	vadd.f32 v53, v47;
	v53 =	vmul.f32 v60, v26;
	v61 =	vld [tilespmem:s31+$0x180]  }
0xc0: {  	v38 =	vmul.f32 v38, v27;
	v63 =	vld [tilespmem:$0x1FF30];
	v52 =	vadd.f32 v52, v57;
	v57 =	vmul.f32 v62, v20  }
0xc1: {  	v3 =	vadd.f32 v3, v49;
	v49 =	vld [tilespmem:s31+$0x100];
	v62 =	vmul.f32 v56, v24;
	v56 =	vmul.f32 v41, v25  }
0xc2: {  	s14 =	sor.u32 $0x4000, s23;
	v38 =	vadd.f32 v38, v53;
	v53 =	vld [tilespmem:$0x1FFA0];
	v2 =	vmul.f32 v2, v33  }
0xc3: {  	s1 =	sor.u32 s30, s14;
	v41 =	vld [tilespmem:s31+$0x300];
	v56 =	vadd.f32 v56, v62  }
0xc4: {  	v62 =	vld [tilespmem:s1+$0x0];
	v2 =	vadd.f32 v2, v44;
	v44 =	vadd.f32 v58, v43  }
0xc5: {  	v36 =	vmul.f32 v63, v21;
	v63 =	vld [tilespmem:s31+$0x200]  }
0xc6: {  	s9 =	sor.u32 $0x4080, s23;
	v43 =	vld [tilespmem:s31+$0x280];
	v2 =	vadd.f32 v44, v2  }
0xc7: {  	s2 =	sor.u32 s30, s9;
	v58 =	vmul.f32 v59, v22;
	v59 =	vld [tilespmem:$0x1FF60];
	v44 =	vmul.f32 v37, v23  }
0xc8: {  	v37 =	vld [tilespmem:s2+$0x0];
	v2 =	vadd.f32 v2, v52  }
0xc9: {  	v57 =	vadd.f32 v36, v57;
	v44 =	vadd.f32 v44, v58;
	v52 =	vld [tilespmem:s31+$0x380]  }
0xca: {  	v58 =	vld [tilespmem:$0x1FF50];
	v2 =	vadd.f32 v2, v3  }
0xcb: {  	s15 =	sor.u32 $0x4100, s23;
	v44 =	vadd.f32 v44, v57;
	v57 =	vld [tilespmem:$0x1FF70]  }
0xcc: {  	s11 =	sor.u32 $0x4380, s23;
	s3 =	sor.u32 s30, s15;
	v51 =	vmul.f32 v51, v32;
	v45 =	vmul.f32 v45, v33;
	[tilespmem:$0x1FFD0] =	vst v2;
	v2 =	vld [tilespmem:$0x1FF80]  }
0xcd: {  	s22 =	sor.u32 s30, s11;
	v46 =	vmul.f32 v46, v20;
	v36 =	vld [tilespmem:s3+$0x0]  }
0xce: {  	s25 =	sor.u32 s6, s14;
	v55 =	vmul.f32 v55, v21;
	v45 =	vadd.f32 v45, v51;
	v51 =	vmul.f32 v54, v25;
	v54 =	vld [tilespmem:s22+$0x0]  }
0xcf: {  	s26 =	sor.u32 s6, s9;
	v40 =	vmul.f32 v40, v24;
	v60 =	vld [tilespmem:s25+$0x0]  }
0xd0: {  	s28 =	sor.u32 s6, s15;
	v46 =	vadd.f32 v55, v46;
	v59 =	vmul.f32 v59, v27;
	v58 =	vmul.f32 v58, v26;
	v55 =	vld [tilespmem:s26+$0x0]  }
0xd1: {  	v50 =	vmul.f32 v50, v29;
	s12 =	sor.u32 $0x4200, s23;
	v51 =	vadd.f32 v51, v40;
	v40 =	vld [tilespmem:s28+$0x0];
	v57 =	vmul.f32 v57, v28  }
0xd2: {  	s13 =	sor.u32 $0x4280, s23;
	s7 =	sor.u32 s30, s12;
	v58 =	vadd.f32 v59, v58;
	v3 =	vmul.f32 v2, v30;
	v2 =	vld [tilespmem:$0x1FF90]  }
0xd3: {  	s20 =	sor.u32 $0x4180, s23;
	s8 =	sor.u32 s30, s13;
	v50 =	vadd.f32 v50, v57;
	v57 =	vld [tilespmem:s7+$0x0]  }
0xd4: {  	s29 =	sor.u32 s6, s20;
	v56 =	vadd.f32 v58, v56;
	v58 =	vld [tilespmem:s8+$0x0]  }
0xd5: {  	s5 =	sor.u32 s30, s20;
	v39 =	vmul.f32 v39, v23;
	v45 =	vadd.f32 v47, v45;
	v47 =	vld [tilespmem:s29+$0x0];
	s22 =	sor.u32 $0x10, s6  }
0xd6: {  	v41 =	vmul.f32 v41, v26;
	v52 =	vmul.f32 v52, v27;
	v59 =	vld [tilespmem:s5+$0x0];
	s7 =	sor.u32 s22, s23  }
0xd7: {  	v38 =	vadd.f32 v38, v51;
	v62 =	vmul.f32 v62, v28;
	v51 =	vld [tilespmem:s7+$0x180];
	v2 =	vmul.f32 v2, v31  }
0xd8: {  	s17 =	sor.u32 $0x4300, s23;
	s2 =	sor.u32 s6, s13;
	v41 =	vadd.f32 v52, v41;
	v52 =	vld [tilespmem:s7+$0x200];
	v56 =	vadd.f32 v56, v44;
	v57 =	vmul.f32 v57, v32  }
0xd9: {  	s10 =	sor.u32 s30, s17;
	v44 =	vld [tilespmem:s2+$0x0];
	v58 =	vmul.f32 v58, v33;
	v2 =	vadd.f32 v2, v3;
	v3 =	vmul.f32 v42, v22  }
0xda: {  	v37 =	vmul.f32 v37, v29;
	v36 =	vmul.f32 v36, v30;
	v42 =	vld [tilespmem:s10+$0x0]  }
0xdb: {  	s5 =	sor.u32 s6, s11;
	v59 =	vmul.f32 v59, v31;
	v57 =	vadd.f32 v58, v57;
	v58 =	vld [tilespmem:s7+$0x300];
	v3 =	vadd.f32 v39, v3  }
0xdc: {  	s31 =	sor.u32 s6, s12;
	v37 =	vadd.f32 v37, v62;
	v2 =	vadd.f32 v2, v50;
	v50 =	vld [tilespmem:s5+$0x0]  }
0xdd: {  	s3 =	sor.u32 s6, s17;
	v36 =	vadd.f32 v59, v36;
	v3 =	vadd.f32 v3, v46;
	v46 =	vld [tilespmem:s31+$0x0]  }
0xde: {  	v2 =	vadd.f32 v45, v2;
	v45 =	vmul.f32 v48, v21;
	v48 =	vld [tilespmem:s3+$0x0];
	s31 =	sor.u32 s22, s17  }
0xdf: {  	v54 =	vmul.f32 v54, v35;
	v36 =	vadd.f32 v36, v37;
	v37 =	vld [tilespmem:s31+$0x0];
	v3 =	vadd.f32 v38, v3  }
0xe0: {  	v38 =	vmul.f32 v53, v20;
	v39 =	vadd.f32 v2, v56;
	v2 =	vmul.f32 v49, v22;
	v56 =	vld [tilespmem:$0x1FFB0]  }
0xe1: {  	s28 =	sor.u32 s22, s12;
	v49 =	vmul.f32 v61, v23;
	v61 =	vmul.f32 v63, v24;
	v53 =	vld [tilespmem:s7+$0x0]  }
0xe2: {  	v63 =	vmul.f32 v60, v28;
	v60 =	vmul.f32 v50, v35;
	v50 =	vld [tilespmem:s28+$0x0]  }
0xe3: {  	v55 =	vmul.f32 v55, v29;
	v42 =	vmul.f32 v42, v34;
	v38 =	vadd.f32 v45, v38;
	v45 =	vld [tilespmem:s7+$0x80]  }
0xe4: {  	s0 =	sor.u32 $0x20, s6;
	v43 =	vmul.f32 v43, v25;
	s25 =	sor.u32 s22, s15;
	v2 =	vadd.f32 v49, v2;
	v49 =	vld [tilespmem:s7+$0x100]  }
0xe5: {  	v40 =	vmul.f32 v40, v30;
	s5 =	sor.u32 s0, s23;
	v42 =	vadd.f32 v54, v42;
	v54 =	vadd.f32 v55, v63;
	v55 =	vld [tilespmem:s25+$0x0]  }
0xe6: {  	v47 =	vmul.f32 v47, v31;
	s10 =	sor.u32 s22, s9;
	v63 =	vmul.f32 v51, v23;
	v51 =	vld [tilespmem:s5+$0x0]  }
0xe7: {  	v43 =	vadd.f32 v43, v61;
	v57 =	vadd.f32 v42, v57;
	v42 =	vld [tilespmem:s10+$0x0]  }
0xe8: {  	s8 =	sor.u32 s22, s14;
	v40 =	vadd.f32 v47, v40;
	v2 =	vadd.f32 v2, v38;
	v38 =	vld [tilespmem:s7+$0x380]  }
0xe9: {  	s3 =	sor.u32 s22, s11;
	v41 =	vadd.f32 v41, v43;
	v43 =	vld [tilespmem:s8+$0x0]  }
0xea: {  	v44 =	vmul.f32 v44, v33;
	v47 =	vadd.f32 v40, v54;
	v40 =	vld [tilespmem:s3+$0x0]  }
0xeb: {  	v46 =	vmul.f32 v46, v32;
	v59 =	vmul.f32 v48, v34;
	v54 =	vld [tilespmem:s5+$0x100]  }
0xec: {  	s29 =	sor.u32 s22, s13;
	v3 =	vadd.f32 v56, v3;
	v56 =	vld [tilespmem:s7+$0x280];
	v36 =	vadd.f32 v57, v36  }
0xed: {  	v37 =	vmul.f32 v37, v34;
	v44 =	vadd.f32 v44, v46;
	v46 =	vld [tilespmem:s29+$0x0];
	v61 =	vadd.f32 v60, v59  }
0xee: {  	v62 =	vmul.f32 v53, v20;
	v57 =	vmul.f32 v52, v24;
	v53 =	vld [tilespmem:s5+$0x80];
	v2 =	vadd.f32 v41, v2  }
0xef: {  	s26 =	sor.u32 s22, s20;
	v52 =	vld [tilespmem:s5+$0x180];
	v45 =	vmul.f32 v45, v21;
	v49 =	vmul.f32 v49, v22  }
0xf0: {  	v60 =	vmul.f32 v58, v26;
	v41 =	vld [tilespmem:s26+$0x0];
	v2 =	vadd.f32 v36, v2;
	v36 =	vadd.f32 v61, v44  }
0xf1: {  	s7 =	sor.u32 s0, s14;
	v42 =	vmul.f32 v42, v29;
	v45 =	vadd.f32 v45, v62;
	v44 =	vadd.f32 v63, v49;
	v63 =	vld [tilespmem:s5+$0x300]  }
0xf2: {  	v38 =	vmul.f32 v38, v27;
	v43 =	vmul.f32 v43, v28;
	v49 =	vld [tilespmem:s7+$0x0]  }
0xf3: {  	v62 =	vmul.f32 v50, v32;
	v40 =	vmul.f32 v40, v35;
	v44 =	vadd.f32 v44, v45;
	v45 =	vld [tilespmem:s5+$0x200]  }
0xf4: {  	s10 =	sor.u32 s0, s20;
	v59 =	vmul.f32 v56, v25;
	v46 =	vmul.f32 v46, v33;
	v42 =	vadd.f32 v42, v43;
	v43 =	vld [tilespmem:s5+$0x280]  }
0xf5: {  	v38 =	vadd.f32 v38, v60;
	v37 =	vadd.f32 v40, v37;
	v60 =	vmul.f32 v53, v21;
	v53 =	vld [tilespmem:s10+$0x0]  }
0xf6: {  	s8 =	sor.u32 s0, s9;
	v48 =	vadd.f32 v59, v57;
	v57 =	vld [tilespmem:s5+$0x380];
	v58 =	vadd.f32 v46, v62  }
0xf7: {  	v61 =	vmul.f32 v55, v30;
	v41 =	vmul.f32 v41, v31;
	v46 =	vld [tilespmem:s8+$0x0]  }
0xf8: {  	s9 =	sor.u32 s0, s15;
	v59 =	vmul.f32 v51, v20;
	v37 =	vadd.f32 v37, v58;
	v58 =	vld [tilespmem:$0x1FFC0]  }
0xf9: {  	s15 =	sor.u32 s0, s13;
	v52 =	vmul.f32 v52, v23;
	v51 =	vld [tilespmem:s9+$0x0];
	v41 =	vadd.f32 v41, v61;
	v61 =	vmul.f32 v54, v22  }
0xfa: {  	s25 =	sor.u32 s0, s11;
	s14 =	sand.u32 $0x780, s19;
	v38 =	vadd.f32 v38, v48;
	v40 =	vadd.f32 v60, v59;
	v48 =	vld [tilespmem:s15+$0x0];
	v62 =	vmul.f32 v63, v26  }
0xfb: {  	s12 =	sor.u32 s0, s12;
	s1 =	sor.u32 $0x10000, s14;
	v59 =	vld [tilespmem:s25+$0x0];
	v41 =	vadd.f32 v41, v42;
	v42 =	vadd.f32 v52, v61;
	v45 =	vmul.f32 v45, v24  }
0xfc: {  	s28 =	sand.u32 $0x780, s16;
	s19 =	sor.u32 s0, s17;
	s20 =	sor.u32 s18, s1;
	v38 =	vadd.f32 v38, v44;
	v44 =	vld [tilespmem:s12+$0x0];
	v43 =	vmul.f32 v43, v25;
	v63 =	vmul.f32 v57, v27  }
0xfd: {  	s29 =	sor.u32 $0x10000, s28;
	v60 =	vmul.f32 v49, v28;
	v37 =	vadd.f32 v37, v41;
	v57 =	vld [tilespmem:s19+$0x0];
	v42 =	vadd.f32 v42, v40;
	[tilespmem:s20+$0x0] =	vst v58  }
0xfe: {  	s26 =	sor.u32 s21, s1;
	s1 =	sor.u32 s24, s1;
	s19 =	sor.u32 s6, s23;
	v46 =	vmul.f32 v46, v29;
	v43 =	vadd.f32 v43, v45;
	v41 =	vadd.f32 v63, v62;
	v40 =	vld [tilespmem:$0x1FFD0]  }
0xff: {  	s30 =	sor.u32 s30, s29;
	v61 =	vmul.f32 v51, v30;
	v38 =	vadd.f32 v37, v38;
	v62 =	vmul.f32 v53, v31;
	[tilespmem:s1+$0x0] =	vst v39;
	v39 =	vld [tilespmem:s19+$0x100]  }
0x100: {  	s18 =	simm.s32 $0x10000;
	v63 =	vadd.f32 v46, v60;
	[tilespmem:s30+$0x0] =	vst v2;
	v43 =	vadd.f32 v41, v43;
	v41 =	vld [tilespmem:s19+$0x80]  }
0x101: {  	s31 =	sor.u32 s22, s29;
	v48 =	vmul.f32 v48, v33;
	[tilespmem:s18+$0x0] =	vst v3;
	v2 =	vmul.f32 v44, v32;
	v49 =	vadd.f32 v62, v61;
	v44 =	vld [tilespmem:s19+$0x200]  }
0x102: {  	v36 =	vadd.f32 v36, v47;
	v46 =	vmul.f32 v59, v35;
	[tilespmem:s31+$0x0] =	vst v38;
	v37 =	vadd.f32 v43, v42;
	v42 =	vld [tilespmem:s19+$0x180]  }
0x103: {  	s16 =	sor.u32 s0, s29;
	s21 =	simm.s32 $0x4;
	s24 =	simm.s32 $0x80;
	v45 =	vmul.f32 v57, v34;
	v43 =	vadd.f32 v48, v2;
	v38 =	vadd.f32 v49, v63;
	[tilespmem:s26+$0x0] =	vst v40;
	v40 =	vld [tilespmem:s19+$0x0]  }
.LBB2_3:
0x104: {  	s0 =	sand.u32 $0x40, s24;
	v3 =	vld [tilespmem:s19+$0x280];
	s4 =	sadd.s32 $0x200, s4  }
0x105: {  	v58 =	vld [tilespmem:s19+$0x300];
	s1 =	sand.u32 $0x3C00, s4;
	s11 =	sor.u32 $0x30, s0  }
0x106: {  	v59 =	vld [tilespmem:s19+$0x380];
	s3 =	sor.u32 s11, s1  }
0x107: {  	v47 =	vld [tilespmem:s3+$0x0]  }
0x108: {  	v61 =	vld [tilespmem:s3+$0x80]  }
0x109: {  	v62 =	vld [tilespmem:s3+$0x100]  }
0x10a: {  	v45 =	vadd.f32 v46, v45;
	s2 =	sor.u32 $0x4000, s1;
	v63 =	vld [tilespmem:s3+$0x180]  }
0x10b: {  	s17 =	sor.u32 $0x4200, s1;
	v52 =	vld [tilespmem:s3+$0x200];
	s31 =	sor.u32 s11, s2;
	v2 =	vmul.f32 v40, v20;
	v57 =	vmul.f32 v41, v21  }
0x10c: {  	s29 =	sor.u32 $0x4300, s1;
	v60 =	vadd.f32 v45, v43;
	s25 =	sor.u32 s11, s17;
	v39 =	vmul.f32 v39, v22;
	v42 =	vmul.f32 v42, v23;
	v56 =	vld [tilespmem:s31+$0x0]  }
0x10d: {  	s14 =	sor.u32 $0x4100, s1;
	s30 =	sor.u32 s11, s29;
	v44 =	vmul.f32 v44, v24;
	v48 =	vld [tilespmem:s25+$0x0];
	v3 =	vmul.f32 v3, v25  }
0x10e: {  	s28 =	sor.u32 $0x4280, s1;
	s7 =	sor.u32 s11, s14;
	v49 =	vld [tilespmem:s30+$0x0];
	v38 =	vadd.f32 v60, v38;
	v41 =	vmul.f32 v58, v26;
	v46 =	vmul.f32 v59, v27  }
0x10f: {  	s26 =	sor.u32 s11, s28;
	s31 =	sor.u32 $0x4380, s1;
	v58 =	vld [tilespmem:s7+$0x0];
	v2 =	vadd.f32 v57, v2;
	v39 =	vadd.f32 v42, v39  }
0x110: {  	v60 =	vld [tilespmem:s26+$0x0];
	s7 =	sor.u32 s11, s31;
	v3 =	vadd.f32 v3, v44;
	v41 =	vadd.f32 v46, v41  }
0x111: {  	v59 =	vmul.f32 v62, v22;
	v62 =	vld [tilespmem:s7+$0x0]  }
0x112: {  	v53 =	vld [tilespmem:s3+$0x280];
	v2 =	vadd.f32 v39, v2;
	v3 =	vadd.f32 v41, v3  }
0x113: {  	s8 =	sor.u32 $0x4080, s1;
	v54 =	vld [tilespmem:s3+$0x300]  }
0x114: {  	s15 =	sor.u32 $0x4180, s1;
	v55 =	vld [tilespmem:s3+$0x380];
	s5 =	sor.u32 s11, s8;
	v2 =	vadd.f32 v3, v2  }
0x115: {  	s12 =	sor.u32 $0x10, s0;
	s10 =	sor.u32 s11, s15;
	v57 =	vld [tilespmem:s5+$0x0];
	v48 =	vmul.f32 v48, v32;
	v45 =	vmul.f32 v60, v33  }
0x116: {  	s7 =	sor.u32 s12, s15;
	v49 =	vmul.f32 v49, v34;
	v3 =	vld [tilespmem:s10+$0x0];
	v2 =	vadd.f32 v36, v2;
	v44 =	vmul.f32 v62, v35  }
0x117: {  	s18 =	sadd.s32 $0x40, s18;
	s9 =	sor.u32 s12, s1;
	v45 =	vadd.f32 v45, v48;
	v48 =	vld [tilespmem:s7+$0x0]  }
0x118: {  	[dreg:$0x5] =	wrdreg s4;
	s4 =	sor.u32 s0, s2;
	[tilespmem:s18+$0x0] =	vst v2;
	v44 =	vadd.f32 v44, v49;
	v49 =	vld [tilespmem:s9+$0x100]  }
0x119: {  	s20 =	sor.u32 s0, s8;
	v50 =	vld [tilespmem:s4+$0x0]  }
0x11a: {  	s22 =	sor.u32 s0, s14;
	v37 =	vadd.f32 v38, v37;
	v51 =	vld [tilespmem:s20+$0x0]  }
0x11b: {  	s23 =	sor.u32 s0, s15;
	v42 =	vmul.f32 v52, v24;
	v52 =	vld [tilespmem:s22+$0x0]  }
0x11c: {  	v39 =	vmul.f32 v53, v25;
	[tilespmem:s16+$0x0] =	vst v37;
	s16 =	sor.u32 s0, s17;
	v53 =	vld [tilespmem:s23+$0x0]  }
0x11d: {  	s5 =	sor.u32 s0, s28;
	v47 =	vmul.f32 v47, v20;
	v40 =	vmul.f32 v63, v23;
	v63 =	vld [tilespmem:s16+$0x0]  }
0x11e: {  	s3 =	sor.u32 s0, s29;
	v43 =	vmul.f32 v61, v21;
	v61 =	vmul.f32 v55, v27;
	v55 =	vld [tilespmem:s5+$0x0]  }
0x11f: {  	s13 =	sor.u32 $0x20, s0;
	s19 =	sor.u32 s0, s1;
	s0 =	sor.u32 s0, s31;
	v41 =	vmul.f32 v57, v29;
	v2 =	vmul.f32 v54, v26;
	v57 =	vld [tilespmem:s3+$0x0]  }
0x120: {  	v37 =	vmul.f32 v56, v28;
	v46 =	vmul.f32 v58, v30;
	v36 =	vadd.f32 v40, v59;
	v59 =	vld [tilespmem:s0+$0x0]  }
0x121: {  	v43 =	vadd.f32 v43, v47;
	v3 =	vmul.f32 v3, v31;
	v2 =	vadd.f32 v61, v2;
	v61 =	vld [tilespmem:s9+$0x0]  }
0x122: {  	v39 =	vadd.f32 v39, v42;
	v37 =	vadd.f32 v41, v37;
	v40 =	vmul.f32 v63, v32;
	v63 =	vld [tilespmem:s9+$0x80]  }
0x123: {  	v3 =	vadd.f32 v3, v46;
	v54 =	vmul.f32 v50, v28;
	v58 =	vmul.f32 v52, v30;
	v52 =	vld [tilespmem:s9+$0x180]  }
0x124: {  	s26 =	sor.u32 s12, s2;
	v62 =	vadd.f32 v44, v45;
	v56 =	vmul.f32 v51, v29;
	v50 =	vmul.f32 v57, v34;
	v57 =	vld [tilespmem:s9+$0x300]  }
0x125: {  	s10 =	sor.u32 s12, s8;
	v3 =	vadd.f32 v3, v37;
	v60 =	vmul.f32 v53, v31;
	v53 =	vmul.f32 v59, v35;
	v59 =	vld [tilespmem:s26+$0x0]  }
0x126: {  	s25 =	sor.u32 s12, s14;
	v36 =	vadd.f32 v36, v43;
	v42 =	vmul.f32 v55, v33;
	v55 =	vmul.f32 v61, v20;
	v61 =	vld [tilespmem:s10+$0x0]  }
0x127: {  	v2 =	vadd.f32 v2, v39;
	v3 =	vadd.f32 v62, v3;
	v62 =	vld [tilespmem:s25+$0x0]  }
0x128: {  	s6 =	sor.u32 s13, s1;
	v38 =	vadd.f32 v56, v54;
	v54 =	vld [tilespmem:s9+$0x200]  }
0x129: {  	s1 =	sor.u32 s12, s17;
	s30 =	sor.u32 s12, s31;
	s4 =	sor.u32 s12, s28;
	v2 =	vadd.f32 v2, v36;
	v56 =	vld [tilespmem:s9+$0x280]  }
0x12a: {  	s20 =	sor.u32 s12, s29;
	s22 =	sor.u32 s13, s8;
	s16 =	sand.u32 $0x780, s24;
	v51 =	vadd.f32 v60, v58;
	v58 =	vld [tilespmem:s9+$0x380]  }
0x12b: {  	s8 =	sor.u32 s13, s29;
	s29 =	sor.u32 s13, s31;
	s0 =	sor.u32 $0x10000, s16;
	v36 =	vadd.f32 v53, v50;
	v53 =	vld [tilespmem:s20+$0x0];
	v2 =	vadd.f32 v3, v2  }
0x12c: {  	s31 =	sor.u32 s12, s0;
	s16 =	sor.u32 s13, s0;
	s0 =	sor.u32 s11, s0;
	v3 =	vadd.f32 v51, v38;
	v51 =	vld [tilespmem:s4+$0x0]  }
0x12d: {  	[tilespmem:s0+$0x0] =	vst v2;
	v2 =	vmul.f32 v49, v22;
	v49 =	vld [tilespmem:s1+$0x0]  }
0x12e: {  	v40 =	vadd.f32 v42, v40;
	v41 =	vmul.f32 v63, v21;
	v63 =	vmul.f32 v57, v26;
	v57 =	vld [tilespmem:s6+$0x80]  }
0x12f: {  	v50 =	vmul.f32 v59, v28;
	v59 =	vld [tilespmem:s6+$0x200]  }
0x130: {  	v36 =	vadd.f32 v36, v40;
	v38 =	vmul.f32 v62, v30;
	v62 =	vld [tilespmem:s6+$0x300]  }
0x131: {  	v39 =	vmul.f32 v52, v23;
	v60 =	vmul.f32 v54, v24;
	v54 =	vld [tilespmem:s30+$0x0]  }
0x132: {  	v36 =	vadd.f32 v36, v3;
	v37 =	vadd.f32 v41, v55;
	v3 =	vmul.f32 v56, v25;
	v55 =	vld [tilespmem:s6+$0x0]  }
0x133: {  	v43 =	vmul.f32 v48, v31;
	v2 =	vadd.f32 v39, v2;
	v44 =	vmul.f32 v58, v27;
	v58 =	vld [tilespmem:s6+$0x180]  }
0x134: {  	v52 =	vmul.f32 v61, v29;
	v42 =	vmul.f32 v53, v34;
	v3 =	vadd.f32 v3, v60;
	v60 =	vld [tilespmem:s6+$0x280]  }
0x135: {  	v2 =	vadd.f32 v2, v37;
	v39 =	vadd.f32 v44, v63;
	v40 =	vmul.f32 v51, v33;
	v63 =	vld [tilespmem:s6+$0x380]  }
0x136: {  	s14 =	sor.u32 s13, s14;
	v37 =	vadd.f32 v52, v50;
	v50 =	vld [tilespmem:s22+$0x0];
	v56 =	vmul.f32 v49, v32;
	v44 =	vmul.f32 v54, v35  }
0x137: {  	s2 =	sor.u32 s13, s2;
	v38 =	vadd.f32 v43, v38;
	v52 =	vld [tilespmem:s14+$0x0];
	v3 =	vadd.f32 v39, v3  }
0x138: {  	v49 =	vld [tilespmem:s2+$0x0];
	v40 =	vadd.f32 v40, v56;
	v42 =	vadd.f32 v44, v42  }
0x139: {  	s28 =	sor.u32 s13, s28;
	v61 =	vmul.f32 v57, v21;
	v2 =	vadd.f32 v3, v2;
	v3 =	vld [tilespmem:s6+$0x100]  }
0x13a: {  	s15 =	sor.u32 s13, s15;
	v57 =	vld [tilespmem:s28+$0x0];
	v37 =	vadd.f32 v38, v37;
	v38 =	vmul.f32 v59, v24;
	v40 =	vadd.f32 v42, v40  }
0x13b: {  	s17 =	sor.u32 s13, s17;
	v53 =	vmul.f32 v62, v26;
	v39 =	vmul.f32 v55, v20;
	v54 =	vld [tilespmem:s15+$0x0]  }
0x13c: {  	v48 =	vmul.f32 v58, v23;
	v55 =	vld [tilespmem:s17+$0x0];
	v51 =	vmul.f32 v60, v25;
	v37 =	vadd.f32 v40, v37  }
0x13d: {  	v39 =	vadd.f32 v61, v39;
	v46 =	vmul.f32 v63, v27;
	v58 =	vmul.f32 v50, v29  }
0x13e: {  	s21 =	sadd.s32 $0x4, s21;
	v60 =	vld [tilespmem:s29+$0x0];
	v56 =	vmul.f32 v49, v28;
	v3 =	vmul.f32 v3, v22;
	v2 =	vadd.f32 v37, v2  }
0x13f: {  	p6 =	slt.u32 s21, $0x7C;
	v59 =	vld [tilespmem:s8+$0x0];
	v43 =	vmul.f32 v57, v33;
	v38 =	vadd.f32 v51, v38;
	v42 =	vadd.f32 v46, v53  }
.Ltmp4:
0x140: {  	v41 =	vld [tilespmem:s19+$0x80];
	v45 =	vmul.f32 v54, v31;
	v3 =	vadd.f32 v48, v3;
	[tilespmem:s31+$0x0] =	vst v2;
	v2 =	vmul.f32 v52, v30;
	(pc) =	sbr.rel @p6 .LBB2_3-.Ltmp4, $4  }
0x141: {  	v44 =	vld [tilespmem:s19+$0x200];
	v61 =	vadd.f32 v58, v56;
	v63 =	vmul.f32 v55, v32;
	v62 =	vadd.f32 v42, v38  }
0x142: {  	v40 =	vld [tilespmem:s19+$0x0];
	v3 =	vadd.f32 v3, v39;
	v2 =	vadd.f32 v45, v2  }
0x143: {  	v42 =	vld [tilespmem:s19+$0x180];
	v46 =	vmul.f32 v60, v35;
	v43 =	vadd.f32 v43, v63  }
0x144: {  	s24 =	sadd.s32 $0x40, s24;
	s4 =	rddreg [dreg:$0x5];
	v39 =	vld [tilespmem:s19+$0x100];
	v37 =	vadd.f32 v62, v3;
	v45 =	vmul.f32 v59, v34;
	v38 =	vadd.f32 v2, v61  }
0x145: {  	v2 =	vld [tilespmem:s19+$0x280]  }
0x146: {  	v3 =	vld [tilespmem:s19+$0x300]  }
0x147: {  	v47 =	vld [tilespmem:s19+$0x380];
	_ =	sdelay $0x2  }
0x148: {  	v41 =	vmul.f32 v41, v21;
	v44 =	vmul.f32 v44, v24  }
0x149: {  	v45 =	vadd.f32 v46, v45;
	v40 =	vmul.f32 v40, v20;
	v2 =	vmul.f32 v2, v25  }
0x14a: {  	v3 =	vmul.f32 v3, v26;
	v62 =	vmul.f32 v47, v27  }
0x14b: {  	v42 =	vmul.f32 v42, v23;
	v63 =	vadd.f32 v45, v43;
	v39 =	vmul.f32 v39, v22  }
0x14c: {  	v2 =	vadd.f32 v2, v44;
	v3 =	vadd.f32 v62, v3  }
0x14d: {  	v40 =	vadd.f32 v41, v40;
	v39 =	vadd.f32 v42, v39  }
0x14e: {  	v2 =	vadd.f32 v3, v2;
	v3 =	vadd.f32 v63, v38  }
0x14f: {  	v39 =	vadd.f32 v39, v40  }
0x150: {  	v3 =	vadd.f32 v3, v37  }
0x151: {  	v2 =	vadd.f32 v2, v39  }
0x152: {  	[tilespmem:s16+$0x0] =	vst v3  }
0x153: {  	v2 =	vadd.f32 v36, v2;
	s1 =	sld [smem:$0x7F3]  }
.Ltmp5:
0x154: {  	s0 =	sadd.s32 $0x40, s18;
	(pc) =	sbr.rel @p5 .LBB2_8-.Ltmp5, $4  }
0x155: {  	[tilespmem:s0+$0x0] =	vst v2  }
0x156: {  	s0 =	rddreg [dreg:$0x1a];
	s1 =	sshll.u32 s1, $0x8  }
0x157: {  	s31 =	simm.s32 $0x0;
	s2 =	simm.s32 $0x10000;
	s0 =	sadd.s32 s0, s1  }
0x158: {  	[hbm4b:s0+s31] =	stream.linear.scatter [tilespmem:s2], [sflag:$0x3], $0x800, $0x38;
	[tilespmem:$0x18E00] =	vst v63  }
0x159: {  	s1 =	simm.s32 $0x2  }
0x15a: {  	_ =	swait.ge [sflag:s1], $0x8000  }
0x15b: {  	s0 =	sld [smem:$0x7F4];
	_ =	sdelay $0x1  }
0x15c: {  	[sflag:s1] =	ssyncset.done $0x0  }
0x15d: {  	[sflag:s1] =	ssyncadd.s32 $0xFFFF8000;
	p5 =	sgt.u32 s0, $0x1C7  }
0x15e: {  	s1 =	rddreg [dreg:$0x1c];
	s0 =	sshll.u32 @!p5 s0, $0xB;
	s2 =	simm.s32 @!p5 $0x7A1400  }
0x15f: {  	s3 =	simm.s32 @!p5 $0x0;
	s0 =	sadd.s32 @!p5 s0, s1;
	s1 =	simm.s32 @!p5 $0x4000  }
0x160: {  	[tilespmem:s3], [sflag:$0x1] =	stream.strided.gather @!p5 [hbm4b:s0+s1], $0x8000, s2, s1, $0x38;
	[tilespmem:$0x18E00] =	vst v63  }
0x161: {  	s16 =	simm.s32 $0x0;
	s0 =	simm.s32 @!p4 $0x4  }
0x162: {  	s19 =	sand.u32 $0x40, s16;
	s24 =	sand.u32 $0x3C00, s16;
	_ =	swait.ge @!p4 [sflag:s0], $0x800  }
0x163: {  	s5 =	sor.u32 $0x8000, s24;
	s6 =	sor.u32 $0x30, s19;
	[sflag:s0] =	ssyncset.done @!p4 $0x0  }
0x164: {  	s25 =	sor.u32 s6, s5;
	[sflag:s0] =	ssyncadd.s32 @!p4 $0xFFFFF800  }
0x165: {  	v2 =	vld [tilespmem:s25+$0x0]  }
0x166: {  	v3 =	vld [tilespmem:s25+$0x80]  }
0x167: {  	v36 =	vld [tilespmem:s25+$0x100]  }
0x168: {  	v37 =	vld [tilespmem:s25+$0x180]  }
0x169: {  	v38 =	vld [tilespmem:s25+$0x200]  }
0x16a: {  	v39 =	vld [tilespmem:s25+$0x280]  }
0x16b: {  	s18 =	sor.u32 $0xC000, s24;
	v40 =	vld [tilespmem:s25+$0x300]  }
0x16c: {  	s17 =	sor.u32 $0xC080, s24;
	s26 =	sor.u32 s6, s18;
	v41 =	vld [tilespmem:s25+$0x380]  }
0x16d: {  	s11 =	sor.u32 $0xC100, s24;
	s29 =	sor.u32 s6, s17;
	v42 =	vld [tilespmem:s26+$0x0]  }
0x16e: {  	s14 =	sor.u32 $0xC180, s24;
	s31 =	sor.u32 s6, s11;
	v43 =	vld [tilespmem:s29+$0x0]  }
0x16f: {  	s12 =	sor.u32 $0xC200, s24;
	s2 =	sor.u32 s6, s14;
	v44 =	vld [tilespmem:s31+$0x0]  }
0x170: {  	s15 =	sor.u32 $0xC280, s24;
	s3 =	sor.u32 s6, s12;
	v45 =	vld [tilespmem:s2+$0x0]  }
0x171: {  	s9 =	sor.u32 $0xC300, s24;
	s4 =	sor.u32 s6, s15;
	v46 =	vld [tilespmem:s3+$0x0]  }
0x172: {  	s13 =	sor.u32 $0xC380, s24;
	s7 =	sor.u32 s6, s9;
	v47 =	vld [tilespmem:s4+$0x0]  }
0x173: {  	s8 =	sor.u32 s6, s13;
	v48 =	vld [tilespmem:s7+$0x0]  }
0x174: {  	s10 =	sor.u32 s19, s5;
	v49 =	vld [tilespmem:s8+$0x0]  }
0x175: {  	v50 =	vld [tilespmem:s10+$0x0]  }
0x176: {  	v51 =	vld [tilespmem:s10+$0x80]  }
0x177: {  	v52 =	vld [tilespmem:s10+$0x100]  }
0x178: {  	v53 =	vld [tilespmem:s10+$0x180]  }
0x179: {  	v54 =	vld [tilespmem:s10+$0x200]  }
0x17a: {  	v55 =	vld [tilespmem:s10+$0x280]  }
0x17b: {  	v56 =	vld [tilespmem:s10+$0x300]  }
0x17c: {  	s20 =	sor.u32 s19, s18;
	v57 =	vld [tilespmem:s10+$0x380]  }
0x17d: {  	s21 =	sor.u32 s19, s17;
	v58 =	vld [tilespmem:s20+$0x0];
	v2 =	vmul.f32 v2, v20;
	v3 =	vmul.f32 v3, v21  }
0x17e: {  	s22 =	sor.u32 s19, s11;
	v59 =	vld [tilespmem:s21+$0x0];
	v36 =	vmul.f32 v36, v22;
	v37 =	vmul.f32 v37, v23  }
0x17f: {  	s23 =	sor.u32 s19, s14;
	v38 =	vmul.f32 v38, v24;
	v39 =	vmul.f32 v39, v25;
	v2 =	vadd.f32 v3, v2;
	v3 =	vld [tilespmem:s22+$0x0]  }
0x180: {  	s24 =	sor.u32 s19, s12;
	v40 =	vmul.f32 v40, v26;
	v41 =	vmul.f32 v41, v27;
	v36 =	vadd.f32 v37, v36;
	v37 =	vld [tilespmem:s23+$0x0]  }
0x181: {  	s25 =	sor.u32 s19, s15;
	v44 =	vmul.f32 v44, v30;
	v45 =	vmul.f32 v45, v31;
	v38 =	vadd.f32 v39, v38;
	v39 =	vld [tilespmem:s24+$0x0]  }
0x182: {  	s26 =	sor.u32 s19, s9;
	v46 =	vmul.f32 v46, v32;
	v47 =	vmul.f32 v47, v33;
	v40 =	vadd.f32 v41, v40;
	v41 =	vld [tilespmem:s25+$0x0]  }
0x183: {  	s0 =	sor.u32 $0x10, s19;
	s29 =	sor.u32 s19, s13;
	v42 =	vmul.f32 v42, v28;
	v43 =	vmul.f32 v43, v29;
	v62 =	vadd.f32 v45, v44;
	v44 =	vld [tilespmem:s26+$0x0]  }
0x184: {  	s31 =	sor.u32 s0, s5;
	v45 =	vadd.f32 v47, v46;
	v47 =	vld [tilespmem:s29+$0x0]  }
0x185: {  	v48 =	vmul.f32 v48, v34;
	v49 =	vmul.f32 v49, v35;
	v42 =	vadd.f32 v43, v42;
	v43 =	vld [tilespmem:s31+$0x80]  }
0x186: {  	v60 =	vmul.f32 v50, v20;
	v46 =	vld [tilespmem:s31+$0x100]  }
0x187: {  	v63 =	vadd.f32 v49, v48;
	v49 =	vmul.f32 v52, v22;
	v52 =	vld [tilespmem:s31+$0x180];
	v2 =	vadd.f32 v36, v2  }
0x188: {  	s3 =	sor.u32 s0, s17;
	s21 =	sor.u32 $0x20, s19;
	v61 =	vmul.f32 v51, v21;
	v36 =	vadd.f32 v40, v38;
	v38 =	vld [tilespmem:s31+$0x0];
	v42 =	vadd.f32 v62, v42  }
0x189: {  	s23 =	sor.u32 s21, s5;
	v62 =	vmul.f32 v53, v23;
	v45 =	vadd.f32 v63, v45;
	v63 =	vmul.f32 v54, v24;
	v54 =	vld [tilespmem:s3+$0x0]  }
0x18a: {  	v57 =	vmul.f32 v57, v27;
	v40 =	vadd.f32 v61, v60;
	v60 =	vmul.f32 v55, v25;
	v55 =	vld [tilespmem:s23+$0x200]  }
0x18b: {  	v58 =	vmul.f32 v58, v28;
	v61 =	vadd.f32 v45, v42;
	v42 =	vld [tilespmem:s31+$0x200];
	v62 =	vadd.f32 v62, v49  }
0x18c: {  	v48 =	vadd.f32 v60, v63;
	v49 =	vld [tilespmem:s31+$0x280];
	v63 =	vmul.f32 v56, v26;
	v60 =	vmul.f32 v59, v29  }
0x18d: {  	v2 =	vadd.f32 v36, v2;
	v36 =	vld [tilespmem:s31+$0x300];
	v3 =	vmul.f32 v3, v30;
	v37 =	vmul.f32 v37, v31  }
0x18e: {  	s8 =	sor.u32 s0, s12;
	v45 =	vld [tilespmem:s31+$0x380];
	v39 =	vmul.f32 v39, v32;
	v41 =	vmul.f32 v41, v33  }
0x18f: {  	s22 =	sor.u32 s0, s13;
	v56 =	vld [tilespmem:s8+$0x0];
	v44 =	vmul.f32 v44, v34;
	v47 =	vmul.f32 v47, v35  }
0x190: {  	s2 =	sor.u32 s0, s18;
	v59 =	vld [tilespmem:s22+$0x0];
	v46 =	vmul.f32 v46, v22;
	v2 =	vadd.f32 v61, v2;
	v40 =	vadd.f32 v62, v40  }
0x191: {  	s10 =	sor.u32 s0, s15;
	v52 =	vmul.f32 v52, v23;
	v50 =	vadd.f32 v57, v63;
	v61 =	vld [tilespmem:s2+$0x0];
	v53 =	vadd.f32 v60, v58  }
0x192: {  	s20 =	sor.u32 s0, s9;
	v57 =	vld [tilespmem:s10+$0x0];
	v3 =	vadd.f32 v37, v3;
	v62 =	vadd.f32 v41, v39  }
0x193: {  	v43 =	vmul.f32 v43, v21;
	v58 =	vld [tilespmem:s20+$0x0];
	v63 =	vadd.f32 v47, v44;
	v46 =	vadd.f32 v52, v46  }
0x194: {  	s7 =	sor.u32 s0, s14;
	v60 =	vld [tilespmem:s23+$0x0];
	v38 =	vmul.f32 v38, v20;
	v48 =	vadd.f32 v50, v48;
	v3 =	vadd.f32 v3, v53  }
0x195: {  	s4 =	sor.u32 s0, s11;
	v39 =	vld [tilespmem:s7+$0x0];
	v37 =	vadd.f32 v63, v62;
	v42 =	vmul.f32 v42, v24;
	v49 =	vmul.f32 v49, v25  }
0x196: {  	v50 =	vld [tilespmem:s4+$0x0];
	v38 =	vadd.f32 v43, v38;
	v36 =	vmul.f32 v36, v26;
	v45 =	vmul.f32 v45, v27  }
0x197: {  	v62 =	vmul.f32 v54, v29;
	v63 =	vld [tilespmem:s23+$0x100];
	v44 =	vmul.f32 v56, v32;
	v40 =	vadd.f32 v48, v40  }
0x198: {  	v54 =	vld [tilespmem:s23+$0x180];
	v56 =	vmul.f32 v59, v35;
	v3 =	vadd.f32 v37, v3;
	v42 =	vadd.f32 v49, v42  }
0x199: {  	v46 =	vadd.f32 v46, v38;
	v38 =	vld [tilespmem:s23+$0x80];
	v61 =	vmul.f32 v61, v28;
	v47 =	vmul.f32 v57, v33  }
0x19a: {  	v36 =	vadd.f32 v45, v36;
	v41 =	vmul.f32 v58, v34;
	v57 =	vld [tilespmem:s23+$0x280];
	v60 =	vmul.f32 v60, v20  }
0x19b: {  	v39 =	vmul.f32 v39, v31;
	v3 =	vadd.f32 v3, v40;
	v40 =	vadd.f32 v62, v61  }
0x19c: {  	v59 =	vld [tilespmem:s23+$0x380];
	v53 =	vmul.f32 v50, v30;
	v36 =	vadd.f32 v36, v42;
	v44 =	vadd.f32 v47, v44  }
0x19d: {  	s19 =	simm.s32 $0x200;
	s24 =	sor.u32 s21, s18;
	v58 =	vld [tilespmem:s23+$0x300];
	v41 =	vadd.f32 v56, v41;
	v49 =	vmul.f32 v63, v22;
	v50 =	vmul.f32 v54, v23  }
0x19e: {  	s30 =	sor.u32 s21, s9;
	s26 =	sand.u32 $0x780, s16;
	s4 =	sor.u32 s21, s14;
	v37 =	vld [tilespmem:s24+$0x0];
	v62 =	vmul.f32 v55, v24;
	v39 =	vadd.f32 v39, v53;
	v61 =	vmul.f32 v38, v21  }
0x19f: {  	s5 =	simm.s32 $0x10800;
	s25 =	sor.u32 s21, s17;
	s3 =	sor.u32 $0x10800, s26;
	v44 =	vadd.f32 v41, v44;
	v41 =	vld [tilespmem:s4+$0x0];
	v63 =	vmul.f32 v57, v25;
	v49 =	vadd.f32 v50, v49  }
0x1a0: {  	s18 =	simm.s32 $0x0;
	s29 =	sor.u32 s21, s11;
	s6 =	sor.u32 s6, s3;
	v38 =	vld [tilespmem:s25+$0x0];
	v39 =	vadd.f32 v39, v40;
	v51 =	vadd.f32 v61, v60  }
0x1a1: {  	s9 =	sor.u32 s0, s3;
	s28 =	sor.u32 s21, s3;
	s31 =	sor.u32 s21, s12;
	[tilespmem:s6+$0x0] =	vst v2;
	v36 =	vadd.f32 v36, v46;
	v46 =	vmul.f32 v59, v27;
	v40 =	vld [tilespmem:s29+$0x0];
	v42 =	vadd.f32 v63, v62  }
0x1a2: {  	s24 =	sor.u32 s21, s15;
	s23 =	sor.u32 s21, s13;
	s21 =	simm.s32 $0x40;
	[tilespmem:s5+$0x0] =	vst v3;
	v45 =	vmul.f32 v58, v26;
	v43 =	vadd.f32 v44, v39;
	v44 =	vld [tilespmem:s31+$0x0];
	v39 =	vadd.f32 v49, v51  }
.LBB2_6:
0x1a3: {  	s2 =	sand.u32 $0x40, s21;
	s3 =	sand.u32 $0x3C00, s19;
	v60 =	vld [tilespmem:s24+$0x0]  }
0x1a4: {  	v62 =	vld [tilespmem:s30+$0x0];
	s0 =	sor.u32 $0x8000, s3;
	s14 =	sor.u32 $0x30, s2  }
0x1a5: {  	v48 =	vld [tilespmem:s23+$0x0];
	s1 =	sor.u32 s14, s0  }
0x1a6: {  	v49 =	vld [tilespmem:s1+$0x0]  }
0x1a7: {  	v51 =	vld [tilespmem:s1+$0x80]  }
0x1a8: {  	v53 =	vld [tilespmem:s1+$0x100]  }
0x1a9: {  	v54 =	vld [tilespmem:s1+$0x180]  }
0x1aa: {  	v55 =	vld [tilespmem:s1+$0x200]  }
0x1ab: {  	s23 =	sor.u32 $0xC080, s3;
	v56 =	vld [tilespmem:s1+$0x300]  }
0x1ac: {  	s24 =	sor.u32 $0xC100, s3;
	s4 =	sor.u32 s14, s23;
	v57 =	vld [tilespmem:s1+$0x380]  }
0x1ad: {  	s30 =	sor.u32 $0xC180, s3;
	s6 =	sor.u32 s14, s24;
	v59 =	vld [tilespmem:s4+$0x0]  }
0x1ae: {  	v2 =	vadd.f32 v43, v36;
	v63 =	vadd.f32 v46, v45;
	s17 =	sor.u32 $0xC200, s3;
	v47 =	vld [tilespmem:s6+$0x0];
	s6 =	sor.u32 s14, s30;
	v3 =	vmul.f32 v37, v28  }
0x1af: {  	s11 =	sor.u32 $0xC280, s3;
	s7 =	sor.u32 s14, s17;
	v61 =	vmul.f32 v38, v29;
	v36 =	vmul.f32 v60, v33;
	v60 =	vld [tilespmem:s6+$0x0]  }
0x1b0: {  	s8 =	sor.u32 s14, s11;
	[tilespmem:s9+$0x0] =	vst v2;
	v50 =	vadd.f32 v63, v42;
	v2 =	vmul.f32 v40, v30;
	v40 =	vmul.f32 v48, v35;
	v48 =	vld [tilespmem:s7+$0x0]  }
0x1b1: {  	s26 =	sor.u32 $0xC380, s3;
	s29 =	sor.u32 s2, s0;
	v41 =	vmul.f32 v41, v31;
	v38 =	vmul.f32 v62, v34;
	v62 =	vld [tilespmem:s8+$0x0]  }
0x1b2: {  	v52 =	vmul.f32 v44, v32;
	v37 =	vadd.f32 v50, v39;
	s7 =	sor.u32 s14, s26;
	v50 =	vld [tilespmem:s29+$0x0]  }
0x1b3: {  	v3 =	vadd.f32 v61, v3;
	v2 =	vadd.f32 v41, v2;
	v63 =	vld [tilespmem:s7+$0x0]  }
0x1b4: {  	s10 =	sor.u32 $0xC300, s3;
	v36 =	vadd.f32 v36, v52;
	v52 =	vld [tilespmem:s29+$0x100]  }
0x1b5: {  	s12 =	sor.u32 s14, s10;
	v2 =	vadd.f32 v2, v3;
	v3 =	vld [tilespmem:s1+$0x280]  }
0x1b6: {  	v45 =	vmul.f32 v49, v20;
	v49 =	vld [tilespmem:s12+$0x0]  }
0x1b7: {  	s15 =	sor.u32 $0x10, s2;
	s22 =	sor.u32 $0x20, s2;
	s20 =	sor.u32 $0xC000, s3;
	v42 =	vmul.f32 v51, v21;
	v51 =	vld [tilespmem:s29+$0x80]  }
0x1b8: {  	s31 =	sor.u32 s15, s0;
	s16 =	sor.u32 s22, s0;
	s0 =	sor.u32 s2, s17;
	v61 =	vmul.f32 v53, v22;
	v53 =	vld [tilespmem:s29+$0x180]  }
0x1b9: {  	v38 =	vadd.f32 v40, v38;
	s1 =	sor.u32 s14, s20;
	v41 =	vmul.f32 v55, v24;
	v55 =	vld [tilespmem:s0+$0x0]  }
0x1ba: {  	v58 =	vld [tilespmem:s1+$0x0]  }
0x1bb: {  	s25 =	sor.u32 s2, s23;
	v36 =	vadd.f32 v38, v36;
	v44 =	vmul.f32 v62, v33;
	v62 =	vld [tilespmem:s29+$0x380]  }
0x1bc: {  	v40 =	vmul.f32 v57, v27;
	v57 =	vmul.f32 v50, v20;
	v50 =	vld [tilespmem:s25+$0x0]  }
0x1bd: {  	s9 =	sor.u32 s2, s20;
	v48 =	vmul.f32 v48, v32;
	v2 =	vadd.f32 v36, v2;
	v36 =	vmul.f32 v60, v31;
	v60 =	vld [tilespmem:s29+$0x300]  }
0x1be: {  	v39 =	vmul.f32 v54, v23;
	v43 =	vmul.f32 v63, v35;
	v63 =	vld [tilespmem:s9+$0x0]  }
0x1bf: {  	v47 =	vmul.f32 v47, v30;
	s1 =	sor.u32 s2, s24;
	v38 =	vmul.f32 v59, v29;
	v44 =	vadd.f32 v44, v48;
	v48 =	vld [tilespmem:s31+$0x100]  }
0x1c0: {  	v2 =	vadd.f32 v2, v37;
	v3 =	vmul.f32 v3, v25;
	v59 =	vmul.f32 v51, v21;
	v51 =	vld [tilespmem:s1+$0x0]  }
0x1c1: {  	v42 =	vadd.f32 v42, v45;
	v49 =	vmul.f32 v49, v34;
	v46 =	vmul.f32 v58, v28;
	v58 =	vld [tilespmem:s29+$0x280]  }
0x1c2: {  	v37 =	vadd.f32 v39, v61;
	v61 =	vmul.f32 v52, v22;
	[tilespmem:s28+$0x0] =	vst v2;
	v2 =	vmul.f32 v56, v26;
	v56 =	vld [tilespmem:s29+$0x200]  }
0x1c3: {  	s12 =	sor.u32 s2, s26;
	v36 =	vadd.f32 v36, v47;
	v54 =	vmul.f32 v62, v27;
	v62 =	vmul.f32 v55, v32;
	v55 =	vld [tilespmem:s31+$0x380]  }
0x1c4: {  	s13 =	sor.u32 s2, s11;
	v3 =	vadd.f32 v3, v41;
	v43 =	vadd.f32 v43, v49;
	v52 =	vmul.f32 v60, v26;
	v60 =	vld [tilespmem:s12+$0x0]  }
0x1c5: {  	s6 =	sor.u32 s2, s10;
	v2 =	vadd.f32 v40, v2;
	v40 =	vadd.f32 v59, v57;
	v57 =	vld [tilespmem:s13+$0x0]  }
0x1c6: {  	s4 =	sor.u32 s2, s30;
	v37 =	vadd.f32 v37, v42;
	v38 =	vadd.f32 v38, v46;
	v59 =	vld [tilespmem:s6+$0x0]  }
0x1c7: {  	v49 =	vadd.f32 v43, v44;
	v2 =	vadd.f32 v2, v3;
	v3 =	vmul.f32 v53, v23;
	v53 =	vld [tilespmem:s4+$0x0]  }
0x1c8: {  	s7 =	sor.u32 s15, s24;
	s2 =	sor.u32 s15, s30;
	s24 =	sor.u32 s22, s24;
	v36 =	vadd.f32 v36, v38;
	v41 =	vmul.f32 v58, v25;
	v58 =	vmul.f32 v50, v29;
	v50 =	vld [tilespmem:s31+$0x180]  }
0x1c9: {  	[dreg:$0x6] =	wrdreg s24;
	s24 =	sor.u32 s22, s30;
	s28 =	sor.u32 s15, s17;
	v39 =	vmul.f32 v56, v24;
	v56 =	vmul.f32 v63, v28;
	v63 =	vld [tilespmem:s31+$0x80]  }
0x1ca: {  	s30 =	sor.u32 s22, s10;
	[dreg:$0x13] =	wrdreg s28;
	s28 =	sor.u32 s15, s11;
	v36 =	vadd.f32 v49, v36;
	v45 =	vmul.f32 v55, v27;
	v55 =	vld [tilespmem:s16+$0x80];
	v2 =	vadd.f32 v2, v37  }
0x1cb: {  	[dreg:$0x11] =	wrdreg s28;
	s28 =	sor.u32 s15, s10;
	s10 =	sand.u32 $0x780, s21;
	v3 =	vadd.f32 v3, v61;
	v61 =	vld [tilespmem:s31+$0x0]  }
0x1cc: {  	[dreg:$0x8] =	wrdreg s24;
	s24 =	sor.u32 s22, s11;
	s11 =	sor.u32 $0x10800, s10;
	v37 =	vadd.f32 v54, v52;
	v43 =	vmul.f32 v60, v35;
	v52 =	vld [tilespmem:s31+$0x280];
	v2 =	vadd.f32 v36, v2  }
0x1cd: {  	s0 =	sor.u32 s14, s11;
	v54 =	vld [tilespmem:s31+$0x300];
	v39 =	vadd.f32 v41, v39;
	v41 =	vmul.f32 v57, v33;
	v49 =	vmul.f32 v59, v34  }
0x1ce: {  	s3 =	sor.u32 s15, s23;
	s23 =	sor.u32 s22, s23;
	s8 =	sor.u32 s15, s20;
	v60 =	vld [tilespmem:s7+$0x0];
	v3 =	vadd.f32 v3, v40;
	v38 =	vmul.f32 v53, v31;
	[tilespmem:s0+$0x0] =	vst v2;
	v2 =	vmul.f32 v51, v30  }
0x1cf: {  	[dreg:$0xa] =	wrdreg s23;
	v57 =	vld [tilespmem:s8+$0x0];
	v36 =	vadd.f32 v58, v56;
	v40 =	vadd.f32 v41, v62  }
0x1d0: {  	[dreg:$0xf] =	wrdreg s28;
	s28 =	sor.u32 s15, s26;
	v58 =	vld [tilespmem:s3+$0x0];
	v2 =	vadd.f32 v38, v2;
	v38 =	vadd.f32 v43, v49  }
0x1d1: {  	s23 =	sor.u32 s22, s26;
	s20 =	sor.u32 s22, s20;
	[dreg:$0xd] =	wrdreg s28;
	v37 =	vadd.f32 v37, v39;
	v51 =	vld [tilespmem:s31+$0x200]  }
0x1d2: {  	s17 =	sor.u32 s22, s17;
	s28 =	sor.u32 s22, s11;
	s22 =	rddreg [dreg:$0xf];
	v62 =	vld [tilespmem:s2+$0x0];
	v2 =	vadd.f32 v2, v36;
	v38 =	vadd.f32 v38, v40  }
0x1d3: {  	s14 =	rddreg [dreg:$0x13];
	v56 =	vmul.f32 v50, v23;
	v50 =	vld [tilespmem:s22+$0x0];
	v53 =	vmul.f32 v63, v21  }
0x1d4: {  	s9 =	sor.u32 s15, s11;
	s15 =	rddreg [dreg:$0x11];
	v63 =	vld [tilespmem:s14+$0x0];
	v3 =	vadd.f32 v37, v3;
	v39 =	vmul.f32 v61, v20;
	v2 =	vadd.f32 v38, v2  }
0x1d5: {  	s25 =	rddreg [dreg:$0xd];
	v37 =	vmul.f32 v48, v22;
	v59 =	vmul.f32 v52, v25;
	v48 =	vld [tilespmem:s15+$0x0]  }
0x1d6: {  	v61 =	vmul.f32 v54, v26;
	v36 =	vmul.f32 v51, v24;
	v51 =	vld [tilespmem:s25+$0x0];
	v2 =	vadd.f32 v2, v3  }
0x1d7: {  	s5 =	sadd.s32 $0x40, s5;
	v39 =	vadd.f32 v53, v39;
	v49 =	vmul.f32 v58, v29;
	v53 =	vld [tilespmem:s16+$0x0];
	v52 =	vmul.f32 v62, v31  }
0x1d8: {  	v37 =	vadd.f32 v56, v37;
	v56 =	vld [tilespmem:s16+$0x100];
	v3 =	vmul.f32 v57, v28;
	[tilespmem:s5+$0x0] =	vst v2;
	v2 =	vmul.f32 v60, v30  }
0x1d9: {  	v40 =	vadd.f32 v45, v61;
	v42 =	vmul.f32 v50, v34;
	v57 =	vld [tilespmem:s16+$0x180]  }
0x1da: {  	v54 =	vmul.f32 v63, v32;
	v3 =	vadd.f32 v49, v3;
	v2 =	vadd.f32 v52, v2  }
0x1db: {  	v58 =	vld [tilespmem:s16+$0x280];
	v37 =	vadd.f32 v37, v39;
	v38 =	vmul.f32 v48, v33;
	v41 =	vmul.f32 v51, v35  }
0x1dc: {  	v36 =	vadd.f32 v59, v36;
	v59 =	vmul.f32 v55, v21;
	v2 =	vadd.f32 v2, v3;
	v3 =	vld [tilespmem:s16+$0x200]  }
0x1dd: {  	s18 =	sadd.s32 $0x4, s18;
	v62 =	vld [tilespmem:s16+$0x380];
	v38 =	vadd.f32 v38, v54;
	v39 =	vmul.f32 v53, v20;
	v41 =	vadd.f32 v41, v42  }
0x1de: {  	p4 =	slt.u32 s18, $0x7C;
	v61 =	vmul.f32 v56, v22;
	v36 =	vadd.f32 v40, v36;
	v60 =	vld [tilespmem:s16+$0x300];
	v63 =	vmul.f32 v57, v23  }
.Ltmp6:
0x1df: {  	s29 =	rddreg [dreg:$0x6];
	v44 =	vld [tilespmem:s17+$0x0];
	v39 =	vadd.f32 v59, v39;
	v41 =	vadd.f32 v41, v38;
	(pc) =	sbr.rel @p4 .LBB2_6-.Ltmp6, $4  }
0x1e0: {  	v40 =	vld [tilespmem:s29+$0x0];
	v36 =	vadd.f32 v36, v37;
	v47 =	vadd.f32 v63, v61  }
0x1e1: {  	s26 =	rddreg [dreg:$0xa];
	v37 =	vld [tilespmem:s20+$0x0];
	v43 =	vadd.f32 v41, v2;
	v2 =	vmul.f32 v58, v25;
	v3 =	vmul.f32 v3, v24  }
0x1e2: {  	s31 =	rddreg [dreg:$0x8];
	v46 =	vmul.f32 v62, v27;
	v38 =	vld [tilespmem:s26+$0x0]  }
0x1e3: {  	s19 =	sadd.s32 $0x200, s19;
	s21 =	sadd.s32 $0x40, s21;
	v45 =	vmul.f32 v60, v26;
	v41 =	vld [tilespmem:s31+$0x0];
	v39 =	vadd.f32 v47, v39;
	v42 =	vadd.f32 v2, v3  }
0x1e4: {  	v2 =	vld [tilespmem:s24+$0x0]  }
0x1e5: {  	v3 =	vld [tilespmem:s30+$0x0]  }
0x1e6: {  	v47 =	vld [tilespmem:s23+$0x0];
	_ =	sdelay $0x1  }
0x1e7: {  	v44 =	vmul.f32 v44, v32;
	v40 =	vmul.f32 v40, v30  }
0x1e8: {  	v37 =	vmul.f32 v37, v28;
	v38 =	vmul.f32 v38, v29  }
0x1e9: {  	v41 =	vmul.f32 v41, v31;
	v2 =	vmul.f32 v2, v33  }
0x1ea: {  	v45 =	vadd.f32 v46, v45;
	v3 =	vmul.f32 v3, v34;
	v61 =	vmul.f32 v47, v35  }
0x1eb: {  	v37 =	vadd.f32 v38, v37;
	v62 =	vadd.f32 v41, v40  }
0x1ec: {  	v2 =	vadd.f32 v2, v44;
	v3 =	vadd.f32 v61, v3  }
0x1ed: {  	v63 =	vadd.f32 v45, v42  }
0x1ee: {  	v37 =	vadd.f32 v62, v37;
	v2 =	vadd.f32 v3, v2  }
0x1ef: {  	v36 =	vadd.f32 v43, v36  }
0x1f0: {  	v3 =	vadd.f32 v63, v39;
	v2 =	vadd.f32 v2, v37  }
0x1f1: {  	[tilespmem:s9+$0x0] =	vst v36  }
0x1f2: {  	s0 =	sld [smem:$0x7F4];
	v2 =	vadd.f32 v2, v3  }
.Ltmp7:
0x1f3: {  	_ = 	snop;
	(pc) =	sbr.rel .LBB2_8-.Ltmp7, $4  }
0x1f4: {  	[tilespmem:s28+$0x0] =	vst v2  }
0x1f5: {  	s0 =	sshll.u32 s0, $0x8;
	s1 =	rddreg [dreg:$0x1a]  }
0x1f6: {  	s31 =	simm.s32 $0x0;
	s2 =	simm.s32 $0x10800;
	s0 =	sadd.s32 s1, s0  }
0x1f7: {  	[hbm4b:s0+s31] =	stream.linear.scatter [tilespmem:s2], [sflag:$0x4], $0x800, $0x38;
	[tilespmem:$0x18E00] =	vst v63  }
.LBB2_9:
0x1f8: {  	s0 =	rddreg [dreg:$0x1d]  }
0x1f9: {  	_ =	swait.ge [sflag:s0], $0x800  }
0x1fa: {  	[sflag:s0] =	ssyncset.done $0x0  }
0x1fb: {  	s20 =	rddreg [dreg:$0x1f];
	[sflag:s0] =	ssyncadd.s32 $0xFFFFF800  }
0x1fc: {  	s21 =	simm.s32 $0x0;
	_ =	swait.ge [sflag:s20], $0x800  }
0x1fd: {  	s2 =	simm.s32 $0x4000;
	s3 =	simm.s32 $0xC3800;
	[sflag:s20] =	ssyncset.done $0x0  }
0x1fe: {  	s22 =	simm.s32 $0x1;
	s1 =	rddreg [dreg:$0x1e];
	[sflag:s20] =	ssyncadd.s32 $0xFFFFF800  }
0x1ff: {  	[tilespmem:s21], [sflag:$0x1] =	stream.strided.gather [hbm4b:s1+s2], $0x8000, s3, s2, $0x38;
	[tilespmem:$0x18E00] =	vst v63  }
0x200: {  	_ =	swait.ge [sflag:s22], $0x8000  }
0x201: {  	s3 =	sld [smem:$0x7F7]  }
0x202: {  	s5 =	simm.s32 $0x0;
	s0 =	simm.s32 @!p1 $0x4000;
	[sflag:s22] =	ssyncset.done $0x0  }
0x203: {  	s1 =	simm.s32 @!p1 $0xC3800;
	s2 =	simm.s32 @!p1 $0x8000;
	[sflag:s22] =	ssyncadd.s32 $0xFFFF8000  }
0x204: {  	[tilespmem:s2], [sflag:$0x2] =	stream.strided.gather @!p1 [hbm4b:s3+s0], $0x8000, s1, s0, $0x38;
	[tilespmem:$0x18E00] =	vst v63  }
0x205: {  	s1 =	sand.u32 $0x40, s5  }
0x206: {  	s2 =	sand.u32 $0x3C00, s5;
	s4 =	sor.u32 $0x30, s1  }
0x207: {  	s23 =	sor.u32 s4, s2  }
0x208: {  	v2 =	vld [tilespmem:s23+$0x0]  }
0x209: {  	v3 =	vld [tilespmem:s23+$0x80]  }
0x20a: {  	v20 =	vld [tilespmem:s23+$0x100]  }
0x20b: {  	v21 =	vld [tilespmem:s23+$0x180]  }
0x20c: {  	v22 =	vld [tilespmem:s23+$0x200]  }
0x20d: {  	v23 =	vld [tilespmem:s23+$0x280]  }
0x20e: {  	s11 =	sor.u32 $0x4000, s2;
	v24 =	vld [tilespmem:s23+$0x300]  }
0x20f: {  	s10 =	sor.u32 $0x4080, s2;
	s24 =	sor.u32 s4, s11;
	v25 =	vld [tilespmem:s23+$0x380]  }
0x210: {  	s8 =	sor.u32 $0x4100, s2;
	s25 =	sor.u32 s4, s10;
	v26 =	vld [tilespmem:s24+$0x0]  }
0x211: {  	s9 =	sor.u32 $0x4180, s2;
	s26 =	sor.u32 s4, s8;
	v27 =	vld [tilespmem:s25+$0x0]  }
0x212: {  	s6 =	sor.u32 $0x4200, s2;
	s28 =	sor.u32 s4, s9;
	v28 =	vld [tilespmem:s26+$0x0]  }
0x213: {  	s7 =	sor.u32 $0x4280, s2;
	s29 =	sor.u32 s4, s6;
	v29 =	vld [tilespmem:s28+$0x0]  }
0x214: {  	s3 =	sor.u32 $0x4300, s2;
	s12 =	sor.u32 s4, s7;
	v30 =	vld [tilespmem:s29+$0x0]  }
0x215: {  	s0 =	sor.u32 $0x4380, s2;
	s30 =	sor.u32 s4, s3;
	v31 =	vld [tilespmem:s12+$0x0]  }
0x216: {  	s31 =	sor.u32 s4, s0;
	v32 =	vld [tilespmem:s30+$0x0]  }
0x217: {  	s13 =	sor.u32 s1, s11;
	v33 =	vld [tilespmem:s31+$0x0]  }
0x218: {  	s14 =	sor.u32 s1, s10;
	v34 =	vld [tilespmem:s13+$0x0]  }
0x219: {  	s15 =	sor.u32 s1, s8;
	v35 =	vld [tilespmem:s14+$0x0]  }
0x21a: {  	s16 =	sor.u32 s1, s9;
	v36 =	vld [tilespmem:s15+$0x0]  }
0x21b: {  	s17 =	sor.u32 s1, s6;
	v37 =	vld [tilespmem:s16+$0x0]  }
0x21c: {  	s18 =	sor.u32 s1, s7;
	v38 =	vld [tilespmem:s17+$0x0]  }
0x21d: {  	s19 =	sor.u32 s1, s3;
	v39 =	vld [tilespmem:s18+$0x0]  }
0x21e: {  	s20 =	sor.u32 s1, s0;
	s18 =	sor.u32 $0x10, s1;
	v40 =	vld [tilespmem:s19+$0x0]  }
0x21f: {  	v41 =	vld [tilespmem:s20+$0x0];
	s21 =	sor.u32 s18, s2  }
0x220: {  	v42 =	vld [tilespmem:s21+$0x0]  }
0x221: {  	v43 =	vld [tilespmem:s21+$0x80]  }
0x222: {  	v44 =	vld [tilespmem:s21+$0x100]  }
0x223: {  	v45 =	vld [tilespmem:s21+$0x180]  }
0x224: {  	v46 =	vld [tilespmem:s21+$0x200]  }
0x225: {  	v47 =	vld [tilespmem:s21+$0x280]  }
0x226: {  	v48 =	vld [tilespmem:s21+$0x300]  }
0x227: {  	s22 =	sor.u32 s18, s11;
	v49 =	vld [tilespmem:s21+$0x380]  }
0x228: {  	s23 =	sor.u32 s18, s10;
	v50 =	vld [tilespmem:s22+$0x0]  }
0x229: {  	s24 =	sor.u32 s18, s8;
	v51 =	vld [tilespmem:s23+$0x0]  }
0x22a: {  	s25 =	sor.u32 s18, s9;
	v52 =	vld [tilespmem:s24+$0x0]  }
0x22b: {  	s26 =	sor.u32 s18, s6;
	v53 =	vld [tilespmem:s25+$0x0]  }
0x22c: {  	s28 =	sor.u32 s18, s7;
	v54 =	vld [tilespmem:s26+$0x0]  }
0x22d: {  	s29 =	sor.u32 s18, s3;
	v55 =	vld [tilespmem:s28+$0x0]  }
0x22e: {  	s19 =	sor.u32 $0x20, s1;
	s30 =	sor.u32 s18, s0;
	v56 =	vld [tilespmem:s29+$0x0]  }
0x22f: {  	s31 =	sor.u32 s19, s2;
	v57 =	vld [tilespmem:s30+$0x0]  }
0x230: {  	v58 =	vld [tilespmem:s31+$0x0]  }
0x231: {  	v59 =	vld [tilespmem:s31+$0x80];
	v2 =	vmul.f32 v2, v4  }
0x232: {  	s6 =	sor.u32 s19, s6;
	v60 =	vld [tilespmem:s31+$0x100];
	v3 =	vmul.f32 v3, v5;
	v20 =	vmul.f32 v20, v6  }
0x233: {  	s7 =	sor.u32 s19, s7;
	v21 =	vmul.f32 v21, v9;
	v63 =	vmul.f32 v35, v11;
	v35 =	vld [tilespmem:s6+$0x0]  }
0x234: {  	s2 =	sor.u32 s1, s2;
	v22 =	vmul.f32 v22, v16;
	v61 =	vmul.f32 v37, v13;
	v37 =	vld [tilespmem:s7+$0x0]  }
0x235: {  	v23 =	vmul.f32 v23, v17;
	v62 =	vmul.f32 v39, v15;
	v39 =	vld [tilespmem:s2+$0x280]  }
0x236: {  	v24 =	vmul.f32 v24, v18;
	v25 =	vmul.f32 v25, v19;
	v2 =	vadd.f32 v3, v2;
	v3 =	vld [tilespmem:s31+$0x180]  }
0x237: {  	v26 =	vmul.f32 v26, v10;
	v27 =	vmul.f32 v27, v11;
	v20 =	vadd.f32 v21, v20;
	v21 =	vld [tilespmem:s31+$0x200]  }
0x238: {  	v28 =	vmul.f32 v28, v12;
	v29 =	vmul.f32 v29, v13;
	v22 =	vadd.f32 v23, v22;
	v23 =	vld [tilespmem:s31+$0x280]  }
0x239: {  	v30 =	vmul.f32 v30, v14;
	v31 =	vmul.f32 v31, v15;
	v24 =	vadd.f32 v25, v24;
	v25 =	vld [tilespmem:s31+$0x300]  }
0x23a: {  	s11 =	sor.u32 s19, s11;
	v32 =	vmul.f32 v32, v7;
	v33 =	vmul.f32 v33, v8;
	v26 =	vadd.f32 v27, v26;
	v27 =	vld [tilespmem:s31+$0x380]  }
0x23b: {  	s10 =	sor.u32 s19, s10;
	v28 =	vadd.f32 v29, v28;
	v29 =	vadd.f32 v31, v30;
	v30 =	vld [tilespmem:s11+$0x0]  }
0x23c: {  	s8 =	sor.u32 s19, s8;
	v31 =	vadd.f32 v33, v32;
	v32 =	vld [tilespmem:s10+$0x0]  }
0x23d: {  	s9 =	sor.u32 s19, s9;
	v2 =	vadd.f32 v20, v2;
	v20 =	vmul.f32 v34, v10;
	v22 =	vadd.f32 v24, v22;
	v24 =	vld [tilespmem:s8+$0x0]  }
0x23e: {  	s0 =	sor.u32 s19, s0;
	v26 =	vadd.f32 v28, v26;
	v28 =	vadd.f32 v31, v29;
	v29 =	vld [tilespmem:s9+$0x0]  }
0x23f: {  	s16 =	simm.s32 $0x40;
	s3 =	sor.u32 s19, s3;
	v31 =	vmul.f32 v36, v12;
	v36 =	vld [tilespmem:s0+$0x0];
	v33 =	vadd.f32 v63, v20;
	v20 =	vmul.f32 v38, v14  }
0x240: {  	s1 =	simm.s32 $0x200;
	s6 =	sand.u32 $0x40, s16;
	v2 =	vadd.f32 v22, v2;
	v22 =	vadd.f32 v28, v26;
	v26 =	vmul.f32 v40, v7;
	v38 =	vld [tilespmem:s3+$0x0]  }
0x241: {  	s23 =	sand.u32 $0x3C00, s1;
	s21 =	sor.u32 $0x30, s6;
	v28 =	vmul.f32 v41, v8;
	v31 =	vadd.f32 v61, v31;
	v61 =	vmul.f32 v44, v6;
	v40 =	vld [tilespmem:s2+$0x100]  }
0x242: {  	s10 =	sor.u32 s21, s23;
	v44 =	vld [tilespmem:s2+$0x200];
	v41 =	vmul.f32 v50, v10;
	v21 =	vmul.f32 v21, v16  }
0x243: {  	v50 =	vld [tilespmem:s10+$0x200];
	v23 =	vmul.f32 v23, v17;
	v25 =	vmul.f32 v25, v18;
	v63 =	vadd.f32 v62, v20  }
0x244: {  	v27 =	vmul.f32 v27, v19;
	v20 =	vadd.f32 v22, v2;
	v2 =	vadd.f32 v28, v26;
	v26 =	vld [tilespmem:s2+$0x0]  }
0x245: {  	v22 =	vadd.f32 v31, v33;
	v28 =	vmul.f32 v42, v4;
	v31 =	vmul.f32 v43, v5;
	v33 =	vld [tilespmem:s2+$0x80]  }
0x246: {  	v62 =	vmul.f32 v45, v9;
	v42 =	vld [tilespmem:s2+$0x180];
	v23 =	vadd.f32 v23, v21;
	v25 =	vadd.f32 v27, v25  }
0x247: {  	v49 =	vmul.f32 v49, v19;
	v43 =	vld [tilespmem:s2+$0x300];
	v2 =	vadd.f32 v2, v63;
	v28 =	vadd.f32 v31, v28  }
0x248: {  	v31 =	vmul.f32 v46, v16;
	v63 =	vmul.f32 v47, v17;
	v34 =	vadd.f32 v62, v61;
	v47 =	vld [tilespmem:s2+$0x380]  }
0x249: {  	s14 =	sor.u32 $0x4000, s23;
	v61 =	vmul.f32 v51, v11;
	v51 =	vld [tilespmem:s10+$0x80];
	v22 =	vadd.f32 v2, v22;
	v2 =	vmul.f32 v48, v18  }
0x24a: {  	s11 =	sor.u32 s21, s14;
	v27 =	vmul.f32 v35, v14;
	v46 =	vld [tilespmem:s10+$0x180];
	v23 =	vadd.f32 v25, v23  }
0x24b: {  	v62 =	vmul.f32 v52, v12;
	v52 =	vld [tilespmem:s11+$0x0];
	s11 =	sor.u32 $0x4180, s23;
	v31 =	vadd.f32 v63, v31;
	v2 =	vadd.f32 v49, v2  }
0x24c: {  	s17 =	sor.u32 s21, s11;
	v63 =	vmul.f32 v53, v13;
	v41 =	vadd.f32 v61, v41;
	v61 =	vld [tilespmem:s10+$0x300];
	v25 =	vmul.f32 v26, v4  }
0x24d: {  	s9 =	sor.u32 $0x4080, s23;
	v35 =	vld [tilespmem:s17+$0x0];
	v26 =	vmul.f32 v33, v5;
	v2 =	vadd.f32 v2, v31;
	v31 =	vmul.f32 v54, v14  }
0x24e: {  	s28 =	sor.u32 s6, s9;
	v28 =	vadd.f32 v34, v28;
	v49 =	vld [tilespmem:s10+$0x0];
	v54 =	vmul.f32 v55, v15;
	v55 =	vmul.f32 v56, v7  }
0x24f: {  	v25 =	vadd.f32 v26, v25;
	v26 =	vld [tilespmem:s28+$0x0];
	v56 =	vmul.f32 v57, v8;
	v57 =	vmul.f32 v58, v4  }
0x250: {  	v58 =	vmul.f32 v59, v5;
	v59 =	vmul.f32 v60, v6;
	v60 =	vld [tilespmem:s10+$0x280]  }
0x251: {  	s15 =	sor.u32 $0x4100, s23;
	s26 =	sor.u32 s6, s14;
	v34 =	vadd.f32 v63, v62;
	v2 =	vadd.f32 v2, v28;
	v28 =	vld [tilespmem:s10+$0x100]  }
0x252: {  	s29 =	sor.u32 s6, s15;
	v3 =	vmul.f32 v3, v9;
	s17 =	sor.u32 $0x4300, s23;
	v45 =	vadd.f32 v56, v55;
	v55 =	vld [tilespmem:s26+$0x0]  }
0x253: {  	s0 =	sor.u32 $0x20, s6;
	s7 =	sor.u32 s6, s17;
	v34 =	vadd.f32 v34, v41;
	v31 =	vadd.f32 v54, v31;
	v56 =	vld [tilespmem:s29+$0x0]  }
0x254: {  	v41 =	vadd.f32 v58, v57;
	v3 =	vadd.f32 v3, v59;
	v58 =	vld [tilespmem:s7+$0x0];
	s7 =	sor.u32 s0, s23  }
0x255: {  	s12 =	sor.u32 s21, s9;
	v54 =	vmul.f32 v47, v19;
	v47 =	vld [tilespmem:s7+$0x280];
	v31 =	vadd.f32 v45, v31  }
0x256: {  	v3 =	vadd.f32 v3, v41;
	v41 =	vld [tilespmem:s12+$0x0]  }
0x257: {  	v39 =	vmul.f32 v39, v17;
	v45 =	vld [tilespmem:s7+$0x180];
	v31 =	vadd.f32 v31, v34  }
0x258: {  	s13 =	sor.u32 s21, s15;
	v30 =	vmul.f32 v30, v10;
	v32 =	vmul.f32 v32, v11;
	s12 =	sor.u32 $0x4200, s23;
	v34 =	vld [tilespmem:s10+$0x380]  }
0x259: {  	s20 =	sor.u32 s21, s12;
	v21 =	vadd.f32 v31, v2;
	v2 =	vmul.f32 v24, v12;
	v24 =	vmul.f32 v29, v13;
	v29 =	vld [tilespmem:s13+$0x0];
	s13 =	sor.u32 $0x4280, s23  }
0x25a: {  	v36 =	vmul.f32 v36, v8;
	v31 =	vmul.f32 v37, v15;
	v37 =	vld [tilespmem:s20+$0x0];
	s22 =	sor.u32 s21, s13  }
0x25b: {  	v30 =	vadd.f32 v32, v30;
	s24 =	sor.u32 s21, s17;
	v53 =	vmul.f32 v43, v18;
	v62 =	vmul.f32 v38, v7;
	s20 =	sor.u32 $0x4380, s23;
	v33 =	vld [tilespmem:s22+$0x0]  }
0x25c: {  	v63 =	vmul.f32 v42, v9;
	s25 =	sor.u32 s21, s20;
	v2 =	vadd.f32 v24, v2;
	v24 =	vmul.f32 v40, v6;
	v40 =	vld [tilespmem:s24+$0x0]  }
0x25d: {  	v32 =	vadd.f32 v36, v62;
	v61 =	vmul.f32 v61, v18;
	v35 =	vmul.f32 v35, v13;
	v42 =	vld [tilespmem:s25+$0x0]  }
0x25e: {  	s30 =	sor.u32 s6, s11;
	v36 =	vadd.f32 v54, v53;
	v27 =	vadd.f32 v31, v27;
	v31 =	vmul.f32 v44, v16;
	s22 =	sor.u32 $0x10, s6;
	v44 =	vld [tilespmem:s7+$0x100]  }
0x25f: {  	v26 =	vmul.f32 v26, v11;
	v53 =	vmul.f32 v55, v10;
	s10 =	sor.u32 s22, s23;
	v2 =	vadd.f32 v2, v30;
	v30 =	vld [tilespmem:s30+$0x0]  }
0x260: {  	v57 =	vmul.f32 v51, v5;
	v59 =	vmul.f32 v60, v17;
	v3 =	vadd.f32 v23, v3;
	v60 =	vld [tilespmem:s10+$0x0]  }
0x261: {  	v38 =	vmul.f32 v56, v12;
	v41 =	vmul.f32 v41, v11;
	v26 =	vadd.f32 v26, v53;
	v62 =	vld [tilespmem:s10+$0x80]  }
0x262: {  	v34 =	vmul.f32 v34, v19;
	v24 =	vadd.f32 v63, v24;
	v31 =	vadd.f32 v39, v31;
	v48 =	vld [tilespmem:s10+$0x180]  }
0x263: {  	s24 =	sor.u32 s22, s14;
	v27 =	vadd.f32 v32, v27;
	v63 =	vmul.f32 v52, v10;
	v51 =	vld [tilespmem:s10+$0x300];
	v29 =	vmul.f32 v29, v12  }
0x264: {  	s25 =	sor.u32 s22, s9;
	v54 =	vld [tilespmem:s24+$0x0];
	v37 =	vmul.f32 v37, v14;
	v34 =	vadd.f32 v34, v61;
	v24 =	vadd.f32 v24, v25  }
0x265: {  	s26 =	sor.u32 s22, s15;
	v55 =	vld [tilespmem:s25+$0x0];
	v25 =	vadd.f32 v36, v31;
	v2 =	vadd.f32 v27, v2;
	v33 =	vmul.f32 v33, v15  }
0x266: {  	s31 =	sor.u32 s6, s12;
	v56 =	vld [tilespmem:s26+$0x0];
	v41 =	vadd.f32 v41, v63;
	v40 =	vmul.f32 v40, v7;
	v42 =	vmul.f32 v42, v8  }
0x267: {  	s3 =	sor.u32 s6, s13;
	v31 =	vld [tilespmem:s31+$0x0];
	v29 =	vadd.f32 v35, v29;
	v24 =	vadd.f32 v25, v24;
	v25 =	vmul.f32 v49, v4  }
0x268: {  	s8 =	sor.u32 s6, s20;
	v27 =	vld [tilespmem:s3+$0x0];
	v23 =	vadd.f32 v2, v3;
	v2 =	vmul.f32 v28, v6;
	v3 =	vmul.f32 v46, v9  }
0x269: {  	v28 =	vld [tilespmem:s8+$0x0];
	v33 =	vadd.f32 v33, v37;
	v52 =	vadd.f32 v42, v40;
	v30 =	vmul.f32 v30, v13  }
0x26a: {  	v63 =	vld [tilespmem:s7+$0x80];
	v29 =	vadd.f32 v29, v41;
	v32 =	vmul.f32 v62, v5;
	v37 =	vmul.f32 v55, v11  }
0x26b: {  	v49 =	vld [tilespmem:s10+$0x200];
	v22 =	vadd.f32 v22, v24;
	v24 =	vmul.f32 v50, v16;
	v25 =	vadd.f32 v57, v25  }
0x26c: {  	v2 =	vadd.f32 v3, v2;
	v3 =	vld [tilespmem:s10+$0x100];
	v57 =	vmul.f32 v58, v7;
	v33 =	vadd.f32 v52, v33  }
0x26d: {  	v50 =	vld [tilespmem:s10+$0x280];
	v31 =	vmul.f32 v31, v14;
	v27 =	vmul.f32 v27, v15;
	v30 =	vadd.f32 v30, v38  }
0x26e: {  	s28 =	sor.u32 s22, s11;
	s11 =	sor.u32 s0, s11;
	v24 =	vadd.f32 v59, v24;
	v2 =	vadd.f32 v2, v25;
	v25 =	vld [tilespmem:s10+$0x380];
	v28 =	vmul.f32 v28, v8  }
0x26f: {  	s29 =	sor.u32 s22, s12;
	v46 =	vmul.f32 v56, v12;
	v56 =	vld [tilespmem:s11+$0x0];
	v29 =	vadd.f32 v33, v29;
	v27 =	vadd.f32 v27, v31  }
0x270: {  	s30 =	sor.u32 s22, s13;
	v58 =	vld [tilespmem:s29+$0x0];
	v59 =	vmul.f32 v60, v4;
	v24 =	vadd.f32 v34, v24;
	v28 =	vadd.f32 v28, v57  }
0x271: {  	s3 =	sor.u32 s22, s20;
	v31 =	vld [tilespmem:s30+$0x0];
	v26 =	vadd.f32 v30, v26;
	v61 =	vmul.f32 v49, v16;
	v3 =	vmul.f32 v3, v6  }
0x272: {  	v30 =	vld [tilespmem:s3+$0x0];
	v2 =	vadd.f32 v24, v2;
	v27 =	vadd.f32 v28, v27;
	v28 =	vmul.f32 v48, v9  }
0x273: {  	s31 =	sor.u32 s22, s17;
	v62 =	vmul.f32 v50, v17;
	v24 =	vld [tilespmem:s28+$0x0];
	v25 =	vmul.f32 v25, v19  }
0x274: {  	v2 =	vadd.f32 v29, v2;
	v29 =	vld [tilespmem:s31+$0x0];
	v3 =	vadd.f32 v28, v3;
	v28 =	vmul.f32 v51, v18  }
0x275: {  	v55 =	vmul.f32 v45, v9;
	v60 =	vld [tilespmem:s7+$0x0];
	v32 =	vadd.f32 v32, v59;
	v34 =	vmul.f32 v54, v10  }
0x276: {  	s10 =	sor.u32 s0, s15;
	v49 =	vld [tilespmem:s7+$0x300];
	v54 =	vmul.f32 v44, v6;
	v33 =	vadd.f32 v62, v61;
	v25 =	vadd.f32 v25, v28  }
0x277: {  	v53 =	vld [tilespmem:s10+$0x0];
	v48 =	vmul.f32 v58, v14;
	v31 =	vmul.f32 v31, v15  }
0x278: {  	v50 =	vld [tilespmem:s7+$0x380];
	v3 =	vadd.f32 v3, v32;
	v24 =	vmul.f32 v24, v13;
	v25 =	vadd.f32 v25, v33  }
0x279: {  	s8 =	sor.u32 s0, s14;
	s14 =	sand.u32 $0x780, s5;
	v34 =	vadd.f32 v37, v34;
	v30 =	vmul.f32 v30, v8;
	v28 =	vld [tilespmem:s7+$0x200];
	v29 =	vmul.f32 v29, v7  }
0x27a: {  	s9 =	sor.u32 s0, s9;
	s2 =	sor.u32 $0x10000, s14;
	v52 =	vmul.f32 v60, v4;
	v51 =	vld [tilespmem:s8+$0x0];
	v24 =	vadd.f32 v24, v46;
	v3 =	vadd.f32 v25, v3  }
0x27b: {  	s26 =	sor.u32 s18, s2;
	s15 =	sor.u32 s0, s13;
	v25 =	vadd.f32 v31, v48;
	v31 =	vld [tilespmem:s9+$0x0];
	v29 =	vadd.f32 v30, v29;
	v30 =	vmul.f32 v63, v5  }
0x27c: {  	s12 =	sor.u32 s0, s12;
	[tilespmem:s26+$0x0] =	vst v21;
	v58 =	vld [tilespmem:s15+$0x0];
	v62 =	vmul.f32 v56, v13;
	v21 =	vmul.f32 v53, v12;
	v24 =	vadd.f32 v24, v34  }
0x27d: {  	v57 =	vmul.f32 v47, v17;
	v25 =	vadd.f32 v29, v25;
	v29 =	vadd.f32 v30, v52;
	v30 =	vld [tilespmem:s12+$0x0]  }
0x27e: {  	s25 =	sor.u32 s0, s20;
	v59 =	vmul.f32 v50, v19;
	v32 =	vadd.f32 v62, v21;
	v28 =	vmul.f32 v28, v16  }
0x27f: {  	s17 =	sor.u32 s0, s17;
	s24 =	sor.u32 s4, s2;
	s28 =	sand.u32 $0x780, s16;
	v61 =	vld [tilespmem:s25+$0x0];
	v34 =	vadd.f32 v55, v54;
	v24 =	vadd.f32 v25, v24;
	v25 =	vmul.f32 v49, v18  }
0x280: {  	s5 =	sor.u32 s6, s23;
	s2 =	sor.u32 s19, s2;
	[tilespmem:s24+$0x0] =	vst v20;
	v60 =	vld [tilespmem:s17+$0x0];
	s29 =	sor.u32 $0x10000, s28;
	v20 =	vmul.f32 v51, v10;
	v28 =	vadd.f32 v57, v28;
	v31 =	vmul.f32 v31, v11  }
0x281: {  	[tilespmem:s2+$0x0] =	vst v23;
	v23 =	vld [tilespmem:s5+$0x100];
	s30 =	sor.u32 s21, s29;
	v63 =	vmul.f32 v58, v15;
	v29 =	vadd.f32 v34, v29;
	v25 =	vadd.f32 v59, v25  }
0x282: {  	[tilespmem:s30+$0x0] =	vst v2;
	v3 =	vadd.f32 v24, v3;
	v24 =	vld [tilespmem:s5+$0x0];
	v31 =	vadd.f32 v31, v20;
	v2 =	vmul.f32 v30, v14  }
0x283: {  	s23 =	simm.s32 $0x10000;
	v20 =	vadd.f32 v27, v26;
	v26 =	vld [tilespmem:s5+$0x180];
	v28 =	vadd.f32 v25, v28  }
0x284: {  	[tilespmem:s23+$0x0] =	vst v22;
	s31 =	sor.u32 s22, s29;
	v30 =	vmul.f32 v61, v8;
	v25 =	vld [tilespmem:s5+$0x80];
	v27 =	vadd.f32 v63, v2  }
0x285: {  	s18 =	simm.s32 $0x4;
	s19 =	simm.s32 $0x80;
	s16 =	sor.u32 s0, s29;
	[tilespmem:s31+$0x0] =	vst v3;
	v22 =	vadd.f32 v32, v31;
	v21 =	vadd.f32 v28, v29;
	v29 =	vmul.f32 v60, v7;
	v28 =	vld [tilespmem:s5+$0x200]  }
.LBB2_10:
0x286: {  	s0 =	sand.u32 $0x40, s19;
	s4 =	sadd.s32 $0x200, s1  }
0x287: {  	v3 =	vld [tilespmem:s5+$0x280];
	s2 =	sand.u32 $0x3C00, s4;
	s11 =	sor.u32 $0x30, s0  }
0x288: {  	v29 =	vadd.f32 v30, v29;
	v30 =	vld [tilespmem:s5+$0x380];
	s3 =	sor.u32 s11, s2  }
0x289: {  	s20 =	sor.u32 $0x4200, s2;
	v31 =	vld [tilespmem:s3+$0x0]  }
0x28a: {  	s1 =	sor.u32 s11, s20;
	v2 =	vmul.f32 v24, v4;
	v24 =	vmul.f32 v25, v5;
	v25 =	vld [tilespmem:s5+$0x300]  }
0x28b: {  	v23 =	vmul.f32 v23, v6;
	v32 =	vld [tilespmem:s1+$0x0]  }
0x28c: {  	v26 =	vmul.f32 v26, v9;
	v2 =	vadd.f32 v24, v2;
	v24 =	vadd.f32 v29, v27;
	v27 =	vld [tilespmem:s3+$0x80]  }
0x28d: {  	v28 =	vmul.f32 v28, v16;
	v3 =	vmul.f32 v3, v17;
	v29 =	vld [tilespmem:s3+$0x100]  }
0x28e: {  	v23 =	vadd.f32 v26, v23;
	v26 =	vld [tilespmem:s3+$0x200];
	v30 =	vmul.f32 v30, v19  }
0x28f: {  	v3 =	vadd.f32 v3, v28;
	v28 =	vld [tilespmem:s3+$0x380];
	v22 =	vadd.f32 v24, v22;
	v25 =	vmul.f32 v25, v18  }
0x290: {  	v24 =	vld [tilespmem:s3+$0x180];
	v2 =	vadd.f32 v23, v2  }
0x291: {  	s14 =	sor.u32 $0x4000, s2;
	v23 =	vld [tilespmem:s3+$0x280];
	v21 =	vadd.f32 v22, v21;
	v25 =	vadd.f32 v30, v25  }
0x292: {  	s15 =	sor.u32 $0x4080, s2;
	s28 =	sor.u32 s11, s14;
	v22 =	vld [tilespmem:s3+$0x300]  }
0x293: {  	s29 =	sor.u32 s11, s15;
	[tilespmem:s16+$0x0] =	vst v21;
	s16 =	sor.u32 $0x4100, s2;
	v21 =	vld [tilespmem:s28+$0x0];
	v3 =	vadd.f32 v25, v3  }
0x294: {  	s17 =	sor.u32 $0x4180, s2;
	v25 =	vld [tilespmem:s29+$0x0];
	s30 =	sor.u32 s11, s16  }
0x295: {  	s31 =	sor.u32 s11, s17;
	v30 =	vld [tilespmem:s30+$0x0];
	s30 =	sor.u32 $0x4300, s2;
	v2 =	vadd.f32 v3, v2  }
0x296: {  	s29 =	sor.u32 $0x4280, s2;
	v3 =	vld [tilespmem:s31+$0x0];
	s24 =	sor.u32 s11, s30  }
0x297: {  	s10 =	sor.u32 s11, s29;
	s31 =	sor.u32 $0x4380, s2;
	v33 =	vld [tilespmem:s24+$0x0];
	v2 =	vadd.f32 v20, v2  }
0x298: {  	s23 =	sadd.s32 $0x40, s23;
	s25 =	sor.u32 s11, s31;
	v20 =	vmul.f32 v29, v6;
	v29 =	vld [tilespmem:s10+$0x0]  }
0x299: {  	s7 =	sor.u32 s0, s14;
	[tilespmem:s23+$0x0] =	vst v2;
	v2 =	vmul.f32 v22, v18;
	v22 =	vmul.f32 v28, v19;
	v28 =	vld [tilespmem:s25+$0x0]  }
0x29a: {  	s8 =	sor.u32 s0, s15;
	v31 =	vmul.f32 v31, v4;
	v27 =	vmul.f32 v27, v5;
	v34 =	vld [tilespmem:s7+$0x0]  }
0x29b: {  	v26 =	vmul.f32 v26, v16;
	s21 =	sor.u32 s0, s16;
	v23 =	vmul.f32 v23, v17;
	v35 =	vld [tilespmem:s8+$0x0]  }
0x29c: {  	s22 =	sor.u32 s0, s17;
	v24 =	vmul.f32 v24, v9;
	v27 =	vadd.f32 v27, v31;
	v36 =	vld [tilespmem:s21+$0x0]  }
0x29d: {  	s28 =	sor.u32 s0, s20;
	v23 =	vadd.f32 v23, v26;
	v21 =	vmul.f32 v21, v10;
	v25 =	vmul.f32 v25, v11;
	v37 =	vld [tilespmem:s22+$0x0]  }
0x29e: {  	s12 =	sor.u32 $0x10, s0;
	s13 =	sor.u32 $0x20, s0;
	s1 =	sor.u32 s0, s29;
	v30 =	vmul.f32 v30, v12;
	v20 =	vadd.f32 v24, v20;
	v3 =	vmul.f32 v3, v13;
	v24 =	vld [tilespmem:s28+$0x0]  }
0x29f: {  	s5 =	sor.u32 s0, s2;
	v32 =	vmul.f32 v32, v14;
	s3 =	sor.u32 s0, s30;
	s0 =	sor.u32 s0, s31;
	v26 =	vld [tilespmem:s1+$0x0];
	v21 =	vadd.f32 v25, v21;
	v2 =	vadd.f32 v22, v2  }
0x2a0: {  	v62 =	vld [tilespmem:s0+$0x0];
	v33 =	vmul.f32 v33, v7;
	v29 =	vmul.f32 v29, v15;
	v3 =	vadd.f32 v3, v30  }
0x2a1: {  	v20 =	vadd.f32 v20, v27;
	v30 =	vld [tilespmem:s3+$0x0];
	v2 =	vadd.f32 v2, v23;
	v28 =	vmul.f32 v28, v8  }
0x2a2: {  	v29 =	vadd.f32 v29, v32;
	v3 =	vadd.f32 v3, v21;
	v22 =	vmul.f32 v34, v10  }
0x2a3: {  	s9 =	sor.u32 s12, s2;
	v25 =	vmul.f32 v35, v11;
	v31 =	vmul.f32 v36, v12;
	v28 =	vadd.f32 v28, v33  }
0x2a4: {  	v27 =	vld [tilespmem:s9+$0x0];
	v24 =	vmul.f32 v24, v14;
	v26 =	vmul.f32 v26, v15;
	v2 =	vadd.f32 v2, v20  }
0x2a5: {  	v23 =	vmul.f32 v37, v13;
	v22 =	vadd.f32 v25, v22;
	v25 =	vld [tilespmem:s9+$0x80];
	v21 =	vadd.f32 v28, v29  }
0x2a6: {  	s6 =	sor.u32 s13, s2;
	v20 =	vmul.f32 v30, v7;
	v24 =	vadd.f32 v26, v24;
	v26 =	vld [tilespmem:s9+$0x200];
	v29 =	vmul.f32 v62, v8  }
0x2a7: {  	s26 =	sor.u32 s12, s14;
	s2 =	sor.u32 s12, s30;
	s24 =	sor.u32 s12, s15;
	v28 =	vld [tilespmem:s9+$0x100];
	v3 =	vadd.f32 v21, v3;
	v21 =	vadd.f32 v23, v31  }
0x2a8: {  	[dreg:$0x16] =	wrdreg s2;
	s2 =	sor.u32 s12, s31;
	s10 =	sor.u32 s12, s17;
	v23 =	vld [tilespmem:s9+$0x180];
	v20 =	vadd.f32 v29, v20  }
0x2a9: {  	s25 =	sor.u32 s12, s16;
	s21 =	sor.u32 s13, s16;
	s16 =	sand.u32 $0x780, s19;
	v2 =	vadd.f32 v3, v2;
	v3 =	vadd.f32 v21, v22;
	v22 =	vld [tilespmem:s9+$0x280]  }
0x2aa: {  	s7 =	sor.u32 s12, s20;
	s8 =	sor.u32 s12, s29;
	s0 =	sor.u32 $0x10000, s16;
	v21 =	vmul.f32 v27, v4;
	v27 =	vld [tilespmem:s9+$0x300]  }
0x2ab: {  	s12 =	sor.u32 s12, s0;
	s16 =	sor.u32 s13, s0;
	s0 =	sor.u32 s11, s0;
	v25 =	vmul.f32 v25, v5;
	v20 =	vadd.f32 v20, v24;
	v24 =	vld [tilespmem:s26+$0x0]  }
0x2ac: {  	[tilespmem:s0+$0x0] =	vst v2;
	v2 =	vmul.f32 v28, v6;
	v28 =	vld [tilespmem:s9+$0x380]  }
0x2ad: {  	v21 =	vadd.f32 v25, v21;
	v25 =	vmul.f32 v26, v16;
	v26 =	vld [tilespmem:s24+$0x0];
	v23 =	vmul.f32 v23, v9  }
0x2ae: {  	v29 =	vld [tilespmem:s7+$0x0]  }
0x2af: {  	v20 =	vadd.f32 v20, v3;
	v3 =	vmul.f32 v22, v17;
	v22 =	vld [tilespmem:s25+$0x0];
	v2 =	vadd.f32 v23, v2  }
0x2b0: {  	[dreg:$0x15] =	wrdreg s2;
	v23 =	vmul.f32 v27, v18;
	v27 =	vld [tilespmem:s10+$0x0]  }
0x2b1: {  	s22 =	sor.u32 s13, s17;
	s17 =	sor.u32 s13, s30;
	s30 =	rddreg [dreg:$0x16];
	v28 =	vmul.f32 v28, v19;
	v2 =	vadd.f32 v2, v21;
	v21 =	vmul.f32 v24, v10;
	v24 =	vld [tilespmem:s8+$0x0]  }
0x2b2: {  	s2 =	sor.u32 s13, s31;
	s31 =	rddreg [dreg:$0x15];
	v3 =	vadd.f32 v3, v25;
	v25 =	vmul.f32 v26, v11;
	v26 =	vld [tilespmem:s30+$0x0]  }
0x2b3: {  	v23 =	vadd.f32 v28, v23;
	v28 =	vld [tilespmem:s31+$0x0]  }
0x2b4: {  	v30 =	vld [tilespmem:s6+$0x380];
	v21 =	vadd.f32 v25, v21;
	v25 =	vmul.f32 v29, v14  }
0x2b5: {  	v29 =	vld [tilespmem:s6+$0x80];
	v22 =	vmul.f32 v22, v12;
	v27 =	vmul.f32 v27, v13  }
0x2b6: {  	v3 =	vadd.f32 v23, v3;
	v23 =	vld [tilespmem:s6+$0x0]  }
0x2b7: {  	v24 =	vmul.f32 v24, v15;
	v22 =	vadd.f32 v27, v22;
	v27 =	vld [tilespmem:s6+$0x180]  }
0x2b8: {  	v26 =	vmul.f32 v26, v7;
	v2 =	vadd.f32 v3, v2;
	v3 =	vld [tilespmem:s6+$0x100];
	v28 =	vmul.f32 v28, v8  }
0x2b9: {  	v24 =	vadd.f32 v24, v25;
	v25 =	vld [tilespmem:s6+$0x280]  }
0x2ba: {  	v26 =	vadd.f32 v28, v26;
	v28 =	vmul.f32 v29, v5;
	v29 =	vld [tilespmem:s6+$0x300]  }
0x2bb: {  	s14 =	sor.u32 s13, s14;
	v21 =	vadd.f32 v22, v21;
	v22 =	vld [tilespmem:s6+$0x200];
	v23 =	vmul.f32 v23, v4  }
0x2bc: {  	s15 =	sor.u32 s13, s15;
	v24 =	vadd.f32 v26, v24;
	v26 =	vmul.f32 v27, v9;
	v27 =	vld [tilespmem:s14+$0x0]  }
0x2bd: {  	v3 =	vmul.f32 v3, v6;
	v23 =	vadd.f32 v28, v23;
	v28 =	vld [tilespmem:s15+$0x0]  }
0x2be: {  	v21 =	vadd.f32 v24, v21;
	v24 =	vmul.f32 v25, v17;
	v25 =	vld [tilespmem:s21+$0x0]  }
0x2bf: {  	s20 =	sor.u32 s13, s20;
	v3 =	vadd.f32 v26, v3;
	v26 =	vmul.f32 v29, v18;
	v29 =	vld [tilespmem:s22+$0x0]  }
0x2c0: {  	s29 =	sor.u32 s13, s29;
	v31 =	vld [tilespmem:s20+$0x0];
	v30 =	vmul.f32 v30, v19  }
0x2c1: {  	v22 =	vmul.f32 v22, v16;
	v2 =	vadd.f32 v21, v2;
	v21 =	vmul.f32 v27, v10;
	v27 =	vld [tilespmem:s29+$0x0]  }
0x2c2: {  	s18 =	sadd.s32 $0x4, s18;
	v3 =	vadd.f32 v3, v23;
	v23 =	vmul.f32 v28, v11;
	v28 =	vld [tilespmem:s17+$0x0]  }
0x2c3: {  	p4 =	slt.u32 s18, $0x7C;
	v22 =	vadd.f32 v24, v22;
	v26 =	vadd.f32 v30, v26;
	v30 =	vld [tilespmem:s2+$0x0]  }
.Ltmp8:
0x2c4: {  	v24 =	vld [tilespmem:s5+$0x0];
	[tilespmem:s12+$0x0] =	vst v2;
	v2 =	vmul.f32 v25, v12;
	v29 =	vmul.f32 v29, v13;
	(pc) =	sbr.rel @p4 .LBB2_10-.Ltmp8, $4  }
0x2c5: {  	v63 =	vadd.f32 v23, v21;
	v21 =	vadd.f32 v26, v22;
	v25 =	vld [tilespmem:s5+$0x80]  }
0x2c6: {  	v22 =	vmul.f32 v31, v14;
	v23 =	vld [tilespmem:s5+$0x100];
	v27 =	vmul.f32 v27, v15;
	v2 =	vadd.f32 v29, v2  }
0x2c7: {  	v26 =	vld [tilespmem:s5+$0x180];
	v21 =	vadd.f32 v21, v3;
	v29 =	vmul.f32 v28, v7  }
0x2c8: {  	s1 =	smov.u32 s4;
	s19 =	sadd.s32 $0x40, s19;
	v28 =	vld [tilespmem:s5+$0x200];
	v30 =	vmul.f32 v30, v8;
	v27 =	vadd.f32 v27, v22;
	v22 =	vadd.f32 v2, v63  }
0x2c9: {  	v2 =	vld [tilespmem:s5+$0x280]  }
0x2ca: {  	v3 =	vld [tilespmem:s5+$0x300]  }
0x2cb: {  	v31 =	vld [tilespmem:s5+$0x380];
	_ =	sdelay $0x1  }
0x2cc: {  	v24 =	vmul.f32 v24, v4;
	v25 =	vmul.f32 v25, v5  }
0x2cd: {  	v23 =	vmul.f32 v23, v6;
	v26 =	vmul.f32 v26, v9  }
0x2ce: {  	v28 =	vmul.f32 v28, v16;
	v2 =	vmul.f32 v2, v17  }
0x2cf: {  	v29 =	vadd.f32 v30, v29;
	v3 =	vmul.f32 v3, v18;
	v62 =	vmul.f32 v31, v19  }
0x2d0: {  	v24 =	vadd.f32 v25, v24;
	v23 =	vadd.f32 v26, v23  }
0x2d1: {  	v2 =	vadd.f32 v2, v28;
	v3 =	vadd.f32 v62, v3  }
0x2d2: {  	v63 =	vadd.f32 v29, v27  }
0x2d3: {  	v23 =	vadd.f32 v23, v24;
	v2 =	vadd.f32 v3, v2  }
0x2d4: {  	v3 =	vadd.f32 v63, v22  }
0x2d5: {  	v2 =	vadd.f32 v2, v23  }
0x2d6: {  	v3 =	vadd.f32 v3, v21  }
0x2d7: {  	v2 =	vadd.f32 v20, v2  }
0x2d8: {  	s0 =	sadd.s32 $0x40, s23;
	[tilespmem:s16+$0x0] =	vst v3  }
.Ltmp9:
0x2d9: {  	[tilespmem:s0+$0x0] =	vst v2;
	(pc) =	sbr.rel @p1 .LBB2_15-.Ltmp9, $3  }
0x2da: {  	s1 =	sld [smem:$0x7F8];
	_ =	sdelay $0x1  }
0x2db: {  	s31 =	simm.s32 $0x0;
	s2 =	simm.s32 $0x10000  }
0x2dc: {  	[hbm4b:s1+s31] =	stream.linear.scatter [tilespmem:s2], [sflag:$0x3], $0x800, $0x38;
	[tilespmem:$0x18E00] =	vst v63  }
0x2dd: {  	s6 =	simm.s32 $0x0;
	s2 =	simm.s32 $0x2  }
0x2de: {  	_ =	swait.ge [sflag:s2], $0x8000;
	s17 =	sand.u32 $0x40, s6;
	s0 =	sand.u32 $0x3C00, s6  }
0x2df: {  	[sflag:s2] =	ssyncset.done $0x0;
	s1 =	sor.u32 $0x8000, s0;
	s5 =	sor.u32 $0x30, s17  }
0x2e0: {  	[sflag:s2] =	ssyncadd.s32 $0xFFFF8000;
	s11 =	sor.u32 s5, s1  }
0x2e1: {  	v2 =	vld [tilespmem:s11+$0x0]  }
0x2e2: {  	v3 =	vld [tilespmem:s11+$0x80]  }
0x2e3: {  	v20 =	vld [tilespmem:s11+$0x100]  }
0x2e4: {  	v21 =	vld [tilespmem:s11+$0x180]  }
0x2e5: {  	v22 =	vld [tilespmem:s11+$0x200]  }
0x2e6: {  	v23 =	vld [tilespmem:s11+$0x280]  }
0x2e7: {  	s4 =	sor.u32 $0xC000, s0;
	v24 =	vld [tilespmem:s11+$0x300]  }
0x2e8: {  	s16 =	sor.u32 $0xC080, s0;
	s12 =	sor.u32 s5, s4;
	v25 =	vld [tilespmem:s11+$0x380]  }
0x2e9: {  	s14 =	sor.u32 $0xC180, s0;
	s13 =	sor.u32 s5, s16;
	v26 =	vld [tilespmem:s12+$0x0]  }
0x2ea: {  	s9 =	sor.u32 $0xC300, s0;
	s18 =	sor.u32 s5, s14;
	v27 =	vld [tilespmem:s13+$0x0]  }
0x2eb: {  	s21 =	sor.u32 s5, s9;
	v29 =	vld [tilespmem:s18+$0x0]  }
0x2ec: {  	s23 =	sor.u32 s17, s1;
	v32 =	vld [tilespmem:s21+$0x0]  }
0x2ed: {  	v34 =	vld [tilespmem:s23+$0x0]  }
0x2ee: {  	v35 =	vld [tilespmem:s23+$0x80]  }
0x2ef: {  	v36 =	vld [tilespmem:s23+$0x100]  }
0x2f0: {  	v37 =	vld [tilespmem:s23+$0x180]  }
0x2f1: {  	v38 =	vld [tilespmem:s23+$0x200]  }
0x2f2: {  	v39 =	vld [tilespmem:s23+$0x280]  }
0x2f3: {  	v40 =	vld [tilespmem:s23+$0x300]  }
0x2f4: {  	s24 =	sor.u32 s17, s4;
	v41 =	vld [tilespmem:s23+$0x380]  }
0x2f5: {  	s25 =	sor.u32 s17, s16;
	s11 =	sor.u32 $0xC100, s0;
	v42 =	vld [tilespmem:s24+$0x0]  }
0x2f6: {  	s12 =	sor.u32 $0xC200, s0;
	v43 =	vld [tilespmem:s25+$0x0];
	s15 =	sor.u32 s5, s11  }
0x2f7: {  	s13 =	sor.u32 $0xC380, s0;
	s19 =	sor.u32 s5, s12;
	v28 =	vld [tilespmem:s15+$0x0]  }
0x2f8: {  	s22 =	sor.u32 s5, s13;
	s15 =	sor.u32 $0xC280, s0;
	v30 =	vld [tilespmem:s19+$0x0];
	v2 =	vmul.f32 v2, v4;
	v3 =	vmul.f32 v3, v5  }
0x2f9: {  	v33 =	vld [tilespmem:s22+$0x0];
	s0 =	sor.u32 $0x10, s17;
	s20 =	sor.u32 s5, s15;
	v20 =	vmul.f32 v20, v6;
	v21 =	vmul.f32 v21, v9  }
0x2fa: {  	s8 =	sor.u32 s0, s1;
	v31 =	vld [tilespmem:s20+$0x0];
	v22 =	vmul.f32 v22, v16;
	v23 =	vmul.f32 v23, v17  }
0x2fb: {  	v49 =	vld [tilespmem:s8+$0x180];
	v24 =	vmul.f32 v24, v18;
	v25 =	vmul.f32 v25, v19  }
0x2fc: {  	s10 =	sor.u32 s0, s4;
	v50 =	vld [tilespmem:s8+$0x280];
	v26 =	vmul.f32 v26, v10;
	v27 =	vmul.f32 v27, v11  }
0x2fd: {  	s18 =	sor.u32 s0, s16;
	v55 =	vld [tilespmem:s10+$0x0];
	v29 =	vmul.f32 v29, v13;
	v32 =	vmul.f32 v32, v7  }
0x2fe: {  	s19 =	sor.u32 s0, s11;
	v56 =	vld [tilespmem:s18+$0x0];
	v44 =	vmul.f32 v35, v5;
	v45 =	vmul.f32 v36, v6  }
0x2ff: {  	s26 =	sor.u32 s17, s11;
	v57 =	vld [tilespmem:s19+$0x0];
	v46 =	vmul.f32 v37, v9;
	v51 =	vmul.f32 v40, v18  }
0x300: {  	s29 =	sor.u32 s17, s14;
	v52 =	vmul.f32 v41, v19;
	v53 =	vmul.f32 v42, v10;
	v2 =	vadd.f32 v3, v2;
	v3 =	vld [tilespmem:s26+$0x0]  }
0x301: {  	s30 =	sor.u32 s17, s12;
	v54 =	vmul.f32 v43, v11;
	v28 =	vmul.f32 v28, v12;
	v20 =	vadd.f32 v21, v20;
	v21 =	vld [tilespmem:s29+$0x0]  }
0x302: {  	s24 =	sor.u32 $0x20, s17;
	s31 =	sor.u32 s17, s15;
	v30 =	vmul.f32 v30, v14;
	v22 =	vadd.f32 v23, v22;
	v23 =	vld [tilespmem:s30+$0x0];
	v24 =	vadd.f32 v25, v24  }
0x303: {  	s1 =	sor.u32 s24, s1;
	v33 =	vmul.f32 v33, v8;
	v25 =	vld [tilespmem:s31+$0x0];
	v26 =	vadd.f32 v27, v26;
	v37 =	vadd.f32 v54, v53  }
0x304: {  	s3 =	sor.u32 s17, s9;
	v60 =	vld [tilespmem:s1+$0x180];
	v31 =	vmul.f32 v31, v15;
	v27 =	vadd.f32 v29, v28;
	v2 =	vadd.f32 v20, v2  }
0x305: {  	v28 =	vld [tilespmem:s3+$0x0];
	v20 =	vadd.f32 v24, v22;
	v24 =	vmul.f32 v34, v4;
	v34 =	vadd.f32 v52, v51  }
0x306: {  	s7 =	sor.u32 s17, s13;
	v47 =	vmul.f32 v38, v16;
	v22 =	vld [tilespmem:s8+$0x0];
	v29 =	vadd.f32 v31, v30;
	v30 =	vadd.f32 v33, v32  }
0x307: {  	v31 =	vld [tilespmem:s7+$0x0];
	v26 =	vadd.f32 v27, v26;
	v3 =	vmul.f32 v3, v12;
	v21 =	vmul.f32 v21, v13  }
0x308: {  	v27 =	vld [tilespmem:s8+$0x80];
	v23 =	vmul.f32 v23, v14;
	v25 =	vmul.f32 v25, v15;
	v29 =	vadd.f32 v30, v29  }
0x309: {  	s20 =	sor.u32 s0, s14;
	v48 =	vmul.f32 v39, v17;
	v2 =	vadd.f32 v20, v2;
	v30 =	vld [tilespmem:s8+$0x100];
	v3 =	vadd.f32 v21, v3  }
0x30a: {  	v36 =	vmul.f32 v49, v9;
	v21 =	vadd.f32 v25, v23;
	v23 =	vld [tilespmem:s20+$0x0];
	v20 =	vadd.f32 v29, v26  }
0x30b: {  	v58 =	vmul.f32 v56, v11;
	v24 =	vadd.f32 v44, v24;
	v26 =	vld [tilespmem:s8+$0x200];
	v29 =	vadd.f32 v46, v45  }
0x30c: {  	v28 =	vmul.f32 v28, v7;
	v31 =	vmul.f32 v31, v8;
	v2 =	vadd.f32 v20, v2;
	v20 =	vld [tilespmem:s8+$0x300]  }
0x30d: {  	s21 =	sor.u32 s0, s12;
	v32 =	vadd.f32 v48, v47;
	v33 =	vmul.f32 v50, v17;
	v24 =	vadd.f32 v29, v24;
	v29 =	vld [tilespmem:s8+$0x380]  }
0x30e: {  	s22 =	sor.u32 s0, s15;
	v22 =	vmul.f32 v22, v4;
	v27 =	vmul.f32 v27, v5;
	v25 =	vadd.f32 v31, v28;
	v28 =	vld [tilespmem:s21+$0x0]  }
0x30f: {  	s25 =	sor.u32 s0, s13;
	v32 =	vadd.f32 v34, v32;
	v3 =	vadd.f32 v3, v37;
	v31 =	vld [tilespmem:s22+$0x0];
	v30 =	vmul.f32 v30, v6  }
0x310: {  	s23 =	sor.u32 s0, s9;
	v34 =	vmul.f32 v60, v9;
	v22 =	vadd.f32 v27, v22;
	v27 =	vld [tilespmem:s25+$0x0];
	v21 =	vadd.f32 v25, v21  }
0x311: {  	v24 =	vadd.f32 v32, v24;
	v25 =	vld [tilespmem:s23+$0x0];
	v26 =	vmul.f32 v26, v16;
	v30 =	vadd.f32 v36, v30  }
0x312: {  	v59 =	vld [tilespmem:s1+$0x100];
	v3 =	vadd.f32 v21, v3;
	v20 =	vmul.f32 v20, v18;
	v29 =	vmul.f32 v29, v19  }
0x313: {  	v23 =	vmul.f32 v23, v13;
	v21 =	vld [tilespmem:s1+$0x0];
	v26 =	vadd.f32 v33, v26;
	v30 =	vadd.f32 v30, v22  }
0x314: {  	v22 =	vld [tilespmem:s1+$0x80];
	v28 =	vmul.f32 v28, v14;
	v31 =	vmul.f32 v31, v15;
	v20 =	vadd.f32 v29, v20  }
0x315: {  	v61 =	vld [tilespmem:s1+$0x200];
	v3 =	vadd.f32 v3, v24;
	v24 =	vmul.f32 v55, v10;
	v29 =	vmul.f32 v57, v12  }
0x316: {  	v25 =	vmul.f32 v25, v7;
	v20 =	vadd.f32 v20, v26;
	v26 =	vmul.f32 v27, v8;
	v27 =	vld [tilespmem:s1+$0x280]  }
0x317: {  	s6 =	sand.u32 $0x780, s6;
	v33 =	vmul.f32 v59, v6;
	v28 =	vadd.f32 v31, v28;
	v31 =	vld [tilespmem:s1+$0x380];
	v24 =	vadd.f32 v58, v24  }
0x318: {  	s6 =	sor.u32 $0x10800, s6;
	s26 =	sor.u32 s24, s4;
	v23 =	vadd.f32 v23, v29;
	v29 =	vld [tilespmem:s1+$0x300];
	v25 =	vadd.f32 v26, v25  }
0x319: {  	s28 =	sor.u32 s24, s6;
	s29 =	sor.u32 s24, s16;
	v33 =	vadd.f32 v34, v33;
	v62 =	vmul.f32 v21, v4;
	v21 =	vld [tilespmem:s26+$0x0];
	v26 =	vmul.f32 v22, v5  }
0x31a: {  	s5 =	sor.u32 s5, s6;
	s19 =	sor.u32 s24, s13;
	s30 =	sor.u32 s24, s11;
	v23 =	vadd.f32 v23, v24;
	v22 =	vld [tilespmem:s29+$0x0];
	v28 =	vadd.f32 v25, v28  }
0x31b: {  	s18 =	simm.s32 $0x40;
	s4 =	simm.s32 $0x0;
	s7 =	sor.u32 s24, s14;
	v24 =	vld [tilespmem:s30+$0x0];
	v35 =	vadd.f32 v26, v62;
	v26 =	vmul.f32 v61, v16;
	v63 =	vmul.f32 v27, v17  }
0x31c: {  	s31 =	sor.u32 s24, s12;
	s21 =	sor.u32 s24, s15;
	[tilespmem:s5+$0x0] =	vst v2;
	s1 =	simm.s32 $0x10800;
	v20 =	vadd.f32 v20, v30;
	v25 =	vld [tilespmem:s7+$0x0];
	v30 =	vmul.f32 v31, v19;
	v27 =	vadd.f32 v28, v23  }
0x31d: {  	s5 =	simm.s32 $0x200;
	s23 =	sor.u32 s24, s9;
	s9 =	sor.u32 s0, s6;
	[tilespmem:s1+$0x0] =	vst v3;
	v29 =	vmul.f32 v29, v18;
	v28 =	vld [tilespmem:s31+$0x0];
	v23 =	vadd.f32 v33, v35;
	v26 =	vadd.f32 v63, v26  }
.LBB2_13:
0x31e: {  	s2 =	sand.u32 $0x40, s18;
	s3 =	sand.u32 $0x3C00, s5  }
0x31f: {  	s0 =	sor.u32 $0x8000, s3;
	s14 =	sor.u32 $0x30, s2  }
0x320: {  	v2 =	vadd.f32 v27, v20;
	v20 =	vld [tilespmem:s21+$0x0];
	s20 =	sor.u32 $0xC200, s3;
	s6 =	sor.u32 s14, s0  }
0x321: {  	v27 =	vadd.f32 v30, v29;
	s7 =	sor.u32 s14, s20;
	v29 =	vld [tilespmem:s6+$0x0]  }
0x322: {  	s29 =	sor.u32 s2, s0;
	v32 =	vld [tilespmem:s7+$0x0]  }
0x323: {  	v34 =	vld [tilespmem:s29+$0x0]  }
0x324: {  	v3 =	vmul.f32 v21, v10;
	v21 =	vmul.f32 v22, v11;
	v22 =	vld [tilespmem:s23+$0x0]  }
0x325: {  	[tilespmem:s9+$0x0] =	vst v2;
	v2 =	vmul.f32 v24, v12;
	v24 =	vld [tilespmem:s19+$0x0]  }
0x326: {  	v25 =	vmul.f32 v25, v13;
	v3 =	vadd.f32 v21, v3;
	v21 =	vadd.f32 v27, v26;
	v26 =	vld [tilespmem:s6+$0x80]  }
0x327: {  	s19 =	sor.u32 $0xC000, s3;
	v27 =	vmul.f32 v28, v14;
	v28 =	vld [tilespmem:s6+$0x100]  }
0x328: {  	s23 =	sor.u32 $0xC100, s3;
	s11 =	sor.u32 s14, s19;
	v2 =	vadd.f32 v25, v2;
	v25 =	vld [tilespmem:s6+$0x200]  }
0x329: {  	v20 =	vmul.f32 v20, v15;
	s13 =	sor.u32 s14, s23;
	v30 =	vld [tilespmem:s11+$0x0]  }
0x32a: {  	v31 =	vld [tilespmem:s13+$0x0];
	v22 =	vmul.f32 v22, v7;
	v24 =	vmul.f32 v24, v8  }
0x32b: {  	v21 =	vadd.f32 v21, v23;
	v2 =	vadd.f32 v2, v3;
	v3 =	vld [tilespmem:s6+$0x280]  }
0x32c: {  	v23 =	vld [tilespmem:s6+$0x180];
	v20 =	vadd.f32 v20, v27;
	v22 =	vadd.f32 v24, v22  }
0x32d: {  	s21 =	sor.u32 $0xC080, s3;
	v27 =	vld [tilespmem:s6+$0x300]  }
0x32e: {  	s10 =	sor.u32 $0xC300, s3;
	s12 =	sor.u32 s14, s21;
	v24 =	vld [tilespmem:s6+$0x380];
	v20 =	vadd.f32 v22, v20  }
0x32f: {  	s17 =	sor.u32 $0xC180, s3;
	v22 =	vld [tilespmem:s12+$0x0];
	s12 =	sor.u32 s14, s10  }
0x330: {  	s26 =	sor.u32 s14, s17;
	v25 =	vmul.f32 v25, v16;
	v3 =	vmul.f32 v3, v17;
	v33 =	vld [tilespmem:s12+$0x0];
	v2 =	vadd.f32 v20, v2  }
0x331: {  	s11 =	sor.u32 $0xC280, s3;
	v20 =	vld [tilespmem:s26+$0x0]  }
0x332: {  	s8 =	sor.u32 s14, s11;
	v29 =	vmul.f32 v29, v4;
	s26 =	sor.u32 $0xC380, s3;
	v3 =	vadd.f32 v3, v25;
	v25 =	vld [tilespmem:s29+$0x280];
	v2 =	vadd.f32 v2, v21  }
0x333: {  	v23 =	vmul.f32 v23, v9;
	s7 =	sor.u32 s14, s26;
	v21 =	vmul.f32 v28, v6;
	v28 =	vld [tilespmem:s8+$0x0]  }
0x334: {  	v32 =	vmul.f32 v32, v14;
	[tilespmem:s28+$0x0] =	vst v2;
	v2 =	vmul.f32 v27, v18;
	v27 =	vld [tilespmem:s7+$0x0]  }
0x335: {  	v26 =	vmul.f32 v26, v5;
	v30 =	vmul.f32 v30, v10;
	v21 =	vadd.f32 v23, v21;
	v23 =	vld [tilespmem:s29+$0x200]  }
0x336: {  	v35 =	vld [tilespmem:s29+$0x80];
	v31 =	vmul.f32 v31, v12;
	v22 =	vmul.f32 v22, v11  }
0x337: {  	v36 =	vld [tilespmem:s29+$0x100];
	v26 =	vadd.f32 v26, v29;
	v24 =	vmul.f32 v24, v19;
	v33 =	vmul.f32 v33, v7  }
0x338: {  	v37 =	vld [tilespmem:s29+$0x180];
	v20 =	vmul.f32 v20, v13;
	v22 =	vadd.f32 v22, v30;
	v25 =	vmul.f32 v25, v17  }
0x339: {  	v63 =	vld [tilespmem:s29+$0x380];
	v2 =	vadd.f32 v24, v2;
	v28 =	vmul.f32 v28, v15;
	v27 =	vmul.f32 v27, v8  }
0x33a: {  	s15 =	sor.u32 $0x10, s2;
	s22 =	sor.u32 $0x20, s2;
	s9 =	sor.u32 s2, s19;
	v30 =	vld [tilespmem:s29+$0x300];
	v21 =	vadd.f32 v21, v26;
	v20 =	vadd.f32 v20, v31;
	v23 =	vmul.f32 v23, v16  }
0x33b: {  	s24 =	sor.u32 s15, s0;
	s16 =	sor.u32 s22, s0;
	s13 =	sor.u32 s2, s11;
	v29 =	vmul.f32 v35, v5;
	v26 =	vld [tilespmem:s9+$0x0];
	v28 =	vadd.f32 v28, v32;
	v27 =	vadd.f32 v27, v33  }
0x33c: {  	s25 =	sor.u32 s2, s21;
	s31 =	sor.u32 s2, s17;
	s0 =	sor.u32 s2, s20;
	v24 =	vmul.f32 v34, v4;
	v2 =	vadd.f32 v2, v3;
	v23 =	vadd.f32 v25, v23;
	v25 =	vld [tilespmem:s13+$0x0]  }
0x33d: {  	s30 =	sor.u32 s2, s23;
	s6 =	sor.u32 s2, s10;
	s3 =	sor.u32 s15, s21;
	v31 =	vmul.f32 v36, v6;
	v20 =	vadd.f32 v20, v22;
	v22 =	vadd.f32 v27, v28;
	v27 =	vld [tilespmem:s25+$0x0]  }
0x33e: {  	s21 =	sor.u32 s22, s21;
	s12 =	sor.u32 s2, s26;
	s28 =	sor.u32 s15, s20;
	v3 =	vmul.f32 v37, v9;
	v24 =	vadd.f32 v29, v24;
	v29 =	vmul.f32 v63, v19;
	v28 =	vld [tilespmem:s30+$0x0]  }
0x33f: {  	s7 =	sor.u32 s15, s23;
	s23 =	sor.u32 s22, s23;
	[dreg:$0x14] =	wrdreg s28;
	v2 =	vadd.f32 v2, v21;
	v21 =	vmul.f32 v30, v18;
	v20 =	vadd.f32 v22, v20;
	v22 =	vld [tilespmem:s31+$0x0]  }
0x340: {  	s28 =	sor.u32 s15, s11;
	[dreg:$0x7] =	wrdreg s23;
	s23 =	sor.u32 s22, s10;
	v3 =	vadd.f32 v3, v31;
	v30 =	vld [tilespmem:s0+$0x0]  }
0x341: {  	[dreg:$0x12] =	wrdreg s28;
	s28 =	sor.u32 s15, s10;
	s10 =	sand.u32 $0x780, s18;
	v21 =	vadd.f32 v29, v21;
	v2 =	vadd.f32 v20, v2;
	v20 =	vmul.f32 v26, v10;
	v26 =	vld [tilespmem:s6+$0x0]  }
0x342: {  	[dreg:$0xb] =	wrdreg s21;
	s21 =	sor.u32 s22, s11;
	s11 =	sor.u32 $0x10800, s10;
	v3 =	vadd.f32 v3, v24;
	v24 =	vmul.f32 v27, v11;
	v27 =	vld [tilespmem:s12+$0x0]  }
0x343: {  	s0 =	sor.u32 s14, s11;
	v21 =	vadd.f32 v21, v23;
	v23 =	vld [tilespmem:s24+$0x0];
	v25 =	vmul.f32 v25, v15  }
0x344: {  	[tilespmem:s0+$0x0] =	vst v2;
	v2 =	vmul.f32 v28, v12;
	v28 =	vld [tilespmem:s24+$0x80];
	v22 =	vmul.f32 v22, v13  }
0x345: {  	v3 =	vadd.f32 v21, v3;
	v21 =	vld [tilespmem:s24+$0x100];
	v20 =	vadd.f32 v24, v20;
	v24 =	vmul.f32 v30, v14  }
0x346: {  	v2 =	vadd.f32 v22, v2;
	v22 =	vmul.f32 v26, v7;
	v26 =	vld [tilespmem:s24+$0x180]  }
0x347: {  	v24 =	vadd.f32 v25, v24;
	v25 =	vld [tilespmem:s24+$0x280];
	v27 =	vmul.f32 v27, v8  }
0x348: {  	v2 =	vadd.f32 v2, v20;
	v20 =	vld [tilespmem:s24+$0x200]  }
0x349: {  	s2 =	sor.u32 s15, s17;
	s17 =	sor.u32 s22, s17;
	v22 =	vadd.f32 v27, v22;
	v27 =	vmul.f32 v28, v5;
	v28 =	vld [tilespmem:s24+$0x300]  }
0x34a: {  	s8 =	sor.u32 s15, s19;
	s19 =	sor.u32 s22, s19;
	[dreg:$0x9] =	wrdreg s17;
	v29 =	vld [tilespmem:s24+$0x380];
	v23 =	vmul.f32 v23, v4  }
0x34b: {  	[dreg:$0xc] =	wrdreg s19;
	v22 =	vadd.f32 v22, v24;
	v24 =	vmul.f32 v26, v9;
	v26 =	vld [tilespmem:s8+$0x0]  }
0x34c: {  	s17 =	sor.u32 s22, s20;
	s20 =	rddreg [dreg:$0x14];
	v21 =	vmul.f32 v21, v6;
	v23 =	vadd.f32 v27, v23;
	v27 =	vld [tilespmem:s3+$0x0]  }
0x34d: {  	[dreg:$0x10] =	wrdreg s28;
	s28 =	sor.u32 s15, s26;
	v20 =	vmul.f32 v20, v16;
	v2 =	vadd.f32 v22, v2;
	v22 =	vmul.f32 v25, v17;
	v25 =	vld [tilespmem:s7+$0x0]  }
0x34e: {  	[dreg:$0xe] =	wrdreg s28;
	v21 =	vadd.f32 v24, v21;
	v24 =	vmul.f32 v28, v18;
	v28 =	vld [tilespmem:s2+$0x0]  }
0x34f: {  	s19 =	sor.u32 s22, s26;
	s28 =	sor.u32 s22, s11;
	s22 =	rddreg [dreg:$0x12];
	v29 =	vmul.f32 v29, v19;
	v30 =	vld [tilespmem:s20+$0x0];
	v20 =	vadd.f32 v22, v20  }
0x350: {  	s24 =	rddreg [dreg:$0x10];
	v21 =	vadd.f32 v21, v23;
	v2 =	vadd.f32 v2, v3;
	v22 =	vld [tilespmem:s22+$0x0]  }
0x351: {  	s1 =	sadd.s32 $0x40, s1;
	s25 =	rddreg [dreg:$0xe];
	v3 =	vmul.f32 v26, v10;
	v23 =	vmul.f32 v27, v11;
	v26 =	vld [tilespmem:s24+$0x0];
	v24 =	vadd.f32 v29, v24  }
0x352: {  	[tilespmem:s1+$0x0] =	vst v2;
	v2 =	vmul.f32 v25, v12;
	v25 =	vld [tilespmem:s25+$0x0]  }
0x353: {  	v3 =	vadd.f32 v23, v3;
	v20 =	vadd.f32 v24, v20;
	v23 =	vld [tilespmem:s16+$0x0];
	v27 =	vmul.f32 v28, v13  }
0x354: {  	v28 =	vld [tilespmem:s16+$0x80]  }
0x355: {  	v20 =	vadd.f32 v20, v21;
	v21 =	vld [tilespmem:s16+$0x100];
	v2 =	vadd.f32 v27, v2  }
0x356: {  	v24 =	vmul.f32 v30, v14;
	v22 =	vmul.f32 v22, v15;
	v27 =	vld [tilespmem:s16+$0x180]  }
0x357: {  	v26 =	vmul.f32 v26, v7;
	v25 =	vmul.f32 v25, v8;
	v2 =	vadd.f32 v2, v3;
	v3 =	vld [tilespmem:s16+$0x200]  }
0x358: {  	v22 =	vadd.f32 v22, v24;
	v24 =	vld [tilespmem:s16+$0x280]  }
0x359: {  	s4 =	sadd.s32 $0x4, s4;
	v30 =	vld [tilespmem:s16+$0x380];
	v25 =	vadd.f32 v25, v26  }
0x35a: {  	p4 =	slt.u32 s4, $0x7C;
	s26 =	rddreg [dreg:$0xc];
	v23 =	vmul.f32 v23, v4;
	v26 =	vmul.f32 v28, v5;
	v28 =	vld [tilespmem:s16+$0x300]  }
.Ltmp10:
0x35b: {  	s29 =	rddreg [dreg:$0xb];
	v29 =	vmul.f32 v21, v6;
	v21 =	vld [tilespmem:s26+$0x0];
	v31 =	vmul.f32 v27, v9;
	v25 =	vadd.f32 v25, v22;
	(pc) =	sbr.rel @p4 .LBB2_13-.Ltmp10, $4  }
0x35c: {  	s30 =	rddreg [dreg:$0x7];
	v23 =	vadd.f32 v26, v23;
	v22 =	vld [tilespmem:s29+$0x0];
	v3 =	vmul.f32 v3, v16  }
0x35d: {  	s31 =	rddreg [dreg:$0x9];
	v31 =	vadd.f32 v31, v29;
	v27 =	vadd.f32 v25, v2;
	v2 =	vmul.f32 v24, v17;
	v24 =	vld [tilespmem:s30+$0x0]  }
0x35e: {  	v30 =	vmul.f32 v30, v19;
	v25 =	vld [tilespmem:s31+$0x0]  }
0x35f: {  	s5 =	sadd.s32 $0x200, s5;
	s18 =	sadd.s32 $0x40, s18;
	s9 =	sor.u32 s15, s11;
	v29 =	vmul.f32 v28, v18;
	v28 =	vld [tilespmem:s17+$0x0];
	v23 =	vadd.f32 v31, v23;
	v26 =	vadd.f32 v2, v3  }
0x360: {  	v2 =	vld [tilespmem:s21+$0x0]  }
0x361: {  	v3 =	vld [tilespmem:s23+$0x0]  }
0x362: {  	v4 =	vld [tilespmem:s19+$0x0];
	_ =	sdelay $0x1  }
0x363: {  	v5 =	vmul.f32 v21, v10;
	v6 =	vmul.f32 v22, v11  }
0x364: {  	v9 =	vmul.f32 v24, v12;
	v58 =	vmul.f32 v25, v13  }
0x365: {  	v59 =	vmul.f32 v28, v14;
	v2 =	vmul.f32 v2, v15  }
0x366: {  	v60 =	vadd.f32 v30, v29;
	v3 =	vmul.f32 v3, v7;
	v4 =	vmul.f32 v4, v8  }
0x367: {  	v5 =	vadd.f32 v6, v5;
	v61 =	vadd.f32 v58, v9  }
0x368: {  	v2 =	vadd.f32 v2, v59;
	v3 =	vadd.f32 v4, v3  }
0x369: {  	v62 =	vadd.f32 v60, v26  }
0x36a: {  	v5 =	vadd.f32 v61, v5;
	v2 =	vadd.f32 v3, v2;
	_ =	sdelay $0x1  }
0x36b: {  	v3 =	vadd.f32 v62, v23;
	v2 =	vadd.f32 v2, v5  }
0x36c: {  	v63 =	vadd.f32 v27, v20  }
0x36d: {  	v2 =	vadd.f32 v2, v3  }
0x36e: {  	[tilespmem:s9+$0x0] =	vst v63  }
0x36f: {  	[tilespmem:s28+$0x0] =	vst v2  }
0x370: {  	s1 =	sld [smem:$0x7F9];
	_ =	sdelay $0x1  }
0x371: {  	s0 =	simm.s32 $0x0;
	s2 =	simm.s32 $0x10800  }
0x372: {  	[hbm4b:s1+s0] =	stream.linear.scatter [tilespmem:s2], [sflag:$0x4], $0x800, $0x38;
	[tilespmem:$0x18E00] =	vst v63  }
.LBB2_15:
0x373: {  	s0 =	simm.s32 @!p0 $0x3  }
0x374: {  	_ =	swait.ge @!p0 [sflag:s0], $0x800  }
0x375: {  	s31 =	sld [smem:$0x7FA]  }
.Ltmp11:
0x376: {  	[sflag:s0] =	ssyncset.done @!p0 $0x0;
	(pc) =	sbr.rel @p2 .LBB2_20-.Ltmp11, $4  }
0x377: {  	[sflag:s0] =	ssyncadd.s32 @!p0 $0xFFFFF800  }
0x378: {  	_ =	swait.ge [sflag:s31], $0x800  }
0x379: {  	[sflag:s31] =	ssyncset.done $0x0  }
0x37a: {  	[sflag:s31] =	ssyncadd.s32 $0xFFFFF800  }
.Ltmp12:
0x37b: {  	(pc) =	sbr.rel @p3 .LBB2_23-.Ltmp12, $3  }
0x37c: {  	_ =	sdelay $0x1  }
0x37d: {  	v22 =	vld [tilespmem:$0x1FFE0]  }
0x37e: {  	s3 =	simm.s32 $0x5;
	v23 =	vld [tilespmem:$0x1FFF0];
	s6 =	sld [smem:$0x7F6]  }
0x37f: {  	s1 =	simm.s32 $0x0;
	s0 =	rddreg [dreg:$0x2];
	s2 =	simm.s32 $0x11000  }
0x380: {  	v4 =	vld [tilespmem:$0x18A80];
	[tilespmem:s2], [sflag:$0x5] =	stream.linear.gather [hbm4b:s0+s1], $0x2400, $0x38  }
0x381: {  	_ =	swait.ge [sflag:s3], $0x2400  }
0x382: {  	[sflag:s3] =	ssyncset.done $0x0  }
0x383: {  	s4 =	simm.s32 $0x11080;
	[sflag:s3] =	ssyncadd.s32 $0xFFFFDC00  }
0x384: {  	v2 =	vld [tilespmem:s4+$0xFFFFFF80]  }
0x385: {  	v3 =	vld [tilespmem:s4+$0x0]  }
0x386: {  	v5 =	vld [tilespmem:s4+$0xFFFFFFC0]  }
0x387: {  	v6 =	vld [tilespmem:s4+$0x40]  }
0x388: {  	v7 =	vld [tilespmem:s4+$0xFFFFFFA0]  }
0x389: {  	v8 =	vld [tilespmem:s4+$0x20];
	_ =	sdelay $0x1  }
0x38a: {  	v15 =	vld [tilespmem:s4+$0xFFFFFF90]  }
0x38b: {  	v2 =	vmul.f32 v2, v4;
	v3 =	vmul.f32 v3, v4  }
0x38c: {  	v5 =	vmul.f32 v5, v4;
	v6 =	vmul.f32 v6, v4  }
0x38d: {  	v11 =	vld [tilespmem:s4+$0xFFFFFFE0];
	v7 =	vmul.f32 v7, v4;
	v12 =	vmul.f32 v8, v4  }
0x38e: {  	v14 =	vld [tilespmem:s4+$0x60];
	v9 =	vperm.xlane v2, v0;
	v10 =	vperm.xlane v3, v0  }
0x38f: {  	v21 =	vld [tilespmem:s4+$0x10];
	v16 =	vmul.f32 v15, v4;
	v8 =	vperm.xlane v5, v0  }
0x390: {  	v2 =	vadd.f32 v9, v2;
	v9 =	vperm.xlane v6, v0;
	v3 =	vadd.f32 v10, v3  }
0x391: {  	v13 =	vperm.xlane v12, v0;
	v10 =	vperm.xlane v7, v0  }
0x392: {  	v5 =	vadd.f32 v8, v5;
	v8 =	vld [tilespmem:s4+$0xFFFFFFD0];
	v6 =	vadd.f32 v9, v6;
	v2 =	vsel vm2, v2, v3  }
0x393: {  	v3 =	vadd.f32 v10, v7;
	v10 =	vadd.f32 v13, v12;
	v12 =	vld [tilespmem:s4+$0x50];
	v13 =	vmul.f32 v11, v4  }
0x394: {  	v15 =	vld [tilespmem:s4+$0x70];
	v9 =	vmul.f32 v14, v4;
	v14 =	vmul.f32 v21, v4;
	v6 =	vsel vm2, v5, v6  }
0x395: {  	v7 =	vld [tilespmem:s4+$0xFFFFFFB0];
	v5 =	vperm.xlane v2, v1;
	v17 =	vsel vm2, v3, v10;
	v3 =	vperm.xlane v6, v1  }
0x396: {  	v10 =	vld [tilespmem:s4+$0x30];
	v19 =	vperm.xlane v13, v0;
	v20 =	vperm.xlane v17, v1  }
0x397: {  	s5 =	simm.s32 $0x40;
	v11 =	vld [tilespmem:s4+$0xFFFFFFF0];
	v18 =	vperm.xlane v9, v0;
	v5 =	vadd.f32 v5, v2;
	v6 =	vadd.f32 v3, v6  }
.LBB2_18:
0x398: {  	p4 =	sne.s32 s5, $0x8C0;
	v2 =	vmul.f32 v8, v4;
	v3 =	vmul.f32 v12, v4;
	v8 =	vadd.f32 v20, v17  }
0x399: {  	v13 =	vadd.f32 v19, v13;
	v12 =	vperm.xlane v16, v0;
	v17 =	vperm.xlane v14, v0  }
0x39a: {  	v9 =	vadd.f32 v18, v9;
	v19 =	vperm.xlane v2, v0;
	v20 =	vperm.xlane v3, v0  }
0x39b: {  	v7 =	vmul.f32 v7, v4;
	v10 =	vmul.f32 v10, v4;
	v12 =	vadd.f32 v12, v16  }
0x39c: {  	v11 =	vmul.f32 v11, v4;
	v14 =	vadd.f32 v17, v14;
	v15 =	vmul.f32 v15, v4  }
0x39d: {  	v16 =	vperm.xlane v7, v0;
	v17 =	vperm.xlane v10, v0;
	v2 =	vadd.f32 v19, v2  }
0x39e: {  	v3 =	vadd.f32 v20, v3;
	v18 =	vperm.xlane v11, v0;
	v19 =	vperm.xlane v15, v0  }
0x39f: {  	v9 =	vsel vm2, v13, v9;
	v7 =	vadd.f32 v16, v7;
	v10 =	vadd.f32 v17, v10  }
0x3a0: {  	v12 =	vsel vm2, v12, v14;
	v11 =	vadd.f32 v18, v11;
	v13 =	vadd.f32 v19, v15  }
0x3a1: {  	v14 =	vperm.xlane v9, v1;
	v2 =	vsel vm2, v2, v3;
	v3 =	vperm.xlane v12, v1  }
0x3a2: {  	v7 =	vsel vm2, v7, v10;
	v10 =	vsel vm2, v11, v13;
	v11 =	vperm.xlane v2, v1  }
0x3a3: {  	v9 =	vadd.f32 v14, v9;
	v13 =	vperm.xlane v7, v1;
	v14 =	vperm.xlane v10, v1  }
0x3a4: {  	v3 =	vadd.f32 v3, v12;
	v2 =	vadd.f32 v11, v2  }
0x3a5: {  	v5 =	vsel vm0, v5, v6;
	v6 =	vadd.f32 v13, v7;
	v7 =	vadd.f32 v14, v10  }
0x3a6: {  	v8 =	vsel vm0, v8, v9;
	v9 =	vperm.xlane v5, v22  }
0x3a7: {  	v2 =	vsel vm0, v3, v2;
	v3 =	vsel vm0, v6, v7;
	v6 =	vperm.xlane v8, v22  }
0x3a8: {  	v7 =	vperm.xlane v2, v22;
	v10 =	vperm.xlane v3, v22  }
0x3a9: {  	v5 =	vadd.f32 v9, v5;
	v6 =	vadd.f32 v6, v8  }
0x3aa: {  	v2 =	vadd.f32 v7, v2;
	v3 =	vadd.f32 v10, v3;
	_ =	sdelay $0x1  }
0x3ab: {  	v5 =	vsel vm1, v5, v6;
	v2 =	vsel vm1, v2, v3  }
0x3ac: {  	v3 =	vperm.xlane v5, v23;
	v6 =	vperm.xlane v2, v23;
	_ =	sdelay $0x1  }
0x3ad: {  	v3 =	vadd.f32 v3, v5;
	v2 =	vadd.f32 v6, v2;
	_ =	sdelay $0x1  }
0x3ae: {  	s0 =	sshra.s32 s1, $0x2;
	s1 =	smov.u32 s5;
	v2 =	vsel vm3, v3, v2  }
0x3af: {  	s4 =	sadd.s32 $0x100, s4;
	[tilespmem:s0+$0x10000] =	vst v2  }
0x3b0: {  	v2 =	vld [tilespmem:s4+$0xFFFFFF80]  }
0x3b1: {  	v3 =	vld [tilespmem:s4+$0x0]  }
0x3b2: {  	v5 =	vld [tilespmem:s4+$0xFFFFFFC0]  }
0x3b3: {  	v6 =	vld [tilespmem:s4+$0x40]  }
0x3b4: {  	v7 =	vld [tilespmem:s4+$0xFFFFFFA0]  }
0x3b5: {  	v8 =	vld [tilespmem:s4+$0x20]  }
0x3b6: {  	v2 =	vmul.f32 v2, v4;
	v3 =	vmul.f32 v3, v4;
	_ =	sdelay $0x1  }
0x3b7: {  	v9 =	vperm.xlane v2, v0;
	v10 =	vperm.xlane v3, v0  }
0x3b8: {  	v5 =	vmul.f32 v5, v4;
	v6 =	vmul.f32 v6, v4  }
0x3b9: {  	v7 =	vmul.f32 v7, v4;
	v11 =	vld [tilespmem:s4+$0xFFFFFFE0];
	v12 =	vmul.f32 v8, v4  }
0x3ba: {  	v2 =	vadd.f32 v9, v2;
	v8 =	vperm.xlane v5, v0;
	v9 =	vperm.xlane v6, v0;
	v14 =	vld [tilespmem:s4+$0x60]  }
0x3bb: {  	v3 =	vadd.f32 v10, v3;
	v10 =	vperm.xlane v7, v0;
	v15 =	vld [tilespmem:s4+$0xFFFFFF90];
	v13 =	vperm.xlane v12, v0  }
0x3bc: {  	v5 =	vadd.f32 v8, v5;
	v6 =	vadd.f32 v9, v6;
	v21 =	vld [tilespmem:s4+$0x10]  }
0x3bd: {  	v2 =	vsel vm2, v2, v3;
	v3 =	vadd.f32 v10, v7;
	v8 =	vld [tilespmem:s4+$0xFFFFFFD0];
	v10 =	vadd.f32 v13, v12  }
.Ltmp13:
0x3be: {  	v6 =	vsel vm2, v5, v6;
	v5 =	vperm.xlane v2, v1;
	v12 =	vld [tilespmem:s4+$0x50];
	(pc) =	sbr.rel @p4 .LBB2_18-.Ltmp13, $4  }
0x3bf: {  	v13 =	vmul.f32 v11, v4;
	v7 =	vld [tilespmem:s4+$0xFFFFFFB0];
	v9 =	vmul.f32 v14, v4;
	v17 =	vsel vm2, v3, v10  }
0x3c0: {  	v3 =	vperm.xlane v6, v1;
	v10 =	vld [tilespmem:s4+$0x30];
	v20 =	vperm.xlane v17, v1  }
0x3c1: {  	v5 =	vadd.f32 v5, v2;
	v19 =	vperm.xlane v13, v0;
	v11 =	vld [tilespmem:s4+$0xFFFFFFF0];
	v18 =	vperm.xlane v9, v0  }
0x3c2: {  	s5 =	sadd.s32 $0x40, s5;
	v16 =	vmul.f32 v15, v4;
	v14 =	vmul.f32 v21, v4;
	v6 =	vadd.f32 v3, v6;
	v15 =	vld [tilespmem:s4+$0x70]  }
0x3c3: {  	v2 =	vmul.f32 v8, v4;
	v3 =	vmul.f32 v12, v4;
	v44 =	vadd.f32 v20, v17  }
0x3c4: {  	v13 =	vadd.f32 v19, v13;
	v45 =	vperm.xlane v16, v0;
	v46 =	vperm.xlane v14, v0  }
0x3c5: {  	v9 =	vadd.f32 v18, v9;
	v7 =	vmul.f32 v7, v4;
	v47 =	vperm.xlane v2, v0  }
0x3c6: {  	v48 =	vperm.xlane v3, v0;
	v10 =	vmul.f32 v10, v4;
	v12 =	vadd.f32 v45, v16  }
0x3c7: {  	v11 =	vmul.f32 v11, v4;
	v14 =	vadd.f32 v46, v14;
	v49 =	vmul.f32 v15, v4  }
0x3c8: {  	v50 =	vperm.xlane v7, v0;
	v51 =	vperm.xlane v10, v0;
	v2 =	vadd.f32 v47, v2  }
0x3c9: {  	v3 =	vadd.f32 v48, v3;
	v52 =	vperm.xlane v11, v0;
	v53 =	vperm.xlane v49, v0  }
0x3ca: {  	v9 =	vsel vm2, v13, v9;
	v7 =	vadd.f32 v50, v7;
	v10 =	vadd.f32 v51, v10  }
0x3cb: {  	v12 =	vsel vm2, v12, v14;
	v11 =	vadd.f32 v52, v11;
	v4 =	vadd.f32 v53, v49  }
0x3cc: {  	v13 =	vperm.xlane v9, v1;
	v2 =	vsel vm2, v2, v3;
	v3 =	vperm.xlane v12, v1  }
0x3cd: {  	v54 =	vperm.xlane v2, v1;
	v7 =	vsel vm2, v7, v10;
	v4 =	vsel vm2, v11, v4  }
0x3ce: {  	v9 =	vadd.f32 v13, v9;
	v55 =	vperm.xlane v7, v1;
	v56 =	vperm.xlane v4, v1  }
0x3cf: {  	v3 =	vadd.f32 v3, v12;
	v2 =	vadd.f32 v54, v2  }
0x3d0: {  	v5 =	vsel vm0, v5, v6;
	v57 =	vadd.f32 v55, v7;
	v4 =	vadd.f32 v56, v4  }
0x3d1: {  	v59 =	vperm.xlane v5, v22;
	v2 =	vsel vm0, v3, v2  }
0x3d2: {  	v58 =	vsel vm0, v44, v9;
	v61 =	vperm.xlane v2, v22;
	v3 =	vsel vm0, v57, v4  }
0x3d3: {  	v60 =	vperm.xlane v58, v22;
	v62 =	vperm.xlane v3, v22  }
0x3d4: {  	v5 =	vadd.f32 v59, v5;
	v2 =	vadd.f32 v61, v2  }
0x3d5: {  	v4 =	vadd.f32 v60, v58;
	v3 =	vadd.f32 v62, v3;
	_ =	sdelay $0x1  }
0x3d6: {  	v4 =	vsel vm1, v5, v4;
	v2 =	vsel vm1, v2, v3  }
0x3d7: {  	v3 =	vperm.xlane v4, v23;
	v63 =	vperm.xlane v2, v23;
	_ =	sdelay $0x1  }
0x3d8: {  	v3 =	vadd.f32 v3, v4;
	v2 =	vadd.f32 v63, v2  }
0x3d9: {  	s31 =	sld [smem:$0x7FC]  }
0x3da: {  	s0 =	sshra.s32 s1, $0x2;
	v2 =	vsel vm3, v3, v2  }
.Ltmp14:
0x3db: {  	s30 =	simm.s32 $0x0;
	s2 =	simm.s32 $0x10000;
	[tilespmem:s0+$0x10000] =	vst v2;
	(pc) =	sbr.rel .LBB2_23-.Ltmp14, $4  }
0x3dc: {  	[hbm4b:s31+s30] =	stream.linear.scatter [tilespmem:s2], [sflag:$0x5], $0x240, $0x38;
	[tilespmem:$0x18E00] =	vst v63  }
0x3dd: {  	_ =	swait.ge [sflag:s3], $0x240  }
0x3de: {  	[sflag:s3] =	ssyncset.done $0x0  }
0x3df: {  	[sflag:s3] =	ssyncadd.s32 $0xFFFFFDC0  }
.LBB2_20:
0x3e0: {  	s1 =	simm.s32 $0x0  }
0x3e1: {  	s0 =	rddreg [dreg:$0x17];
	s2 =	simm.s32 $0x11000;
	s3 =	simm.s32 $0x5  }
0x3e2: {  	v4 =	vld [tilespmem:$0x18B00];
	[tilespmem:s2], [sflag:$0x5] =	stream.linear.gather [hbm4b:s0+s1], $0x6A00, $0x38  }
0x3e3: {  	_ =	swait.ge [sflag:s3], $0x6A00  }
0x3e4: {  	[sflag:s3] =	ssyncset.done $0x0  }
0x3e5: {  	s4 =	simm.s32 $0x11080;
	[sflag:s3] =	ssyncadd.s32 $0xFFFF9600  }
0x3e6: {  	v2 =	vld [tilespmem:s4+$0xFFFFFF80]  }
0x3e7: {  	v3 =	vld [tilespmem:s4+$0x0]  }
0x3e8: {  	v5 =	vld [tilespmem:s4+$0xFFFFFFC0]  }
0x3e9: {  	v6 =	vld [tilespmem:s4+$0x40]  }
0x3ea: {  	v7 =	vld [tilespmem:s4+$0xFFFFFFA0]  }
0x3eb: {  	v8 =	vld [tilespmem:s4+$0x20];
	_ =	sdelay $0x1  }
0x3ec: {  	v15 =	vld [tilespmem:s4+$0xFFFFFF90]  }
0x3ed: {  	v2 =	vmul.f32 v2, v4;
	v3 =	vmul.f32 v3, v4  }
0x3ee: {  	v5 =	vmul.f32 v5, v4;
	v6 =	vmul.f32 v6, v4  }
0x3ef: {  	v11 =	vld [tilespmem:s4+$0xFFFFFFE0];
	v7 =	vmul.f32 v7, v4;
	v12 =	vmul.f32 v8, v4  }
0x3f0: {  	v14 =	vld [tilespmem:s4+$0x60];
	v9 =	vperm.xlane v2, v0;
	v10 =	vperm.xlane v3, v0  }
0x3f1: {  	v21 =	vld [tilespmem:s4+$0x10];
	v16 =	vmul.f32 v15, v4;
	v8 =	vperm.xlane v5, v0  }
0x3f2: {  	v22 =	vld [tilespmem:$0x1FFE0];
	v2 =	vadd.f32 v9, v2;
	v9 =	vperm.xlane v6, v0;
	v3 =	vadd.f32 v10, v3  }
0x3f3: {  	v23 =	vld [tilespmem:$0x1FFF0];
	v13 =	vperm.xlane v12, v0;
	v10 =	vperm.xlane v7, v0  }
0x3f4: {  	v5 =	vadd.f32 v8, v5;
	v8 =	vld [tilespmem:s4+$0xFFFFFFD0];
	v6 =	vadd.f32 v9, v6;
	v2 =	vsel vm2, v2, v3  }
0x3f5: {  	v3 =	vadd.f32 v10, v7;
	v10 =	vadd.f32 v13, v12;
	v12 =	vld [tilespmem:s4+$0x50];
	v13 =	vmul.f32 v11, v4  }
0x3f6: {  	v15 =	vld [tilespmem:s4+$0x70];
	v9 =	vmul.f32 v14, v4;
	v14 =	vmul.f32 v21, v4;
	v6 =	vsel vm2, v5, v6  }
0x3f7: {  	v7 =	vld [tilespmem:s4+$0xFFFFFFB0];
	v5 =	vperm.xlane v2, v1;
	v17 =	vsel vm2, v3, v10;
	v3 =	vperm.xlane v6, v1  }
0x3f8: {  	v10 =	vld [tilespmem:s4+$0x30];
	v19 =	vperm.xlane v13, v0;
	v20 =	vperm.xlane v17, v1  }
0x3f9: {  	s5 =	simm.s32 $0x40;
	s6 =	sld [smem:$0x7F6];
	v11 =	vld [tilespmem:s4+$0xFFFFFFF0];
	v18 =	vperm.xlane v9, v0;
	v5 =	vadd.f32 v5, v2;
	v6 =	vadd.f32 v3, v6  }
.LBB2_21:
0x3fa: {  	p4 =	sne.s32 s5, $0x1A40;
	v2 =	vmul.f32 v8, v4;
	v3 =	vmul.f32 v12, v4;
	v8 =	vadd.f32 v20, v17  }
0x3fb: {  	v13 =	vadd.f32 v19, v13;
	v12 =	vperm.xlane v16, v0;
	v17 =	vperm.xlane v14, v0  }
0x3fc: {  	v9 =	vadd.f32 v18, v9;
	v19 =	vperm.xlane v2, v0;
	v20 =	vperm.xlane v3, v0  }
0x3fd: {  	v7 =	vmul.f32 v7, v4;
	v10 =	vmul.f32 v10, v4;
	v12 =	vadd.f32 v12, v16  }
0x3fe: {  	v11 =	vmul.f32 v11, v4;
	v14 =	vadd.f32 v17, v14;
	v15 =	vmul.f32 v15, v4  }
0x3ff: {  	v16 =	vperm.xlane v7, v0;
	v17 =	vperm.xlane v10, v0;
	v2 =	vadd.f32 v19, v2  }
0x400: {  	v3 =	vadd.f32 v20, v3;
	v18 =	vperm.xlane v11, v0;
	v19 =	vperm.xlane v15, v0  }
0x401: {  	v9 =	vsel vm2, v13, v9;
	v7 =	vadd.f32 v16, v7;
	v10 =	vadd.f32 v17, v10  }
0x402: {  	v12 =	vsel vm2, v12, v14;
	v11 =	vadd.f32 v18, v11;
	v13 =	vadd.f32 v19, v15  }
0x403: {  	v14 =	vperm.xlane v9, v1;
	v2 =	vsel vm2, v2, v3;
	v3 =	vperm.xlane v12, v1  }
0x404: {  	v7 =	vsel vm2, v7, v10;
	v10 =	vsel vm2, v11, v13;
	v11 =	vperm.xlane v2, v1  }
0x405: {  	v9 =	vadd.f32 v14, v9;
	v13 =	vperm.xlane v7, v1;
	v14 =	vperm.xlane v10, v1  }
0x406: {  	v3 =	vadd.f32 v3, v12;
	v2 =	vadd.f32 v11, v2  }
0x407: {  	v5 =	vsel vm0, v5, v6;
	v6 =	vadd.f32 v13, v7;
	v7 =	vadd.f32 v14, v10  }
0x408: {  	v8 =	vsel vm0, v8, v9;
	v9 =	vperm.xlane v5, v22  }
0x409: {  	v2 =	vsel vm0, v3, v2;
	v3 =	vsel vm0, v6, v7;
	v6 =	vperm.xlane v8, v22  }
0x40a: {  	v7 =	vperm.xlane v2, v22;
	v10 =	vperm.xlane v3, v22  }
0x40b: {  	v5 =	vadd.f32 v9, v5;
	v6 =	vadd.f32 v6, v8  }
0x40c: {  	v2 =	vadd.f32 v7, v2;
	v3 =	vadd.f32 v10, v3;
	_ =	sdelay $0x1  }
0x40d: {  	v5 =	vsel vm1, v5, v6;
	v2 =	vsel vm1, v2, v3  }
0x40e: {  	v3 =	vperm.xlane v5, v23;
	v6 =	vperm.xlane v2, v23;
	_ =	sdelay $0x1  }
0x40f: {  	v3 =	vadd.f32 v3, v5;
	v2 =	vadd.f32 v6, v2;
	_ =	sdelay $0x1  }
0x410: {  	s0 =	sshra.s32 s1, $0x2;
	s1 =	smov.u32 s5;
	v2 =	vsel vm3, v3, v2  }
0x411: {  	s4 =	sadd.s32 $0x100, s4;
	[tilespmem:s0+$0x10000] =	vst v2  }
0x412: {  	v2 =	vld [tilespmem:s4+$0xFFFFFF80]  }
0x413: {  	v3 =	vld [tilespmem:s4+$0x0]  }
0x414: {  	v5 =	vld [tilespmem:s4+$0xFFFFFFC0]  }
0x415: {  	v6 =	vld [tilespmem:s4+$0x40]  }
0x416: {  	v7 =	vld [tilespmem:s4+$0xFFFFFFA0]  }
0x417: {  	v8 =	vld [tilespmem:s4+$0x20]  }
0x418: {  	v2 =	vmul.f32 v2, v4;
	v3 =	vmul.f32 v3, v4;
	_ =	sdelay $0x1  }
0x419: {  	v9 =	vperm.xlane v2, v0;
	v10 =	vperm.xlane v3, v0  }
0x41a: {  	v5 =	vmul.f32 v5, v4;
	v6 =	vmul.f32 v6, v4  }
0x41b: {  	v7 =	vmul.f32 v7, v4;
	v11 =	vld [tilespmem:s4+$0xFFFFFFE0];
	v12 =	vmul.f32 v8, v4  }
0x41c: {  	v2 =	vadd.f32 v9, v2;
	v8 =	vperm.xlane v5, v0;
	v9 =	vperm.xlane v6, v0;
	v14 =	vld [tilespmem:s4+$0x60]  }
0x41d: {  	v3 =	vadd.f32 v10, v3;
	v10 =	vperm.xlane v7, v0;
	v15 =	vld [tilespmem:s4+$0xFFFFFF90];
	v13 =	vperm.xlane v12, v0  }
0x41e: {  	v5 =	vadd.f32 v8, v5;
	v6 =	vadd.f32 v9, v6;
	v21 =	vld [tilespmem:s4+$0x10]  }
0x41f: {  	v2 =	vsel vm2, v2, v3;
	v3 =	vadd.f32 v10, v7;
	v8 =	vld [tilespmem:s4+$0xFFFFFFD0];
	v10 =	vadd.f32 v13, v12  }
.Ltmp15:
0x420: {  	v6 =	vsel vm2, v5, v6;
	v5 =	vperm.xlane v2, v1;
	v12 =	vld [tilespmem:s4+$0x50];
	(pc) =	sbr.rel @p4 .LBB2_21-.Ltmp15, $4  }
0x421: {  	v13 =	vmul.f32 v11, v4;
	v7 =	vld [tilespmem:s4+$0xFFFFFFB0];
	v9 =	vmul.f32 v14, v4;
	v17 =	vsel vm2, v3, v10  }
0x422: {  	v3 =	vperm.xlane v6, v1;
	v10 =	vld [tilespmem:s4+$0x30];
	v20 =	vperm.xlane v17, v1  }
0x423: {  	v5 =	vadd.f32 v5, v2;
	v19 =	vperm.xlane v13, v0;
	v11 =	vld [tilespmem:s4+$0xFFFFFFF0];
	v18 =	vperm.xlane v9, v0  }
0x424: {  	s5 =	sadd.s32 $0x40, s5;
	v16 =	vmul.f32 v15, v4;
	v14 =	vmul.f32 v21, v4;
	v6 =	vadd.f32 v3, v6;
	v15 =	vld [tilespmem:s4+$0x70]  }
0x425: {  	v2 =	vmul.f32 v8, v4;
	v3 =	vmul.f32 v12, v4;
	v44 =	vadd.f32 v20, v17  }
0x426: {  	v13 =	vadd.f32 v19, v13;
	v45 =	vperm.xlane v16, v0;
	v46 =	vperm.xlane v14, v0  }
0x427: {  	v9 =	vadd.f32 v18, v9;
	v7 =	vmul.f32 v7, v4;
	v47 =	vperm.xlane v2, v0  }
0x428: {  	v48 =	vperm.xlane v3, v0;
	v10 =	vmul.f32 v10, v4;
	v12 =	vadd.f32 v45, v16  }
0x429: {  	v11 =	vmul.f32 v11, v4;
	v14 =	vadd.f32 v46, v14;
	v49 =	vmul.f32 v15, v4  }
0x42a: {  	v50 =	vperm.xlane v7, v0;
	v51 =	vperm.xlane v10, v0;
	v2 =	vadd.f32 v47, v2  }
0x42b: {  	v3 =	vadd.f32 v48, v3;
	v52 =	vperm.xlane v11, v0;
	v53 =	vperm.xlane v49, v0  }
0x42c: {  	v9 =	vsel vm2, v13, v9;
	v7 =	vadd.f32 v50, v7;
	v10 =	vadd.f32 v51, v10  }
0x42d: {  	v12 =	vsel vm2, v12, v14;
	v11 =	vadd.f32 v52, v11;
	v4 =	vadd.f32 v53, v49  }
0x42e: {  	v13 =	vperm.xlane v9, v1;
	v2 =	vsel vm2, v2, v3;
	v3 =	vperm.xlane v12, v1  }
0x42f: {  	v54 =	vperm.xlane v2, v1;
	v7 =	vsel vm2, v7, v10;
	v4 =	vsel vm2, v11, v4  }
0x430: {  	v9 =	vadd.f32 v13, v9;
	v55 =	vperm.xlane v7, v1;
	v56 =	vperm.xlane v4, v1  }
0x431: {  	v3 =	vadd.f32 v3, v12;
	v2 =	vadd.f32 v54, v2  }
0x432: {  	v5 =	vsel vm0, v5, v6;
	v57 =	vadd.f32 v55, v7;
	v4 =	vadd.f32 v56, v4  }
0x433: {  	v59 =	vperm.xlane v5, v22;
	v2 =	vsel vm0, v3, v2  }
0x434: {  	v58 =	vsel vm0, v44, v9;
	v61 =	vperm.xlane v2, v22;
	v3 =	vsel vm0, v57, v4  }
0x435: {  	v60 =	vperm.xlane v58, v22;
	v62 =	vperm.xlane v3, v22  }
0x436: {  	v5 =	vadd.f32 v59, v5;
	v2 =	vadd.f32 v61, v2  }
0x437: {  	v4 =	vadd.f32 v60, v58;
	v3 =	vadd.f32 v62, v3;
	_ =	sdelay $0x1  }
0x438: {  	v4 =	vsel vm1, v5, v4;
	v2 =	vsel vm1, v2, v3  }
0x439: {  	v3 =	vperm.xlane v4, v23;
	v63 =	vperm.xlane v2, v23;
	_ =	sdelay $0x1  }
0x43a: {  	v3 =	vadd.f32 v3, v4;
	v2 =	vadd.f32 v63, v2  }
0x43b: {  	s31 =	sld [smem:$0x7FB]  }
0x43c: {  	s0 =	sshra.s32 s1, $0x2;
	v2 =	vsel vm3, v3, v2  }
.Ltmp16:
0x43d: {  	s30 =	simm.s32 $0x0;
	s2 =	simm.s32 $0x10000;
	[tilespmem:s0+$0x10000] =	vst v2;
	(pc) =	sbr.rel .LBB2_23-.Ltmp16, $4  }
0x43e: {  	[hbm4b:s31+s30] =	stream.linear.scatter [tilespmem:s2], [sflag:$0x5], $0x6A0, $0x38;
	[tilespmem:$0x18E00] =	vst v63  }
0x43f: {  	_ =	swait.ge [sflag:s3], $0x6A0  }
0x440: {  	[sflag:s3] =	ssyncset.done $0x0  }
0x441: {  	[sflag:s3] =	ssyncadd.s32 $0xFFFFF960  }
.LBB2_24:
0x442: {  	_ =	sfence.sel $0x180000  }
0x443: {  	[bflag:$0x0] =	sbarrier.arrive $0xFFFF  }
0x444: {  	_ =	strace $0x90000047  }
0x445: {  	s0 =	stileid.u32;
	[bflag:$0x2] =	sbarrier.arrive $0xFFFF  }
0x446: {  	p0 =	sne.s32 s0, $0x0;
	s0 =	rddreg [dreg:$0x4]  }
0x447: {  	s0 =	sadd.s32 @!p0 $0x100000, s0  }
0x448: {  	[sflag:s0] =	ssyncadd.tile.s32 @!p0 $0x1;
	_ =	shalt  }
.Lfunc_end2:
_tile_overlayer_lowered:
.L_overlay_start_2:
0x449: {  	(tag) =	ssettag $0x2  }
0x44a: {  	s0 =	rddreg [dreg:$0x0];
	s2 =	stileid.u32  }
0x44b: {  	s1 =	rddreg [dreg:$0x1];
	p0 =	sne.s32 s2, $0x0  }
0x44c: {  	s3 =	rddreg [dreg:$0x2];
	[bflag:$0x3] =	sbarrier.arrive $0xFFFF;
	s2 =	simm.s32 @!p0 $0x1C05  }
0x44d: {  	[timem:s3], [sflag:s2] =	dma.local @!p0 [hbm:s0], s1  }
0x44e: {  	s0 =	simm.s32 @!p0 $0x5  }
0x44f: {  	_ =	swait.ge @!p0 [sflag:s0], s1  }
0x450: {  	s1 =	ssub.s32 @!p0 $0x0, s1;
	[sflag:s0] =	ssyncset.done @!p0 $0x0  }
0x451: {  	[sflag:s0] =	ssyncadd.s32 @!p0 s1  }
0x452: {  	[bflag:$0x3] =	sbarrier.arrive $0xFFFF  }
0x453: {  	_ =	shalt  }

// kernel: kernel.7.cloned.1.call-start
scs
__scs_entry_jumppad:
0x0: {  	(pc) =	sbr.rel $0x88, $3  }
0x1: {  	(tag) =	ssettag $0x0;
	lr =	simm.s32 $0x1  }
0x2: {  	[smem:$0x3F9B] =	sst lr;
	_ =	strace $0xD0000000  }
0x3: {  	_ = 	snop  }
0x4: {  	_ = 	snop  }
0x5: {  	_ = 	snop  }
0x6: {  	_ = 	snop  }
0x7: {  	_ = 	snop  }
__scs_overlays_trampoline_lowered:
0x8: {  	[smem:$0x3FAA] =	sst s0  }
0x9: {  	[smem:$0x3FAB] =	sst s1  }
0xa: {  	[smem:$0x3FAC] =	sst s2  }
0xb: {  	[smem:$0x3FAD] =	sst s3  }
0xc: {  	[smem:$0x3FAE] =	sst s4  }
0xd: {  	[smem:$0x3FAF] =	sst s5  }
0xe: {  	[smem:$0x3FB0] =	sst s6  }
0xf: {  	[smem:$0x3FB1] =	sst s7  }
0x10: {  	[smem:$0x3FB2] =	sst s8  }
0x11: {  	[smem:$0x3FB3] =	sst s9;
	s0 =	simm.s32 @!p0 $0x0  }
0x12: {  	s1 =	sld [smem:$0x3F99];
	s0 =	simm.s32 @p0 $0x1  }
0x13: {  	[smem:$0x3FB4] =	sst s0;
	s0 =	simm.s32 @!p1 $0x0  }
0x14: {  	s2 =	sld [smem:$0x3F98];
	s0 =	simm.s32 @p1 $0x1  }
0x15: {  	[smem:$0x3FB5] =	sst s0;
	s0 =	simm.s32 @!p2 $0x0  }
0x16: {  	s3 =	sld [smem:$0x3FDB];
	s0 =	simm.s32 @p2 $0x1  }
0x17: {  	s4 =	simm.s32 $0x1BF5;
	[smem:$0x3FB7] =	sst s0  }
0x18: {  	s0 =	sld [smem:$0x3F9A];
	_ =	swait.ge [sflag:s4], $0x0  }
0x19: {  	s7 =	sld [smem:$0x3F9B]  }
0x1a: {  	s8 =	sadd.s32 $0xFFFFE003, lr  }
0x1b: {  	s9 =	sadd.s32 $0xFFFFFEF7, lr;
	s5 =	simm.s32 $0xFFFFFFFF;
	p2 =	slt.u32 s8, $0xFFFFF086  }
0x1c: {  	p1 =	slt.u32 s9, $0xF7A;
	s5 =	simm.s32 @!p2 $0x0  }
0x1d: {  	s5 =	simm.s32 @p1 $0x1;
	p0 =	seq.s32 s7, s2  }
0x1e: {  	s7 =	smul.u32 @!p0 $0xF7A, s2;
	p2 =	seq.s32 @!p0 s5, $0x0  }
0x1f: {  	s9 =	smul.u32 $0xF7A, s1;
	s8 =	simm.s32 @!p0 $0x1BF5;
	p2 =	por !p2, p0  }
0x20: {  	[sflag:s8] =	ssyncset.s32 @!p0 $0xFFFFF086;
	s6 =	sadd.s32 @!p0 s3, s7;
	s7 =	simm.s32 @!p0 $0x108  }
0x21: {  	s3 =	sadd.s32 s3, s9;
	s6 =	sadd.s32 @!p0 $0x88, s6;
	s7 =	simm.s32 @p2 $0x1082  }
0x22: {  	[simem:s7], [sflag:s8] =	dma.local @!p0 [hbm:s6], $0xF7A  }
0x23: {  	s9 =	sor.u32 $0xD0000000, s2;
	s6 =	simm.s32 $0x108;
	_ =	swait.ge @!p0 [sflag:s8], $0x0  }
0x24: {  	s3 =	sadd.s32 $0x88, s3;
	s6 =	simm.s32 @!p1 $0x1082;
	[sflag:s4] =	ssyncset.s32 $0xFFFFF086  }
0x25: {  	[simem:s6], [sflag:s4] =	dma.local [hbm:s3], $0xF7A  }
0x26: {  	[smem:$0x3F9B] =	sst s1;
	(tag) =	ssettag s2;
	_ =	strace s9  }
0x27: {  	s1 =	sld [smem:$0x3FAB]  }
0x28: {  	s2 =	sld [smem:$0x3FAC]  }
0x29: {  	s4 =	sld [smem:$0x3FAE]  }
0x2a: {  	p0 =	seq.s32 s5, $0x0;
	s5 =	sld [smem:$0x3FAF]  }
0x2b: {  	s6 =	sld [smem:$0x3FB0]  }
0x2c: {  	s7 =	sld [smem:$0x3FB1]  }
0x2d: {  	s3 =	simm.s32 $0x108;
	s8 =	sld [smem:$0x3FB2]  }
0x2e: {  	s3 =	simm.s32 @!p0 $0x1082;
	s9 =	sld [smem:$0x3FB3]  }
0x2f: {  	lr =	sadd.s32 s0, s3;
	s0 =	sld [smem:$0x3FAA]  }
0x30: {  	s3 =	sld [smem:$0x3FAD]  }
0x31: {  	[smem:$0x3FB6] =	sst s10  }
0x32: {  	s10 =	sld [smem:$0x3FB4];
	_ =	sdelay $0x3  }
0x33: {  	p0 =	seq.s32 s10, $0x1;
	s10 =	sld [smem:$0x3FB6];
	_ =	sdelay $0x3  }
0x34: {  	[smem:$0x3FB6] =	sst s10  }
0x35: {  	s10 =	sld [smem:$0x3FB5];
	_ =	sdelay $0x3  }
0x36: {  	p1 =	seq.s32 s10, $0x1;
	s10 =	sld [smem:$0x3FB6];
	_ =	sdelay $0x3  }
0x37: {  	[smem:$0x3FB6] =	sst s10  }
0x38: {  	s10 =	sld [smem:$0x3FB7]  }
0x39: {  	_ = 	snop;
	(pc) =	sbr.ind lr, $3  }
0x3a: {  	_ = 	snop  }
0x3b: {  	_ = 	snop  }
0x3c: {  	p2 =	seq.s32 s10, $0x1;
	s10 =	sld [smem:$0x3FB6]  }
0x3d: {  	_ =	shalt  }
0x3e: {  	_ =	shalt  }
0x3f: {  	_ =	shalt  }
0x40: {  	_ =	shalt  }
0x41: {  	_ =	shalt  }
0x42: {  	_ =	shalt  }
0x43: {  	_ =	shalt  }
0x44: {  	_ =	shalt  }
0x45: {  	_ =	shalt  }
0x46: {  	_ =	shalt  }
0x47: {  	_ =	shalt  }
0x48: {  	_ =	shalt  }
0x49: {  	_ =	shalt  }
0x4a: {  	_ =	shalt  }
0x4b: {  	_ =	shalt  }
0x4c: {  	_ =	shalt  }
0x4d: {  	_ =	shalt  }
0x4e: {  	_ =	shalt  }
0x4f: {  	_ =	shalt  }
0x50: {  	_ =	shalt  }
0x51: {  	_ =	shalt  }
0x52: {  	_ =	shalt  }
0x53: {  	_ =	shalt  }
0x54: {  	_ =	shalt  }
0x55: {  	_ =	shalt  }
0x56: {  	_ =	shalt  }
0x57: {  	_ =	shalt  }
0x58: {  	_ =	shalt  }
0x59: {  	_ =	shalt  }
0x5a: {  	_ =	shalt  }
0x5b: {  	_ =	shalt  }
0x5c: {  	_ =	shalt  }
0x5d: {  	_ =	shalt  }
0x5e: {  	_ =	shalt  }
0x5f: {  	_ =	shalt  }
0x60: {  	_ =	shalt  }
0x61: {  	_ =	shalt  }
0x62: {  	_ =	shalt  }
0x63: {  	_ =	shalt  }
0x64: {  	_ =	shalt  }
0x65: {  	_ =	shalt  }
0x66: {  	_ =	shalt  }
0x67: {  	_ =	shalt  }
0x68: {  	_ =	shalt  }
0x69: {  	_ =	shalt  }
0x6a: {  	_ =	shalt  }
0x6b: {  	_ =	shalt  }
0x6c: {  	_ =	shalt  }
0x6d: {  	_ =	shalt  }
0x6e: {  	_ =	shalt  }
0x6f: {  	_ =	shalt  }
0x70: {  	_ =	shalt  }
0x71: {  	_ =	shalt  }
0x72: {  	_ =	shalt  }
0x73: {  	_ =	shalt  }
0x74: {  	_ =	shalt  }
0x75: {  	_ =	shalt  }
0x76: {  	_ =	shalt  }
0x77: {  	_ =	shalt  }
0x78: {  	_ =	shalt  }
0x79: {  	_ =	shalt  }
0x7a: {  	_ =	shalt  }
0x7b: {  	_ =	shalt  }
0x7c: {  	_ =	shalt  }
0x7d: {  	_ =	shalt  }
0x7e: {  	_ =	shalt  }
0x7f: {  	_ =	shalt  }
0x80: {  	_ =	shalt  }
0x81: {  	_ =	shalt  }
0x82: {  	_ =	shalt  }
0x83: {  	_ =	shalt  }
0x84: {  	_ =	shalt  }
0x85: {  	_ =	shalt  }
0x86: {  	_ =	shalt  }
0x87: {  	_ =	shalt  }
.Lfunc_end0:
.L_simem_size_0:
called_computation.1_lowered:
.L_overlay_start_0:
0x88: {  	s2 =	sld [smem:$0x3FD9]  }
0x89: {  	s3 =	sld [smem:$0x3FFE];
	_ =	sdelay $0x1  }
0x8a: {  	s1 =	srdreg.scid  }
0x8b: {  	s0 =	sand.u32 $0x1, s1  }
0x8c: {  	s17 =	sshll.u32 s0, $0xA;
	s2 =	sadd.s32 s3, s2  }
0x8d: {  	s2 =	sadd.s32 s2, s17  }
0x8e: {  	[smem:$0x3FC2] =	sst s2  }
0x8f: {  	_ = 	snop  }
0x90: {  	s2 =	sld [smem:$0x3FC9]  }
0x91: {  	s18 =	sld [smem:$0x3FC8]  }
0x92: {  	s4 =	sld [smem:$0x3FD0];
	(tm) =	ssettm $0x1  }
0x93: {  	s5 =	sld [smem:$0x3FFB];
	_ =	sdelay $0x3  }
0x94: {  	_ =	strace s5  }
0x95: {  	s5 =	sld [smem:$0x3FFC];
	_ =	sdelay $0x3  }
0x96: {  	_ =	strace s5  }
0x97: {  	s5 =	sld [smem:$0x3FFD];
	_ =	sdelay $0x3  }
0x98: {  	_ =	strace s5  }
0x99: {  	_ =	strace $0x8FFFFFFF  }
0x9a: {  	s19 =	sld [smem:$0x3FDB];
	_ =	sdelay $0x1  }
0x9b: {  	s6 =	simm.s32 $_scs_section_size  }
0x9c: {  	s7 =	simm.s32 $_size__tile_overlayer_lowered;
	s8 =	simm.s32 $_tile_overlayer_lowered  }
0x9d: {  	s22 =	simm.s32 $0x1BFF;
	s21 =	sshll.u32 s8, $0x1;
	s5 =	sadd.s32 s6, s19  }
0x9e: {  	s9 =	simm.s32 $0x0;
	s20 =	sshll.u32 s7, $0x1;
	s7 =	sadd.s32 s21, s5  }
0x9f: {  	[timem:s9], [sflag:s22] =	dma.local [hbm:s7], s20  }
0xa0: {  	_ =	swait.ge [sflag:s22], s20  }
0xa1: {  	s6 =	ssub.s32 $0x0, s20;
	[sflag:s22] =	ssyncset.done $0x0  }
0xa2: {  	[sflag:s22] =	ssyncadd.s32 s6;
	_ =	sdelay $0x1  }
0xa3: {  	s23 =	simm.s32 $0x1B8B  }
0xa4: {  	_ =	swait.ge [sflag:s23], $0x1  }
0xa5: {  	[sflag:s23] =	ssyncset.done $0x0  }
0xa6: {  	s25 =	simm.s32 $0x1B8E;
	s24 =	sld [smem:$0x3FFE];
	[sflag:s23] =	ssyncadd.s32 $0xFFFFFFFF  }
0xa7: {  	s26 =	simm.s32 $execute0_lowered;
	[smem:$0x3FD2] =	sst s25  }
0xa8: {  	s7 =	sshll.u32 s26, $0x1;
	_ =	strace $0x80000049;
	[dreg:$0x1] =	wrdreg $0xFFFFFFFF  }
0xa9: {  	s28 =	simm.s32 $_size_execute0_lowered;
	s5 =	sadd.s32 s5, s7;
	[dreg:$0x0] =	wrdreg $0x0  }
0xaa: {  	s7 =	sshll.u32 s28, $0x1;
	[dreg:$0x2] =	wrdreg s5  }
0xab: {  	[dreg:$0x3] =	wrdreg s7  }
0xac: {  	[dreg:$0x4] =	wrdreg $0xC0  }
0xad: {  	_ =	task [dreg:s9], $0x5FFFF  }
0xae: {  	[dreg:$0x1] =	wrdreg $0xFFFFFFFF  }
0xaf: {  	[dreg:$0x0] =	wrdreg $0x60  }
0xb0: {  	[dreg:$0x2] =	wrdreg s2  }
0xb1: {  	[dreg:$0x3] =	wrdreg s18  }
0xb2: {  	[dreg:$0x4] =	wrdreg s24  }
0xb3: {  	[dreg:$0x5] =	wrdreg s4  }
0xb4: {  	[dreg:$0x6] =	wrdreg $0x9  }
0xb5: {  	_ =	task.clear_ibuf [dreg:s9], $0x7FFFF;
	_ =	strace $0x90000049  }
0xb6: {  	s29 =	simm.s32 $0x9;
	_ =	strace $0x8000004B  }
0xb7: {  	_ =	swait.ge [sflag:s29], $0x1  }
0xb8: {  	[sflag:s29] =	ssyncadd.s32 $0xFFFFFFFF  }
0xb9: {  	_ =	strace $0x9000004B  }
0xba: {  	_ =	sfence  }
0xbb: {  	s30 =	sld [smem:$0x0];
	_ =	sdelay $0x2  }
0xbc: {  	s31 =	sshll.u32 s1, $0xD;
	s1 =	sshrl.u32 s1, $0x2  }
0xbd: {  	s3 =	sand.u32 $0x4000, s31;
	s1 =	sadd.s32 s1, s30  }
0xbe: {  	s0 =	sor.u32 s3, s0;
	s1 =	sshll.u32 s1, $0x11  }
0xbf: {  	s0 =	sor.u32 s1, s0  }
0xc0: {  	s0 =	sadd.s32 $0x8F2B, s0  }
0xc1: {  	[sflag:s0] =	ssyncadd.remote.s32 $0x1  }
0xc2: {  	_ =	sfence.sel $0xFFFF  }
0xc3: {  	[dreg:$0x0] =	wrdreg $0xFFFFFFFF;
	(pc) =	sbr.abs _section_cstart, $3  }
0xc4: {  	[dreg:$0x1] =	wrdreg $0xFFFFFFFF  }
0xc5: {  	_ =	task.clear_ibuf [dreg:s9], $0x2FFFF;
	_ =	strace $0x9FFFFFFF  }
0xc6: {  	(tm) =	ssettm $0x7FFFFFFF  }
0xc7: {  	_ =	shalt  }
tec
execute0_lowered:
.L_overlay_start_1:
0x0: {  	(tag) =	ssettag $0x1  }
0x1: {  	s0 =	rddreg [dreg:$0x0]  }
0x2: {  	s7 =	rddreg [dreg:$0x1]  }
0x3: {  	s5 =	rddreg [dreg:$0x2]  }
0x4: {  	s8 =	rddreg [dreg:$0x3]  }
0x5: {  	s1 =	simm.s32 $0x0;
	s2 =	srdreg.scid;
	s26 =	stileid.u32  }
0x6: {  	s12 =	simm.s32 $0x200;
	s13 =	simm.s32 $0x80;
	s14 =	simm.s32 $0x400  }
0x7: {  	s15 =	simm.s32 $0x600;
	s16 =	simm.s32 $0x480;
	s17 =	simm.s32 $0x280  }
0x8: {  	s18 =	simm.s32 $0x680;
	s19 =	simm.s32 $0x100;
	s20 =	simm.s32 $0x500  }
0x9: {  	s21 =	simm.s32 $0x300;
	s22 =	simm.s32 $0x700;
	s23 =	simm.s32 $0x180  }
0xa: {  	s24 =	simm.s32 $0x580;
	s25 =	simm.s32 $0x380;
	s28 =	simm.s32 $0x1  }
0xb: {  	s29 =	simm.s32 $0x800;
	s30 =	simm.s32 $0x0;
	[smem:$0x7FF] =	sst s1  }
0xc: {  	s3 =	sadd.s32 $0x2000, s5;
	s6 =	sand.u32 $0x1, s2;
	s4 =	sadd.s32 $0x20A00, s5  }
0xd: {  	s11 =	sshll.u32 s26, $0x7;
	s5 =	sadd.s32 $0x1C00, s5;
	s26 =	simm.s32 $0x780  }
0xe: {  	_ =	strace $0x8000004A;
	s9 =	ssub.s32 $0x2, s6;
	s6 =	sshll.u32 s6, $0x6  }
0xf: {  	s10 =	sshrl.u32 s9, $0x1;
	s31 =	sor.u32 s6, s11;
	s11 =	simm.s32 $0x2  }
0x10: {  	s9 =	ssub.s32 s9, s10;
	s6 =	sadd.s32 s0, s31;
	s7 =	sadd.s32 s7, s31  }
0x11: {  	s8 =	sadd.s32 s8, s31;
	s10 =	simm.s32 $0xA00;
	s9 =	smax.u32 s9, $0x1  }
.LBB2_1:
0x12: {  	[tilespmem:s10], [sflag:$0x2] =	stream.linear.gather [hbm4b:s5+s1], $0x1180, $0x38;
	[tilespmem:$0x1E00] =	vst v63  }
0x13: {  	_ =	swait.ge [sflag:s11], $0x1180  }
0x14: {  	[sflag:s11] =	ssyncset.done $0x0  }
0x15: {  	[sflag:s11] =	ssyncadd.s32 $0xFFFFEE80  }
0x16: {  	[tilespmem:s1], [sflag:$0x2] =	stream.linear.gather [hbm4b:s6+s1], $0x200, $0x38;
	[tilespmem:$0x1E00] =	vst v63  }
0x17: {  	_ =	swait.ge [sflag:s11], $0x200  }
0x18: {  	[sflag:s11] =	ssyncset.done $0x0  }
0x19: {  	[sflag:s11] =	ssyncadd.s32 $0xFFFFFE00  }
0x1a: {  	[tilespmem:s12], [sflag:$0x2] =	stream.linear.gather [hbm4b:s7+s1], $0x200, $0x38;
	[tilespmem:$0x1E00] =	vst v63  }
0x1b: {  	_ =	swait.ge [sflag:s11], $0x200  }
0x1c: {  	[sflag:s11] =	ssyncset.done $0x0  }
0x1d: {  	[sflag:s11] =	ssyncadd.s32 $0xFFFFFE00  }
0x1e: {  	[tilespmem:s14], [sflag:$0x1] =	stream.indirect.gather [hbm4b:s3+s13], $0x1, s1, s13, $0xb8;
	[tilespmem:$0x1E00] =	vst v63  }
0x1f: {  	_ = 	snop  }
0x20: {  	[tilespmem:s15], [sflag:$0x1] =	stream.indirect.gather [hbm4b:s4+s13], $0x1, s12, s13, $0xb8;
	[tilespmem:$0x1E00] =	vst v63  }
0x21: {  	_ = 	snop  }
0x22: {  	[tilespmem:s16], [sflag:$0x1] =	stream.indirect.gather [hbm4b:s3+s13], $0x1, s13, s13, $0xb8;
	[tilespmem:$0x1E00] =	vst v63  }
0x23: {  	_ = 	snop  }
0x24: {  	[tilespmem:s18], [sflag:$0x1] =	stream.indirect.gather [hbm4b:s4+s13], $0x1, s17, s13, $0xb8;
	[tilespmem:$0x1E00] =	vst v63  }
0x25: {  	_ = 	snop  }
0x26: {  	[tilespmem:s20], [sflag:$0x1] =	stream.indirect.gather [hbm4b:s3+s13], $0x1, s19, s13, $0xb8;
	[tilespmem:$0x1E00] =	vst v63  }
0x27: {  	_ = 	snop  }
0x28: {  	[tilespmem:s22], [sflag:$0x1] =	stream.indirect.gather [hbm4b:s4+s13], $0x1, s21, s13, $0xb8;
	[tilespmem:$0x1E00] =	vst v63  }
0x29: {  	_ = 	snop  }
0x2a: {  	[tilespmem:s24], [sflag:$0x1] =	stream.indirect.gather [hbm4b:s3+s13], $0x1, s23, s13, $0xb8;
	[tilespmem:$0x1E00] =	vst v63  }
0x2b: {  	_ = 	snop  }
0x2c: {  	[tilespmem:s26], [sflag:$0x1] =	stream.indirect.gather [hbm4b:s4+s13], $0x1, s25, s13, $0xb8;
	[tilespmem:$0x1E00] =	vst v63  }
0x2d: {  	_ =	swait.ge [sflag:s28], $0x80  }
0x2e: {  	[sflag:s28] =	ssyncset.done $0x0  }
0x2f: {  	[sflag:s28] =	ssyncadd.s32 $0xFFFFFF80  }
0x30: {  	_ =	swait.ge [sflag:s28], $0x80  }
0x31: {  	[sflag:s28] =	ssyncset.done $0x0  }
0x32: {  	[sflag:s28] =	ssyncadd.s32 $0xFFFFFF80  }
0x33: {  	_ =	swait.ge [sflag:s28], $0x80  }
0x34: {  	[sflag:s28] =	ssyncset.done $0x0  }
0x35: {  	[sflag:s28] =	ssyncadd.s32 $0xFFFFFF80  }
0x36: {  	_ =	swait.ge [sflag:s28], $0x80  }
0x37: {  	[sflag:s28] =	ssyncset.done $0x0  }
0x38: {  	[sflag:s28] =	ssyncadd.s32 $0xFFFFFF80  }
0x39: {  	_ =	swait.ge [sflag:s28], $0x80  }
0x3a: {  	[sflag:s28] =	ssyncset.done $0x0  }
0x3b: {  	[sflag:s28] =	ssyncadd.s32 $0xFFFFFF80  }
0x3c: {  	_ =	swait.ge [sflag:s28], $0x80  }
0x3d: {  	[sflag:s28] =	ssyncset.done $0x0  }
0x3e: {  	[sflag:s28] =	ssyncadd.s32 $0xFFFFFF80  }
0x3f: {  	_ =	swait.ge [sflag:s28], $0x80  }
0x40: {  	[sflag:s28] =	ssyncset.done $0x0  }
0x41: {  	[sflag:s28] =	ssyncadd.s32 $0xFFFFFF80  }
0x42: {  	_ =	swait.ge [sflag:s28], $0x80  }
0x43: {  	[sflag:s28] =	ssyncset.done $0x0  }
0x44: {  	s31 =	simm.s32 $0x0;
	[sflag:s28] =	ssyncadd.s32 $0xFFFFFF80  }
0x45: {  	v1 =	vld [tilespmem:s31+$0x400]  }
0x46: {  	v2 =	vld [tilespmem:s31+$0x600];
	_ =	sdelay $0x1  }
0x47: {  	v0 =	vld [tilespmem:$0x1A00]  }
0x48: {  	s0 =	simm.s32 $0x40  }
.LBB2_2:
0x49: {  	s2 =	sshra.s32 s0, $0x2;
	p0 =	sne.s32 s0, $0x7C0  }
.Ltmp0:
0x4a: {  	s0 =	sadd.s32 $0x40, s0;
	v3 =	vadd.f32 v2, v1;
	v1 =	vld [tilespmem:s2+$0x400];
	(pc) =	sbr.rel @p0 .LBB2_2-.Ltmp0, $3  }
0x4b: {  	v2 =	vld [tilespmem:s2+$0x600]  }
0x4c: {  	v3 =	vadd.f32 v3, v0;
	_ =	sdelay $0x1  }
0x4d: {  	[tilespmem:s31+$0x800] =	vst v3;
	s31 =	smov.u32 s2  }
0x4e: {  	_ = 	snop  }
0x4f: {  	v1 =	vadd.f32 v2, v1;
	_ =	sdelay $0x1  }
0x50: {  	s30 =	sadd.s32 $0x1, s30;
	v0 =	vadd.f32 v1, v0  }
0x51: {  	p0 =	sne.s32 s30, s9  }
.Ltmp1:
0x52: {  	[tilespmem:s31+$0x800] =	vst v0;
	(pc) =	sbr.rel @p0 .LBB2_1-.Ltmp1, $4  }
0x53: {  	[hbm4b:s8+s1] =	stream.linear.scatter [tilespmem:s29], [sflag:$0x2], $0x200, $0x38;
	[tilespmem:$0x1E00] =	vst v63  }
0x54: {  	_ =	swait.ge [sflag:s11], $0x200  }
0x55: {  	[sflag:s11] =	ssyncset.done $0x0  }
0x56: {  	[sflag:s11] =	ssyncadd.s32 $0xFFFFFE00  }
0x57: {  	_ =	sfence.sel $0x180000  }
0x58: {  	[bflag:$0x0] =	sbarrier.arrive $0xFFFF  }
0x59: {  	_ =	strace $0x9000004A  }
0x5a: {  	s0 =	stileid.u32;
	[bflag:$0x2] =	sbarrier.arrive $0xFFFF  }
0x5b: {  	p0 =	sne.s32 s0, $0x0;
	s0 =	rddreg [dreg:$0x4]  }
0x5c: {  	s0 =	sadd.s32 @!p0 $0x100000, s0  }
0x5d: {  	[sflag:s0] =	ssyncadd.tile.s32 @!p0 $0x1;
	_ =	shalt  }
.Lfunc_end2:
_tile_overlayer_lowered:
.L_overlay_start_2:
0x5e: {  	(tag) =	ssettag $0x2  }
0x5f: {  	s0 =	rddreg [dreg:$0x0];
	s2 =	stileid.u32  }
0x60: {  	s1 =	rddreg [dreg:$0x1];
	p0 =	sne.s32 s2, $0x0  }
0x61: {  	s3 =	rddreg [dreg:$0x2];
	[bflag:$0x3] =	sbarrier.arrive $0xFFFF;
	s2 =	simm.s32 @!p0 $0x1C02  }
0x62: {  	[timem:s3], [sflag:s2] =	dma.local @!p0 [hbm:s0], s1  }
0x63: {  	s0 =	simm.s32 @!p0 $0x2  }
0x64: {  	_ =	swait.ge @!p0 [sflag:s0], s1  }
0x65: {  	s1 =	ssub.s32 @!p0 $0x0, s1;
	[sflag:s0] =	ssyncset.done @!p0 $0x0  }
0x66: {  	[sflag:s0] =	ssyncadd.s32 @!p0 s1  }
0x67: {  	[bflag:$0x3] =	sbarrier.arrive $0xFFFF  }
0x68: {  	_ =	shalt  }

</sc_bundles>
